<compile_context>
chip_gen: v7x
topology: tpu7x:2x2x1
jax: 0.10.2.dev20260603
libtpu: 0.0.44.dev20260713+nightly
codegen_flags: <defaults>
</compile_context>

<pallas_src>
import functools

import jax
import jax.numpy as jnp
from jax import lax
from jax.experimental import pallas as pl
from jax.experimental.pallas import tpu as pltpu
from jax.experimental.pallas import tpu_sc as plsc

HID = 64
D = 128
N_TILES = 32
CHUNK = 128


def _silu(x):
    return x * jax.nn.sigmoid(x)


def _embed_kernel(h8_ref, x16_ref, w8_ref, wenc_ref, enc_ref, bemb_ref, out_ref):
    h8 = h8_ref[...]
    he = (jnp.dot(h8, w8_ref[...], preferred_element_type=jnp.float32)
          + jnp.dot(enc_ref[...], wenc_ref[...], preferred_element_type=jnp.float32)
          + bemb_ref[...])
    zeros = jnp.zeros((h8.shape[0], D - HID - 16), jnp.float32)
    out_ref[...] = jnp.concatenate([he, x16_ref[...], zeros], axis=1)


def _embed(h8p, x16p, w8, wenc, enc, bemb, n_rows):
    bn = 256
    grid = (n_rows // bn,)
    return pl.pallas_call(
        _embed_kernel,
        grid=grid,
        in_specs=[
            pl.BlockSpec((bn, 8), lambda i: (i, 0)),
            pl.BlockSpec((bn, 16), lambda i: (i, 0)),
            pl.BlockSpec((8, HID), lambda i: (0, 0)),
            pl.BlockSpec((56, HID), lambda i: (0, 0)),
            pl.BlockSpec((1, 56), lambda i: (0, 0)),
            pl.BlockSpec((1, HID), lambda i: (0, 0)),
        ],
        out_specs=pl.BlockSpec((bn, D), lambda i: (i, 0)),
        out_shape=jax.ShapeDtypeStruct((n_rows, D), jnp.float32),
    )(h8p, x16p, w8, wenc, enc, bemb)


def _edge_kernel(gr_ref, gc_ref, ea_ref, w1a_ref, w1b_ref, w1d_ref, w1e_ref,
                 be1_ref, we2_ref, be2_ref, wc1_ref, bc1_ref, wc2_ref, bc2_ref,
                 out_ref):
    gr = gr_ref[0]
    gc = gc_ref[0]
    hr = gr[:, :HID]
    hc = gc[:, :HID]
    diff16 = gr[:, HID:HID + 16] - gc[:, HID:HID + 16]
    d2 = jnp.sum(diff16[:, :3] * diff16[:, :3], axis=1, keepdims=True)
    ea_t = lax.dot_general(ea_ref[...], w1e_ref[...], (((0,), (0,)), ((), ())),
                           preferred_element_type=jnp.float32)
    e1 = (jnp.dot(hr, w1a_ref[...], preferred_element_type=jnp.float32)
          + jnp.dot(hc, w1b_ref[...], preferred_element_type=jnp.float32)
          + d2 * w1d_ref[...]
          + ea_t + be1_ref[...])
    m = _silu(jnp.dot(_silu(e1), we2_ref[...], preferred_element_type=jnp.float32)
              + be2_ref[...])
    c1 = _silu(jnp.dot(m, wc1_ref[...], preferred_element_type=jnp.float32)
               + bc1_ref[...])
    cw = jnp.dot(c1, wc2_ref[...], preferred_element_type=jnp.float32) + bc2_ref[...]
    onehot6 = (lax.broadcasted_iota(jnp.int32, (1, 16), 1) == 6).astype(jnp.float32)
    wd = diff16 * cw + onehot6
    zeros = jnp.zeros((gr.shape[0], D - HID - 16), jnp.float32)
    out_ref[...] = jnp.concatenate([m, wd, zeros], axis=1)


def _edge_mlp(g, ea_t, p):
    epad = g.shape[1]
    be = 4096
    grid = (epad // be,)
    wmat = lambda s: pl.BlockSpec(s, lambda i: (0, 0))
    return pl.pallas_call(
        _edge_kernel,
        grid=grid,
        in_specs=[
            pl.BlockSpec((1, be, D), lambda i: (0, i, 0)),
            pl.BlockSpec((1, be, D), lambda i: (1, i, 0)),
            pl.BlockSpec((4, be), lambda i: (0, i)),
            wmat((HID, HID)), wmat((HID, HID)), wmat((1, HID)), wmat((4, HID)),
            wmat((1, HID)),
            wmat((HID, HID)), wmat((1, HID)),
            wmat((HID, HID)), wmat((1, HID)), wmat((HID, 1)), wmat((1, 1)),
        ],
        out_specs=pl.BlockSpec((be, D), lambda i: (i, 0)),
        out_shape=jax.ShapeDtypeStruct((epad, D), jnp.float32),
    )(g, g, ea_t, p["We1"][:HID], p["We1"][HID:2 * HID],
      p["We1"][2 * HID:2 * HID + 1], p["We1"][2 * HID + 1:],
      p["be1"].reshape(1, HID),
      p["We2"], p["be2"].reshape(1, HID),
      p["Wc1"], p["bc1"].reshape(1, HID), p["Wc2"], p["bc2"].reshape(1, 1))


def _node_kernel(tab_ref, parts_ref, wv1_ref, bv1_ref, wv2_ref, bv2_ref,
                 wn1a_ref, wn1b_ref, bn1_ref, wn2_ref, bn2_ref, out_ref):
    t = tab_ref[...]
    h = t[:, :HID]
    x = t[:, HID:HID + 3]
    v = t[:, HID + 3:HID + 6]
    psum = parts_ref[0]
    m_agg = psum[:, :HID]
    cnt = jnp.clip(psum[:, HID + 6:HID + 7], 1.0, None)
    agg = psum[:, HID:HID + 3] / cnt
    phi = (jnp.dot(_silu(jnp.dot(h, wv1_ref[...], preferred_element_type=jnp.float32)
                         + bv1_ref[...]),
                   wv2_ref[...], preferred_element_type=jnp.float32) + bv2_ref[...])
    vn = phi * v + agg
    xn = x + vn
    hn = h + (jnp.dot(
        _silu(jnp.dot(h, wn1a_ref[...], preferred_element_type=jnp.float32)
              + jnp.dot(m_agg, wn1b_ref[...], preferred_element_type=jnp.float32)
              + bn1_ref[...]),
        wn2_ref[...], preferred_element_type=jnp.float32) + bn2_ref[...])
    zeros = jnp.zeros((t.shape[0], D - HID - 6), jnp.float32)
    out_ref[...] = jnp.concatenate([hn, xn, vn, zeros], axis=1)


def _node_update(table, parts, p, n1, n_rows):
    bn = 256
    bpt = n1 // bn
    grid = (n_rows // bn,)
    wmat = lambda s: pl.BlockSpec(s, lambda i: (0, 0))
    return pl.pallas_call(
        _node_kernel,
        grid=grid,
        in_specs=[
            pl.BlockSpec((bn, D), lambda i: (i, 0)),
            pl.BlockSpec((1, bn, D), lambda i: (i // bpt, i % bpt, 0)),
            wmat((HID, HID)), wmat((1, HID)), wmat((HID, 1)), wmat((1, 1)),
            wmat((HID, HID)), wmat((HID, HID)), wmat((1, HID)),
            wmat((HID, HID)), wmat((1, HID)),
        ],
        out_specs=pl.BlockSpec((bn, D), lambda i: (i, 0)),
        out_shape=jax.ShapeDtypeStruct((n_rows, D), jnp.float32),
    )(table, parts,
      p["Wv1"], p["bv1"].reshape(1, HID), p["Wv2"], p["bv2"].reshape(1, 1),
      p["Wn1"][:HID], p["Wn1"][HID:], p["bn1"].reshape(1, HID),
      p["Wn2"], p["bn2"].reshape(1, HID))


def _gather_sc(table, idx_r, idx_c, epad):
    nbuf = 8
    ahead = nbuf // 2
    ckg = 64
    per_tile = epad // 16
    nch = per_tile // ckg
    mesh = plsc.VectorSubcoreMesh(core_axis_name="c", subcore_axis_name="s")

    @functools.partial(
        pl.kernel,
        out_type=jax.ShapeDtypeStruct((2, epad, D), jnp.float32),
        mesh=mesh,
        scratch_types=[
            pltpu.VMEM((per_tile,), jnp.int32),
            [pltpu.VMEM((ckg, D), jnp.float32) for _ in range(nbuf)],
            [pltpu.SemaphoreType.DMA for _ in range(nbuf)],
            [pltpu.SemaphoreType.DMA for _ in range(nbuf)],
        ],
    )
    def k(table_hbm, idxr_hbm, idxc_hbm, out_hbm, idxv, bufs, sg, sw):
        w = lax.axis_index("c") * 16 + lax.axis_index("s")
        base = (w % 16) * per_tile

        def run(idx_hbm, e):
            pltpu.sync_copy(idx_hbm.at[pl.ds(base, per_tile)], idxv)

            def gather_issue(c, b):
                pltpu.async_copy(
                    table_hbm.at[idxv.at[pl.ds((c % nch) * ckg, ckg)]],
                    bufs[b], sg[b])

            def writeout(c, b):
                off = base + (c % nch) * ckg
                pltpu.async_copy(bufs[b], out_hbm.at[e, pl.ds(off, ckg), :],
                                 sw[b])

            for b in range(ahead):
                gather_issue(b, b)

            def body(q, carry):
                for b in range(nbuf):
                    c = nbuf * q + b
                    pltpu.make_async_copy(
                        table_hbm.at[idxv.at[pl.ds(0, ckg)]],
                        bufs[b], sg[b]).wait()
                    writeout(c, b)
                    b2 = (b + ahead) % nbuf
                    if b < ahead:
                        @pl.when(q > 0)
                        def _():
                            pltpu.make_async_copy(
                                bufs[b2], out_hbm.at[e, pl.ds(0, ckg), :],
                                sw[b2]).wait()
                        gather_issue(c + ahead, b2)
                    else:
                        @pl.when(q < nch // nbuf - 1)
                        def _():
                            pltpu.make_async_copy(
                                bufs[b2], out_hbm.at[e, pl.ds(0, ckg), :],
                                sw[b2]).wait()
                            gather_issue(c + ahead, b2)
                return carry
            lax.fori_loop(0, nch // nbuf, body, 0)
            for b in range(nbuf):
                pltpu.make_async_copy(
                    bufs[b], out_hbm.at[e, pl.ds(0, ckg), :], sw[b]).wait()

        @pl.when(w < 16)
        def _():
            run(idxr_hbm, 0)

        @pl.when(w >= 16)
        def _():
            run(idxc_hbm, 1)

    return k(table, idx_r, idx_c)


def _scatter_sc(payload, idx_s, epad, n1):
    per_tile = epad // 16
    nch = per_tile // CHUNK
    rows_per_tile = n1 // 16
    mesh = plsc.VectorSubcoreMesh(core_axis_name="c", subcore_axis_name="s")
    zeros = jnp.zeros((rows_per_tile, D), jnp.float32)

    @functools.partial(
        pl.kernel,
        out_type=jax.ShapeDtypeStruct((2, n1, D), jnp.float32),
        mesh=mesh,
        scratch_types=[
            pltpu.VMEM_SHARED((n1, D), jnp.float32),
            [pltpu.VMEM((CHUNK,), jnp.int32) for _ in range(2)],
            [pltpu.VMEM((CHUNK, D), jnp.float32) for _ in range(2)],
            [pltpu.SemaphoreType.DMA for _ in range(2)],
            [pltpu.SemaphoreType.DMA for _ in range(2)],
            [pltpu.SemaphoreType.DMA for _ in range(2)],
        ],
    )
    def k(pay_hbm, idx_hbm, z_hbm, out_hbm, acc, idxb, pays, si, sp, sa):
        cid = lax.axis_index("c")
        sid = lax.axis_index("s")
        base = cid * epad + sid * per_tile
        pltpu.sync_copy(z_hbm, acc.at[pl.ds(sid * rows_per_tile, rows_per_tile), :])
        plsc.subcore_barrier()

        def load(c, b):
            off = base + c * CHUNK
            pltpu.async_copy(idx_hbm.at[pl.ds(off, CHUNK)], idxb[b], si[b])
            pltpu.async_copy(pay_hbm.at[pl.ds(off, CHUNK), :], pays[b], sp[b])

        load(0, 0)
        load(1, 1)

        def body(q, carry):
            for b in range(2):
                c = 2 * q + b
                pltpu.make_async_copy(
                    idx_hbm.at[pl.ds(0, CHUNK)], idxb[b], si[b]).wait()
                pltpu.make_async_copy(
                    pay_hbm.at[pl.ds(0, CHUNK), :], pays[b], sp[b]).wait()
                pltpu.async_copy(pays[b], acc.at[idxb[b]], sa[b], add=True)

                @pl.when(q < nch // 2 - 1)
                def _():
                    pltpu.make_async_copy(
                        pays[b], acc.at[idxb[b]], sa[b]).wait()
                    load(c + 2, b)
            return carry
        lax.fori_loop(0, nch // 2, body, 0)
        for b in range(2):
            pltpu.make_async_copy(pays[b], acc.at[idxb[b]], sa[b]).wait()

        plsc.subcore_barrier()
        pltpu.sync_copy(acc.at[pl.ds(sid * rows_per_tile, rows_per_tile), :],
                        out_hbm.at[cid, pl.ds(sid * rows_per_tile, rows_per_tile), :])

    return k(payload, idx_s, zeros)


def kernel(x, v, h, edge_indices, edge_features, target_trajs, encoding, params):
    n_traj, _, n, _ = x.shape
    e = edge_indices.shape[1]
    n1 = 10240
    epad = -(-e // (N_TILES * CHUNK)) * (N_TILES * CHUNK)
    et = n_traj * epad
    nrows = n_traj * n1

    row = edge_indices[0]
    col = edge_indices[1]
    padn = epad - e
    zi = jnp.zeros((padn,), row.dtype)
    row_g = jnp.concatenate([row, zi])
    col_g = jnp.concatenate([col, zi])
    row_s = jnp.concatenate([row, jnp.full((padn,), n, row.dtype)])
    idx_gr = jnp.concatenate([row_g, row_g + n1]).astype(jnp.int32)
    idx_gc = jnp.concatenate([col_g, col_g + n1]).astype(jnp.int32)
    idx_s = jnp.concatenate([row_s, row_s]).astype(jnp.int32)
    ea_t = jnp.pad(edge_features.T, ((0, 0), (0, padn)))
    ea2t = jnp.concatenate([ea_t, ea_t], axis=1)

    x0 = x[:, 0]
    h8p = jnp.pad(h, ((0, 0), (0, n1 - n), (0, 0))).reshape(nrows, 8)
    x16p = jnp.pad(x0, ((0, 0), (0, n1 - n), (0, 13))).reshape(nrows, 16)
    table = _embed(h8p, x16p, params["W_emb"][:8], params["W_emb"][8:],
                   encoding.reshape(1, 56), params["b_emb"].reshape(1, HID), nrows)

    for p in params["layers"]:
        g = _gather_sc(table, idx_gr, idx_gc, et)
        payload = _edge_mlp(g, ea2t, p)
        parts = _scatter_sc(payload, idx_s, epad, n1)
        table = _node_update(table, parts, p, n1, nrows)

    xfin = table[:, HID:HID + 3].reshape(n_traj, n1, 3)[:, :n]
    return jnp.stack([x0, xfin], axis=1)

# --- scband reference (transcript-rebuilt; emitter-appended) ---
"""Pipeline reference for scband-egnndecoder-23416161698074 (READ-ONLY COPY).

The authoritative reference and input builder live on the scoring server;
editing this copy changes nothing except your own understanding.
"""

import jax, jax.numpy as jnp
import numpy as np

N_LAYERS = 2
HID = 64
IN_NODE = 64  # h feat 8 + context_encoding_dimension 56
IN_EDGE = 4


def silu(x):
    return x * jax.nn.sigmoid(x)


def _init_params(key):
    ks = jax.random.split(key, 1 + N_LAYERS)

    def lin(k, i, o):
        return jax.random.normal(k, (i, o), jnp.float32) * 0.05, jnp.zeros((o,), jnp.float32)

    W_emb, b_emb = lin(ks[0], IN_NODE, HID)
    layers = []
    for l in range(N_LAYERS):
        kk = jax.random.split(ks[1 + l], 8)
        We1, be1 = lin(kk[0], 2 * HID + 1 + IN_EDGE, HID)
        We2, be2 = lin(kk[1], HID, HID)
        Wc1, bc1 = lin(kk[2], HID, HID)
        Wc2, bc2 = lin(kk[3], HID, 1)
        Wv1, bv1 = lin(kk[4], HID, HID)
        Wv2, bv2 = lin(kk[5], HID, 1)
        Wn1, bn1 = lin(kk[6], 2 * HID, HID)
        Wn2, bn2 = lin(kk[7], HID, HID)
        layers.append(dict(We1=We1, be1=be1, We2=We2, be2=be2, Wc1=Wc1, bc1=bc1,
                           Wc2=Wc2, bc2=bc2, Wv1=Wv1, bv1=bv1, Wv2=Wv2, bv2=bv2,
                           Wn1=Wn1, bn1=bn1, Wn2=Wn2, bn2=bn2))
    return dict(W_emb=W_emb, b_emb=b_emb, layers=layers)


def setup_inputs(seed: int = 0):
    key = jax.random.key(seed)
    k = jax.random.split(key, 8)
    n_traj, T, N, E = 2, 2, 10000, 160000
    x = jax.random.normal(k[0], (n_traj, T, N, 3), jnp.float32)
    v = jax.random.normal(k[1], (n_traj, T, N, 3), jnp.float32)
    h = jnp.ones((n_traj, N, 8), jnp.float32)
    edge_indices = jax.random.randint(k[2], (2, E), 0, N)
    edge_features = jax.random.normal(k[3], (E, IN_EDGE), jnp.float32)
    target_trajs = jnp.arange(n_traj, dtype=jnp.int32)
    encoding = jax.random.normal(k[4], (56,), jnp.float32)
    params = _init_params(k[5])
    return {"x": x, "v": v, "h": h, "edge_indices": edge_indices,
            "edge_features": edge_features, "target_trajs": target_trajs,
            "encoding": encoding, "params": params}


def _egnn(params, x, h, edges, e_attr, v):
    row, col = edges[0], edges[1]
    N = x.shape[0]
    h = h @ params["W_emb"] + params["b_emb"]
    for p in params["layers"]:
        diff = x[row] - x[col]
        d2 = jnp.sum(diff * diff, axis=-1, keepdims=True)
        e_in = jnp.concatenate([h[row], h[col], d2, e_attr], axis=-1)
        m = silu(silu(e_in @ p["We1"] + p["be1"]) @ p["We2"] + p["be2"])
        cw = silu(m @ p["Wc1"] + p["bc1"]) @ p["Wc2"] + p["bc2"]
        agg = jax.ops.segment_sum(diff * cw, row, num_segments=N)
        cnt = jax.ops.segment_sum(jnp.ones((row.shape[0], 1), jnp.float32), row, num_segments=N)
        agg = agg / jnp.clip(cnt, 1.0, None)
        phi_v = silu(h @ p["Wv1"] + p["bv1"]) @ p["Wv2"] + p["bv2"]
        v = phi_v * v + agg
        x = x + v
        m_agg = jax.ops.segment_sum(m, row, num_segments=N)
        h = h + (silu(jnp.concatenate([h, m_agg], axis=-1) @ p["Wn1"] + p["bn1"]) @ p["Wn2"] + p["bn2"])
    return x, h, v


def _train_forward(params, x, h, edge_indices, edge_features, encoding, target_list, mask_idx):
    n_traj, T, N = x.shape[0], x.shape[1], x.shape[2]
    enc = jnp.broadcast_to(encoding, (n_traj, N, encoding.shape[0]))
    egnn_h = jnp.concatenate([h, enc], axis=-1)
    egnn_h = jnp.repeat(egnn_h[:, None, :, :], T, axis=1)
    egnn_x = x[:, :-1]
    egnn_h = egnn_h[:, :-1]
    noisy = egnn_x  # noise_scale = 0.0 -> deterministic
    v_t = noisy[:, 1:] - egnn_x[:, :-1]
    v_t = jnp.concatenate([jnp.zeros((n_traj, 1, N, 3), jnp.float32), v_t], axis=1)
    run = jax.vmap(lambda xx, hh, vv: _egnn(params, xx, hh, edge_indices, edge_features, vv)[0])
    preds = []
    for t in target_list:
        preds.append(run(noisy[t], egnn_h[t], v_t[t]))
    preds = jnp.stack(preds, axis=0)
    target_x = x[jnp.asarray(target_list)]
    preds = jnp.concatenate([target_x[:, :1], preds], axis=1)
    return jnp.take(preds, mask_idx, axis=2)


def reference(x, v, h, edge_indices, edge_features, target_trajs, encoding, params):
    target_list = [target_trajs[i] for i in range(target_trajs.shape[0])]
    mask_idx = jnp.nonzero(h[0, :, 0] == 1.0, size=h.shape[1])[0]
    return _train_forward(params, x, h, edge_indices, edge_features, encoding, target_list, mask_idx)

if __name__ == "__main__":
    import jax
    _d = setup_inputs()
    print(jax.jit(kernel)(*tuple(_d.values())))

</pallas_src>

<mosaic_0001>
#map = affine_map<(d0, d1) -> (0, 0)>
#map1 = affine_map<(d0, d1) -> (0)>
#map2 = affine_map<(d0, d1) -> (0, 0, 0)>
module attributes {stable_mosaic.version = 14 : i64} {
  func.func @k(%arg0: i32, %arg1: i32, %arg2: memref<327680x128xf32, #tpu.memory_space<hbm>>, %arg3: memref<327680xi32, #tpu.memory_space<hbm>>, %arg4: memref<640x128xf32, #tpu.memory_space<hbm>>, %arg5: memref<2x10240x128xf32, #tpu.memory_space<hbm>>, %arg6: memref<10240x128xf32, #tpu.memory_space<vmem_shared>>, %arg7: memref<128xi32, #tpu.memory_space<vmem>>, %arg8: memref<128xi32, #tpu.memory_space<vmem>>, %arg9: memref<128x128xf32, #tpu.memory_space<vmem>>, %arg10: memref<128x128xf32, #tpu.memory_space<vmem>>, %arg11: memref<!tpu.dma_semaphore, #tpu.memory_space<semaphore_mem>>, %arg12: memref<!tpu.dma_semaphore, #tpu.memory_space<semaphore_mem>>, %arg13: memref<!tpu.dma_semaphore, #tpu.memory_space<semaphore_mem>>, %arg14: memref<!tpu.dma_semaphore, #tpu.memory_space<semaphore_mem>>, %arg15: memref<!tpu.dma_semaphore, #tpu.memory_space<semaphore_mem>>, %arg16: memref<!tpu.dma_semaphore, #tpu.memory_space<semaphore_mem>>) attributes {dimension_semantics = [#tpu.dimension_semantics<core_parallel>, #tpu.dimension_semantics<subcore_parallel>], iteration_bounds = array<i64: 2, 16>, scalar_prefetch = 0 : i64, scratch_operands = 11 : i64, tpu.core_type = #tpu.core_type<sc_vector_subcore>, window_params = [{transform_indices = #map}, {transform_indices = #map1}, {transform_indices = #map}, {transform_indices = #map2}]} {
    %mul3A = arith.constant 163840 : i32
    %mul3A_0 = arith.muli %arg0, %mul3A : i32
    %mul3A_1 = arith.constant 10240 : i32
    %mul3A_2 = arith.muli %arg1, %mul3A_1 : i32
    %add3A = arith.addi %mul3A_0, %mul3A_2 : i32
    %mul3A_3 = arith.constant 640 : i32
    %mul3A_4 = arith.muli %arg1, %mul3A_3 : i32
    "tpu.region"() ({
      %run_scoped3A = tpu.sem_alloc : memref<!tpu.dma_semaphore, #tpu.memory_space<semaphore_mem>>
      %dma_start3A_35 = arith.constant 0 : i32
      %dma_start3A_36 = tpu.memref_slice %arg6[%mul3A_4, %dma_start3A_35] : memref<10240x128xf32, #tpu.memory_space<vmem_shared>> -> memref<640x128xf32, #tpu.memory_space<vmem_shared>>
      tpu.enqueue_dma source(%arg4 : memref<640x128xf32, #tpu.memory_space<hbm>>) target(%dma_start3A_36 : memref<640x128xf32, #tpu.memory_space<vmem_shared>>) target_semaphore(%run_scoped3A : memref<!tpu.dma_semaphore, #tpu.memory_space<semaphore_mem>>)
      %dma_wait3A_37 = arith.constant 0 : i32
      %dma_wait3A_38 = tpu.memref_slice %arg6[%mul3A_4, %dma_wait3A_37] : memref<10240x128xf32, #tpu.memory_space<vmem_shared>> -> memref<640x128xf32, #tpu.memory_space<vmem_shared>>
      tpu.wait_dma2 semaphore(%run_scoped3A : memref<!tpu.dma_semaphore, #tpu.memory_space<semaphore_mem>>) src(%arg4 : memref<640x128xf32, #tpu.memory_space<hbm>>) dst(%dma_wait3A_38 : memref<640x128xf32, #tpu.memory_space<vmem_shared>>)
      tpu.yield
    }) : () -> ()
    %barrier3A = arith.constant 0 : index
    tpu.barrier barrier_id(%barrier3A)
    %add3A_5 = arith.constant 0 : i32
    %add3A_6 = arith.addi %add3A, %add3A_5 : i32
    %dma_start3A = tpu.memref_slice %arg3[%add3A_6] : memref<327680xi32, #tpu.memory_space<hbm>> -> memref<128xi32, #tpu.memory_space<hbm>>
    %dma_start3A_7 = tpu.memref_slice %arg3[%add3A_6] : memref<327680xi32, #tpu.memory_space<hbm>> -> memref<128xi32, #tpu.memory_space<hbm>>
    tpu.enqueue_dma source(%dma_start3A_7 : memref<128xi32, #tpu.memory_space<hbm>>) target(%arg7 : memref<128xi32, #tpu.memory_space<vmem>>) target_semaphore(%arg11 : memref<!tpu.dma_semaphore, #tpu.memory_space<semaphore_mem>>)
    %dma_start3A_8 = arith.constant 0 : i32
    %dma_start3A_9 = tpu.memref_slice %arg2[%add3A_6, %dma_start3A_8] : memref<327680x128xf32, #tpu.memory_space<hbm>> -> memref<128x128xf32, #tpu.memory_space<hbm>>
    %dma_start3A_10 = arith.constant 0 : i32
    %dma_start3A_11 = tpu.memref_slice %arg2[%add3A_6, %dma_start3A_10] : memref<327680x128xf32, #tpu.memory_space<hbm>> -> memref<128x128xf32, #tpu.memory_space<hbm>>
    tpu.enqueue_dma source(%dma_start3A_11 : memref<128x128xf32, #tpu.memory_space<hbm>>) target(%arg9 : memref<128x128xf32, #tpu.memory_space<vmem>>) target_semaphore(%arg13 : memref<!tpu.dma_semaphore, #tpu.memory_space<semaphore_mem>>)
    %add3A_12 = arith.constant 128 : i32
    %add3A_13 = arith.addi %add3A, %add3A_12 : i32
    %dma_start3A_14 = tpu.memref_slice %arg3[%add3A_13] : memref<327680xi32, #tpu.memory_space<hbm>> -> memref<128xi32, #tpu.memory_space<hbm>>
    %dma_start3A_15 = tpu.memref_slice %arg3[%add3A_13] : memref<327680xi32, #tpu.memory_space<hbm>> -> memref<128xi32, #tpu.memory_space<hbm>>
    tpu.enqueue_dma source(%dma_start3A_15 : memref<128xi32, #tpu.memory_space<hbm>>) target(%arg8 : memref<128xi32, #tpu.memory_space<vmem>>) target_semaphore(%arg12 : memref<!tpu.dma_semaphore, #tpu.memory_space<semaphore_mem>>)
    %dma_start3A_16 = arith.constant 0 : i32
    %dma_start3A_17 = tpu.memref_slice %arg2[%add3A_13, %dma_start3A_16] : memref<327680x128xf32, #tpu.memory_space<hbm>> -> memref<128x128xf32, #tpu.memory_space<hbm>>
    %dma_start3A_18 = arith.constant 0 : i32
    %dma_start3A_19 = tpu.memref_slice %arg2[%add3A_13, %dma_start3A_18] : memref<327680x128xf32, #tpu.memory_space<hbm>> -> memref<128x128xf32, #tpu.memory_space<hbm>>
    tpu.enqueue_dma source(%dma_start3A_19 : memref<128x128xf32, #tpu.memory_space<hbm>>) target(%arg10 : memref<128x128xf32, #tpu.memory_space<vmem>>) target_semaphore(%arg14 : memref<!tpu.dma_semaphore, #tpu.memory_space<semaphore_mem>>)
    %scan3A = arith.constant 0 : i32
    %scan3A_20 = arith.constant 0 : i32
    %scan3A_21 = arith.constant 40 : i32
    %scan3A_22 = arith.addi %scan3A_20, %scan3A_21 : i32
    %scan3A_23 = arith.constant 1 : i32
    scf.for %scan3A_35 = %scan3A_20 to %scan3A_22 step %scan3A_23  : i32 {
      %mul3A_36 = arith.constant 2 : i32
      %mul3A_37 = arith.muli %mul3A_36, %scan3A_35 : i32
      %add3A_38 = arith.constant 0 : i32
      %add3A_39 = arith.addi %mul3A_37, %add3A_38 : i32
      %dma_wait3A_40 = arith.constant 0 : i32
      %dma_wait3A_41 = tpu.memref_slice %arg3[%dma_wait3A_40] : memref<327680xi32, #tpu.memory_space<hbm>> -> memref<128xi32, #tpu.memory_space<hbm>>
      %dma_wait3A_42 = arith.constant 0 : i32
      %dma_wait3A_43 = tpu.memref_slice %arg3[%dma_wait3A_42] : memref<327680xi32, #tpu.memory_space<hbm>> -> memref<128xi32, #tpu.memory_space<hbm>>
      tpu.wait_dma2 semaphore(%arg11 : memref<!tpu.dma_semaphore, #tpu.memory_space<semaphore_mem>>) src(%dma_wait3A_43 : memref<128xi32, #tpu.memory_space<hbm>>) dst(%arg7 : memref<128xi32, #tpu.memory_space<vmem>>)
      %dma_wait3A_44 = arith.constant 0 : i32
      %dma_wait3A_45 = arith.constant 0 : i32
      %dma_wait3A_46 = tpu.memref_slice %arg2[%dma_wait3A_44, %dma_wait3A_45] : memref<327680x128xf32, #tpu.memory_space<hbm>> -> memref<128x128xf32, #tpu.memory_space<hbm>>
      %dma_wait3A_47 = arith.constant 0 : i32
      %dma_wait3A_48 = arith.constant 0 : i32
      %dma_wait3A_49 = tpu.memref_slice %arg2[%dma_wait3A_47, %dma_wait3A_48] : memref<327680x128xf32, #tpu.memory_space<hbm>> -> memref<128x128xf32, #tpu.memory_space<hbm>>
      tpu.wait_dma2 semaphore(%arg13 : memref<!tpu.dma_semaphore, #tpu.memory_space<semaphore_mem>>) src(%dma_wait3A_49 : memref<128x128xf32, #tpu.memory_space<hbm>>) dst(%arg9 : memref<128x128xf32, #tpu.memory_space<vmem>>)
      %dma_start3A_50 = arith.constant 0 : i32
      %dma_start3A_51 = arith.constant 0 : i32
      %dma_start3A_52 = tpu.memref_slice %arg6[%dma_start3A_50, %dma_start3A_51] : memref<10240x128xf32, #tpu.memory_space<vmem_shared>> -> memref<10240x128xf32, #tpu.memory_space<vmem_shared>>
      tpu.enqueue_indirect_dma source(%arg9 : memref<128x128xf32, #tpu.memory_space<vmem>>) target(%dma_start3A_52 : memref<10240x128xf32, #tpu.memory_space<vmem_shared>>) offsets(%arg7 : memref<128xi32, #tpu.memory_space<vmem>>) semaphore(%arg15 : memref<!tpu.dma_semaphore, #tpu.memory_space<semaphore_mem>>) {add = true}
      %lt3A = arith.constant 39 : i32
      %lt3A_53 = arith.cmpi slt, %scan3A_35, %lt3A : i32
      %convert_element_type3A = arith.extui %lt3A_53 : i1 to i32
      %cond3A = arith.constant 0 : i32
      %cond3A_54 = arith.cmpi ne, %convert_element_type3A, %cond3A : i32
      scf.if %cond3A_54 {
        %dma_wait3A_77 = arith.constant 0 : i32
        %dma_wait3A_78 = arith.constant 0 : i32
        %dma_wait3A_79 = tpu.memref_slice %arg6[%dma_wait3A_77, %dma_wait3A_78] : memref<10240x128xf32, #tpu.memory_space<vmem_shared>> -> memref<10240x128xf32, #tpu.memory_space<vmem_shared>>
        tpu.wait_indirect_dma semaphore(%arg15 : memref<!tpu.dma_semaphore, #tpu.memory_space<semaphore_mem>>) src(%arg9 : memref<128x128xf32, #tpu.memory_space<vmem>>) dst(%dma_wait3A_79 : memref<10240x128xf32, #tpu.memory_space<vmem_shared>>)
        %add3A_80 = arith.constant 2 : i32
        %add3A_81 = arith.addi %add3A_39, %add3A_80 : i32
        %mul3A_82 = arith.constant 128 : i32
        %mul3A_83 = arith.muli %add3A_81, %mul3A_82 : i32
        %add3A_84 = arith.addi %add3A, %mul3A_83 : i32
        %dma_start3A_85 = tpu.memref_slice %arg3[%add3A_84] : memref<327680xi32, #tpu.memory_space<hbm>> -> memref<128xi32, #tpu.memory_space<hbm>>
        %dma_start3A_86 = tpu.memref_slice %arg3[%add3A_84] : memref<327680xi32, #tpu.memory_space<hbm>> -> memref<128xi32, #tpu.memory_space<hbm>>
        tpu.enqueue_dma source(%dma_start3A_86 : memref<128xi32, #tpu.memory_space<hbm>>) target(%arg7 : memref<128xi32, #tpu.memory_space<vmem>>) target_semaphore(%arg11 : memref<!tpu.dma_semaphore, #tpu.memory_space<semaphore_mem>>)
        %dma_start3A_87 = arith.constant 0 : i32
        %dma_start3A_88 = tpu.memref_slice %arg2[%add3A_84, %dma_start3A_87] : memref<327680x128xf32, #tpu.memory_space<hbm>> -> memref<128x128xf32, #tpu.memory_space<hbm>>
        %dma_start3A_89 = arith.constant 0 : i32
        %dma_start3A_90 = tpu.memref_slice %arg2[%add3A_84, %dma_start3A_89] : memref<327680x128xf32, #tpu.memory_space<hbm>> -> memref<128x128xf32, #tpu.memory_space<hbm>>
        tpu.enqueue_dma source(%dma_start3A_90 : memref<128x128xf32, #tpu.memory_space<hbm>>) target(%arg9 : memref<128x128xf32, #tpu.memory_space<vmem>>) target_semaphore(%arg13 : memref<!tpu.dma_semaphore, #tpu.memory_space<semaphore_mem>>)
      } else {
      }
      %mul3A_55 = arith.constant 2 : i32
      %mul3A_56 = arith.muli %mul3A_55, %scan3A_35 : i32
      %add3A_57 = arith.constant 1 : i32
      %add3A_58 = arith.addi %mul3A_56, %add3A_57 : i32
      %dma_wait3A_59 = arith.constant 0 : i32
      %dma_wait3A_60 = tpu.memref_slice %arg3[%dma_wait3A_59] : memref<327680xi32, #tpu.memory_space<hbm>> -> memref<128xi32, #tpu.memory_space<hbm>>
      %dma_wait3A_61 = arith.constant 0 : i32
      %dma_wait3A_62 = tpu.memref_slice %arg3[%dma_wait3A_61] : memref<327680xi32, #tpu.memory_space<hbm>> -> memref<128xi32, #tpu.memory_space<hbm>>
      tpu.wait_dma2 semaphore(%arg12 : memref<!tpu.dma_semaphore, #tpu.memory_space<semaphore_mem>>) src(%dma_wait3A_62 : memref<128xi32, #tpu.memory_space<hbm>>) dst(%arg8 : memref<128xi32, #tpu.memory_space<vmem>>)
      %dma_wait3A_63 = arith.constant 0 : i32
      %dma_wait3A_64 = arith.constant 0 : i32
      %dma_wait3A_65 = tpu.memref_slice %arg2[%dma_wait3A_63, %dma_wait3A_64] : memref<327680x128xf32, #tpu.memory_space<hbm>> -> memref<128x128xf32, #tpu.memory_space<hbm>>
      %dma_wait3A_66 = arith.constant 0 : i32
      %dma_wait3A_67 = arith.constant 0 : i32
      %dma_wait3A_68 = tpu.memref_slice %arg2[%dma_wait3A_66, %dma_wait3A_67] : memref<327680x128xf32, #tpu.memory_space<hbm>> -> memref<128x128xf32, #tpu.memory_space<hbm>>
      tpu.wait_dma2 semaphore(%arg14 : memref<!tpu.dma_semaphore, #tpu.memory_space<semaphore_mem>>) src(%dma_wait3A_68 : memref<128x128xf32, #tpu.memory_space<hbm>>) dst(%arg10 : memref<128x128xf32, #tpu.memory_space<vmem>>)
      %dma_start3A_69 = arith.constant 0 : i32
      %dma_start3A_70 = arith.constant 0 : i32
      %dma_start3A_71 = tpu.memref_slice %arg6[%dma_start3A_69, %dma_start3A_70] : memref<10240x128xf32, #tpu.memory_space<vmem_shared>> -> memref<10240x128xf32, #tpu.memory_space<vmem_shared>>
      tpu.enqueue_indirect_dma source(%arg10 : memref<128x128xf32, #tpu.memory_space<vmem>>) target(%dma_start3A_71 : memref<10240x128xf32, #tpu.memory_space<vmem_shared>>) offsets(%arg8 : memref<128xi32, #tpu.memory_space<vmem>>) semaphore(%arg16 : memref<!tpu.dma_semaphore, #tpu.memory_space<semaphore_mem>>) {add = true}
      %lt3A_72 = arith.constant 39 : i32
      %lt3A_73 = arith.cmpi slt, %scan3A_35, %lt3A_72 : i32
      %convert_element_type3A_74 = arith.extui %lt3A_73 : i1 to i32
      %cond3A_75 = arith.constant 0 : i32
      %cond3A_76 = arith.cmpi ne, %convert_element_type3A_74, %cond3A_75 : i32
      scf.if %cond3A_76 {
        %dma_wait3A_77 = arith.constant 0 : i32
        %dma_wait3A_78 = arith.constant 0 : i32
        %dma_wait3A_79 = tpu.memref_slice %arg6[%dma_wait3A_77, %dma_wait3A_78] : memref<10240x128xf32, #tpu.memory_space<vmem_shared>> -> memref<10240x128xf32, #tpu.memory_space<vmem_shared>>
        tpu.wait_indirect_dma semaphore(%arg16 : memref<!tpu.dma_semaphore, #tpu.memory_space<semaphore_mem>>) src(%arg10 : memref<128x128xf32, #tpu.memory_space<vmem>>) dst(%dma_wait3A_79 : memref<10240x128xf32, #tpu.memory_space<vmem_shared>>)
        %add3A_80 = arith.constant 2 : i32
        %add3A_81 = arith.addi %add3A_58, %add3A_80 : i32
        %mul3A_82 = arith.constant 128 : i32
        %mul3A_83 = arith.muli %add3A_81, %mul3A_82 : i32
        %add3A_84 = arith.addi %add3A, %mul3A_83 : i32
        %dma_start3A_85 = tpu.memref_slice %arg3[%add3A_84] : memref<327680xi32, #tpu.memory_space<hbm>> -> memref<128xi32, #tpu.memory_space<hbm>>
        %dma_start3A_86 = tpu.memref_slice %arg3[%add3A_84] : memref<327680xi32, #tpu.memory_space<hbm>> -> memref<128xi32, #tpu.memory_space<hbm>>
        tpu.enqueue_dma source(%dma_start3A_86 : memref<128xi32, #tpu.memory_space<hbm>>) target(%arg8 : memref<128xi32, #tpu.memory_space<vmem>>) target_semaphore(%arg12 : memref<!tpu.dma_semaphore, #tpu.memory_space<semaphore_mem>>)
        %dma_start3A_87 = arith.constant 0 : i32
        %dma_start3A_88 = tpu.memref_slice %arg2[%add3A_84, %dma_start3A_87] : memref<327680x128xf32, #tpu.memory_space<hbm>> -> memref<128x128xf32, #tpu.memory_space<hbm>>
        %dma_start3A_89 = arith.constant 0 : i32
        %dma_start3A_90 = tpu.memref_slice %arg2[%add3A_84, %dma_start3A_89] : memref<327680x128xf32, #tpu.memory_space<hbm>> -> memref<128x128xf32, #tpu.memory_space<hbm>>
        tpu.enqueue_dma source(%dma_start3A_90 : memref<128x128xf32, #tpu.memory_space<hbm>>) target(%arg10 : memref<128x128xf32, #tpu.memory_space<vmem>>) target_semaphore(%arg14 : memref<!tpu.dma_semaphore, #tpu.memory_space<semaphore_mem>>)
      } else {
      }
    }
    %scan3A_24 = arith.constant 40 : i32
    %dma_wait3A = arith.constant 0 : i32
    %dma_wait3A_25 = arith.constant 0 : i32
    %dma_wait3A_26 = tpu.memref_slice %arg6[%dma_wait3A, %dma_wait3A_25] : memref<10240x128xf32, #tpu.memory_space<vmem_shared>> -> memref<10240x128xf32, #tpu.memory_space<vmem_shared>>
    tpu.wait_indirect_dma semaphore(%arg15 : memref<!tpu.dma_semaphore, #tpu.memory_space<semaphore_mem>>) src(%arg9 : memref<128x128xf32, #tpu.memory_space<vmem>>) dst(%dma_wait3A_26 : memref<10240x128xf32, #tpu.memory_space<vmem_shared>>)
    %dma_wait3A_27 = arith.constant 0 : i32
    %dma_wait3A_28 = arith.constant 0 : i32
    %dma_wait3A_29 = tpu.memref_slice %arg6[%dma_wait3A_27, %dma_wait3A_28] : memref<10240x128xf32, #tpu.memory_space<vmem_shared>> -> memref<10240x128xf32, #tpu.memory_space<vmem_shared>>
    tpu.wait_indirect_dma semaphore(%arg16 : memref<!tpu.dma_semaphore, #tpu.memory_space<semaphore_mem>>) src(%arg10 : memref<128x128xf32, #tpu.memory_space<vmem>>) dst(%dma_wait3A_29 : memref<10240x128xf32, #tpu.memory_space<vmem_shared>>)
    %barrier3A_30 = arith.constant 0 : index
    tpu.barrier barrier_id(%barrier3A_30)
    %mul3A_31 = arith.constant 640 : i32
    %mul3A_32 = arith.muli %arg1, %mul3A_31 : i32
    %mul3A_33 = arith.constant 640 : i32
    %mul3A_34 = arith.muli %arg1, %mul3A_33 : i32
    "tpu.region"() ({
      %run_scoped3A = tpu.sem_alloc : memref<!tpu.dma_semaphore, #tpu.memory_space<semaphore_mem>>
      %dma_start3A_35 = arith.constant 0 : i32
      %dma_start3A_36 = tpu.memref_slice %arg5[%arg0, %mul3A_34, %dma_start3A_35] : memref<2x10240x128xf32, #tpu.memory_space<hbm>> -> memref<1x640x128xf32, #tpu.memory_space<hbm>>
      %dma_start3A_37 = tpu.memref_squeeze %dma_start3A_36 : memref<1x640x128xf32, #tpu.memory_space<hbm>> -> memref<640x128xf32, #tpu.memory_space<hbm>>
      %dma_start3A_38 = arith.constant 0 : i32
      %dma_start3A_39 = tpu.memref_slice %arg6[%mul3A_32, %dma_start3A_38] : memref<10240x128xf32, #tpu.memory_space<vmem_shared>> -> memref<640x128xf32, #tpu.memory_space<vmem_shared>>
      tpu.enqueue_dma source(%dma_start3A_39 : memref<640x128xf32, #tpu.memory_space<vmem_shared>>) target(%dma_start3A_37 : memref<640x128xf32, #tpu.memory_space<hbm>>) target_semaphore(%run_scoped3A : memref<!tpu.dma_semaphore, #tpu.memory_space<semaphore_mem>>)
      %dma_wait3A_40 = arith.constant 0 : i32
      %dma_wait3A_41 = tpu.memref_slice %arg5[%arg0, %mul3A_34, %dma_wait3A_40] : memref<2x10240x128xf32, #tpu.memory_space<hbm>> -> memref<1x640x128xf32, #tpu.memory_space<hbm>>
      %dma_wait3A_42 = tpu.memref_squeeze %dma_wait3A_41 : memref<1x640x128xf32, #tpu.memory_space<hbm>> -> memref<640x128xf32, #tpu.memory_space<hbm>>
      %dma_wait3A_43 = arith.constant 0 : i32
      %dma_wait3A_44 = tpu.memref_slice %arg6[%mul3A_32, %dma_wait3A_43] : memref<10240x128xf32, #tpu.memory_space<vmem_shared>> -> memref<640x128xf32, #tpu.memory_space<vmem_shared>>
      tpu.wait_dma2 semaphore(%run_scoped3A : memref<!tpu.dma_semaphore, #tpu.memory_space<semaphore_mem>>) src(%dma_wait3A_44 : memref<640x128xf32, #tpu.memory_space<vmem_shared>>) dst(%dma_wait3A_42 : memref<640x128xf32, #tpu.memory_space<hbm>>)
      tpu.yield
    }) : () -> ()
    return
  }
}

#map = affine_map<(d0, d1) -> (0, 0)>
#map1 = affine_map<(d0, d1) -> (0)>
#map2 = affine_map<(d0, d1) -> (0, 0, 0)>
module attributes {stable_mosaic.version = 14 : i64} {
  func.func @k(%arg0: i32, %arg1: i32, %arg2: memref<20480x128xf32, #tpu.memory_space<hbm>>, %arg3: memref<327680xi32, #tpu.memory_space<hbm>>, %arg4: memref<327680xi32, #tpu.memory_space<hbm>>, %arg5: memref<2x327680x128xf32, #tpu.memory_space<hbm>>, %arg6: memref<20480xi32, #tpu.memory_space<vmem>>, %arg7: memref<64x128xf32, #tpu.memory_space<vmem>>, %arg8: memref<64x128xf32, #tpu.memory_space<vmem>>, %arg9: memref<64x128xf32, #tpu.memory_space<vmem>>, %arg10: memref<64x128xf32, #tpu.memory_space<vmem>>, %arg11: memref<64x128xf32, #tpu.memory_space<vmem>>, %arg12: memref<64x128xf32, #tpu.memory_space<vmem>>, %arg13: memref<64x128xf32, #tpu.memory_space<vmem>>, %arg14: memref<64x128xf32, #tpu.memory_space<vmem>>, %arg15: memref<!tpu.dma_semaphore, #tpu.memory_space<semaphore_mem>>, %arg16: memref<!tpu.dma_semaphore, #tpu.memory_space<semaphore_mem>>, %arg17: memref<!tpu.dma_semaphore, #tpu.memory_space<semaphore_mem>>, %arg18: memref<!tpu.dma_semaphore, #tpu.memory_space<semaphore_mem>>, %arg19: memref<!tpu.dma_semaphore, #tpu.memory_space<semaphore_mem>>, %arg20: memref<!tpu.dma_semaphore, #tpu.memory_space<semaphore_mem>>, %arg21: memref<!tpu.dma_semaphore, #tpu.memory_space<semaphore_mem>>, %arg22: memref<!tpu.dma_semaphore, #tpu.memory_space<semaphore_mem>>, %arg23: memref<!tpu.dma_semaphore, #tpu.memory_space<semaphore_mem>>, %arg24: memref<!tpu.dma_semaphore, #tpu.memory_space<semaphore_mem>>, %arg25: memref<!tpu.dma_semaphore, #tpu.memory_space<semaphore_mem>>, %arg26: memref<!tpu.dma_semaphore, #tpu.memory_space<semaphore_mem>>, %arg27: memref<!tpu.dma_semaphore, #tpu.memory_space<semaphore_mem>>, %arg28: memref<!tpu.dma_semaphore, #tpu.memory_space<semaphore_mem>>, %arg29: memref<!tpu.dma_semaphore, #tpu.memory_space<semaphore_mem>>, %arg30: memref<!tpu.dma_semaphore, #tpu.memory_space<semaphore_mem>>) attributes {dimension_semantics = [#tpu.dimension_semantics<core_parallel>, #tpu.dimension_semantics<subcore_parallel>], iteration_bounds = array<i64: 2, 16>, scalar_prefetch = 0 : i64, scratch_operands = 25 : i64, tpu.core_type = #tpu.core_type<sc_vector_subcore>, window_params = [{transform_indices = #map}, {transform_indices = #map1}, {transform_indices = #map1}, {transform_indices = #map2}]} {
    %mul3A = arith.constant 16 : i32
    %mul3A_0 = arith.muli %arg0, %mul3A : i32
    %add3A = arith.addi %mul3A_0, %arg1 : i32
    %jit3A = arith.constant 16 : i32
    %eq3A = arith.constant 0 : i32
    %eq3A_1 = arith.cmpi eq, %jit3A, %eq3A : i32
    %jit3A_2 = arith.constant 1 : i32
    %select_n3A = arith.select %eq3A_1, %jit3A_2, %jit3A : i32
    %rem3A = arith.remsi %add3A, %select_n3A : i32
    %ne3A = arith.constant 0 : i32
    %ne3A_3 = arith.cmpi ne, %rem3A, %ne3A : i32
    %lt3A = arith.constant 0 : i32
    %lt3A_4 = arith.cmpi slt, %rem3A, %lt3A : i32
    %lt3A_5 = arith.constant 0 : i32
    %lt3A_6 = arith.cmpi slt, %select_n3A, %lt3A_5 : i32
    %ne3A_7 = arith.xori %lt3A_4, %lt3A_6 : i1
    %and3A = arith.andi %ne3A_7, %ne3A_3 : i1
    %add3A_8 = arith.addi %rem3A, %select_n3A : i32
    %select_n3A_9 = arith.select %and3A, %add3A_8, %rem3A : i32
    %mul3A_10 = arith.constant 20480 : i32
    %mul3A_11 = arith.muli %select_n3A_9, %mul3A_10 : i32
    %lt3A_12 = arith.constant 16 : i32
    %lt3A_13 = arith.cmpi slt, %add3A, %lt3A_12 : i32
    %convert_element_type3A = arith.extui %lt3A_13 : i1 to i32
    %cond3A = arith.constant 0 : i32
    %cond3A_14 = arith.cmpi ne, %convert_element_type3A, %cond3A : i32
    scf.if %cond3A_14 {
      "tpu.region"() ({
        %run_scoped3A = tpu.sem_alloc : memref<!tpu.dma_semaphore, #tpu.memory_space<semaphore_mem>>
        %dma_start3A_114 = tpu.memref_slice %arg3[%mul3A_11] : memref<327680xi32, #tpu.memory_space<hbm>> -> memref<20480xi32, #tpu.memory_space<hbm>>
        %dma_start3A_115 = tpu.memref_slice %arg3[%mul3A_11] : memref<327680xi32, #tpu.memory_space<hbm>> -> memref<20480xi32, #tpu.memory_space<hbm>>
        tpu.enqueue_dma source(%dma_start3A_115 : memref<20480xi32, #tpu.memory_space<hbm>>) target(%arg6 : memref<20480xi32, #tpu.memory_space<vmem>>) target_semaphore(%run_scoped3A : memref<!tpu.dma_semaphore, #tpu.memory_space<semaphore_mem>>)
        %dma_wait3A_116 = tpu.memref_slice %arg3[%mul3A_11] : memref<327680xi32, #tpu.memory_space<hbm>> -> memref<20480xi32, #tpu.memory_space<hbm>>
        %dma_wait3A_117 = tpu.memref_slice %arg3[%mul3A_11] : memref<327680xi32, #tpu.memory_space<hbm>> -> memref<20480xi32, #tpu.memory_space<hbm>>
        tpu.wait_dma2 semaphore(%run_scoped3A : memref<!tpu.dma_semaphore, #tpu.memory_space<semaphore_mem>>) src(%dma_wait3A_117 : memref<20480xi32, #tpu.memory_space<hbm>>) dst(%arg6 : memref<20480xi32, #tpu.memory_space<vmem>>)
        tpu.yield
      }) : () -> ()
      %dma_start3A = arith.constant 0 : i32
      %dma_start3A_19 = tpu.memref_slice %arg6[%dma_start3A] : memref<20480xi32, #tpu.memory_space<vmem>> -> memref<64xi32, #tpu.memory_space<vmem>>
      %dma_start3A_20 = arith.constant 0 : i32
      %dma_start3A_21 = arith.constant 0 : i32
      %dma_start3A_22 = tpu.memref_slice %arg2[%dma_start3A_20, %dma_start3A_21] : memref<20480x128xf32, #tpu.memory_space<hbm>> -> memref<20480x128xf32, #tpu.memory_space<hbm>>
      tpu.enqueue_indirect_dma source(%dma_start3A_22 : memref<20480x128xf32, #tpu.memory_space<hbm>>) target(%arg7 : memref<64x128xf32, #tpu.memory_space<vmem>>) offsets(%dma_start3A_19 : memref<64xi32, #tpu.memory_space<vmem>>) semaphore(%arg15 : memref<!tpu.dma_semaphore, #tpu.memory_space<semaphore_mem>>)
      %dma_start3A_23 = arith.constant 64 : i32
      %dma_start3A_24 = tpu.memref_slice %arg6[%dma_start3A_23] : memref<20480xi32, #tpu.memory_space<vmem>> -> memref<64xi32, #tpu.memory_space<vmem>>
      %dma_start3A_25 = arith.constant 0 : i32
      %dma_start3A_26 = arith.constant 0 : i32
      %dma_start3A_27 = tpu.memref_slice %arg2[%dma_start3A_25, %dma_start3A_26] : memref<20480x128xf32, #tpu.memory_space<hbm>> -> memref<20480x128xf32, #tpu.memory_space<hbm>>
      tpu.enqueue_indirect_dma source(%dma_start3A_27 : memref<20480x128xf32, #tpu.memory_space<hbm>>) target(%arg8 : memref<64x128xf32, #tpu.memory_space<vmem>>) offsets(%dma_start3A_24 : memref<64xi32, #tpu.memory_space<vmem>>) semaphore(%arg16 : memref<!tpu.dma_semaphore, #tpu.memory_space<semaphore_mem>>)
      %dma_start3A_28 = arith.constant 128 : i32
      %dma_start3A_29 = tpu.memref_slice %arg6[%dma_start3A_28] : memref<20480xi32, #tpu.memory_space<vmem>> -> memref<64xi32, #tpu.memory_space<vmem>>
      %dma_start3A_30 = arith.constant 0 : i32
      %dma_start3A_31 = arith.constant 0 : i32
      %dma_start3A_32 = tpu.memref_slice %arg2[%dma_start3A_30, %dma_start3A_31] : memref<20480x128xf32, #tpu.memory_space<hbm>> -> memref<20480x128xf32, #tpu.memory_space<hbm>>
      tpu.enqueue_indirect_dma source(%dma_start3A_32 : memref<20480x128xf32, #tpu.memory_space<hbm>>) target(%arg9 : memref<64x128xf32, #tpu.memory_space<vmem>>) offsets(%dma_start3A_29 : memref<64xi32, #tpu.memory_space<vmem>>) semaphore(%arg17 : memref<!tpu.dma_semaphore, #tpu.memory_space<semaphore_mem>>)
      %dma_start3A_33 = arith.constant 192 : i32
      %dma_start3A_34 = tpu.memref_slice %arg6[%dma_start3A_33] : memref<20480xi32, #tpu.memory_space<vmem>> -> memref<64xi32, #tpu.memory_space<vmem>>
      %dma_start3A_35 = arith.constant 0 : i32
      %dma_start3A_36 = arith.constant 0 : i32
      %dma_start3A_37 = tpu.memref_slice %arg2[%dma_start3A_35, %dma_start3A_36] : memref<20480x128xf32, #tpu.memory_space<hbm>> -> memref<20480x128xf32, #tpu.memory_space<hbm>>
      tpu.enqueue_indirect_dma source(%dma_start3A_37 : memref<20480x128xf32, #tpu.memory_space<hbm>>) target(%arg10 : memref<64x128xf32, #tpu.memory_space<vmem>>) offsets(%dma_start3A_34 : memref<64xi32, #tpu.memory_space<vmem>>) semaphore(%arg18 : memref<!tpu.dma_semaphore, #tpu.memory_space<semaphore_mem>>)
      %scan3A = arith.constant 0 : i32
      %scan3A_38 = arith.constant 0 : i32
      %scan3A_39 = arith.constant 40 : i32
      %scan3A_40 = arith.addi %scan3A_38, %scan3A_39 : i32
      %scan3A_41 = arith.constant 1 : i32
      scf.for %scan3A_114 = %scan3A_38 to %scan3A_40 step %scan3A_41  : i32 {
        %mul3A_115 = arith.constant 8 : i32
        %mul3A_116 = arith.muli %mul3A_115, %scan3A_114 : i32
        %add3A_117 = arith.constant 0 : i32
        %add3A_118 = arith.addi %mul3A_116, %add3A_117 : i32
        %dma_wait3A_119 = arith.constant 0 : i32
        %dma_wait3A_120 = tpu.memref_slice %arg6[%dma_wait3A_119] : memref<20480xi32, #tpu.memory_space<vmem>> -> memref<64xi32, #tpu.memory_space<vmem>>
        %dma_wait3A_121 = arith.constant 0 : i32
        %dma_wait3A_122 = arith.constant 0 : i32
        %dma_wait3A_123 = tpu.memref_slice %arg2[%dma_wait3A_121, %dma_wait3A_122] : memref<20480x128xf32, #tpu.memory_space<hbm>> -> memref<20480x128xf32, #tpu.memory_space<hbm>>
        tpu.wait_indirect_dma semaphore(%arg15 : memref<!tpu.dma_semaphore, #tpu.memory_space<semaphore_mem>>) src(%dma_wait3A_123 : memref<20480x128xf32, #tpu.memory_space<hbm>>) dst(%arg7 : memref<64x128xf32, #tpu.memory_space<vmem>>)
        %jit3A_124 = arith.constant 320 : i32
        %eq3A_125 = arith.constant 0 : i32
        %eq3A_126 = arith.cmpi eq, %jit3A_124, %eq3A_125 : i32
        %jit3A_127 = arith.constant 1 : i32
        %select_n3A_128 = arith.select %eq3A_126, %jit3A_127, %jit3A_124 : i32
        %rem3A_129 = arith.remsi %add3A_118, %select_n3A_128 : i32
        %ne3A_130 = arith.constant 0 : i32
        %ne3A_131 = arith.cmpi ne, %rem3A_129, %ne3A_130 : i32
        %lt3A_132 = arith.constant 0 : i32
        %lt3A_133 = arith.cmpi slt, %rem3A_129, %lt3A_132 : i32
        %lt3A_134 = arith.constant 0 : i32
        %lt3A_135 = arith.cmpi slt, %select_n3A_128, %lt3A_134 : i32
        %ne3A_136 = arith.xori %lt3A_133, %lt3A_135 : i1
        %and3A_137 = arith.andi %ne3A_136, %ne3A_131 : i1
        %add3A_138 = arith.addi %rem3A_129, %select_n3A_128 : i32
        %select_n3A_139 = arith.select %and3A_137, %add3A_138, %rem3A_129 : i32
        %mul3A_140 = arith.constant 64 : i32
        %mul3A_141 = arith.muli %select_n3A_139, %mul3A_140 : i32
        %add3A_142 = arith.addi %mul3A_11, %mul3A_141 : i32
        %dma_start3A_143 = arith.constant 0 : i32
        %dma_start3A_144 = arith.constant 0 : i32
        %dma_start3A_145 = tpu.memref_slice %arg5[%dma_start3A_143, %add3A_142, %dma_start3A_144] : memref<2x327680x128xf32, #tpu.memory_space<hbm>> -> memref<1x64x128xf32, #tpu.memory_space<hbm>>
        %dma_start3A_146 = tpu.memref_squeeze %dma_start3A_145 : memref<1x64x128xf32, #tpu.memory_space<hbm>> -> memref<64x128xf32, #tpu.memory_space<hbm>>
        %dma_start3A_147 = arith.constant 0 : i32
        %dma_start3A_148 = tpu.memref_slice %arg5[%dma_start3A_143, %add3A_142, %dma_start3A_147] : memref<2x327680x128xf32, #tpu.memory_space<hbm>> -> memref<1x64x128xf32, #tpu.memory_space<hbm>>
        %dma_start3A_149 = tpu.memref_squeeze %dma_start3A_148 : memref<1x64x128xf32, #tpu.memory_space<hbm>> -> memref<64x128xf32, #tpu.memory_space<hbm>>
        tpu.enqueue_dma source(%arg7 : memref<64x128xf32, #tpu.memory_space<vmem>>) target(%dma_start3A_149 : memref<64x128xf32, #tpu.memory_space<hbm>>) target_semaphore(%arg23 : memref<!tpu.dma_semaphore, #tpu.memory_space<semaphore_mem>>)
        %gt3A = arith.constant 0 : i32
        %gt3A_150 = arith.cmpi sgt, %scan3A_114, %gt3A : i32
        %convert_element_type3A_151 = arith.extui %gt3A_150 : i1 to i32
        %cond3A_152 = arith.constant 0 : i32
        %cond3A_153 = arith.cmpi ne, %convert_element_type3A_151, %cond3A_152 : i32
        scf.if %cond3A_153 {
          %dma_wait3A_530 = arith.constant 0 : i32
          %dma_wait3A_531 = arith.constant 0 : i32
          %dma_wait3A_532 = arith.constant 0 : i32
          %dma_wait3A_533 = tpu.memref_slice %arg5[%dma_wait3A_530, %dma_wait3A_531, %dma_wait3A_532] : memref<2x327680x128xf32, #tpu.memory_space<hbm>> -> memref<1x64x128xf32, #tpu.memory_space<hbm>>
          %dma_wait3A_534 = tpu.memref_squeeze %dma_wait3A_533 : memref<1x64x128xf32, #tpu.memory_space<hbm>> -> memref<64x128xf32, #tpu.memory_space<hbm>>
          %dma_wait3A_535 = arith.constant 0 : i32
          %dma_wait3A_536 = arith.constant 0 : i32
          %dma_wait3A_537 = tpu.memref_slice %arg5[%dma_wait3A_530, %dma_wait3A_535, %dma_wait3A_536] : memref<2x327680x128xf32, #tpu.memory_space<hbm>> -> memref<1x64x128xf32, #tpu.memory_space<hbm>>
          %dma_wait3A_538 = tpu.memref_squeeze %dma_wait3A_537 : memref<1x64x128xf32, #tpu.memory_space<hbm>> -> memref<64x128xf32, #tpu.memory_space<hbm>>
          tpu.wait_dma2 semaphore(%arg27 : memref<!tpu.dma_semaphore, #tpu.memory_space<semaphore_mem>>) src(%arg11 : memref<64x128xf32, #tpu.memory_space<vmem>>) dst(%dma_wait3A_538 : memref<64x128xf32, #tpu.memory_space<hbm>>)
        } else {
        }
        %add3A_154 = arith.constant 4 : i32
        %add3A_155 = arith.addi %add3A_118, %add3A_154 : i32
        %jit3A_156 = arith.constant 320 : i32
        %eq3A_157 = arith.constant 0 : i32
        %eq3A_158 = arith.cmpi eq, %jit3A_156, %eq3A_157 : i32
        %jit3A_159 = arith.constant 1 : i32
        %select_n3A_160 = arith.select %eq3A_158, %jit3A_159, %jit3A_156 : i32
        %rem3A_161 = arith.remsi %add3A_155, %select_n3A_160 : i32
        %ne3A_162 = arith.constant 0 : i32
        %ne3A_163 = arith.cmpi ne, %rem3A_161, %ne3A_162 : i32
        %lt3A_164 = arith.constant 0 : i32
        %lt3A_165 = arith.cmpi slt, %rem3A_161, %lt3A_164 : i32
        %lt3A_166 = arith.constant 0 : i32
        %lt3A_167 = arith.cmpi slt, %select_n3A_160, %lt3A_166 : i32
        %ne3A_168 = arith.xori %lt3A_165, %lt3A_167 : i1
        %and3A_169 = arith.andi %ne3A_168, %ne3A_163 : i1
        %add3A_170 = arith.addi %rem3A_161, %select_n3A_160 : i32
        %select_n3A_171 = arith.select %and3A_169, %add3A_170, %rem3A_161 : i32
        %mul3A_172 = arith.constant 64 : i32
        %mul3A_173 = arith.muli %select_n3A_171, %mul3A_172 : i32
        %dma_start3A_174 = tpu.memref_slice %arg6[%mul3A_173] : memref<20480xi32, #tpu.memory_space<vmem>> -> memref<64xi32, #tpu.memory_space<vmem>>
        %dma_start3A_175 = arith.constant 0 : i32
        %dma_start3A_176 = arith.constant 0 : i32
        %dma_start3A_177 = tpu.memref_slice %arg2[%dma_start3A_175, %dma_start3A_176] : memref<20480x128xf32, #tpu.memory_space<hbm>> -> memref<20480x128xf32, #tpu.memory_space<hbm>>
        tpu.enqueue_indirect_dma source(%dma_start3A_177 : memref<20480x128xf32, #tpu.memory_space<hbm>>) target(%arg11 : memref<64x128xf32, #tpu.memory_space<vmem>>) offsets(%dma_start3A_174 : memref<64xi32, #tpu.memory_space<vmem>>) semaphore(%arg19 : memref<!tpu.dma_semaphore, #tpu.memory_space<semaphore_mem>>)
        %mul3A_178 = arith.constant 8 : i32
        %mul3A_179 = arith.muli %mul3A_178, %scan3A_114 : i32
        %add3A_180 = arith.constant 1 : i32
        %add3A_181 = arith.addi %mul3A_179, %add3A_180 : i32
        %dma_wait3A_182 = arith.constant 0 : i32
        %dma_wait3A_183 = tpu.memref_slice %arg6[%dma_wait3A_182] : memref<20480xi32, #tpu.memory_space<vmem>> -> memref<64xi32, #tpu.memory_space<vmem>>
        %dma_wait3A_184 = arith.constant 0 : i32
        %dma_wait3A_185 = arith.constant 0 : i32
        %dma_wait3A_186 = tpu.memref_slice %arg2[%dma_wait3A_184, %dma_wait3A_185] : memref<20480x128xf32, #tpu.memory_space<hbm>> -> memref<20480x128xf32, #tpu.memory_space<hbm>>
        tpu.wait_indirect_dma semaphore(%arg16 : memref<!tpu.dma_semaphore, #tpu.memory_space<semaphore_mem>>) src(%dma_wait3A_186 : memref<20480x128xf32, #tpu.memory_space<hbm>>) dst(%arg8 : memref<64x128xf32, #tpu.memory_space<vmem>>)
        %jit3A_187 = arith.constant 320 : i32
        %eq3A_188 = arith.constant 0 : i32
        %eq3A_189 = arith.cmpi eq, %jit3A_187, %eq3A_188 : i32
        %jit3A_190 = arith.constant 1 : i32
        %select_n3A_191 = arith.select %eq3A_189, %jit3A_190, %jit3A_187 : i32
        %rem3A_192 = arith.remsi %add3A_181, %select_n3A_191 : i32
        %ne3A_193 = arith.constant 0 : i32
        %ne3A_194 = arith.cmpi ne, %rem3A_192, %ne3A_193 : i32
        %lt3A_195 = arith.constant 0 : i32
        %lt3A_196 = arith.cmpi slt, %rem3A_192, %lt3A_195 : i32
        %lt3A_197 = arith.constant 0 : i32
        %lt3A_198 = arith.cmpi slt, %select_n3A_191, %lt3A_197 : i32
        %ne3A_199 = arith.xori %lt3A_196, %lt3A_198 : i1
        %and3A_200 = arith.andi %ne3A_199, %ne3A_194 : i1
        %add3A_201 = arith.addi %rem3A_192, %select_n3A_191 : i32
        %select_n3A_202 = arith.select %and3A_200, %add3A_201, %rem3A_192 : i32
        %mul3A_203 = arith.constant 64 : i32
        %mul3A_204 = arith.muli %select_n3A_202, %mul3A_203 : i32
        %add3A_205 = arith.addi %mul3A_11, %mul3A_204 : i32
        %dma_start3A_206 = arith.constant 0 : i32
        %dma_start3A_207 = arith.constant 0 : i32
        %dma_start3A_208 = tpu.memref_slice %arg5[%dma_start3A_206, %add3A_205, %dma_start3A_207] : memref<2x327680x128xf32, #tpu.memory_space<hbm>> -> memref<1x64x128xf32, #tpu.memory_space<hbm>>
        %dma_start3A_209 = tpu.memref_squeeze %dma_start3A_208 : memref<1x64x128xf32, #tpu.memory_space<hbm>> -> memref<64x128xf32, #tpu.memory_space<hbm>>
        %dma_start3A_210 = arith.constant 0 : i32
        %dma_start3A_211 = tpu.memref_slice %arg5[%dma_start3A_206, %add3A_205, %dma_start3A_210] : memref<2x327680x128xf32, #tpu.memory_space<hbm>> -> memref<1x64x128xf32, #tpu.memory_space<hbm>>
        %dma_start3A_212 = tpu.memref_squeeze %dma_start3A_211 : memref<1x64x128xf32, #tpu.memory_space<hbm>> -> memref<64x128xf32, #tpu.memory_space<hbm>>
        tpu.enqueue_dma source(%arg8 : memref<64x128xf32, #tpu.memory_space<vmem>>) target(%dma_start3A_212 : memref<64x128xf32, #tpu.memory_space<hbm>>) target_semaphore(%arg24 : memref<!tpu.dma_semaphore, #tpu.memory_space<semaphore_mem>>)
        %gt3A_213 = arith.constant 0 : i32
        %gt3A_214 = arith.cmpi sgt, %scan3A_114, %gt3A_213 : i32
        %convert_element_type3A_215 = arith.extui %gt3A_214 : i1 to i32
        %cond3A_216 = arith.constant 0 : i32
        %cond3A_217 = arith.cmpi ne, %convert_element_type3A_215, %cond3A_216 : i32
        scf.if %cond3A_217 {
          %dma_wait3A_530 = arith.constant 0 : i32
          %dma_wait3A_531 = arith.constant 0 : i32
          %dma_wait3A_532 = arith.constant 0 : i32
          %dma_wait3A_533 = tpu.memref_slice %arg5[%dma_wait3A_530, %dma_wait3A_531, %dma_wait3A_532] : memref<2x327680x128xf32, #tpu.memory_space<hbm>> -> memref<1x64x128xf32, #tpu.memory_space<hbm>>
          %dma_wait3A_534 = tpu.memref_squeeze %dma_wait3A_533 : memref<1x64x128xf32, #tpu.memory_space<hbm>> -> memref<64x128xf32, #tpu.memory_space<hbm>>
          %dma_wait3A_535 = arith.constant 0 : i32
          %dma_wait3A_536 = arith.constant 0 : i32
          %dma_wait3A_537 = tpu.memref_slice %arg5[%dma_wait3A_530, %dma_wait3A_535, %dma_wait3A_536] : memref<2x327680x128xf32, #tpu.memory_space<hbm>> -> memref<1x64x128xf32, #tpu.memory_space<hbm>>
          %dma_wait3A_538 = tpu.memref_squeeze %dma_wait3A_537 : memref<1x64x128xf32, #tpu.memory_space<hbm>> -> memref<64x128xf32, #tpu.memory_space<hbm>>
          tpu.wait_dma2 semaphore(%arg28 : memref<!tpu.dma_semaphore, #tpu.memory_space<semaphore_mem>>) src(%arg12 : memref<64x128xf32, #tpu.memory_space<vmem>>) dst(%dma_wait3A_538 : memref<64x128xf32, #tpu.memory_space<hbm>>)
        } else {
        }
        %add3A_218 = arith.constant 4 : i32
        %add3A_219 = arith.addi %add3A_181, %add3A_218 : i32
        %jit3A_220 = arith.constant 320 : i32
        %eq3A_221 = arith.constant 0 : i32
        %eq3A_222 = arith.cmpi eq, %jit3A_220, %eq3A_221 : i32
        %jit3A_223 = arith.constant 1 : i32
        %select_n3A_224 = arith.select %eq3A_222, %jit3A_223, %jit3A_220 : i32
        %rem3A_225 = arith.remsi %add3A_219, %select_n3A_224 : i32
        %ne3A_226 = arith.constant 0 : i32
        %ne3A_227 = arith.cmpi ne, %rem3A_225, %ne3A_226 : i32
        %lt3A_228 = arith.constant 0 : i32
        %lt3A_229 = arith.cmpi slt, %rem3A_225, %lt3A_228 : i32
        %lt3A_230 = arith.constant 0 : i32
        %lt3A_231 = arith.cmpi slt, %select_n3A_224, %lt3A_230 : i32
        %ne3A_232 = arith.xori %lt3A_229, %lt3A_231 : i1
        %and3A_233 = arith.andi %ne3A_232, %ne3A_227 : i1
        %add3A_234 = arith.addi %rem3A_225, %select_n3A_224 : i32
        %select_n3A_235 = arith.select %and3A_233, %add3A_234, %rem3A_225 : i32
        %mul3A_236 = arith.constant 64 : i32
        %mul3A_237 = arith.muli %select_n3A_235, %mul3A_236 : i32
        %dma_start3A_238 = tpu.memref_slice %arg6[%mul3A_237] : memref<20480xi32, #tpu.memory_space<vmem>> -> memref<64xi32, #tpu.memory_space<vmem>>
        %dma_start3A_239 = arith.constant 0 : i32
        %dma_start3A_240 = arith.constant 0 : i32
        %dma_start3A_241 = tpu.memref_slice %arg2[%dma_start3A_239, %dma_start3A_240] : memref<20480x128xf32, #tpu.memory_space<hbm>> -> memref<20480x128xf32, #tpu.memory_space<hbm>>
        tpu.enqueue_indirect_dma source(%dma_start3A_241 : memref<20480x128xf32, #tpu.memory_space<hbm>>) target(%arg12 : memref<64x128xf32, #tpu.memory_space<vmem>>) offsets(%dma_start3A_238 : memref<64xi32, #tpu.memory_space<vmem>>) semaphore(%arg20 : memref<!tpu.dma_semaphore, #tpu.memory_space<semaphore_mem>>)
        %mul3A_242 = arith.constant 8 : i32
        %mul3A_243 = arith.muli %mul3A_242, %scan3A_114 : i32
        %add3A_244 = arith.constant 2 : i32
        %add3A_245 = arith.addi %mul3A_243, %add3A_244 : i32
        %dma_wait3A_246 = arith.constant 0 : i32
        %dma_wait3A_247 = tpu.memref_slice %arg6[%dma_wait3A_246] : memref<20480xi32, #tpu.memory_space<vmem>> -> memref<64xi32, #tpu.memory_space<vmem>>
        %dma_wait3A_248 = arith.constant 0 : i32
        %dma_wait3A_249 = arith.constant 0 : i32
        %dma_wait3A_250 = tpu.memref_slice %arg2[%dma_wait3A_248, %dma_wait3A_249] : memref<20480x128xf32, #tpu.memory_space<hbm>> -> memref<20480x128xf32, #tpu.memory_space<hbm>>
        tpu.wait_indirect_dma semaphore(%arg17 : memref<!tpu.dma_semaphore, #tpu.memory_space<semaphore_mem>>) src(%dma_wait3A_250 : memref<20480x128xf32, #tpu.memory_space<hbm>>) dst(%arg9 : memref<64x128xf32, #tpu.memory_space<vmem>>)
        %jit3A_251 = arith.constant 320 : i32
        %eq3A_252 = arith.constant 0 : i32
        %eq3A_253 = arith.cmpi eq, %jit3A_251, %eq3A_252 : i32
        %jit3A_254 = arith.constant 1 : i32
        %select_n3A_255 = arith.select %eq3A_253, %jit3A_254, %jit3A_251 : i32
        %rem3A_256 = arith.remsi %add3A_245, %select_n3A_255 : i32
        %ne3A_257 = arith.constant 0 : i32
        %ne3A_258 = arith.cmpi ne, %rem3A_256, %ne3A_257 : i32
        %lt3A_259 = arith.constant 0 : i32
        %lt3A_260 = arith.cmpi slt, %rem3A_256, %lt3A_259 : i32
        %lt3A_261 = arith.constant 0 : i32
        %lt3A_262 = arith.cmpi slt, %select_n3A_255, %lt3A_261 : i32
        %ne3A_263 = arith.xori %lt3A_260, %lt3A_262 : i1
        %and3A_264 = arith.andi %ne3A_263, %ne3A_258 : i1
        %add3A_265 = arith.addi %rem3A_256, %select_n3A_255 : i32
        %select_n3A_266 = arith.select %and3A_264, %add3A_265, %rem3A_256 : i32
        %mul3A_267 = arith.constant 64 : i32
        %mul3A_268 = arith.muli %select_n3A_266, %mul3A_267 : i32
        %add3A_269 = arith.addi %mul3A_11, %mul3A_268 : i32
        %dma_start3A_270 = arith.constant 0 : i32
        %dma_start3A_271 = arith.constant 0 : i32
        %dma_start3A_272 = tpu.memref_slice %arg5[%dma_start3A_270, %add3A_269, %dma_start3A_271] : memref<2x327680x128xf32, #tpu.memory_space<hbm>> -> memref<1x64x128xf32, #tpu.memory_space<hbm>>
        %dma_start3A_273 = tpu.memref_squeeze %dma_start3A_272 : memref<1x64x128xf32, #tpu.memory_space<hbm>> -> memref<64x128xf32, #tpu.memory_space<hbm>>
        %dma_start3A_274 = arith.constant 0 : i32
        %dma_start3A_275 = tpu.memref_slice %arg5[%dma_start3A_270, %add3A_269, %dma_start3A_274] : memref<2x327680x128xf32, #tpu.memory_space<hbm>> -> memref<1x64x128xf32, #tpu.memory_space<hbm>>
        %dma_start3A_276 = tpu.memref_squeeze %dma_start3A_275 : memref<1x64x128xf32, #tpu.memory_space<hbm>> -> memref<64x128xf32, #tpu.memory_space<hbm>>
        tpu.enqueue_dma source(%arg9 : memref<64x128xf32, #tpu.memory_space<vmem>>) target(%dma_start3A_276 : memref<64x128xf32, #tpu.memory_space<hbm>>) target_semaphore(%arg25 : memref<!tpu.dma_semaphore, #tpu.memory_space<semaphore_mem>>)
        %gt3A_277 = arith.constant 0 : i32
        %gt3A_278 = arith.cmpi sgt, %scan3A_114, %gt3A_277 : i32
        %convert_element_type3A_279 = arith.extui %gt3A_278 : i1 to i32
        %cond3A_280 = arith.constant 0 : i32
        %cond3A_281 = arith.cmpi ne, %convert_element_type3A_279, %cond3A_280 : i32
        scf.if %cond3A_281 {
          %dma_wait3A_530 = arith.constant 0 : i32
          %dma_wait3A_531 = arith.constant 0 : i32
          %dma_wait3A_532 = arith.constant 0 : i32
          %dma_wait3A_533 = tpu.memref_slice %arg5[%dma_wait3A_530, %dma_wait3A_531, %dma_wait3A_532] : memref<2x327680x128xf32, #tpu.memory_space<hbm>> -> memref<1x64x128xf32, #tpu.memory_space<hbm>>
          %dma_wait3A_534 = tpu.memref_squeeze %dma_wait3A_533 : memref<1x64x128xf32, #tpu.memory_space<hbm>> -> memref<64x128xf32, #tpu.memory_space<hbm>>
          %dma_wait3A_535 = arith.constant 0 : i32
          %dma_wait3A_536 = arith.constant 0 : i32
          %dma_wait3A_537 = tpu.memref_slice %arg5[%dma_wait3A_530, %dma_wait3A_535, %dma_wait3A_536] : memref<2x327680x128xf32, #tpu.memory_space<hbm>> -> memref<1x64x128xf32, #tpu.memory_space<hbm>>
          %dma_wait3A_538 = tpu.memref_squeeze %dma_wait3A_537 : memref<1x64x128xf32, #tpu.memory_space<hbm>> -> memref<64x128xf32, #tpu.memory_space<hbm>>
          tpu.wait_dma2 semaphore(%arg29 : memref<!tpu.dma_semaphore, #tpu.memory_space<semaphore_mem>>) src(%arg13 : memref<64x128xf32, #tpu.memory_space<vmem>>) dst(%dma_wait3A_538 : memref<64x128xf32, #tpu.memory_space<hbm>>)
        } else {
        }
        %add3A_282 = arith.constant 4 : i32
        %add3A_283 = arith.addi %add3A_245, %add3A_282 : i32
        %jit3A_284 = arith.constant 320 : i32
        %eq3A_285 = arith.constant 0 : i32
        %eq3A_286 = arith.cmpi eq, %jit3A_284, %eq3A_285 : i32
        %jit3A_287 = arith.constant 1 : i32
        %select_n3A_288 = arith.select %eq3A_286, %jit3A_287, %jit3A_284 : i32
        %rem3A_289 = arith.remsi %add3A_283, %select_n3A_288 : i32
        %ne3A_290 = arith.constant 0 : i32
        %ne3A_291 = arith.cmpi ne, %rem3A_289, %ne3A_290 : i32
        %lt3A_292 = arith.constant 0 : i32
        %lt3A_293 = arith.cmpi slt, %rem3A_289, %lt3A_292 : i32
        %lt3A_294 = arith.constant 0 : i32
        %lt3A_295 = arith.cmpi slt, %select_n3A_288, %lt3A_294 : i32
        %ne3A_296 = arith.xori %lt3A_293, %lt3A_295 : i1
        %and3A_297 = arith.andi %ne3A_296, %ne3A_291 : i1
        %add3A_298 = arith.addi %rem3A_289, %select_n3A_288 : i32
        %select_n3A_299 = arith.select %and3A_297, %add3A_298, %rem3A_289 : i32
        %mul3A_300 = arith.constant 64 : i32
        %mul3A_301 = arith.muli %select_n3A_299, %mul3A_300 : i32
        %dma_start3A_302 = tpu.memref_slice %arg6[%mul3A_301] : memref<20480xi32, #tpu.memory_space<vmem>> -> memref<64xi32, #tpu.memory_space<vmem>>
        %dma_start3A_303 = arith.constant 0 : i32
        %dma_start3A_304 = arith.constant 0 : i32
        %dma_start3A_305 = tpu.memref_slice %arg2[%dma_start3A_303, %dma_start3A_304] : memref<20480x128xf32, #tpu.memory_space<hbm>> -> memref<20480x128xf32, #tpu.memory_space<hbm>>
        tpu.enqueue_indirect_dma source(%dma_start3A_305 : memref<20480x128xf32, #tpu.memory_space<hbm>>) target(%arg13 : memref<64x128xf32, #tpu.memory_space<vmem>>) offsets(%dma_start3A_302 : memref<64xi32, #tpu.memory_space<vmem>>) semaphore(%arg21 : memref<!tpu.dma_semaphore, #tpu.memory_space<semaphore_mem>>)
        %mul3A_306 = arith.constant 8 : i32
        %mul3A_307 = arith.muli %mul3A_306, %scan3A_114 : i32
        %add3A_308 = arith.constant 3 : i32
        %add3A_309 = arith.addi %mul3A_307, %add3A_308 : i32
        %dma_wait3A_310 = arith.constant 0 : i32
        %dma_wait3A_311 = tpu.memref_slice %arg6[%dma_wait3A_310] : memref<20480xi32, #tpu.memory_space<vmem>> -> memref<64xi32, #tpu.memory_space<vmem>>
        %dma_wait3A_312 = arith.constant 0 : i32
        %dma_wait3A_313 = arith.constant 0 : i32
        %dma_wait3A_314 = tpu.memref_slice %arg2[%dma_wait3A_312, %dma_wait3A_313] : memref<20480x128xf32, #tpu.memory_space<hbm>> -> memref<20480x128xf32, #tpu.memory_space<hbm>>
        tpu.wait_indirect_dma semaphore(%arg18 : memref<!tpu.dma_semaphore, #tpu.memory_space<semaphore_mem>>) src(%dma_wait3A_314 : memref<20480x128xf32, #tpu.memory_space<hbm>>) dst(%arg10 : memref<64x128xf32, #tpu.memory_space<vmem>>)
        %jit3A_315 = arith.constant 320 : i32
        %eq3A_316 = arith.constant 0 : i32
        %eq3A_317 = arith.cmpi eq, %jit3A_315, %eq3A_316 : i32
        %jit3A_318 = arith.constant 1 : i32
        %select_n3A_319 = arith.select %eq3A_317, %jit3A_318, %jit3A_315 : i32
        %rem3A_320 = arith.remsi %add3A_309, %select_n3A_319 : i32
        %ne3A_321 = arith.constant 0 : i32
        %ne3A_322 = arith.cmpi ne, %rem3A_320, %ne3A_321 : i32
        %lt3A_323 = arith.constant 0 : i32
        %lt3A_324 = arith.cmpi slt, %rem3A_320, %lt3A_323 : i32
        %lt3A_325 = arith.constant 0 : i32
        %lt3A_326 = arith.cmpi slt, %select_n3A_319, %lt3A_325 : i32
        %ne3A_327 = arith.xori %lt3A_324, %lt3A_326 : i1
        %and3A_328 = arith.andi %ne3A_327, %ne3A_322 : i1
        %add3A_329 = arith.addi %rem3A_320, %select_n3A_319 : i32
        %select_n3A_330 = arith.select %and3A_328, %add3A_329, %rem3A_320 : i32
        %mul3A_331 = arith.constant 64 : i32
        %mul3A_332 = arith.muli %select_n3A_330, %mul3A_331 : i32
        %add3A_333 = arith.addi %mul3A_11, %mul3A_332 : i32
        %dma_start3A_334 = arith.constant 0 : i32
        %dma_start3A_335 = arith.constant 0 : i32
        %dma_start3A_336 = tpu.memref_slice %arg5[%dma_start3A_334, %add3A_333, %dma_start3A_335] : memref<2x327680x128xf32, #tpu.memory_space<hbm>> -> memref<1x64x128xf32, #tpu.memory_space<hbm>>
        %dma_start3A_337 = tpu.memref_squeeze %dma_start3A_336 : memref<1x64x128xf32, #tpu.memory_space<hbm>> -> memref<64x128xf32, #tpu.memory_space<hbm>>
        %dma_start3A_338 = arith.constant 0 : i32
        %dma_start3A_339 = tpu.memref_slice %arg5[%dma_start3A_334, %add3A_333, %dma_start3A_338] : memref<2x327680x128xf32, #tpu.memory_space<hbm>> -> memref<1x64x128xf32, #tpu.memory_space<hbm>>
        %dma_start3A_340 = tpu.memref_squeeze %dma_start3A_339 : memref<1x64x128xf32, #tpu.memory_space<hbm>> -> memref<64x128xf32, #tpu.memory_space<hbm>>
        tpu.enqueue_dma source(%arg10 : memref<64x128xf32, #tpu.memory_space<vmem>>) target(%dma_start3A_340 : memref<64x128xf32, #tpu.memory_space<hbm>>) target_semaphore(%arg26 : memref<!tpu.dma_semaphore, #tpu.memory_space<semaphore_mem>>)
        %gt3A_341 = arith.constant 0 : i32
        %gt3A_342 = arith.cmpi sgt, %scan3A_114, %gt3A_341 : i32
        %convert_element_type3A_343 = arith.extui %gt3A_342 : i1 to i32
        %cond3A_344 = arith.constant 0 : i32
        %cond3A_345 = arith.cmpi ne, %convert_element_type3A_343, %cond3A_344 : i32
        scf.if %cond3A_345 {
          %dma_wait3A_530 = arith.constant 0 : i32
          %dma_wait3A_531 = arith.constant 0 : i32
          %dma_wait3A_532 = arith.constant 0 : i32
          %dma_wait3A_533 = tpu.memref_slice %arg5[%dma_wait3A_530, %dma_wait3A_531, %dma_wait3A_532] : memref<2x327680x128xf32, #tpu.memory_space<hbm>> -> memref<1x64x128xf32, #tpu.memory_space<hbm>>
          %dma_wait3A_534 = tpu.memref_squeeze %dma_wait3A_533 : memref<1x64x128xf32, #tpu.memory_space<hbm>> -> memref<64x128xf32, #tpu.memory_space<hbm>>
          %dma_wait3A_535 = arith.constant 0 : i32
          %dma_wait3A_536 = arith.constant 0 : i32
          %dma_wait3A_537 = tpu.memref_slice %arg5[%dma_wait3A_530, %dma_wait3A_535, %dma_wait3A_536] : memref<2x327680x128xf32, #tpu.memory_space<hbm>> -> memref<1x64x128xf32, #tpu.memory_space<hbm>>
          %dma_wait3A_538 = tpu.memref_squeeze %dma_wait3A_537 : memref<1x64x128xf32, #tpu.memory_space<hbm>> -> memref<64x128xf32, #tpu.memory_space<hbm>>
          tpu.wait_dma2 semaphore(%arg30 : memref<!tpu.dma_semaphore, #tpu.memory_space<semaphore_mem>>) src(%arg14 : memref<64x128xf32, #tpu.memory_space<vmem>>) dst(%dma_wait3A_538 : memref<64x128xf32, #tpu.memory_space<hbm>>)
        } else {
        }
        %add3A_346 = arith.constant 4 : i32
        %add3A_347 = arith.addi %add3A_309, %add3A_346 : i32
        %jit3A_348 = arith.constant 320 : i32
        %eq3A_349 = arith.constant 0 : i32
        %eq3A_350 = arith.cmpi eq, %jit3A_348, %eq3A_349 : i32
        %jit3A_351 = arith.constant 1 : i32
        %select_n3A_352 = arith.select %eq3A_350, %jit3A_351, %jit3A_348 : i32
        %rem3A_353 = arith.remsi %add3A_347, %select_n3A_352 : i32
        %ne3A_354 = arith.constant 0 : i32
        %ne3A_355 = arith.cmpi ne, %rem3A_353, %ne3A_354 : i32
        %lt3A_356 = arith.constant 0 : i32
        %lt3A_357 = arith.cmpi slt, %rem3A_353, %lt3A_356 : i32
        %lt3A_358 = arith.constant 0 : i32
        %lt3A_359 = arith.cmpi slt, %select_n3A_352, %lt3A_358 : i32
        %ne3A_360 = arith.xori %lt3A_357, %lt3A_359 : i1
        %and3A_361 = arith.andi %ne3A_360, %ne3A_355 : i1
        %add3A_362 = arith.addi %rem3A_353, %select_n3A_352 : i32
        %select_n3A_363 = arith.select %and3A_361, %add3A_362, %rem3A_353 : i32
        %mul3A_364 = arith.constant 64 : i32
        %mul3A_365 = arith.muli %select_n3A_363, %mul3A_364 : i32
        %dma_start3A_366 = tpu.memref_slice %arg6[%mul3A_365] : memref<20480xi32, #tpu.memory_space<vmem>> -> memref<64xi32, #tpu.memory_space<vmem>>
        %dma_start3A_367 = arith.constant 0 : i32
        %dma_start3A_368 = arith.constant 0 : i32
        %dma_start3A_369 = tpu.memref_slice %arg2[%dma_start3A_367, %dma_start3A_368] : memref<20480x128xf32, #tpu.memory_space<hbm>> -> memref<20480x128xf32, #tpu.memory_space<hbm>>
        tpu.enqueue_indirect_dma source(%dma_start3A_369 : memref<20480x128xf32, #tpu.memory_space<hbm>>) target(%arg14 : memref<64x128xf32, #tpu.memory_space<vmem>>) offsets(%dma_start3A_366 : memref<64xi32, #tpu.memory_space<vmem>>) semaphore(%arg22 : memref<!tpu.dma_semaphore, #tpu.memory_space<semaphore_mem>>)
        %mul3A_370 = arith.constant 8 : i32
        %mul3A_371 = arith.muli %mul3A_370, %scan3A_114 : i32
        %add3A_372 = arith.constant 4 : i32
        %add3A_373 = arith.addi %mul3A_371, %add3A_372 : i32
        %dma_wait3A_374 = arith.constant 0 : i32
        %dma_wait3A_375 = tpu.memref_slice %arg6[%dma_wait3A_374] : memref<20480xi32, #tpu.memory_space<vmem>> -> memref<64xi32, #tpu.memory_space<vmem>>
        %dma_wait3A_376 = arith.constant 0 : i32
        %dma_wait3A_377 = arith.constant 0 : i32
        %dma_wait3A_378 = tpu.memref_slice %arg2[%dma_wait3A_376, %dma_wait3A_377] : memref<20480x128xf32, #tpu.memory_space<hbm>> -> memref<20480x128xf32, #tpu.memory_space<hbm>>
        tpu.wait_indirect_dma semaphore(%arg19 : memref<!tpu.dma_semaphore, #tpu.memory_space<semaphore_mem>>) src(%dma_wait3A_378 : memref<20480x128xf32, #tpu.memory_space<hbm>>) dst(%arg11 : memref<64x128xf32, #tpu.memory_space<vmem>>)
        %jit3A_379 = arith.constant 320 : i32
        %eq3A_380 = arith.constant 0 : i32
        %eq3A_381 = arith.cmpi eq, %jit3A_379, %eq3A_380 : i32
        %jit3A_382 = arith.constant 1 : i32
        %select_n3A_383 = arith.select %eq3A_381, %jit3A_382, %jit3A_379 : i32
        %rem3A_384 = arith.remsi %add3A_373, %select_n3A_383 : i32
        %ne3A_385 = arith.constant 0 : i32
        %ne3A_386 = arith.cmpi ne, %rem3A_384, %ne3A_385 : i32
        %lt3A_387 = arith.constant 0 : i32
        %lt3A_388 = arith.cmpi slt, %rem3A_384, %lt3A_387 : i32
        %lt3A_389 = arith.constant 0 : i32
        %lt3A_390 = arith.cmpi slt, %select_n3A_383, %lt3A_389 : i32
        %ne3A_391 = arith.xori %lt3A_388, %lt3A_390 : i1
        %and3A_392 = arith.andi %ne3A_391, %ne3A_386 : i1
        %add3A_393 = arith.addi %rem3A_384, %select_n3A_383 : i32
        %select_n3A_394 = arith.select %and3A_392, %add3A_393, %rem3A_384 : i32
        %mul3A_395 = arith.constant 64 : i32
        %mul3A_396 = arith.muli %select_n3A_394, %mul3A_395 : i32
        %add3A_397 = arith.addi %mul3A_11, %mul3A_396 : i32
        %dma_start3A_398 = arith.constant 0 : i32
        %dma_start3A_399 = arith.constant 0 : i32
        %dma_start3A_400 = tpu.memref_slice %arg5[%dma_start3A_398, %add3A_397, %dma_start3A_399] : memref<2x327680x128xf32, #tpu.memory_space<hbm>> -> memref<1x64x128xf32, #tpu.memory_space<hbm>>
        %dma_start3A_401 = tpu.memref_squeeze %dma_start3A_400 : memref<1x64x128xf32, #tpu.memory_space<hbm>> -> memref<64x128xf32, #tpu.memory_space<hbm>>
        %dma_start3A_402 = arith.constant 0 : i32
        %dma_start3A_403 = tpu.memref_slice %arg5[%dma_start3A_398, %add3A_397, %dma_start3A_402] : memref<2x327680x128xf32, #tpu.memory_space<hbm>> -> memref<1x64x128xf32, #tpu.memory_space<hbm>>
        %dma_start3A_404 = tpu.memref_squeeze %dma_start3A_403 : memref<1x64x128xf32, #tpu.memory_space<hbm>> -> memref<64x128xf32, #tpu.memory_space<hbm>>
        tpu.enqueue_dma source(%arg11 : memref<64x128xf32, #tpu.memory_space<vmem>>) target(%dma_start3A_404 : memref<64x128xf32, #tpu.memory_space<hbm>>) target_semaphore(%arg27 : memref<!tpu.dma_semaphore, #tpu.memory_space<semaphore_mem>>)
        %lt3A_405 = arith.constant 39 : i32
        %lt3A_406 = arith.cmpi slt, %scan3A_114, %lt3A_405 : i32
        %convert_element_type3A_407 = arith.extui %lt3A_406 : i1 to i32
        %cond3A_408 = arith.constant 0 : i32
        %cond3A_409 = arith.cmpi ne, %convert_element_type3A_407, %cond3A_408 : i32
        scf.if %cond3A_409 {
          %dma_wait3A_530 = arith.constant 0 : i32
          %dma_wait3A_531 = arith.constant 0 : i32
          %dma_wait3A_532 = arith.constant 0 : i32
          %dma_wait3A_533 = tpu.memref_slice %arg5[%dma_wait3A_530, %dma_wait3A_531, %dma_wait3A_532] : memref<2x327680x128xf32, #tpu.memory_space<hbm>> -> memref<1x64x128xf32, #tpu.memory_space<hbm>>
          %dma_wait3A_534 = tpu.memref_squeeze %dma_wait3A_533 : memref<1x64x128xf32, #tpu.memory_space<hbm>> -> memref<64x128xf32, #tpu.memory_space<hbm>>
          %dma_wait3A_535 = arith.constant 0 : i32
          %dma_wait3A_536 = arith.constant 0 : i32
          %dma_wait3A_537 = tpu.memref_slice %arg5[%dma_wait3A_530, %dma_wait3A_535, %dma_wait3A_536] : memref<2x327680x128xf32, #tpu.memory_space<hbm>> -> memref<1x64x128xf32, #tpu.memory_space<hbm>>
          %dma_wait3A_538 = tpu.memref_squeeze %dma_wait3A_537 : memref<1x64x128xf32, #tpu.memory_space<hbm>> -> memref<64x128xf32, #tpu.memory_space<hbm>>
          tpu.wait_dma2 semaphore(%arg23 : memref<!tpu.dma_semaphore, #tpu.memory_space<semaphore_mem>>) src(%arg7 : memref<64x128xf32, #tpu.memory_space<vmem>>) dst(%dma_wait3A_538 : memref<64x128xf32, #tpu.memory_space<hbm>>)
          %add3A_539 = arith.constant 4 : i32
          %add3A_540 = arith.addi %add3A_373, %add3A_539 : i32
          %jit3A_541 = arith.constant 320 : i32
          %eq3A_542 = arith.constant 0 : i32
          %eq3A_543 = arith.cmpi eq, %jit3A_541, %eq3A_542 : i32
          %jit3A_544 = arith.constant 1 : i32
          %select_n3A_545 = arith.select %eq3A_543, %jit3A_544, %jit3A_541 : i32
          %rem3A_546 = arith.remsi %add3A_540, %select_n3A_545 : i32
          %ne3A_547 = arith.constant 0 : i32
          %ne3A_548 = arith.cmpi ne, %rem3A_546, %ne3A_547 : i32
          %lt3A_549 = arith.constant 0 : i32
          %lt3A_550 = arith.cmpi slt, %rem3A_546, %lt3A_549 : i32
          %lt3A_551 = arith.constant 0 : i32
          %lt3A_552 = arith.cmpi slt, %select_n3A_545, %lt3A_551 : i32
          %ne3A_553 = arith.xori %lt3A_550, %lt3A_552 : i1
          %and3A_554 = arith.andi %ne3A_553, %ne3A_548 : i1
          %add3A_555 = arith.addi %rem3A_546, %select_n3A_545 : i32
          %select_n3A_556 = arith.select %and3A_554, %add3A_555, %rem3A_546 : i32
          %mul3A_557 = arith.constant 64 : i32
          %mul3A_558 = arith.muli %select_n3A_556, %mul3A_557 : i32
          %dma_start3A_559 = tpu.memref_slice %arg6[%mul3A_558] : memref<20480xi32, #tpu.memory_space<vmem>> -> memref<64xi32, #tpu.memory_space<vmem>>
          %dma_start3A_560 = arith.constant 0 : i32
          %dma_start3A_561 = arith.constant 0 : i32
          %dma_start3A_562 = tpu.memref_slice %arg2[%dma_start3A_560, %dma_start3A_561] : memref<20480x128xf32, #tpu.memory_space<hbm>> -> memref<20480x128xf32, #tpu.memory_space<hbm>>
          tpu.enqueue_indirect_dma source(%dma_start3A_562 : memref<20480x128xf32, #tpu.memory_space<hbm>>) target(%arg7 : memref<64x128xf32, #tpu.memory_space<vmem>>) offsets(%dma_start3A_559 : memref<64xi32, #tpu.memory_space<vmem>>) semaphore(%arg15 : memref<!tpu.dma_semaphore, #tpu.memory_space<semaphore_mem>>)
        } else {
        }
        %mul3A_410 = arith.constant 8 : i32
        %mul3A_411 = arith.muli %mul3A_410, %scan3A_114 : i32
        %add3A_412 = arith.constant 5 : i32
        %add3A_413 = arith.addi %mul3A_411, %add3A_412 : i32
        %dma_wait3A_414 = arith.constant 0 : i32
        %dma_wait3A_415 = tpu.memref_slice %arg6[%dma_wait3A_414] : memref<20480xi32, #tpu.memory_space<vmem>> -> memref<64xi32, #tpu.memory_space<vmem>>
        %dma_wait3A_416 = arith.constant 0 : i32
        %dma_wait3A_417 = arith.constant 0 : i32
        %dma_wait3A_418 = tpu.memref_slice %arg2[%dma_wait3A_416, %dma_wait3A_417] : memref<20480x128xf32, #tpu.memory_space<hbm>> -> memref<20480x128xf32, #tpu.memory_space<hbm>>
        tpu.wait_indirect_dma semaphore(%arg20 : memref<!tpu.dma_semaphore, #tpu.memory_space<semaphore_mem>>) src(%dma_wait3A_418 : memref<20480x128xf32, #tpu.memory_space<hbm>>) dst(%arg12 : memref<64x128xf32, #tpu.memory_space<vmem>>)
        %jit3A_419 = arith.constant 320 : i32
        %eq3A_420 = arith.constant 0 : i32
        %eq3A_421 = arith.cmpi eq, %jit3A_419, %eq3A_420 : i32
        %jit3A_422 = arith.constant 1 : i32
        %select_n3A_423 = arith.select %eq3A_421, %jit3A_422, %jit3A_419 : i32
        %rem3A_424 = arith.remsi %add3A_413, %select_n3A_423 : i32
        %ne3A_425 = arith.constant 0 : i32
        %ne3A_426 = arith.cmpi ne, %rem3A_424, %ne3A_425 : i32
        %lt3A_427 = arith.constant 0 : i32
        %lt3A_428 = arith.cmpi slt, %rem3A_424, %lt3A_427 : i32
        %lt3A_429 = arith.constant 0 : i32
        %lt3A_430 = arith.cmpi slt, %select_n3A_423, %lt3A_429 : i32
        %ne3A_431 = arith.xori %lt3A_428, %lt3A_430 : i1
        %and3A_432 = arith.andi %ne3A_431, %ne3A_426 : i1
        %add3A_433 = arith.addi %rem3A_424, %select_n3A_423 : i32
        %select_n3A_434 = arith.select %and3A_432, %add3A_433, %rem3A_424 : i32
        %mul3A_435 = arith.constant 64 : i32
        %mul3A_436 = arith.muli %select_n3A_434, %mul3A_435 : i32
        %add3A_437 = arith.addi %mul3A_11, %mul3A_436 : i32
        %dma_start3A_438 = arith.constant 0 : i32
        %dma_start3A_439 = arith.constant 0 : i32
        %dma_start3A_440 = tpu.memref_slice %arg5[%dma_start3A_438, %add3A_437, %dma_start3A_439] : memref<2x327680x128xf32, #tpu.memory_space<hbm>> -> memref<1x64x128xf32, #tpu.memory_space<hbm>>
        %dma_start3A_441 = tpu.memref_squeeze %dma_start3A_440 : memref<1x64x128xf32, #tpu.memory_space<hbm>> -> memref<64x128xf32, #tpu.memory_space<hbm>>
        %dma_start3A_442 = arith.constant 0 : i32
        %dma_start3A_443 = tpu.memref_slice %arg5[%dma_start3A_438, %add3A_437, %dma_start3A_442] : memref<2x327680x128xf32, #tpu.memory_space<hbm>> -> memref<1x64x128xf32, #tpu.memory_space<hbm>>
        %dma_start3A_444 = tpu.memref_squeeze %dma_start3A_443 : memref<1x64x128xf32, #tpu.memory_space<hbm>> -> memref<64x128xf32, #tpu.memory_space<hbm>>
        tpu.enqueue_dma source(%arg12 : memref<64x128xf32, #tpu.memory_space<vmem>>) target(%dma_start3A_444 : memref<64x128xf32, #tpu.memory_space<hbm>>) target_semaphore(%arg28 : memref<!tpu.dma_semaphore, #tpu.memory_space<semaphore_mem>>)
        %lt3A_445 = arith.constant 39 : i32
        %lt3A_446 = arith.cmpi slt, %scan3A_114, %lt3A_445 : i32
        %convert_element_type3A_447 = arith.extui %lt3A_446 : i1 to i32
        %cond3A_448 = arith.constant 0 : i32
        %cond3A_449 = arith.cmpi ne, %convert_element_type3A_447, %cond3A_448 : i32
        scf.if %cond3A_449 {
          %dma_wait3A_530 = arith.constant 0 : i32
          %dma_wait3A_531 = arith.constant 0 : i32
          %dma_wait3A_532 = arith.constant 0 : i32
          %dma_wait3A_533 = tpu.memref_slice %arg5[%dma_wait3A_530, %dma_wait3A_531, %dma_wait3A_532] : memref<2x327680x128xf32, #tpu.memory_space<hbm>> -> memref<1x64x128xf32, #tpu.memory_space<hbm>>
          %dma_wait3A_534 = tpu.memref_squeeze %dma_wait3A_533 : memref<1x64x128xf32, #tpu.memory_space<hbm>> -> memref<64x128xf32, #tpu.memory_space<hbm>>
          %dma_wait3A_535 = arith.constant 0 : i32
          %dma_wait3A_536 = arith.constant 0 : i32
          %dma_wait3A_537 = tpu.memref_slice %arg5[%dma_wait3A_530, %dma_wait3A_535, %dma_wait3A_536] : memref<2x327680x128xf32, #tpu.memory_space<hbm>> -> memref<1x64x128xf32, #tpu.memory_space<hbm>>
          %dma_wait3A_538 = tpu.memref_squeeze %dma_wait3A_537 : memref<1x64x128xf32, #tpu.memory_space<hbm>> -> memref<64x128xf32, #tpu.memory_space<hbm>>
          tpu.wait_dma2 semaphore(%arg24 : memref<!tpu.dma_semaphore, #tpu.memory_space<semaphore_mem>>) src(%arg8 : memref<64x128xf32, #tpu.memory_space<vmem>>) dst(%dma_wait3A_538 : memref<64x128xf32, #tpu.memory_space<hbm>>)
          %add3A_539 = arith.constant 4 : i32
          %add3A_540 = arith.addi %add3A_413, %add3A_539 : i32
          %jit3A_541 = arith.constant 320 : i32
          %eq3A_542 = arith.constant 0 : i32
          %eq3A_543 = arith.cmpi eq, %jit3A_541, %eq3A_542 : i32
          %jit3A_544 = arith.constant 1 : i32
          %select_n3A_545 = arith.select %eq3A_543, %jit3A_544, %jit3A_541 : i32
          %rem3A_546 = arith.remsi %add3A_540, %select_n3A_545 : i32
          %ne3A_547 = arith.constant 0 : i32
          %ne3A_548 = arith.cmpi ne, %rem3A_546, %ne3A_547 : i32
          %lt3A_549 = arith.constant 0 : i32
          %lt3A_550 = arith.cmpi slt, %rem3A_546, %lt3A_549 : i32
          %lt3A_551 = arith.constant 0 : i32
          %lt3A_552 = arith.cmpi slt, %select_n3A_545, %lt3A_551 : i32
          %ne3A_553 = arith.xori %lt3A_550, %lt3A_552 : i1
          %and3A_554 = arith.andi %ne3A_553, %ne3A_548 : i1
          %add3A_555 = arith.addi %rem3A_546, %select_n3A_545 : i32
          %select_n3A_556 = arith.select %and3A_554, %add3A_555, %rem3A_546 : i32
          %mul3A_557 = arith.constant 64 : i32
          %mul3A_558 = arith.muli %select_n3A_556, %mul3A_557 : i32
          %dma_start3A_559 = tpu.memref_slice %arg6[%mul3A_558] : memref<20480xi32, #tpu.memory_space<vmem>> -> memref<64xi32, #tpu.memory_space<vmem>>
          %dma_start3A_560 = arith.constant 0 : i32
          %dma_start3A_561 = arith.constant 0 : i32
          %dma_start3A_562 = tpu.memref_slice %arg2[%dma_start3A_560, %dma_start3A_561] : memref<20480x128xf32, #tpu.memory_space<hbm>> -> memref<20480x128xf32, #tpu.memory_space<hbm>>
          tpu.enqueue_indirect_dma source(%dma_start3A_562 : memref<20480x128xf32, #tpu.memory_space<hbm>>) target(%arg8 : memref<64x128xf32, #tpu.memory_space<vmem>>) offsets(%dma_start3A_559 : memref<64xi32, #tpu.memory_space<vmem>>) semaphore(%arg16 : memref<!tpu.dma_semaphore, #tpu.memory_space<semaphore_mem>>)
        } else {
        }
        %mul3A_450 = arith.constant 8 : i32
        %mul3A_451 = arith.muli %mul3A_450, %scan3A_114 : i32
        %add3A_452 = arith.constant 6 : i32
        %add3A_453 = arith.addi %mul3A_451, %add3A_452 : i32
        %dma_wait3A_454 = arith.constant 0 : i32
        %dma_wait3A_455 = tpu.memref_slice %arg6[%dma_wait3A_454] : memref<20480xi32, #tpu.memory_space<vmem>> -> memref<64xi32, #tpu.memory_space<vmem>>
        %dma_wait3A_456 = arith.constant 0 : i32
        %dma_wait3A_457 = arith.constant 0 : i32
        %dma_wait3A_458 = tpu.memref_slice %arg2[%dma_wait3A_456, %dma_wait3A_457] : memref<20480x128xf32, #tpu.memory_space<hbm>> -> memref<20480x128xf32, #tpu.memory_space<hbm>>
        tpu.wait_indirect_dma semaphore(%arg21 : memref<!tpu.dma_semaphore, #tpu.memory_space<semaphore_mem>>) src(%dma_wait3A_458 : memref<20480x128xf32, #tpu.memory_space<hbm>>) dst(%arg13 : memref<64x128xf32, #tpu.memory_space<vmem>>)
        %jit3A_459 = arith.constant 320 : i32
        %eq3A_460 = arith.constant 0 : i32
        %eq3A_461 = arith.cmpi eq, %jit3A_459, %eq3A_460 : i32
        %jit3A_462 = arith.constant 1 : i32
        %select_n3A_463 = arith.select %eq3A_461, %jit3A_462, %jit3A_459 : i32
        %rem3A_464 = arith.remsi %add3A_453, %select_n3A_463 : i32
        %ne3A_465 = arith.constant 0 : i32
        %ne3A_466 = arith.cmpi ne, %rem3A_464, %ne3A_465 : i32
        %lt3A_467 = arith.constant 0 : i32
        %lt3A_468 = arith.cmpi slt, %rem3A_464, %lt3A_467 : i32
        %lt3A_469 = arith.constant 0 : i32
        %lt3A_470 = arith.cmpi slt, %select_n3A_463, %lt3A_469 : i32
        %ne3A_471 = arith.xori %lt3A_468, %lt3A_470 : i1
        %and3A_472 = arith.andi %ne3A_471, %ne3A_466 : i1
        %add3A_473 = arith.addi %rem3A_464, %select_n3A_463 : i32
        %select_n3A_474 = arith.select %and3A_472, %add3A_473, %rem3A_464 : i32
        %mul3A_475 = arith.constant 64 : i32
        %mul3A_476 = arith.muli %select_n3A_474, %mul3A_475 : i32
        %add3A_477 = arith.addi %mul3A_11, %mul3A_476 : i32
        %dma_start3A_478 = arith.constant 0 : i32
        %dma_start3A_479 = arith.constant 0 : i32
        %dma_start3A_480 = tpu.memref_slice %arg5[%dma_start3A_478, %add3A_477, %dma_start3A_479] : memref<2x327680x128xf32, #tpu.memory_space<hbm>> -> memref<1x64x128xf32, #tpu.memory_space<hbm>>
        %dma_start3A_481 = tpu.memref_squeeze %dma_start3A_480 : memref<1x64x128xf32, #tpu.memory_space<hbm>> -> memref<64x128xf32, #tpu.memory_space<hbm>>
        %dma_start3A_482 = arith.constant 0 : i32
        %dma_start3A_483 = tpu.memref_slice %arg5[%dma_start3A_478, %add3A_477, %dma_start3A_482] : memref<2x327680x128xf32, #tpu.memory_space<hbm>> -> memref<1x64x128xf32, #tpu.memory_space<hbm>>
        %dma_start3A_484 = tpu.memref_squeeze %dma_start3A_483 : memref<1x64x128xf32, #tpu.memory_space<hbm>> -> memref<64x128xf32, #tpu.memory_space<hbm>>
        tpu.enqueue_dma source(%arg13 : memref<64x128xf32, #tpu.memory_space<vmem>>) target(%dma_start3A_484 : memref<64x128xf32, #tpu.memory_space<hbm>>) target_semaphore(%arg29 : memref<!tpu.dma_semaphore, #tpu.memory_space<semaphore_mem>>)
        %lt3A_485 = arith.constant 39 : i32
        %lt3A_486 = arith.cmpi slt, %scan3A_114, %lt3A_485 : i32
        %convert_element_type3A_487 = arith.extui %lt3A_486 : i1 to i32
        %cond3A_488 = arith.constant 0 : i32
        %cond3A_489 = arith.cmpi ne, %convert_element_type3A_487, %cond3A_488 : i32
        scf.if %cond3A_489 {
          %dma_wait3A_530 = arith.constant 0 : i32
          %dma_wait3A_531 = arith.constant 0 : i32
          %dma_wait3A_532 = arith.constant 0 : i32
          %dma_wait3A_533 = tpu.memref_slice %arg5[%dma_wait3A_530, %dma_wait3A_531, %dma_wait3A_532] : memref<2x327680x128xf32, #tpu.memory_space<hbm>> -> memref<1x64x128xf32, #tpu.memory_space<hbm>>
          %dma_wait3A_534 = tpu.memref_squeeze %dma_wait3A_533 : memref<1x64x128xf32, #tpu.memory_space<hbm>> -> memref<64x128xf32, #tpu.memory_space<hbm>>
          %dma_wait3A_535 = arith.constant 0 : i32
          %dma_wait3A_536 = arith.constant 0 : i32
          %dma_wait3A_537 = tpu.memref_slice %arg5[%dma_wait3A_530, %dma_wait3A_535, %dma_wait3A_536] : memref<2x327680x128xf32, #tpu.memory_space<hbm>> -> memref<1x64x128xf32, #tpu.memory_space<hbm>>
          %dma_wait3A_538 = tpu.memref_squeeze %dma_wait3A_537 : memref<1x64x128xf32, #tpu.memory_space<hbm>> -> memref<64x128xf32, #tpu.memory_space<hbm>>
          tpu.wait_dma2 semaphore(%arg25 : memref<!tpu.dma_semaphore, #tpu.memory_space<semaphore_mem>>) src(%arg9 : memref<64x128xf32, #tpu.memory_space<vmem>>) dst(%dma_wait3A_538 : memref<64x128xf32, #tpu.memory_space<hbm>>)
          %add3A_539 = arith.constant 4 : i32
          %add3A_540 = arith.addi %add3A_453, %add3A_539 : i32
          %jit3A_541 = arith.constant 320 : i32
          %eq3A_542 = arith.constant 0 : i32
          %eq3A_543 = arith.cmpi eq, %jit3A_541, %eq3A_542 : i32
          %jit3A_544 = arith.constant 1 : i32
          %select_n3A_545 = arith.select %eq3A_543, %jit3A_544, %jit3A_541 : i32
          %rem3A_546 = arith.remsi %add3A_540, %select_n3A_545 : i32
          %ne3A_547 = arith.constant 0 : i32
          %ne3A_548 = arith.cmpi ne, %rem3A_546, %ne3A_547 : i32
          %lt3A_549 = arith.constant 0 : i32
          %lt3A_550 = arith.cmpi slt, %rem3A_546, %lt3A_549 : i32
          %lt3A_551 = arith.constant 0 : i32
          %lt3A_552 = arith.cmpi slt, %select_n3A_545, %lt3A_551 : i32
          %ne3A_553 = arith.xori %lt3A_550, %lt3A_552 : i1
          %and3A_554 = arith.andi %ne3A_553, %ne3A_548 : i1
          %add3A_555 = arith.addi %rem3A_546, %select_n3A_545 : i32
          %select_n3A_556 = arith.select %and3A_554, %add3A_555, %rem3A_546 : i32
          %mul3A_557 = arith.constant 64 : i32
          %mul3A_558 = arith.muli %select_n3A_556, %mul3A_557 : i32
          %dma_start3A_559 = tpu.memref_slice %arg6[%mul3A_558] : memref<20480xi32, #tpu.memory_space<vmem>> -> memref<64xi32, #tpu.memory_space<vmem>>
          %dma_start3A_560 = arith.constant 0 : i32
          %dma_start3A_561 = arith.constant 0 : i32
          %dma_start3A_562 = tpu.memref_slice %arg2[%dma_start3A_560, %dma_start3A_561] : memref<20480x128xf32, #tpu.memory_space<hbm>> -> memref<20480x128xf32, #tpu.memory_space<hbm>>
          tpu.enqueue_indirect_dma source(%dma_start3A_562 : memref<20480x128xf32, #tpu.memory_space<hbm>>) target(%arg9 : memref<64x128xf32, #tpu.memory_space<vmem>>) offsets(%dma_start3A_559 : memref<64xi32, #tpu.memory_space<vmem>>) semaphore(%arg17 : memref<!tpu.dma_semaphore, #tpu.memory_space<semaphore_mem>>)
        } else {
        }
        %mul3A_490 = arith.constant 8 : i32
        %mul3A_491 = arith.muli %mul3A_490, %scan3A_114 : i32
        %add3A_492 = arith.constant 7 : i32
        %add3A_493 = arith.addi %mul3A_491, %add3A_492 : i32
        %dma_wait3A_494 = arith.constant 0 : i32
        %dma_wait3A_495 = tpu.memref_slice %arg6[%dma_wait3A_494] : memref<20480xi32, #tpu.memory_space<vmem>> -> memref<64xi32, #tpu.memory_space<vmem>>
        %dma_wait3A_496 = arith.constant 0 : i32
        %dma_wait3A_497 = arith.constant 0 : i32
        %dma_wait3A_498 = tpu.memref_slice %arg2[%dma_wait3A_496, %dma_wait3A_497] : memref<20480x128xf32, #tpu.memory_space<hbm>> -> memref<20480x128xf32, #tpu.memory_space<hbm>>
        tpu.wait_indirect_dma semaphore(%arg22 : memref<!tpu.dma_semaphore, #tpu.memory_space<semaphore_mem>>) src(%dma_wait3A_498 : memref<20480x128xf32, #tpu.memory_space<hbm>>) dst(%arg14 : memref<64x128xf32, #tpu.memory_space<vmem>>)
        %jit3A_499 = arith.constant 320 : i32
        %eq3A_500 = arith.constant 0 : i32
        %eq3A_501 = arith.cmpi eq, %jit3A_499, %eq3A_500 : i32
        %jit3A_502 = arith.constant 1 : i32
        %select_n3A_503 = arith.select %eq3A_501, %jit3A_502, %jit3A_499 : i32
        %rem3A_504 = arith.remsi %add3A_493, %select_n3A_503 : i32
        %ne3A_505 = arith.constant 0 : i32
        %ne3A_506 = arith.cmpi ne, %rem3A_504, %ne3A_505 : i32
        %lt3A_507 = arith.constant 0 : i32
        %lt3A_508 = arith.cmpi slt, %rem3A_504, %lt3A_507 : i32
        %lt3A_509 = arith.constant 0 : i32
        %lt3A_510 = arith.cmpi slt, %select_n3A_503, %lt3A_509 : i32
        %ne3A_511 = arith.xori %lt3A_508, %lt3A_510 : i1
        %and3A_512 = arith.andi %ne3A_511, %ne3A_506 : i1
        %add3A_513 = arith.addi %rem3A_504, %select_n3A_503 : i32
        %select_n3A_514 = arith.select %and3A_512, %add3A_513, %rem3A_504 : i32
        %mul3A_515 = arith.constant 64 : i32
        %mul3A_516 = arith.muli %select_n3A_514, %mul3A_515 : i32
        %add3A_517 = arith.addi %mul3A_11, %mul3A_516 : i32
        %dma_start3A_518 = arith.constant 0 : i32
        %dma_start3A_519 = arith.constant 0 : i32
        %dma_start3A_520 = tpu.memref_slice %arg5[%dma_start3A_518, %add3A_517, %dma_start3A_519] : memref<2x327680x128xf32, #tpu.memory_space<hbm>> -> memref<1x64x128xf32, #tpu.memory_space<hbm>>
        %dma_start3A_521 = tpu.memref_squeeze %dma_start3A_520 : memref<1x64x128xf32, #tpu.memory_space<hbm>> -> memref<64x128xf32, #tpu.memory_space<hbm>>
        %dma_start3A_522 = arith.constant 0 : i32
        %dma_start3A_523 = tpu.memref_slice %arg5[%dma_start3A_518, %add3A_517, %dma_start3A_522] : memref<2x327680x128xf32, #tpu.memory_space<hbm>> -> memref<1x64x128xf32, #tpu.memory_space<hbm>>
        %dma_start3A_524 = tpu.memref_squeeze %dma_start3A_523 : memref<1x64x128xf32, #tpu.memory_space<hbm>> -> memref<64x128xf32, #tpu.memory_space<hbm>>
        tpu.enqueue_dma source(%arg14 : memref<64x128xf32, #tpu.memory_space<vmem>>) target(%dma_start3A_524 : memref<64x128xf32, #tpu.memory_space<hbm>>) target_semaphore(%arg30 : memref<!tpu.dma_semaphore, #tpu.memory_space<semaphore_mem>>)
        %lt3A_525 = arith.constant 39 : i32
        %lt3A_526 = arith.cmpi slt, %scan3A_114, %lt3A_525 : i32
        %convert_element_type3A_527 = arith.extui %lt3A_526 : i1 to i32
        %cond3A_528 = arith.constant 0 : i32
        %cond3A_529 = arith.cmpi ne, %convert_element_type3A_527, %cond3A_528 : i32
        scf.if %cond3A_529 {
          %dma_wait3A_530 = arith.constant 0 : i32
          %dma_wait3A_531 = arith.constant 0 : i32
          %dma_wait3A_532 = arith.constant 0 : i32
          %dma_wait3A_533 = tpu.memref_slice %arg5[%dma_wait3A_530, %dma_wait3A_531, %dma_wait3A_532] : memref<2x327680x128xf32, #tpu.memory_space<hbm>> -> memref<1x64x128xf32, #tpu.memory_space<hbm>>
          %dma_wait3A_534 = tpu.memref_squeeze %dma_wait3A_533 : memref<1x64x128xf32, #tpu.memory_space<hbm>> -> memref<64x128xf32, #tpu.memory_space<hbm>>
          %dma_wait3A_535 = arith.constant 0 : i32
          %dma_wait3A_536 = arith.constant 0 : i32
          %dma_wait3A_537 = tpu.memref_slice %arg5[%dma_wait3A_530, %dma_wait3A_535, %dma_wait3A_536] : memref<2x327680x128xf32, #tpu.memory_space<hbm>> -> memref<1x64x128xf32, #tpu.memory_space<hbm>>
          %dma_wait3A_538 = tpu.memref_squeeze %dma_wait3A_537 : memref<1x64x128xf32, #tpu.memory_space<hbm>> -> memref<64x128xf32, #tpu.memory_space<hbm>>
          tpu.wait_dma2 semaphore(%arg26 : memref<!tpu.dma_semaphore, #tpu.memory_space<semaphore_mem>>) src(%arg10 : memref<64x128xf32, #tpu.memory_space<vmem>>) dst(%dma_wait3A_538 : memref<64x128xf32, #tpu.memory_space<hbm>>)
          %add3A_539 = arith.constant 4 : i32
          %add3A_540 = arith.addi %add3A_493, %add3A_539 : i32
          %jit3A_541 = arith.constant 320 : i32
          %eq3A_542 = arith.constant 0 : i32
          %eq3A_543 = arith.cmpi eq, %jit3A_541, %eq3A_542 : i32
          %jit3A_544 = arith.constant 1 : i32
          %select_n3A_545 = arith.select %eq3A_543, %jit3A_544, %jit3A_541 : i32
          %rem3A_546 = arith.remsi %add3A_540, %select_n3A_545 : i32
          %ne3A_547 = arith.constant 0 : i32
          %ne3A_548 = arith.cmpi ne, %rem3A_546, %ne3A_547 : i32
          %lt3A_549 = arith.constant 0 : i32
          %lt3A_550 = arith.cmpi slt, %rem3A_546, %lt3A_549 : i32
          %lt3A_551 = arith.constant 0 : i32
          %lt3A_552 = arith.cmpi slt, %select_n3A_545, %lt3A_551 : i32
          %ne3A_553 = arith.xori %lt3A_550, %lt3A_552 : i1
          %and3A_554 = arith.andi %ne3A_553, %ne3A_548 : i1
          %add3A_555 = arith.addi %rem3A_546, %select_n3A_545 : i32
          %select_n3A_556 = arith.select %and3A_554, %add3A_555, %rem3A_546 : i32
          %mul3A_557 = arith.constant 64 : i32
          %mul3A_558 = arith.muli %select_n3A_556, %mul3A_557 : i32
          %dma_start3A_559 = tpu.memref_slice %arg6[%mul3A_558] : memref<20480xi32, #tpu.memory_space<vmem>> -> memref<64xi32, #tpu.memory_space<vmem>>
          %dma_start3A_560 = arith.constant 0 : i32
          %dma_start3A_561 = arith.constant 0 : i32
          %dma_start3A_562 = tpu.memref_slice %arg2[%dma_start3A_560, %dma_start3A_561] : memref<20480x128xf32, #tpu.memory_space<hbm>> -> memref<20480x128xf32, #tpu.memory_space<hbm>>
          tpu.enqueue_indirect_dma source(%dma_start3A_562 : memref<20480x128xf32, #tpu.memory_space<hbm>>) target(%arg10 : memref<64x128xf32, #tpu.memory_space<vmem>>) offsets(%dma_start3A_559 : memref<64xi32, #tpu.memory_space<vmem>>) semaphore(%arg18 : memref<!tpu.dma_semaphore, #tpu.memory_space<semaphore_mem>>)
        } else {
        }
      }
      %scan3A_42 = arith.constant 40 : i32
      %dma_wait3A = arith.constant 0 : i32
      %dma_wait3A_43 = arith.constant 0 : i32
      %dma_wait3A_44 = arith.constant 0 : i32
      %dma_wait3A_45 = tpu.memref_slice %arg5[%dma_wait3A, %dma_wait3A_43, %dma_wait3A_44] : memref<2x327680x128xf32, #tpu.memory_space<hbm>> -> memref<1x64x128xf32, #tpu.memory_space<hbm>>
      %dma_wait3A_46 = tpu.memref_squeeze %dma_wait3A_45 : memref<1x64x128xf32, #tpu.memory_space<hbm>> -> memref<64x128xf32, #tpu.memory_space<hbm>>
      %dma_wait3A_47 = arith.constant 0 : i32
      %dma_wait3A_48 = arith.constant 0 : i32
      %dma_wait3A_49 = tpu.memref_slice %arg5[%dma_wait3A, %dma_wait3A_47, %dma_wait3A_48] : memref<2x327680x128xf32, #tpu.memory_space<hbm>> -> memref<1x64x128xf32, #tpu.memory_space<hbm>>
      %dma_wait3A_50 = tpu.memref_squeeze %dma_wait3A_49 : memref<1x64x128xf32, #tpu.memory_space<hbm>> -> memref<64x128xf32, #tpu.memory_space<hbm>>
      tpu.wait_dma2 semaphore(%arg23 : memref<!tpu.dma_semaphore, #tpu.memory_space<semaphore_mem>>) src(%arg7 : memref<64x128xf32, #tpu.memory_space<vmem>>) dst(%dma_wait3A_50 : memref<64x128xf32, #tpu.memory_space<hbm>>)
      %dma_wait3A_51 = arith.constant 0 : i32
      %dma_wait3A_52 = arith.constant 0 : i32
      %dma_wait3A_53 = arith.constant 0 : i32
      %dma_wait3A_54 = tpu.memref_slice %arg5[%dma_wait3A_51, %dma_wait3A_52, %dma_wait3A_53] : memref<2x327680x128xf32, #tpu.memory_space<hbm>> -> memref<1x64x128xf32, #tpu.memory_space<hbm>>
      %dma_wait3A_55 = tpu.memref_squeeze %dma_wait3A_54 : memref<1x64x128xf32, #tpu.memory_space<hbm>> -> memref<64x128xf32, #tpu.memory_space<hbm>>
      %dma_wait3A_56 = arith.constant 0 : i32
      %dma_wait3A_57 = arith.constant 0 : i32
      %dma_wait3A_58 = tpu.memref_slice %arg5[%dma_wait3A_51, %dma_wait3A_56, %dma_wait3A_57] : memref<2x327680x128xf32, #tpu.memory_space<hbm>> -> memref<1x64x128xf32, #tpu.memory_space<hbm>>
      %dma_wait3A_59 = tpu.memref_squeeze %dma_wait3A_58 : memref<1x64x128xf32, #tpu.memory_space<hbm>> -> memref<64x128xf32, #tpu.memory_space<hbm>>
      tpu.wait_dma2 semaphore(%arg24 : memref<!tpu.dma_semaphore, #tpu.memory_space<semaphore_mem>>) src(%arg8 : memref<64x128xf32, #tpu.memory_space<vmem>>) dst(%dma_wait3A_59 : memref<64x128xf32, #tpu.memory_space<hbm>>)
      %dma_wait3A_60 = arith.constant 0 : i32
      %dma_wait3A_61 = arith.constant 0 : i32
      %dma_wait3A_62 = arith.constant 0 : i32
      %dma_wait3A_63 = tpu.memref_slice %arg5[%dma_wait3A_60, %dma_wait3A_61, %dma_wait3A_62] : memref<2x327680x128xf32, #tpu.memory_space<hbm>> -> memref<1x64x128xf32, #tpu.memory_space<hbm>>
      %dma_wait3A_64 = tpu.memref_squeeze %dma_wait3A_63 : memref<1x64x128xf32, #tpu.memory_space<hbm>> -> memref<64x128xf32, #tpu.memory_space<hbm>>
      %dma_wait3A_65 = arith.constant 0 : i32
      %dma_wait3A_66 = arith.constant 0 : i32
      %dma_wait3A_67 = tpu.memref_slice %arg5[%dma_wait3A_60, %dma_wait3A_65, %dma_wait3A_66] : memref<2x327680x128xf32, #tpu.memory_space<hbm>> -> memref<1x64x128xf32, #tpu.memory_space<hbm>>
      %dma_wait3A_68 = tpu.memref_squeeze %dma_wait3A_67 : memref<1x64x128xf32, #tpu.memory_space<hbm>> -> memref<64x128xf32, #tpu.memory_space<hbm>>
      tpu.wait_dma2 semaphore(%arg25 : memref<!tpu.dma_semaphore, #tpu.memory_space<semaphore_mem>>) src(%arg9 : memref<64x128xf32, #tpu.memory_space<vmem>>) dst(%dma_wait3A_68 : memref<64x128xf32, #tpu.memory_space<hbm>>)
      %dma_wait3A_69 = arith.constant 0 : i32
      %dma_wait3A_70 = arith.constant 0 : i32
      %dma_wait3A_71 = arith.constant 0 : i32
      %dma_wait3A_72 = tpu.memref_slice %arg5[%dma_wait3A_69, %dma_wait3A_70, %dma_wait3A_71] : memref<2x327680x128xf32, #tpu.memory_space<hbm>> -> memref<1x64x128xf32, #tpu.memory_space<hbm>>
      %dma_wait3A_73 = tpu.memref_squeeze %dma_wait3A_72 : memref<1x64x128xf32, #tpu.memory_space<hbm>> -> memref<64x128xf32, #tpu.memory_space<hbm>>
      %dma_wait3A_74 = arith.constant 0 : i32
      %dma_wait3A_75 = arith.constant 0 : i32
      %dma_wait3A_76 = tpu.memref_slice %arg5[%dma_wait3A_69, %dma_wait3A_74, %dma_wait3A_75] : memref<2x327680x128xf32, #tpu.memory_space<hbm>> -> memref<1x64x128xf32, #tpu.memory_space<hbm>>
      %dma_wait3A_77 = tpu.memref_squeeze %dma_wait3A_76 : memref<1x64x128xf32, #tpu.memory_space<hbm>> -> memref<64x128xf32, #tpu.memory_space<hbm>>
      tpu.wait_dma2 semaphore(%arg26 : memref<!tpu.dma_semaphore, #tpu.memory_space<semaphore_mem>>) src(%arg10 : memref<64x128xf32, #tpu.memory_space<vmem>>) dst(%dma_wait3A_77 : memref<64x128xf32, #tpu.memory_space<hbm>>)
      %dma_wait3A_78 = arith.constant 0 : i32
      %dma_wait3A_79 = arith.constant 0 : i32
      %dma_wait3A_80 = arith.constant 0 : i32
      %dma_wait3A_81 = tpu.memref_slice %arg5[%dma_wait3A_78, %dma_wait3A_79, %dma_wait3A_80] : memref<2x327680x128xf32, #tpu.memory_space<hbm>> -> memref<1x64x128xf32, #tpu.memory_space<hbm>>
      %dma_wait3A_82 = tpu.memref_squeeze %dma_wait3A_81 : memref<1x64x128xf32, #tpu.memory_space<hbm>> -> memref<64x128xf32, #tpu.memory_space<hbm>>
      %dma_wait3A_83 = arith.constant 0 : i32
      %dma_wait3A_84 = arith.constant 0 : i32
      %dma_wait3A_85 = tpu.memref_slice %arg5[%dma_wait3A_78, %dma_wait3A_83, %dma_wait3A_84] : memref<2x327680x128xf32, #tpu.memory_space<hbm>> -> memref<1x64x128xf32, #tpu.memory_space<hbm>>
      %dma_wait3A_86 = tpu.memref_squeeze %dma_wait3A_85 : memref<1x64x128xf32, #tpu.memory_space<hbm>> -> memref<64x128xf32, #tpu.memory_space<hbm>>
      tpu.wait_dma2 semaphore(%arg27 : memref<!tpu.dma_semaphore, #tpu.memory_space<semaphore_mem>>) src(%arg11 : memref<64x128xf32, #tpu.memory_space<vmem>>) dst(%dma_wait3A_86 : memref<64x128xf32, #tpu.memory_space<hbm>>)
      %dma_wait3A_87 = arith.constant 0 : i32
      %dma_wait3A_88 = arith.constant 0 : i32
      %dma_wait3A_89 = arith.constant 0 : i32
      %dma_wait3A_90 = tpu.memref_slice %arg5[%dma_wait3A_87, %dma_wait3A_88, %dma_wait3A_89] : memref<2x327680x128xf32, #tpu.memory_space<hbm>> -> memref<1x64x128xf32, #tpu.memory_space<hbm>>
      %dma_wait3A_91 = tpu.memref_squeeze %dma_wait3A_90 : memref<1x64x128xf32, #tpu.memory_space<hbm>> -> memref<64x128xf32, #tpu.memory_space<hbm>>
      %dma_wait3A_92 = arith.constant 0 : i32
      %dma_wait3A_93 = arith.constant 0 : i32
      %dma_wait3A_94 = tpu.memref_slice %arg5[%dma_wait3A_87, %dma_wait3A_92, %dma_wait3A_93] : memref<2x327680x128xf32, #tpu.memory_space<hbm>> -> memref<1x64x128xf32, #tpu.memory_space<hbm>>
      %dma_wait3A_95 = tpu.memref_squeeze %dma_wait3A_94 : memref<1x64x128xf32, #tpu.memory_space<hbm>> -> memref<64x128xf32, #tpu.memory_space<hbm>>
      tpu.wait_dma2 semaphore(%arg28 : memref<!tpu.dma_semaphore, #tpu.memory_space<semaphore_mem>>) src(%arg12 : memref<64x128xf32, #tpu.memory_space<vmem>>) dst(%dma_wait3A_95 : memref<64x128xf32, #tpu.memory_space<hbm>>)
      %dma_wait3A_96 = arith.constant 0 : i32
      %dma_wait3A_97 = arith.constant 0 : i32
      %dma_wait3A_98 = arith.constant 0 : i32
      %dma_wait3A_99 = tpu.memref_slice %arg5[%dma_wait3A_96, %dma_wait3A_97, %dma_wait3A_98] : memref<2x327680x128xf32, #tpu.memory_space<hbm>> -> memref<1x64x128xf32, #tpu.memory_space<hbm>>
      %dma_wait3A_100 = tpu.memref_squeeze %dma_wait3A_99 : memref<1x64x128xf32, #tpu.memory_space<hbm>> -> memref<64x128xf32, #tpu.memory_space<hbm>>
      %dma_wait3A_101 = arith.constant 0 : i32
      %dma_wait3A_102 = arith.constant 0 : i32
      %dma_wait3A_103 = tpu.memref_slice %arg5[%dma_wait3A_96, %dma_wait3A_101, %dma_wait3A_102] : memref<2x327680x128xf32, #tpu.memory_space<hbm>> -> memref<1x64x128xf32, #tpu.memory_space<hbm>>
      %dma_wait3A_104 = tpu.memref_squeeze %dma_wait3A_103 : memref<1x64x128xf32, #tpu.memory_space<hbm>> -> memref<64x128xf32, #tpu.memory_space<hbm>>
      tpu.wait_dma2 semaphore(%arg29 : memref<!tpu.dma_semaphore, #tpu.memory_space<semaphore_mem>>) src(%arg13 : memref<64x128xf32, #tpu.memory_space<vmem>>) dst(%dma_wait3A_104 : memref<64x128xf32, #tpu.memory_space<hbm>>)
      %dma_wait3A_105 = arith.constant 0 : i32
      %dma_wait3A_106 = arith.constant 0 : i32
      %dma_wait3A_107 = arith.constant 0 : i32
      %dma_wait3A_108 = tpu.memref_slice %arg5[%dma_wait3A_105, %dma_wait3A_106, %dma_wait3A_107] : memref<2x327680x128xf32, #tpu.memory_space<hbm>> -> memref<1x64x128xf32, #tpu.memory_space<hbm>>
      %dma_wait3A_109 = tpu.memref_squeeze %dma_wait3A_108 : memref<1x64x128xf32, #tpu.memory_space<hbm>> -> memref<64x128xf32, #tpu.memory_space<hbm>>
      %dma_wait3A_110 = arith.constant 0 : i32
      %dma_wait3A_111 = arith.constant 0 : i32
      %dma_wait3A_112 = tpu.memref_slice %arg5[%dma_wait3A_105, %dma_wait3A_110, %dma_wait3A_111] : memref<2x327680x128xf32, #tpu.memory_space<hbm>> -> memref<1x64x128xf32, #tpu.memory_space<hbm>>
      %dma_wait3A_113 = tpu.memref_squeeze %dma_wait3A_112 : memref<1x64x128xf32, #tpu.memory_space<hbm>> -> memref<64x128xf32, #tpu.memory_space<hbm>>
      tpu.wait_dma2 semaphore(%arg30 : memref<!tpu.dma_semaphore, #tpu.memory_space<semaphore_mem>>) src(%arg14 : memref<64x128xf32, #tpu.memory_space<vmem>>) dst(%dma_wait3A_113 : memref<64x128xf32, #tpu.memory_space<hbm>>)
    } else {
    }
    %ge3A = arith.constant 16 : i32
    %ge3A_15 = arith.cmpi sge, %add3A, %ge3A : i32
    %convert_element_type3A_16 = arith.extui %ge3A_15 : i1 to i32
    %cond3A_17 = arith.constant 0 : i32
    %cond3A_18 = arith.cmpi ne, %convert_element_type3A_16, %cond3A_17 : i32
    scf.if %cond3A_18 {
      "tpu.region"() ({
        %run_scoped3A = tpu.sem_alloc : memref<!tpu.dma_semaphore, #tpu.memory_space<semaphore_mem>>
        %dma_start3A_114 = tpu.memref_slice %arg4[%mul3A_11] : memref<327680xi32, #tpu.memory_space<hbm>> -> memref<20480xi32, #tpu.memory_space<hbm>>
        %dma_start3A_115 = tpu.memref_slice %arg4[%mul3A_11] : memref<327680xi32, #tpu.memory_space<hbm>> -> memref<20480xi32, #tpu.memory_space<hbm>>
        tpu.enqueue_dma source(%dma_start3A_115 : memref<20480xi32, #tpu.memory_space<hbm>>) target(%arg6 : memref<20480xi32, #tpu.memory_space<vmem>>) target_semaphore(%run_scoped3A : memref<!tpu.dma_semaphore, #tpu.memory_space<semaphore_mem>>)
        %dma_wait3A_116 = tpu.memref_slice %arg4[%mul3A_11] : memref<327680xi32, #tpu.memory_space<hbm>> -> memref<20480xi32, #tpu.memory_space<hbm>>
        %dma_wait3A_117 = tpu.memref_slice %arg4[%mul3A_11] : memref<327680xi32, #tpu.memory_space<hbm>> -> memref<20480xi32, #tpu.memory_space<hbm>>
        tpu.wait_dma2 semaphore(%run_scoped3A : memref<!tpu.dma_semaphore, #tpu.memory_space<semaphore_mem>>) src(%dma_wait3A_117 : memref<20480xi32, #tpu.memory_space<hbm>>) dst(%arg6 : memref<20480xi32, #tpu.memory_space<vmem>>)
        tpu.yield
      }) : () -> ()
      %dma_start3A = arith.constant 0 : i32
      %dma_start3A_19 = tpu.memref_slice %arg6[%dma_start3A] : memref<20480xi32, #tpu.memory_space<vmem>> -> memref<64xi32, #tpu.memory_space<vmem>>
      %dma_start3A_20 = arith.constant 0 : i32
      %dma_start3A_21 = arith.constant 0 : i32
      %dma_start3A_22 = tpu.memref_slice %arg2[%dma_start3A_20, %dma_start3A_21] : memref<20480x128xf32, #tpu.memory_space<hbm>> -> memref<20480x128xf32, #tpu.memory_space<hbm>>
      tpu.enqueue_indirect_dma source(%dma_start3A_22 : memref<20480x128xf32, #tpu.memory_space<hbm>>) target(%arg7 : memref<64x128xf32, #tpu.memory_space<vmem>>) offsets(%dma_start3A_19 : memref<64xi32, #tpu.memory_space<vmem>>) semaphore(%arg15 : memref<!tpu.dma_semaphore, #tpu.memory_space<semaphore_mem>>)
      %dma_start3A_23 = arith.constant 64 : i32
      %dma_start3A_24 = tpu.memref_slice %arg6[%dma_start3A_23] : memref<20480xi32, #tpu.memory_space<vmem>> -> memref<64xi32, #tpu.memory_space<vmem>>
      %dma_start3A_25 = arith.constant 0 : i32
      %dma_start3A_26 = arith.constant 0 : i32
      %dma_start3A_27 = tpu.memref_slice %arg2[%dma_start3A_25, %dma_start3A_26] : memref<20480x128xf32, #tpu.memory_space<hbm>> -> memref<20480x128xf32, #tpu.memory_space<hbm>>
      tpu.enqueue_indirect_dma source(%dma_start3A_27 : memref<20480x128xf32, #tpu.memory_space<hbm>>) target(%arg8 : memref<64x128xf32, #tpu.memory_space<vmem>>) offsets(%dma_start3A_24 : memref<64xi32, #tpu.memory_space<vmem>>) semaphore(%arg16 : memref<!tpu.dma_semaphore, #tpu.memory_space<semaphore_mem>>)
      %dma_start3A_28 = arith.constant 128 : i32
      %dma_start3A_29 = tpu.memref_slice %arg6[%dma_start3A_28] : memref<20480xi32, #tpu.memory_space<vmem>> -> memref<64xi32, #tpu.memory_space<vmem>>
      %dma_start3A_30 = arith.constant 0 : i32
      %dma_start3A_31 = arith.constant 0 : i32
      %dma_start3A_32 = tpu.memref_slice %arg2[%dma_start3A_30, %dma_start3A_31] : memref<20480x128xf32, #tpu.memory_space<hbm>> -> memref<20480x128xf32, #tpu.memory_space<hbm>>
      tpu.enqueue_indirect_dma source(%dma_start3A_32 : memref<20480x128xf32, #tpu.memory_space<hbm>>) target(%arg9 : memref<64x128xf32, #tpu.memory_space<vmem>>) offsets(%dma_start3A_29 : memref<64xi32, #tpu.memory_space<vmem>>) semaphore(%arg17 : memref<!tpu.dma_semaphore, #tpu.memory_space<semaphore_mem>>)
      %dma_start3A_33 = arith.constant 192 : i32
      %dma_start3A_34 = tpu.memref_slice %arg6[%dma_start3A_33] : memref<20480xi32, #tpu.memory_space<vmem>> -> memref<64xi32, #tpu.memory_space<vmem>>
      %dma_start3A_35 = arith.constant 0 : i32
      %dma_start3A_36 = arith.constant 0 : i32
      %dma_start3A_37 = tpu.memref_slice %arg2[%dma_start3A_35, %dma_start3A_36] : memref<20480x128xf32, #tpu.memory_space<hbm>> -> memref<20480x128xf32, #tpu.memory_space<hbm>>
      tpu.enqueue_indirect_dma source(%dma_start3A_37 : memref<20480x128xf32, #tpu.memory_space<hbm>>) target(%arg10 : memref<64x128xf32, #tpu.memory_space<vmem>>) offsets(%dma_start3A_34 : memref<64xi32, #tpu.memory_space<vmem>>) semaphore(%arg18 : memref<!tpu.dma_semaphore, #tpu.memory_space<semaphore_mem>>)
      %scan3A = arith.constant 0 : i32
      %scan3A_38 = arith.constant 0 : i32
      %scan3A_39 = arith.constant 40 : i32
      %scan3A_40 = arith.addi %scan3A_38, %scan3A_39 : i32
      %scan3A_41 = arith.constant 1 : i32
      scf.for %scan3A_114 = %scan3A_38 to %scan3A_40 step %scan3A_41  : i32 {
        %mul3A_115 = arith.constant 8 : i32
        %mul3A_116 = arith.muli %mul3A_115, %scan3A_114 : i32
        %add3A_117 = arith.constant 0 : i32
        %add3A_118 = arith.addi %mul3A_116, %add3A_117 : i32
        %dma_wait3A_119 = arith.constant 0 : i32
        %dma_wait3A_120 = tpu.memref_slice %arg6[%dma_wait3A_119] : memref<20480xi32, #tpu.memory_space<vmem>> -> memref<64xi32, #tpu.memory_space<vmem>>
        %dma_wait3A_121 = arith.constant 0 : i32
        %dma_wait3A_122 = arith.constant 0 : i32
        %dma_wait3A_123 = tpu.memref_slice %arg2[%dma_wait3A_121, %dma_wait3A_122] : memref<20480x128xf32, #tpu.memory_space<hbm>> -> memref<20480x128xf32, #tpu.memory_space<hbm>>
        tpu.wait_indirect_dma semaphore(%arg15 : memref<!tpu.dma_semaphore, #tpu.memory_space<semaphore_mem>>) src(%dma_wait3A_123 : memref<20480x128xf32, #tpu.memory_space<hbm>>) dst(%arg7 : memref<64x128xf32, #tpu.memory_space<vmem>>)
        %jit3A_124 = arith.constant 320 : i32
        %eq3A_125 = arith.constant 0 : i32
        %eq3A_126 = arith.cmpi eq, %jit3A_124, %eq3A_125 : i32
        %jit3A_127 = arith.constant 1 : i32
        %select_n3A_128 = arith.select %eq3A_126, %jit3A_127, %jit3A_124 : i32
        %rem3A_129 = arith.remsi %add3A_118, %select_n3A_128 : i32
        %ne3A_130 = arith.constant 0 : i32
        %ne3A_131 = arith.cmpi ne, %rem3A_129, %ne3A_130 : i32
        %lt3A_132 = arith.constant 0 : i32
        %lt3A_133 = arith.cmpi slt, %rem3A_129, %lt3A_132 : i32
        %lt3A_134 = arith.constant 0 : i32
        %lt3A_135 = arith.cmpi slt, %select_n3A_128, %lt3A_134 : i32
        %ne3A_136 = arith.xori %lt3A_133, %lt3A_135 : i1
        %and3A_137 = arith.andi %ne3A_136, %ne3A_131 : i1
        %add3A_138 = arith.addi %rem3A_129, %select_n3A_128 : i32
        %select_n3A_139 = arith.select %and3A_137, %add3A_138, %rem3A_129 : i32
        %mul3A_140 = arith.constant 64 : i32
        %mul3A_141 = arith.muli %select_n3A_139, %mul3A_140 : i32
        %add3A_142 = arith.addi %mul3A_11, %mul3A_141 : i32
        %dma_start3A_143 = arith.constant 1 : i32
        %dma_start3A_144 = arith.constant 0 : i32
        %dma_start3A_145 = tpu.memref_slice %arg5[%dma_start3A_143, %add3A_142, %dma_start3A_144] : memref<2x327680x128xf32, #tpu.memory_space<hbm>> -> memref<1x64x128xf32, #tpu.memory_space<hbm>>
        %dma_start3A_146 = tpu.memref_squeeze %dma_start3A_145 : memref<1x64x128xf32, #tpu.memory_space<hbm>> -> memref<64x128xf32, #tpu.memory_space<hbm>>
        %dma_start3A_147 = arith.constant 0 : i32
        %dma_start3A_148 = tpu.memref_slice %arg5[%dma_start3A_143, %add3A_142, %dma_start3A_147] : memref<2x327680x128xf32, #tpu.memory_space<hbm>> -> memref<1x64x128xf32, #tpu.memory_space<hbm>>
        %dma_start3A_149 = tpu.memref_squeeze %dma_start3A_148 : memref<1x64x128xf32, #tpu.memory_space<hbm>> -> memref<64x128xf32, #tpu.memory_space<hbm>>
        tpu.enqueue_dma source(%arg7 : memref<64x128xf32, #tpu.memory_space<vmem>>) target(%dma_start3A_149 : memref<64x128xf32, #tpu.memory_space<hbm>>) target_semaphore(%arg23 : memref<!tpu.dma_semaphore, #tpu.memory_space<semaphore_mem>>)
        %gt3A = arith.constant 0 : i32
        %gt3A_150 = arith.cmpi sgt, %scan3A_114, %gt3A : i32
        %convert_element_type3A_151 = arith.extui %gt3A_150 : i1 to i32
        %cond3A_152 = arith.constant 0 : i32
        %cond3A_153 = arith.cmpi ne, %convert_element_type3A_151, %cond3A_152 : i32
        scf.if %cond3A_153 {
          %dma_wait3A_530 = arith.constant 1 : i32
          %dma_wait3A_531 = arith.constant 0 : i32
          %dma_wait3A_532 = arith.constant 0 : i32
          %dma_wait3A_533 = tpu.memref_slice %arg5[%dma_wait3A_530, %dma_wait3A_531, %dma_wait3A_532] : memref<2x327680x128xf32, #tpu.memory_space<hbm>> -> memref<1x64x128xf32, #tpu.memory_space<hbm>>
          %dma_wait3A_534 = tpu.memref_squeeze %dma_wait3A_533 : memref<1x64x128xf32, #tpu.memory_space<hbm>> -> memref<64x128xf32, #tpu.memory_space<hbm>>
          %dma_wait3A_535 = arith.constant 0 : i32
          %dma_wait3A_536 = arith.constant 0 : i32
          %dma_wait3A_537 = tpu.memref_slice %arg5[%dma_wait3A_530, %dma_wait3A_535, %dma_wait3A_536] : memref<2x327680x128xf32, #tpu.memory_space<hbm>> -> memref<1x64x128xf32, #tpu.memory_space<hbm>>
          %dma_wait3A_538 = tpu.memref_squeeze %dma_wait3A_537 : memref<1x64x128xf32, #tpu.memory_space<hbm>> -> memref<64x128xf32, #tpu.memory_space<hbm>>
          tpu.wait_dma2 semaphore(%arg27 : memref<!tpu.dma_semaphore, #tpu.memory_space<semaphore_mem>>) src(%arg11 : memref<64x128xf32, #tpu.memory_space<vmem>>) dst(%dma_wait3A_538 : memref<64x128xf32, #tpu.memory_space<hbm>>)
        } else {
        }
        %add3A_154 = arith.constant 4 : i32
        %add3A_155 = arith.addi %add3A_118, %add3A_154 : i32
        %jit3A_156 = arith.constant 320 : i32
        %eq3A_157 = arith.constant 0 : i32
        %eq3A_158 = arith.cmpi eq, %jit3A_156, %eq3A_157 : i32
        %jit3A_159 = arith.constant 1 : i32
        %select_n3A_160 = arith.select %eq3A_158, %jit3A_159, %jit3A_156 : i32
        %rem3A_161 = arith.remsi %add3A_155, %select_n3A_160 : i32
        %ne3A_162 = arith.constant 0 : i32
        %ne3A_163 = arith.cmpi ne, %rem3A_161, %ne3A_162 : i32
        %lt3A_164 = arith.constant 0 : i32
        %lt3A_165 = arith.cmpi slt, %rem3A_161, %lt3A_164 : i32
        %lt3A_166 = arith.constant 0 : i32
        %lt3A_167 = arith.cmpi slt, %select_n3A_160, %lt3A_166 : i32
        %ne3A_168 = arith.xori %lt3A_165, %lt3A_167 : i1
        %and3A_169 = arith.andi %ne3A_168, %ne3A_163 : i1
        %add3A_170 = arith.addi %rem3A_161, %select_n3A_160 : i32
        %select_n3A_171 = arith.select %and3A_169, %add3A_170, %rem3A_161 : i32
        %mul3A_172 = arith.constant 64 : i32
        %mul3A_173 = arith.muli %select_n3A_171, %mul3A_172 : i32
        %dma_start3A_174 = tpu.memref_slice %arg6[%mul3A_173] : memref<20480xi32, #tpu.memory_space<vmem>> -> memref<64xi32, #tpu.memory_space<vmem>>
        %dma_start3A_175 = arith.constant 0 : i32
        %dma_start3A_176 = arith.constant 0 : i32
        %dma_start3A_177 = tpu.memref_slice %arg2[%dma_start3A_175, %dma_start3A_176] : memref<20480x128xf32, #tpu.memory_space<hbm>> -> memref<20480x128xf32, #tpu.memory_space<hbm>>
        tpu.enqueue_indirect_dma source(%dma_start3A_177 : memref<20480x128xf32, #tpu.memory_space<hbm>>) target(%arg11 : memref<64x128xf32, #tpu.memory_space<vmem>>) offsets(%dma_start3A_174 : memref<64xi32, #tpu.memory_space<vmem>>) semaphore(%arg19 : memref<!tpu.dma_semaphore, #tpu.memory_space<semaphore_mem>>)
        %mul3A_178 = arith.constant 8 : i32
        %mul3A_179 = arith.muli %mul3A_178, %scan3A_114 : i32
        %add3A_180 = arith.constant 1 : i32
        %add3A_181 = arith.addi %mul3A_179, %add3A_180 : i32
        %dma_wait3A_182 = arith.constant 0 : i32
        %dma_wait3A_183 = tpu.memref_slice %arg6[%dma_wait3A_182] : memref<20480xi32, #tpu.memory_space<vmem>> -> memref<64xi32, #tpu.memory_space<vmem>>
        %dma_wait3A_184 = arith.constant 0 : i32
        %dma_wait3A_185 = arith.constant 0 : i32
        %dma_wait3A_186 = tpu.memref_slice %arg2[%dma_wait3A_184, %dma_wait3A_185] : memref<20480x128xf32, #tpu.memory_space<hbm>> -> memref<20480x128xf32, #tpu.memory_space<hbm>>
        tpu.wait_indirect_dma semaphore(%arg16 : memref<!tpu.dma_semaphore, #tpu.memory_space<semaphore_mem>>) src(%dma_wait3A_186 : memref<20480x128xf32, #tpu.memory_space<hbm>>) dst(%arg8 : memref<64x128xf32, #tpu.memory_space<vmem>>)
        %jit3A_187 = arith.constant 320 : i32
        %eq3A_188 = arith.constant 0 : i32
        %eq3A_189 = arith.cmpi eq, %jit3A_187, %eq3A_188 : i32
        %jit3A_190 = arith.constant 1 : i32
        %select_n3A_191 = arith.select %eq3A_189, %jit3A_190, %jit3A_187 : i32
        %rem3A_192 = arith.remsi %add3A_181, %select_n3A_191 : i32
        %ne3A_193 = arith.constant 0 : i32
        %ne3A_194 = arith.cmpi ne, %rem3A_192, %ne3A_193 : i32
        %lt3A_195 = arith.constant 0 : i32
        %lt3A_196 = arith.cmpi slt, %rem3A_192, %lt3A_195 : i32
        %lt3A_197 = arith.constant 0 : i32
        %lt3A_198 = arith.cmpi slt, %select_n3A_191, %lt3A_197 : i32
        %ne3A_199 = arith.xori %lt3A_196, %lt3A_198 : i1
        %and3A_200 = arith.andi %ne3A_199, %ne3A_194 : i1
        %add3A_201 = arith.addi %rem3A_192, %select_n3A_191 : i32
        %select_n3A_202 = arith.select %and3A_200, %add3A_201, %rem3A_192 : i32
        %mul3A_203 = arith.constant 64 : i32
        %mul3A_204 = arith.muli %select_n3A_202, %mul3A_203 : i32
        %add3A_205 = arith.addi %mul3A_11, %mul3A_204 : i32
        %dma_start3A_206 = arith.constant 1 : i32
        %dma_start3A_207 = arith.constant 0 : i32
        %dma_start3A_208 = tpu.memref_slice %arg5[%dma_start3A_206, %add3A_205, %dma_start3A_207] : memref<2x327680x128xf32, #tpu.memory_space<hbm>> -> memref<1x64x128xf32, #tpu.memory_space<hbm>>
        %dma_start3A_209 = tpu.memref_squeeze %dma_start3A_208 : memref<1x64x128xf32, #tpu.memory_space<hbm>> -> memref<64x128xf32, #tpu.memory_space<hbm>>
        %dma_start3A_210 = arith.constant 0 : i32
        %dma_start3A_211 = tpu.memref_slice %arg5[%dma_start3A_206, %add3A_205, %dma_start3A_210] : memref<2x327680x128xf32, #tpu.memory_space<hbm>> -> memref<1x64x128xf32, #tpu.memory_space<hbm>>
        %dma_start3A_212 = tpu.memref_squeeze %dma_start3A_211 : memref<1x64x128xf32, #tpu.memory_space<hbm>> -> memref<64x128xf32, #tpu.memory_space<hbm>>
        tpu.enqueue_dma source(%arg8 : memref<64x128xf32, #tpu.memory_space<vmem>>) target(%dma_start3A_212 : memref<64x128xf32, #tpu.memory_space<hbm>>) target_semaphore(%arg24 : memref<!tpu.dma_semaphore, #tpu.memory_space<semaphore_mem>>)
        %gt3A_213 = arith.constant 0 : i32
        %gt3A_214 = arith.cmpi sgt, %scan3A_114, %gt3A_213 : i32
        %convert_element_type3A_215 = arith.extui %gt3A_214 : i1 to i32
        %cond3A_216 = arith.constant 0 : i32
        %cond3A_217 = arith.cmpi ne, %convert_element_type3A_215, %cond3A_216 : i32
        scf.if %cond3A_217 {
          %dma_wait3A_530 = arith.constant 1 : i32
          %dma_wait3A_531 = arith.constant 0 : i32
          %dma_wait3A_532 = arith.constant 0 : i32
          %dma_wait3A_533 = tpu.memref_slice %arg5[%dma_wait3A_530, %dma_wait3A_531, %dma_wait3A_532] : memref<2x327680x128xf32, #tpu.memory_space<hbm>> -> memref<1x64x128xf32, #tpu.memory_space<hbm>>
          %dma_wait3A_534 = tpu.memref_squeeze %dma_wait3A_533 : memref<1x64x128xf32, #tpu.memory_space<hbm>> -> memref<64x128xf32, #tpu.memory_space<hbm>>
          %dma_wait3A_535 = arith.constant 0 : i32
          %dma_wait3A_536 = arith.constant 0 : i32
          %dma_wait3A_537 = tpu.memref_slice %arg5[%dma_wait3A_530, %dma_wait3A_535, %dma_wait3A_536] : memref<2x327680x128xf32, #tpu.memory_space<hbm>> -> memref<1x64x128xf32, #tpu.memory_space<hbm>>
          %dma_wait3A_538 = tpu.memref_squeeze %dma_wait3A_537 : memref<1x64x128xf32, #tpu.memory_space<hbm>> -> memref<64x128xf32, #tpu.memory_space<hbm>>
          tpu.wait_dma2 semaphore(%arg28 : memref<!tpu.dma_semaphore, #tpu.memory_space<semaphore_mem>>) src(%arg12 : memref<64x128xf32, #tpu.memory_space<vmem>>) dst(%dma_wait3A_538 : memref<64x128xf32, #tpu.memory_space<hbm>>)
        } else {
        }
        %add3A_218 = arith.constant 4 : i32
        %add3A_219 = arith.addi %add3A_181, %add3A_218 : i32
        %jit3A_220 = arith.constant 320 : i32
        %eq3A_221 = arith.constant 0 : i32
        %eq3A_222 = arith.cmpi eq, %jit3A_220, %eq3A_221 : i32
        %jit3A_223 = arith.constant 1 : i32
        %select_n3A_224 = arith.select %eq3A_222, %jit3A_223, %jit3A_220 : i32
        %rem3A_225 = arith.remsi %add3A_219, %select_n3A_224 : i32
        %ne3A_226 = arith.constant 0 : i32
        %ne3A_227 = arith.cmpi ne, %rem3A_225, %ne3A_226 : i32
        %lt3A_228 = arith.constant 0 : i32
        %lt3A_229 = arith.cmpi slt, %rem3A_225, %lt3A_228 : i32
        %lt3A_230 = arith.constant 0 : i32
        %lt3A_231 = arith.cmpi slt, %select_n3A_224, %lt3A_230 : i32
        %ne3A_232 = arith.xori %lt3A_229, %lt3A_231 : i1
        %and3A_233 = arith.andi %ne3A_232, %ne3A_227 : i1
        %add3A_234 = arith.addi %rem3A_225, %select_n3A_224 : i32
        %select_n3A_235 = arith.select %and3A_233, %add3A_234, %rem3A_225 : i32
        %mul3A_236 = arith.constant 64 : i32
        %mul3A_237 = arith.muli %select_n3A_235, %mul3A_236 : i32
        %dma_start3A_238 = tpu.memref_slice %arg6[%mul3A_237] : memref<20480xi32, #tpu.memory_space<vmem>> -> memref<64xi32, #tpu.memory_space<vmem>>
        %dma_start3A_239 = arith.constant 0 : i32
        %dma_start3A_240 = arith.constant 0 : i32
        %dma_start3A_241 = tpu.memref_slice %arg2[%dma_start3A_239, %dma_start3A_240] : memref<20480x128xf32, #tpu.memory_space<hbm>> -> memref<20480x128xf32, #tpu.memory_space<hbm>>
        tpu.enqueue_indirect_dma source(%dma_start3A_241 : memref<20480x128xf32, #tpu.memory_space<hbm>>) target(%arg12 : memref<64x128xf32, #tpu.memory_space<vmem>>) offsets(%dma_start3A_238 : memref<64xi32, #tpu.memory_space<vmem>>) semaphore(%arg20 : memref<!tpu.dma_semaphore, #tpu.memory_space<semaphore_mem>>)
        %mul3A_242 = arith.constant 8 : i32
        %mul3A_243 = arith.muli %mul3A_242, %scan3A_114 : i32
        %add3A_244 = arith.constant 2 : i32
        %add3A_245 = arith.addi %mul3A_243, %add3A_244 : i32
        %dma_wait3A_246 = arith.constant 0 : i32
        %dma_wait3A_247 = tpu.memref_slice %arg6[%dma_wait3A_246] : memref<20480xi32, #tpu.memory_space<vmem>> -> memref<64xi32, #tpu.memory_space<vmem>>
        %dma_wait3A_248 = arith.constant 0 : i32
        %dma_wait3A_249 = arith.constant 0 : i32
        %dma_wait3A_250 = tpu.memref_slice %arg2[%dma_wait3A_248, %dma_wait3A_249] : memref<20480x128xf32, #tpu.memory_space<hbm>> -> memref<20480x128xf32, #tpu.memory_space<hbm>>
        tpu.wait_indirect_dma semaphore(%arg17 : memref<!tpu.dma_semaphore, #tpu.memory_space<semaphore_mem>>) src(%dma_wait3A_250 : memref<20480x128xf32, #tpu.memory_space<hbm>>) dst(%arg9 : memref<64x128xf32, #tpu.memory_space<vmem>>)
        %jit3A_251 = arith.constant 320 : i32
        %eq3A_252 = arith.constant 0 : i32
        %eq3A_253 = arith.cmpi eq, %jit3A_251, %eq3A_252 : i32
        %jit3A_254 = arith.constant 1 : i32
        %select_n3A_255 = arith.select %eq3A_253, %jit3A_254, %jit3A_251 : i32
        %rem3A_256 = arith.remsi %add3A_245, %select_n3A_255 : i32
        %ne3A_257 = arith.constant 0 : i32
        %ne3A_258 = arith.cmpi ne, %rem3A_256, %ne3A_257 : i32
        %lt3A_259 = arith.constant 0 : i32
        %lt3A_260 = arith.cmpi slt, %rem3A_256, %lt3A_259 : i32
        %lt3A_261 = arith.constant 0 : i32
        %lt3A_262 = arith.cmpi slt, %select_n3A_255, %lt3A_261 : i32
        %ne3A_263 = arith.xori %lt3A_260, %lt3A_262 : i1
        %and3A_264 = arith.andi %ne3A_263, %ne3A_258 : i1
        %add3A_265 = arith.addi %rem3A_256, %select_n3A_255 : i32
        %select_n3A_266 = arith.select %and3A_264, %add3A_265, %rem3A_256 : i32
        %mul3A_267 = arith.constant 64 : i32
        %mul3A_268 = arith.muli %select_n3A_266, %mul3A_267 : i32
        %add3A_269 = arith.addi %mul3A_11, %mul3A_268 : i32
        %dma_start3A_270 = arith.constant 1 : i32
        %dma_start3A_271 = arith.constant 0 : i32
        %dma_start3A_272 = tpu.memref_slice %arg5[%dma_start3A_270, %add3A_269, %dma_start3A_271] : memref<2x327680x128xf32, #tpu.memory_space<hbm>> -> memref<1x64x128xf32, #tpu.memory_space<hbm>>
        %dma_start3A_273 = tpu.memref_squeeze %dma_start3A_272 : memref<1x64x128xf32, #tpu.memory_space<hbm>> -> memref<64x128xf32, #tpu.memory_space<hbm>>
        %dma_start3A_274 = arith.constant 0 : i32
        %dma_start3A_275 = tpu.memref_slice %arg5[%dma_start3A_270, %add3A_269, %dma_start3A_274] : memref<2x327680x128xf32, #tpu.memory_space<hbm>> -> memref<1x64x128xf32, #tpu.memory_space<hbm>>
        %dma_start3A_276 = tpu.memref_squeeze %dma_start3A_275 : memref<1x64x128xf32, #tpu.memory_space<hbm>> -> memref<64x128xf32, #tpu.memory_space<hbm>>
        tpu.enqueue_dma source(%arg9 : memref<64x128xf32, #tpu.memory_space<vmem>>) target(%dma_start3A_276 : memref<64x128xf32, #tpu.memory_space<hbm>>) target_semaphore(%arg25 : memref<!tpu.dma_semaphore, #tpu.memory_space<semaphore_mem>>)
        %gt3A_277 = arith.constant 0 : i32
        %gt3A_278 = arith.cmpi sgt, %scan3A_114, %gt3A_277 : i32
        %convert_element_type3A_279 = arith.extui %gt3A_278 : i1 to i32
        %cond3A_280 = arith.constant 0 : i32
        %cond3A_281 = arith.cmpi ne, %convert_element_type3A_279, %cond3A_280 : i32
        scf.if %cond3A_281 {
          %dma_wait3A_530 = arith.constant 1 : i32
          %dma_wait3A_531 = arith.constant 0 : i32
          %dma_wait3A_532 = arith.constant 0 : i32
          %dma_wait3A_533 = tpu.memref_slice %arg5[%dma_wait3A_530, %dma_wait3A_531, %dma_wait3A_532] : memref<2x327680x128xf32, #tpu.memory_space<hbm>> -> memref<1x64x128xf32, #tpu.memory_space<hbm>>
          %dma_wait3A_534 = tpu.memref_squeeze %dma_wait3A_533 : memref<1x64x128xf32, #tpu.memory_space<hbm>> -> memref<64x128xf32, #tpu.memory_space<hbm>>
          %dma_wait3A_535 = arith.constant 0 : i32
          %dma_wait3A_536 = arith.constant 0 : i32
          %dma_wait3A_537 = tpu.memref_slice %arg5[%dma_wait3A_530, %dma_wait3A_535, %dma_wait3A_536] : memref<2x327680x128xf32, #tpu.memory_space<hbm>> -> memref<1x64x128xf32, #tpu.memory_space<hbm>>
          %dma_wait3A_538 = tpu.memref_squeeze %dma_wait3A_537 : memref<1x64x128xf32, #tpu.memory_space<hbm>> -> memref<64x128xf32, #tpu.memory_space<hbm>>
          tpu.wait_dma2 semaphore(%arg29 : memref<!tpu.dma_semaphore, #tpu.memory_space<semaphore_mem>>) src(%arg13 : memref<64x128xf32, #tpu.memory_space<vmem>>) dst(%dma_wait3A_538 : memref<64x128xf32, #tpu.memory_space<hbm>>)
        } else {
        }
        %add3A_282 = arith.constant 4 : i32
        %add3A_283 = arith.addi %add3A_245, %add3A_282 : i32
        %jit3A_284 = arith.constant 320 : i32
        %eq3A_285 = arith.constant 0 : i32
        %eq3A_286 = arith.cmpi eq, %jit3A_284, %eq3A_285 : i32
        %jit3A_287 = arith.constant 1 : i32
        %select_n3A_288 = arith.select %eq3A_286, %jit3A_287, %jit3A_284 : i32
        %rem3A_289 = arith.remsi %add3A_283, %select_n3A_288 : i32
        %ne3A_290 = arith.constant 0 : i32
        %ne3A_291 = arith.cmpi ne, %rem3A_289, %ne3A_290 : i32
        %lt3A_292 = arith.constant 0 : i32
        %lt3A_293 = arith.cmpi slt, %rem3A_289, %lt3A_292 : i32
        %lt3A_294 = arith.constant 0 : i32
        %lt3A_295 = arith.cmpi slt, %select_n3A_288, %lt3A_294 : i32
        %ne3A_296 = arith.xori %lt3A_293, %lt3A_295 : i1
        %and3A_297 = arith.andi %ne3A_296, %ne3A_291 : i1
        %add3A_298 = arith.addi %rem3A_289, %select_n3A_288 : i32
        %select_n3A_299 = arith.select %and3A_297, %add3A_298, %rem3A_289 : i32
        %mul3A_300 = arith.constant 64 : i32
        %mul3A_301 = arith.muli %select_n3A_299, %mul3A_300 : i32
        %dma_start3A_302 = tpu.memref_slice %arg6[%mul3A_301] : memref<20480xi32, #tpu.memory_space<vmem>> -> memref<64xi32, #tpu.memory_space<vmem>>
        %dma_start3A_303 = arith.constant 0 : i32
        %dma_start3A_304 = arith.constant 0 : i32
        %dma_start3A_305 = tpu.memref_slice %arg2[%dma_start3A_303, %dma_start3A_304] : memref<20480x128xf32, #tpu.memory_space<hbm>> -> memref<20480x128xf32, #tpu.memory_space<hbm>>
        tpu.enqueue_indirect_dma source(%dma_start3A_305 : memref<20480x128xf32, #tpu.memory_space<hbm>>) target(%arg13 : memref<64x128xf32, #tpu.memory_space<vmem>>) offsets(%dma_start3A_302 : memref<64xi32, #tpu.memory_space<vmem>>) semaphore(%arg21 : memref<!tpu.dma_semaphore, #tpu.memory_space<semaphore_mem>>)
        %mul3A_306 = arith.constant 8 : i32
        %mul3A_307 = arith.muli %mul3A_306, %scan3A_114 : i32
        %add3A_308 = arith.constant 3 : i32
        %add3A_309 = arith.addi %mul3A_307, %add3A_308 : i32
        %dma_wait3A_310 = arith.constant 0 : i32
        %dma_wait3A_311 = tpu.memref_slice %arg6[%dma_wait3A_310] : memref<20480xi32, #tpu.memory_space<vmem>> -> memref<64xi32, #tpu.memory_space<vmem>>
        %dma_wait3A_312 = arith.constant 0 : i32
        %dma_wait3A_313 = arith.constant 0 : i32
        %dma_wait3A_314 = tpu.memref_slice %arg2[%dma_wait3A_312, %dma_wait3A_313] : memref<20480x128xf32, #tpu.memory_space<hbm>> -> memref<20480x128xf32, #tpu.memory_space<hbm>>
        tpu.wait_indirect_dma semaphore(%arg18 : memref<!tpu.dma_semaphore, #tpu.memory_space<semaphore_mem>>) src(%dma_wait3A_314 : memref<20480x128xf32, #tpu.memory_space<hbm>>) dst(%arg10 : memref<64x128xf32, #tpu.memory_space<vmem>>)
        %jit3A_315 = arith.constant 320 : i32
        %eq3A_316 = arith.constant 0 : i32
        %eq3A_317 = arith.cmpi eq, %jit3A_315, %eq3A_316 : i32
        %jit3A_318 = arith.constant 1 : i32
        %select_n3A_319 = arith.select %eq3A_317, %jit3A_318, %jit3A_315 : i32
        %rem3A_320 = arith.remsi %add3A_309, %select_n3A_319 : i32
        %ne3A_321 = arith.constant 0 : i32
        %ne3A_322 = arith.cmpi ne, %rem3A_320, %ne3A_321 : i32
        %lt3A_323 = arith.constant 0 : i32
        %lt3A_324 = arith.cmpi slt, %rem3A_320, %lt3A_323 : i32
        %lt3A_325 = arith.constant 0 : i32
        %lt3A_326 = arith.cmpi slt, %select_n3A_319, %lt3A_325 : i32
        %ne3A_327 = arith.xori %lt3A_324, %lt3A_326 : i1
        %and3A_328 = arith.andi %ne3A_327, %ne3A_322 : i1
        %add3A_329 = arith.addi %rem3A_320, %select_n3A_319 : i32
        %select_n3A_330 = arith.select %and3A_328, %add3A_329, %rem3A_320 : i32
        %mul3A_331 = arith.constant 64 : i32
        %mul3A_332 = arith.muli %select_n3A_330, %mul3A_331 : i32
        %add3A_333 = arith.addi %mul3A_11, %mul3A_332 : i32
        %dma_start3A_334 = arith.constant 1 : i32
        %dma_start3A_335 = arith.constant 0 : i32
        %dma_start3A_336 = tpu.memref_slice %arg5[%dma_start3A_334, %add3A_333, %dma_start3A_335] : memref<2x327680x128xf32, #tpu.memory_space<hbm>> -> memref<1x64x128xf32, #tpu.memory_space<hbm>>
        %dma_start3A_337 = tpu.memref_squeeze %dma_start3A_336 : memref<1x64x128xf32, #tpu.memory_space<hbm>> -> memref<64x128xf32, #tpu.memory_space<hbm>>
        %dma_start3A_338 = arith.constant 0 : i32
        %dma_start3A_339 = tpu.memref_slice %arg5[%dma_start3A_334, %add3A_333, %dma_start3A_338] : memref<2x327680x128xf32, #tpu.memory_space<hbm>> -> memref<1x64x128xf32, #tpu.memory_space<hbm>>
        %dma_start3A_340 = tpu.memref_squeeze %dma_start3A_339 : memref<1x64x128xf32, #tpu.memory_space<hbm>> -> memref<64x128xf32, #tpu.memory_space<hbm>>
        tpu.enqueue_dma source(%arg10 : memref<64x128xf32, #tpu.memory_space<vmem>>) target(%dma_start3A_340 : memref<64x128xf32, #tpu.memory_space<hbm>>) target_semaphore(%arg26 : memref<!tpu.dma_semaphore, #tpu.memory_space<semaphore_mem>>)
        %gt3A_341 = arith.constant 0 : i32
        %gt3A_342 = arith.cmpi sgt, %scan3A_114, %gt3A_341 : i32
        %convert_element_type3A_343 = arith.extui %gt3A_342 : i1 to i32
        %cond3A_344 = arith.constant 0 : i32
        %cond3A_345 = arith.cmpi ne, %convert_element_type3A_343, %cond3A_344 : i32
        scf.if %cond3A_345 {
          %dma_wait3A_530 = arith.constant 1 : i32
          %dma_wait3A_531 = arith.constant 0 : i32
          %dma_wait3A_532 = arith.constant 0 : i32
          %dma_wait3A_533 = tpu.memref_slice %arg5[%dma_wait3A_530, %dma_wait3A_531, %dma_wait3A_532] : memref<2x327680x128xf32, #tpu.memory_space<hbm>> -> memref<1x64x128xf32, #tpu.memory_space<hbm>>
          %dma_wait3A_534 = tpu.memref_squeeze %dma_wait3A_533 : memref<1x64x128xf32, #tpu.memory_space<hbm>> -> memref<64x128xf32, #tpu.memory_space<hbm>>
          %dma_wait3A_535 = arith.constant 0 : i32
          %dma_wait3A_536 = arith.constant 0 : i32
          %dma_wait3A_537 = tpu.memref_slice %arg5[%dma_wait3A_530, %dma_wait3A_535, %dma_wait3A_536] : memref<2x327680x128xf32, #tpu.memory_space<hbm>> -> memref<1x64x128xf32, #tpu.memory_space<hbm>>
          %dma_wait3A_538 = tpu.memref_squeeze %dma_wait3A_537 : memref<1x64x128xf32, #tpu.memory_space<hbm>> -> memref<64x128xf32, #tpu.memory_space<hbm>>
          tpu.wait_dma2 semaphore(%arg30 : memref<!tpu.dma_semaphore, #tpu.memory_space<semaphore_mem>>) src(%arg14 : memref<64x128xf32, #tpu.memory_space<vmem>>) dst(%dma_wait3A_538 : memref<64x128xf32, #tpu.memory_space<hbm>>)
        } else {
        }
        %add3A_346 = arith.constant 4 : i32
        %add3A_347 = arith.addi %add3A_309, %add3A_346 : i32
        %jit3A_348 = arith.constant 320 : i32
        %eq3A_349 = arith.constant 0 : i32
        %eq3A_350 = arith.cmpi eq, %jit3A_348, %eq3A_349 : i32
        %jit3A_351 = arith.constant 1 : i32
        %select_n3A_352 = arith.select %eq3A_350, %jit3A_351, %jit3A_348 : i32
        %rem3A_353 = arith.remsi %add3A_347, %select_n3A_352 : i32
        %ne3A_354 = arith.constant 0 : i32
        %ne3A_355 = arith.cmpi ne, %rem3A_353, %ne3A_354 : i32
        %lt3A_356 = arith.constant 0 : i32
        %lt3A_357 = arith.cmpi slt, %rem3A_353, %lt3A_356 : i32
        %lt3A_358 = arith.constant 0 : i32
        %lt3A_359 = arith.cmpi slt, %select_n3A_352, %lt3A_358 : i32
        %ne3A_360 = arith.xori %lt3A_357, %lt3A_359 : i1
        %and3A_361 = arith.andi %ne3A_360, %ne3A_355 : i1
        %add3A_362 = arith.addi %rem3A_353, %select_n3A_352 : i32
        %select_n3A_363 = arith.select %and3A_361, %add3A_362, %rem3A_353 : i32
        %mul3A_364 = arith.constant 64 : i32
        %mul3A_365 = arith.muli %select_n3A_363, %mul3A_364 : i32
        %dma_start3A_366 = tpu.memref_slice %arg6[%mul3A_365] : memref<20480xi32, #tpu.memory_space<vmem>> -> memref<64xi32, #tpu.memory_space<vmem>>
        %dma_start3A_367 = arith.constant 0 : i32
        %dma_start3A_368 = arith.constant 0 : i32
        %dma_start3A_369 = tpu.memref_slice %arg2[%dma_start3A_367, %dma_start3A_368] : memref<20480x128xf32, #tpu.memory_space<hbm>> -> memref<20480x128xf32, #tpu.memory_space<hbm>>
        tpu.enqueue_indirect_dma source(%dma_start3A_369 : memref<20480x128xf32, #tpu.memory_space<hbm>>) target(%arg14 : memref<64x128xf32, #tpu.memory_space<vmem>>) offsets(%dma_start3A_366 : memref<64xi32, #tpu.memory_space<vmem>>) semaphore(%arg22 : memref<!tpu.dma_semaphore, #tpu.memory_space<semaphore_mem>>)
        %mul3A_370 = arith.constant 8 : i32
        %mul3A_371 = arith.muli %mul3A_370, %scan3A_114 : i32
        %add3A_372 = arith.constant 4 : i32
        %add3A_373 = arith.addi %mul3A_371, %add3A_372 : i32
        %dma_wait3A_374 = arith.constant 0 : i32
        %dma_wait3A_375 = tpu.memref_slice %arg6[%dma_wait3A_374] : memref<20480xi32, #tpu.memory_space<vmem>> -> memref<64xi32, #tpu.memory_space<vmem>>
        %dma_wait3A_376 = arith.constant 0 : i32
        %dma_wait3A_377 = arith.constant 0 : i32
        %dma_wait3A_378 = tpu.memref_slice %arg2[%dma_wait3A_376, %dma_wait3A_377] : memref<20480x128xf32, #tpu.memory_space<hbm>> -> memref<20480x128xf32, #tpu.memory_space<hbm>>
        tpu.wait_indirect_dma semaphore(%arg19 : memref<!tpu.dma_semaphore, #tpu.memory_space<semaphore_mem>>) src(%dma_wait3A_378 : memref<20480x128xf32, #tpu.memory_space<hbm>>) dst(%arg11 : memref<64x128xf32, #tpu.memory_space<vmem>>)
        %jit3A_379 = arith.constant 320 : i32
        %eq3A_380 = arith.constant 0 : i32
        %eq3A_381 = arith.cmpi eq, %jit3A_379, %eq3A_380 : i32
        %jit3A_382 = arith.constant 1 : i32
        %select_n3A_383 = arith.select %eq3A_381, %jit3A_382, %jit3A_379 : i32
        %rem3A_384 = arith.remsi %add3A_373, %select_n3A_383 : i32
        %ne3A_385 = arith.constant 0 : i32
        %ne3A_386 = arith.cmpi ne, %rem3A_384, %ne3A_385 : i32
        %lt3A_387 = arith.constant 0 : i32
        %lt3A_388 = arith.cmpi slt, %rem3A_384, %lt3A_387 : i32
        %lt3A_389 = arith.constant 0 : i32
        %lt3A_390 = arith.cmpi slt, %select_n3A_383, %lt3A_389 : i32
        %ne3A_391 = arith.xori %lt3A_388, %lt3A_390 : i1
        %and3A_392 = arith.andi %ne3A_391, %ne3A_386 : i1
        %add3A_393 = arith.addi %rem3A_384, %select_n3A_383 : i32
        %select_n3A_394 = arith.select %and3A_392, %add3A_393, %rem3A_384 : i32
        %mul3A_395 = arith.constant 64 : i32
        %mul3A_396 = arith.muli %select_n3A_394, %mul3A_395 : i32
        %add3A_397 = arith.addi %mul3A_11, %mul3A_396 : i32
        %dma_start3A_398 = arith.constant 1 : i32
        %dma_start3A_399 = arith.constant 0 : i32
        %dma_start3A_400 = tpu.memref_slice %arg5[%dma_start3A_398, %add3A_397, %dma_start3A_399] : memref<2x327680x128xf32, #tpu.memory_space<hbm>> -> memref<1x64x128xf32, #tpu.memory_space<hbm>>
        %dma_start3A_401 = tpu.memref_squeeze %dma_start3A_400 : memref<1x64x128xf32, #tpu.memory_space<hbm>> -> memref<64x128xf32, #tpu.memory_space<hbm>>
        %dma_start3A_402 = arith.constant 0 : i32
        %dma_start3A_403 = tpu.memref_slice %arg5[%dma_start3A_398, %add3A_397, %dma_start3A_402] : memref<2x327680x128xf32, #tpu.memory_space<hbm>> -> memref<1x64x128xf32, #tpu.memory_space<hbm>>
        %dma_start3A_404 = tpu.memref_squeeze %dma_start3A_403 : memref<1x64x128xf32, #tpu.memory_space<hbm>> -> memref<64x128xf32, #tpu.memory_space<hbm>>
        tpu.enqueue_dma source(%arg11 : memref<64x128xf32, #tpu.memory_space<vmem>>) target(%dma_start3A_404 : memref<64x128xf32, #tpu.memory_space<hbm>>) target_semaphore(%arg27 : memref<!tpu.dma_semaphore, #tpu.memory_space<semaphore_mem>>)
        %lt3A_405 = arith.constant 39 : i32
        %lt3A_406 = arith.cmpi slt, %scan3A_114, %lt3A_405 : i32
        %convert_element_type3A_407 = arith.extui %lt3A_406 : i1 to i32
        %cond3A_408 = arith.constant 0 : i32
        %cond3A_409 = arith.cmpi ne, %convert_element_type3A_407, %cond3A_408 : i32
        scf.if %cond3A_409 {
          %dma_wait3A_530 = arith.constant 1 : i32
          %dma_wait3A_531 = arith.constant 0 : i32
          %dma_wait3A_532 = arith.constant 0 : i32
          %dma_wait3A_533 = tpu.memref_slice %arg5[%dma_wait3A_530, %dma_wait3A_531, %dma_wait3A_532] : memref<2x327680x128xf32, #tpu.memory_space<hbm>> -> memref<1x64x128xf32, #tpu.memory_space<hbm>>
          %dma_wait3A_534 = tpu.memref_squeeze %dma_wait3A_533 : memref<1x64x128xf32, #tpu.memory_space<hbm>> -> memref<64x128xf32, #tpu.memory_space<hbm>>
          %dma_wait3A_535 = arith.constant 0 : i32
          %dma_wait3A_536 = arith.constant 0 : i32
          %dma_wait3A_537 = tpu.memref_slice %arg5[%dma_wait3A_530, %dma_wait3A_535, %dma_wait3A_536] : memref<2x327680x128xf32, #tpu.memory_space<hbm>> -> memref<1x64x128xf32, #tpu.memory_space<hbm>>
          %dma_wait3A_538 = tpu.memref_squeeze %dma_wait3A_537 : memref<1x64x128xf32, #tpu.memory_space<hbm>> -> memref<64x128xf32, #tpu.memory_space<hbm>>
          tpu.wait_dma2 semaphore(%arg23 : memref<!tpu.dma_semaphore, #tpu.memory_space<semaphore_mem>>) src(%arg7 : memref<64x128xf32, #tpu.memory_space<vmem>>) dst(%dma_wait3A_538 : memref<64x128xf32, #tpu.memory_space<hbm>>)
          %add3A_539 = arith.constant 4 : i32
          %add3A_540 = arith.addi %add3A_373, %add3A_539 : i32
          %jit3A_541 = arith.constant 320 : i32
          %eq3A_542 = arith.constant 0 : i32
          %eq3A_543 = arith.cmpi eq, %jit3A_541, %eq3A_542 : i32
          %jit3A_544 = arith.constant 1 : i32
          %select_n3A_545 = arith.select %eq3A_543, %jit3A_544, %jit3A_541 : i32
          %rem3A_546 = arith.remsi %add3A_540, %select_n3A_545 : i32
          %ne3A_547 = arith.constant 0 : i32
          %ne3A_548 = arith.cmpi ne, %rem3A_546, %ne3A_547 : i32
          %lt3A_549 = arith.constant 0 : i32
          %lt3A_550 = arith.cmpi slt, %rem3A_546, %lt3A_549 : i32
          %lt3A_551 = arith.constant 0 : i32
          %lt3A_552 = arith.cmpi slt, %select_n3A_545, %lt3A_551 : i32
          %ne3A_553 = arith.xori %lt3A_550, %lt3A_552 : i1
          %and3A_554 = arith.andi %ne3A_553, %ne3A_548 : i1
          %add3A_555 = arith.addi %rem3A_546, %select_n3A_545 : i32
          %select_n3A_556 = arith.select %and3A_554, %add3A_555, %rem3A_546 : i32
          %mul3A_557 = arith.constant 64 : i32
          %mul3A_558 = arith.muli %select_n3A_556, %mul3A_557 : i32
          %dma_start3A_559 = tpu.memref_slice %arg6[%mul3A_558] : memref<20480xi32, #tpu.memory_space<vmem>> -> memref<64xi32, #tpu.memory_space<vmem>>
          %dma_start3A_560 = arith.constant 0 : i32
          %dma_start3A_561 = arith.constant 0 : i32
          %dma_start3A_562 = tpu.memref_slice %arg2[%dma_start3A_560, %dma_start3A_561] : memref<20480x128xf32, #tpu.memory_space<hbm>> -> memref<20480x128xf32, #tpu.memory_space<hbm>>
          tpu.enqueue_indirect_dma source(%dma_start3A_562 : memref<20480x128xf32, #tpu.memory_space<hbm>>) target(%arg7 : memref<64x128xf32, #tpu.memory_space<vmem>>) offsets(%dma_start3A_559 : memref<64xi32, #tpu.memory_space<vmem>>) semaphore(%arg15 : memref<!tpu.dma_semaphore, #tpu.memory_space<semaphore_mem>>)
        } else {
        }
        %mul3A_410 = arith.constant 8 : i32
        %mul3A_411 = arith.muli %mul3A_410, %scan3A_114 : i32
        %add3A_412 = arith.constant 5 : i32
        %add3A_413 = arith.addi %mul3A_411, %add3A_412 : i32
        %dma_wait3A_414 = arith.constant 0 : i32
        %dma_wait3A_415 = tpu.memref_slice %arg6[%dma_wait3A_414] : memref<20480xi32, #tpu.memory_space<vmem>> -> memref<64xi32, #tpu.memory_space<vmem>>
        %dma_wait3A_416 = arith.constant 0 : i32
        %dma_wait3A_417 = arith.constant 0 : i32
        %dma_wait3A_418 = tpu.memref_slice %arg2[%dma_wait3A_416, %dma_wait3A_417] : memref<20480x128xf32, #tpu.memory_space<hbm>> -> memref<20480x128xf32, #tpu.memory_space<hbm>>
        tpu.wait_indirect_dma semaphore(%arg20 : memref<!tpu.dma_semaphore, #tpu.memory_space<semaphore_mem>>) src(%dma_wait3A_418 : memref<20480x128xf32, #tpu.memory_space<hbm>>) dst(%arg12 : memref<64x128xf32, #tpu.memory_space<vmem>>)
        %jit3A_419 = arith.constant 320 : i32
        %eq3A_420 = arith.constant 0 : i32
        %eq3A_421 = arith.cmpi eq, %jit3A_419, %eq3A_420 : i32
        %jit3A_422 = arith.constant 1 : i32
        %select_n3A_423 = arith.select %eq3A_421, %jit3A_422, %jit3A_419 : i32
        %rem3A_424 = arith.remsi %add3A_413, %select_n3A_423 : i32
        %ne3A_425 = arith.constant 0 : i32
        %ne3A_426 = arith.cmpi ne, %rem3A_424, %ne3A_425 : i32
        %lt3A_427 = arith.constant 0 : i32
        %lt3A_428 = arith.cmpi slt, %rem3A_424, %lt3A_427 : i32
        %lt3A_429 = arith.constant 0 : i32
        %lt3A_430 = arith.cmpi slt, %select_n3A_423, %lt3A_429 : i32
        %ne3A_431 = arith.xori %lt3A_428, %lt3A_430 : i1
        %and3A_432 = arith.andi %ne3A_431, %ne3A_426 : i1
        %add3A_433 = arith.addi %rem3A_424, %select_n3A_423 : i32
        %select_n3A_434 = arith.select %and3A_432, %add3A_433, %rem3A_424 : i32
        %mul3A_435 = arith.constant 64 : i32
        %mul3A_436 = arith.muli %select_n3A_434, %mul3A_435 : i32
        %add3A_437 = arith.addi %mul3A_11, %mul3A_436 : i32
        %dma_start3A_438 = arith.constant 1 : i32
        %dma_start3A_439 = arith.constant 0 : i32
        %dma_start3A_440 = tpu.memref_slice %arg5[%dma_start3A_438, %add3A_437, %dma_start3A_439] : memref<2x327680x128xf32, #tpu.memory_space<hbm>> -> memref<1x64x128xf32, #tpu.memory_space<hbm>>
        %dma_start3A_441 = tpu.memref_squeeze %dma_start3A_440 : memref<1x64x128xf32, #tpu.memory_space<hbm>> -> memref<64x128xf32, #tpu.memory_space<hbm>>
        %dma_start3A_442 = arith.constant 0 : i32
        %dma_start3A_443 = tpu.memref_slice %arg5[%dma_start3A_438, %add3A_437, %dma_start3A_442] : memref<2x327680x128xf32, #tpu.memory_space<hbm>> -> memref<1x64x128xf32, #tpu.memory_space<hbm>>
        %dma_start3A_444 = tpu.memref_squeeze %dma_start3A_443 : memref<1x64x128xf32, #tpu.memory_space<hbm>> -> memref<64x128xf32, #tpu.memory_space<hbm>>
        tpu.enqueue_dma source(%arg12 : memref<64x128xf32, #tpu.memory_space<vmem>>) target(%dma_start3A_444 : memref<64x128xf32, #tpu.memory_space<hbm>>) target_semaphore(%arg28 : memref<!tpu.dma_semaphore, #tpu.memory_space<semaphore_mem>>)
        %lt3A_445 = arith.constant 39 : i32
        %lt3A_446 = arith.cmpi slt, %scan3A_114, %lt3A_445 : i32
        %convert_element_type3A_447 = arith.extui %lt3A_446 : i1 to i32
        %cond3A_448 = arith.constant 0 : i32
        %cond3A_449 = arith.cmpi ne, %convert_element_type3A_447, %cond3A_448 : i32
        scf.if %cond3A_449 {
          %dma_wait3A_530 = arith.constant 1 : i32
          %dma_wait3A_531 = arith.constant 0 : i32
          %dma_wait3A_532 = arith.constant 0 : i32
          %dma_wait3A_533 = tpu.memref_slice %arg5[%dma_wait3A_530, %dma_wait3A_531, %dma_wait3A_532] : memref<2x327680x128xf32, #tpu.memory_space<hbm>> -> memref<1x64x128xf32, #tpu.memory_space<hbm>>
          %dma_wait3A_534 = tpu.memref_squeeze %dma_wait3A_533 : memref<1x64x128xf32, #tpu.memory_space<hbm>> -> memref<64x128xf32, #tpu.memory_space<hbm>>
          %dma_wait3A_535 = arith.constant 0 : i32
          %dma_wait3A_536 = arith.constant 0 : i32
          %dma_wait3A_537 = tpu.memref_slice %arg5[%dma_wait3A_530, %dma_wait3A_535, %dma_wait3A_536] : memref<2x327680x128xf32, #tpu.memory_space<hbm>> -> memref<1x64x128xf32, #tpu.memory_space<hbm>>
          %dma_wait3A_538 = tpu.memref_squeeze %dma_wait3A_537 : memref<1x64x128xf32, #tpu.memory_space<hbm>> -> memref<64x128xf32, #tpu.memory_space<hbm>>
          tpu.wait_dma2 semaphore(%arg24 : memref<!tpu.dma_semaphore, #tpu.memory_space<semaphore_mem>>) src(%arg8 : memref<64x128xf32, #tpu.memory_space<vmem>>) dst(%dma_wait3A_538 : memref<64x128xf32, #tpu.memory_space<hbm>>)
          %add3A_539 = arith.constant 4 : i32
          %add3A_540 = arith.addi %add3A_413, %add3A_539 : i32
          %jit3A_541 = arith.constant 320 : i32
          %eq3A_542 = arith.constant 0 : i32
          %eq3A_543 = arith.cmpi eq, %jit3A_541, %eq3A_542 : i32
          %jit3A_544 = arith.constant 1 : i32
          %select_n3A_545 = arith.select %eq3A_543, %jit3A_544, %jit3A_541 : i32
          %rem3A_546 = arith.remsi %add3A_540, %select_n3A_545 : i32
          %ne3A_547 = arith.constant 0 : i32
          %ne3A_548 = arith.cmpi ne, %rem3A_546, %ne3A_547 : i32
          %lt3A_549 = arith.constant 0 : i32
          %lt3A_550 = arith.cmpi slt, %rem3A_546, %lt3A_549 : i32
          %lt3A_551 = arith.constant 0 : i32
          %lt3A_552 = arith.cmpi slt, %select_n3A_545, %lt3A_551 : i32
          %ne3A_553 = arith.xori %lt3A_550, %lt3A_552 : i1
          %and3A_554 = arith.andi %ne3A_553, %ne3A_548 : i1
          %add3A_555 = arith.addi %rem3A_546, %select_n3A_545 : i32
          %select_n3A_556 = arith.select %and3A_554, %add3A_555, %rem3A_546 : i32
          %mul3A_557 = arith.constant 64 : i32
          %mul3A_558 = arith.muli %select_n3A_556, %mul3A_557 : i32
          %dma_start3A_559 = tpu.memref_slice %arg6[%mul3A_558] : memref<20480xi32, #tpu.memory_space<vmem>> -> memref<64xi32, #tpu.memory_space<vmem>>
          %dma_start3A_560 = arith.constant 0 : i32
          %dma_start3A_561 = arith.constant 0 : i32
          %dma_start3A_562 = tpu.memref_slice %arg2[%dma_start3A_560, %dma_start3A_561] : memref<20480x128xf32, #tpu.memory_space<hbm>> -> memref<20480x128xf32, #tpu.memory_space<hbm>>
          tpu.enqueue_indirect_dma source(%dma_start3A_562 : memref<20480x128xf32, #tpu.memory_space<hbm>>) target(%arg8 : memref<64x128xf32, #tpu.memory_space<vmem>>) offsets(%dma_start3A_559 : memref<64xi32, #tpu.memory_space<vmem>>) semaphore(%arg16 : memref<!tpu.dma_semaphore, #tpu.memory_space<semaphore_mem>>)
        } else {
        }
        %mul3A_450 = arith.constant 8 : i32
        %mul3A_451 = arith.muli %mul3A_450, %scan3A_114 : i32
        %add3A_452 = arith.constant 6 : i32
        %add3A_453 = arith.addi %mul3A_451, %add3A_452 : i32
        %dma_wait3A_454 = arith.constant 0 : i32
        %dma_wait3A_455 = tpu.memref_slice %arg6[%dma_wait3A_454] : memref<20480xi32, #tpu.memory_space<vmem>> -> memref<64xi32, #tpu.memory_space<vmem>>
        %dma_wait3A_456 = arith.constant 0 : i32
        %dma_wait3A_457 = arith.constant 0 : i32
        %dma_wait3A_458 = tpu.memref_slice %arg2[%dma_wait3A_456, %dma_wait3A_457] : memref<20480x128xf32, #tpu.memory_space<hbm>> -> memref<20480x128xf32, #tpu.memory_space<hbm>>
        tpu.wait_indirect_dma semaphore(%arg21 : memref<!tpu.dma_semaphore, #tpu.memory_space<semaphore_mem>>) src(%dma_wait3A_458 : memref<20480x128xf32, #tpu.memory_space<hbm>>) dst(%arg13 : memref<64x128xf32, #tpu.memory_space<vmem>>)
        %jit3A_459 = arith.constant 320 : i32
        %eq3A_460 = arith.constant 0 : i32
        %eq3A_461 = arith.cmpi eq, %jit3A_459, %eq3A_460 : i32
        %jit3A_462 = arith.constant 1 : i32
        %select_n3A_463 = arith.select %eq3A_461, %jit3A_462, %jit3A_459 : i32
        %rem3A_464 = arith.remsi %add3A_453, %select_n3A_463 : i32
        %ne3A_465 = arith.constant 0 : i32
        %ne3A_466 = arith.cmpi ne, %rem3A_464, %ne3A_465 : i32
        %lt3A_467 = arith.constant 0 : i32
        %lt3A_468 = arith.cmpi slt, %rem3A_464, %lt3A_467 : i32
        %lt3A_469 = arith.constant 0 : i32
        %lt3A_470 = arith.cmpi slt, %select_n3A_463, %lt3A_469 : i32
        %ne3A_471 = arith.xori %lt3A_468, %lt3A_470 : i1
        %and3A_472 = arith.andi %ne3A_471, %ne3A_466 : i1
        %add3A_473 = arith.addi %rem3A_464, %select_n3A_463 : i32
        %select_n3A_474 = arith.select %and3A_472, %add3A_473, %rem3A_464 : i32
        %mul3A_475 = arith.constant 64 : i32
        %mul3A_476 = arith.muli %select_n3A_474, %mul3A_475 : i32
        %add3A_477 = arith.addi %mul3A_11, %mul3A_476 : i32
        %dma_start3A_478 = arith.constant 1 : i32
        %dma_start3A_479 = arith.constant 0 : i32
        %dma_start3A_480 = tpu.memref_slice %arg5[%dma_start3A_478, %add3A_477, %dma_start3A_479] : memref<2x327680x128xf32, #tpu.memory_space<hbm>> -> memref<1x64x128xf32, #tpu.memory_space<hbm>>
        %dma_start3A_481 = tpu.memref_squeeze %dma_start3A_480 : memref<1x64x128xf32, #tpu.memory_space<hbm>> -> memref<64x128xf32, #tpu.memory_space<hbm>>
        %dma_start3A_482 = arith.constant 0 : i32
        %dma_start3A_483 = tpu.memref_slice %arg5[%dma_start3A_478, %add3A_477, %dma_start3A_482] : memref<2x327680x128xf32, #tpu.memory_space<hbm>> -> memref<1x64x128xf32, #tpu.memory_space<hbm>>
        %dma_start3A_484 = tpu.memref_squeeze %dma_start3A_483 : memref<1x64x128xf32, #tpu.memory_space<hbm>> -> memref<64x128xf32, #tpu.memory_space<hbm>>
        tpu.enqueue_dma source(%arg13 : memref<64x128xf32, #tpu.memory_space<vmem>>) target(%dma_start3A_484 : memref<64x128xf32, #tpu.memory_space<hbm>>) target_semaphore(%arg29 : memref<!tpu.dma_semaphore, #tpu.memory_space<semaphore_mem>>)
        %lt3A_485 = arith.constant 39 : i32
        %lt3A_486 = arith.cmpi slt, %scan3A_114, %lt3A_485 : i32
        %convert_element_type3A_487 = arith.extui %lt3A_486 : i1 to i32
        %cond3A_488 = arith.constant 0 : i32
        %cond3A_489 = arith.cmpi ne, %convert_element_type3A_487, %cond3A_488 : i32
        scf.if %cond3A_489 {
          %dma_wait3A_530 = arith.constant 1 : i32
          %dma_wait3A_531 = arith.constant 0 : i32
          %dma_wait3A_532 = arith.constant 0 : i32
          %dma_wait3A_533 = tpu.memref_slice %arg5[%dma_wait3A_530, %dma_wait3A_531, %dma_wait3A_532] : memref<2x327680x128xf32, #tpu.memory_space<hbm>> -> memref<1x64x128xf32, #tpu.memory_space<hbm>>
          %dma_wait3A_534 = tpu.memref_squeeze %dma_wait3A_533 : memref<1x64x128xf32, #tpu.memory_space<hbm>> -> memref<64x128xf32, #tpu.memory_space<hbm>>
          %dma_wait3A_535 = arith.constant 0 : i32
          %dma_wait3A_536 = arith.constant 0 : i32
          %dma_wait3A_537 = tpu.memref_slice %arg5[%dma_wait3A_530, %dma_wait3A_535, %dma_wait3A_536] : memref<2x327680x128xf32, #tpu.memory_space<hbm>> -> memref<1x64x128xf32, #tpu.memory_space<hbm>>
          %dma_wait3A_538 = tpu.memref_squeeze %dma_wait3A_537 : memref<1x64x128xf32, #tpu.memory_space<hbm>> -> memref<64x128xf32, #tpu.memory_space<hbm>>
          tpu.wait_dma2 semaphore(%arg25 : memref<!tpu.dma_semaphore, #tpu.memory_space<semaphore_mem>>) src(%arg9 : memref<64x128xf32, #tpu.memory_space<vmem>>) dst(%dma_wait3A_538 : memref<64x128xf32, #tpu.memory_space<hbm>>)
          %add3A_539 = arith.constant 4 : i32
          %add3A_540 = arith.addi %add3A_453, %add3A_539 : i32
          %jit3A_541 = arith.constant 320 : i32
          %eq3A_542 = arith.constant 0 : i32
          %eq3A_543 = arith.cmpi eq, %jit3A_541, %eq3A_542 : i32
          %jit3A_544 = arith.constant 1 : i32
          %select_n3A_545 = arith.select %eq3A_543, %jit3A_544, %jit3A_541 : i32
          %rem3A_546 = arith.remsi %add3A_540, %select_n3A_545 : i32
          %ne3A_547 = arith.constant 0 : i32
          %ne3A_548 = arith.cmpi ne, %rem3A_546, %ne3A_547 : i32
          %lt3A_549 = arith.constant 0 : i32
          %lt3A_550 = arith.cmpi slt, %rem3A_546, %lt3A_549 : i32
          %lt3A_551 = arith.constant 0 : i32
          %lt3A_552 = arith.cmpi slt, %select_n3A_545, %lt3A_551 : i32
          %ne3A_553 = arith.xori %lt3A_550, %lt3A_552 : i1
          %and3A_554 = arith.andi %ne3A_553, %ne3A_548 : i1
          %add3A_555 = arith.addi %rem3A_546, %select_n3A_545 : i32
          %select_n3A_556 = arith.select %and3A_554, %add3A_555, %rem3A_546 : i32
          %mul3A_557 = arith.constant 64 : i32
          %mul3A_558 = arith.muli %select_n3A_556, %mul3A_557 : i32
          %dma_start3A_559 = tpu.memref_slice %arg6[%mul3A_558] : memref<20480xi32, #tpu.memory_space<vmem>> -> memref<64xi32, #tpu.memory_space<vmem>>
          %dma_start3A_560 = arith.constant 0 : i32
          %dma_start3A_561 = arith.constant 0 : i32
          %dma_start3A_562 = tpu.memref_slice %arg2[%dma_start3A_560, %dma_start3A_561] : memref<20480x128xf32, #tpu.memory_space<hbm>> -> memref<20480x128xf32, #tpu.memory_space<hbm>>
          tpu.enqueue_indirect_dma source(%dma_start3A_562 : memref<20480x128xf32, #tpu.memory_space<hbm>>) target(%arg9 : memref<64x128xf32, #tpu.memory_space<vmem>>) offsets(%dma_start3A_559 : memref<64xi32, #tpu.memory_space<vmem>>) semaphore(%arg17 : memref<!tpu.dma_semaphore, #tpu.memory_space<semaphore_mem>>)
        } else {
        }
        %mul3A_490 = arith.constant 8 : i32
        %mul3A_491 = arith.muli %mul3A_490, %scan3A_114 : i32
        %add3A_492 = arith.constant 7 : i32
        %add3A_493 = arith.addi %mul3A_491, %add3A_492 : i32
        %dma_wait3A_494 = arith.constant 0 : i32
        %dma_wait3A_495 = tpu.memref_slice %arg6[%dma_wait3A_494] : memref<20480xi32, #tpu.memory_space<vmem>> -> memref<64xi32, #tpu.memory_space<vmem>>
        %dma_wait3A_496 = arith.constant 0 : i32
        %dma_wait3A_497 = arith.constant 0 : i32
        %dma_wait3A_498 = tpu.memref_slice %arg2[%dma_wait3A_496, %dma_wait3A_497] : memref<20480x128xf32, #tpu.memory_space<hbm>> -> memref<20480x128xf32, #tpu.memory_space<hbm>>
        tpu.wait_indirect_dma semaphore(%arg22 : memref<!tpu.dma_semaphore, #tpu.memory_space<semaphore_mem>>) src(%dma_wait3A_498 : memref<20480x128xf32, #tpu.memory_space<hbm>>) dst(%arg14 : memref<64x128xf32, #tpu.memory_space<vmem>>)
        %jit3A_499 = arith.constant 320 : i32
        %eq3A_500 = arith.constant 0 : i32
        %eq3A_501 = arith.cmpi eq, %jit3A_499, %eq3A_500 : i32
        %jit3A_502 = arith.constant 1 : i32
        %select_n3A_503 = arith.select %eq3A_501, %jit3A_502, %jit3A_499 : i32
        %rem3A_504 = arith.remsi %add3A_493, %select_n3A_503 : i32
        %ne3A_505 = arith.constant 0 : i32
        %ne3A_506 = arith.cmpi ne, %rem3A_504, %ne3A_505 : i32
        %lt3A_507 = arith.constant 0 : i32
        %lt3A_508 = arith.cmpi slt, %rem3A_504, %lt3A_507 : i32
        %lt3A_509 = arith.constant 0 : i32
        %lt3A_510 = arith.cmpi slt, %select_n3A_503, %lt3A_509 : i32
        %ne3A_511 = arith.xori %lt3A_508, %lt3A_510 : i1
        %and3A_512 = arith.andi %ne3A_511, %ne3A_506 : i1
        %add3A_513 = arith.addi %rem3A_504, %select_n3A_503 : i32
        %select_n3A_514 = arith.select %and3A_512, %add3A_513, %rem3A_504 : i32
        %mul3A_515 = arith.constant 64 : i32
        %mul3A_516 = arith.muli %select_n3A_514, %mul3A_515 : i32
        %add3A_517 = arith.addi %mul3A_11, %mul3A_516 : i32
        %dma_start3A_518 = arith.constant 1 : i32
        %dma_start3A_519 = arith.constant 0 : i32
        %dma_start3A_520 = tpu.memref_slice %arg5[%dma_start3A_518, %add3A_517, %dma_start3A_519] : memref<2x327680x128xf32, #tpu.memory_space<hbm>> -> memref<1x64x128xf32, #tpu.memory_space<hbm>>
        %dma_start3A_521 = tpu.memref_squeeze %dma_start3A_520 : memref<1x64x128xf32, #tpu.memory_space<hbm>> -> memref<64x128xf32, #tpu.memory_space<hbm>>
        %dma_start3A_522 = arith.constant 0 : i32
        %dma_start3A_523 = tpu.memref_slice %arg5[%dma_start3A_518, %add3A_517, %dma_start3A_522] : memref<2x327680x128xf32, #tpu.memory_space<hbm>> -> memref<1x64x128xf32, #tpu.memory_space<hbm>>
        %dma_start3A_524 = tpu.memref_squeeze %dma_start3A_523 : memref<1x64x128xf32, #tpu.memory_space<hbm>> -> memref<64x128xf32, #tpu.memory_space<hbm>>
        tpu.enqueue_dma source(%arg14 : memref<64x128xf32, #tpu.memory_space<vmem>>) target(%dma_start3A_524 : memref<64x128xf32, #tpu.memory_space<hbm>>) target_semaphore(%arg30 : memref<!tpu.dma_semaphore, #tpu.memory_space<semaphore_mem>>)
        %lt3A_525 = arith.constant 39 : i32
        %lt3A_526 = arith.cmpi slt, %scan3A_114, %lt3A_525 : i32
        %convert_element_type3A_527 = arith.extui %lt3A_526 : i1 to i32
        %cond3A_528 = arith.constant 0 : i32
        %cond3A_529 = arith.cmpi ne, %convert_element_type3A_527, %cond3A_528 : i32
        scf.if %cond3A_529 {
          %dma_wait3A_530 = arith.constant 1 : i32
          %dma_wait3A_531 = arith.constant 0 : i32
          %dma_wait3A_532 = arith.constant 0 : i32
          %dma_wait3A_533 = tpu.memref_slice %arg5[%dma_wait3A_530, %dma_wait3A_531, %dma_wait3A_532] : memref<2x327680x128xf32, #tpu.memory_space<hbm>> -> memref<1x64x128xf32, #tpu.memory_space<hbm>>
          %dma_wait3A_534 = tpu.memref_squeeze %dma_wait3A_533 : memref<1x64x128xf32, #tpu.memory_space<hbm>> -> memref<64x128xf32, #tpu.memory_space<hbm>>
          %dma_wait3A_535 = arith.constant 0 : i32
          %dma_wait3A_536 = arith.constant 0 : i32
          %dma_wait3A_537 = tpu.memref_slice %arg5[%dma_wait3A_530, %dma_wait3A_535, %dma_wait3A_536] : memref<2x327680x128xf32, #tpu.memory_space<hbm>> -> memref<1x64x128xf32, #tpu.memory_space<hbm>>
          %dma_wait3A_538 = tpu.memref_squeeze %dma_wait3A_537 : memref<1x64x128xf32, #tpu.memory_space<hbm>> -> memref<64x128xf32, #tpu.memory_space<hbm>>
          tpu.wait_dma2 semaphore(%arg26 : memref<!tpu.dma_semaphore, #tpu.memory_space<semaphore_mem>>) src(%arg10 : memref<64x128xf32, #tpu.memory_space<vmem>>) dst(%dma_wait3A_538 : memref<64x128xf32, #tpu.memory_space<hbm>>)
          %add3A_539 = arith.constant 4 : i32
          %add3A_540 = arith.addi %add3A_493, %add3A_539 : i32
          %jit3A_541 = arith.constant 320 : i32
          %eq3A_542 = arith.constant 0 : i32
          %eq3A_543 = arith.cmpi eq, %jit3A_541, %eq3A_542 : i32
          %jit3A_544 = arith.constant 1 : i32
          %select_n3A_545 = arith.select %eq3A_543, %jit3A_544, %jit3A_541 : i32
          %rem3A_546 = arith.remsi %add3A_540, %select_n3A_545 : i32
          %ne3A_547 = arith.constant 0 : i32
          %ne3A_548 = arith.cmpi ne, %rem3A_546, %ne3A_547 : i32
          %lt3A_549 = arith.constant 0 : i32
          %lt3A_550 = arith.cmpi slt, %rem3A_546, %lt3A_549 : i32
          %lt3A_551 = arith.constant 0 : i32
          %lt3A_552 = arith.cmpi slt, %select_n3A_545, %lt3A_551 : i32
          %ne3A_553 = arith.xori %lt3A_550, %lt3A_552 : i1
          %and3A_554 = arith.andi %ne3A_553, %ne3A_548 : i1
          %add3A_555 = arith.addi %rem3A_546, %select_n3A_545 : i32
          %select_n3A_556 = arith.select %and3A_554, %add3A_555, %rem3A_546 : i32
          %mul3A_557 = arith.constant 64 : i32
          %mul3A_558 = arith.muli %select_n3A_556, %mul3A_557 : i32
          %dma_start3A_559 = tpu.memref_slice %arg6[%mul3A_558] : memref<20480xi32, #tpu.memory_space<vmem>> -> memref<64xi32, #tpu.memory_space<vmem>>
          %dma_start3A_560 = arith.constant 0 : i32
          %dma_start3A_561 = arith.constant 0 : i32
          %dma_start3A_562 = tpu.memref_slice %arg2[%dma_start3A_560, %dma_start3A_561] : memref<20480x128xf32, #tpu.memory_space<hbm>> -> memref<20480x128xf32, #tpu.memory_space<hbm>>
          tpu.enqueue_indirect_dma source(%dma_start3A_562 : memref<20480x128xf32, #tpu.memory_space<hbm>>) target(%arg10 : memref<64x128xf32, #tpu.memory_space<vmem>>) offsets(%dma_start3A_559 : memref<64xi32, #tpu.memory_space<vmem>>) semaphore(%arg18 : memref<!tpu.dma_semaphore, #tpu.memory_space<semaphore_mem>>)
        } else {
        }
      }
      %scan3A_42 = arith.constant 40 : i32
      %dma_wait3A = arith.constant 1 : i32
      %dma_wait3A_43 = arith.constant 0 : i32
      %dma_wait3A_44 = arith.constant 0 : i32
      %dma_wait3A_45 = tpu.memref_slice %arg5[%dma_wait3A, %dma_wait3A_43, %dma_wait3A_44] : memref<2x327680x128xf32, #tpu.memory_space<hbm>> -> memref<1x64x128xf32, #tpu.memory_space<hbm>>
      %dma_wait3A_46 = tpu.memref_squeeze %dma_wait3A_45 : memref<1x64x128xf32, #tpu.memory_space<hbm>> -> memref<64x128xf32, #tpu.memory_space<hbm>>
      %dma_wait3A_47 = arith.constant 0 : i32
      %dma_wait3A_48 = arith.constant 0 : i32
      %dma_wait3A_49 = tpu.memref_slice %arg5[%dma_wait3A, %dma_wait3A_47, %dma_wait3A_48] : memref<2x327680x128xf32, #tpu.memory_space<hbm>> -> memref<1x64x128xf32, #tpu.memory_space<hbm>>
      %dma_wait3A_50 = tpu.memref_squeeze %dma_wait3A_49 : memref<1x64x128xf32, #tpu.memory_space<hbm>> -> memref<64x128xf32, #tpu.memory_space<hbm>>
      tpu.wait_dma2 semaphore(%arg23 : memref<!tpu.dma_semaphore, #tpu.memory_space<semaphore_mem>>) src(%arg7 : memref<64x128xf32, #tpu.memory_space<vmem>>) dst(%dma_wait3A_50 : memref<64x128xf32, #tpu.memory_space<hbm>>)
      %dma_wait3A_51 = arith.constant 1 : i32
      %dma_wait3A_52 = arith.constant 0 : i32
      %dma_wait3A_53 = arith.constant 0 : i32
      %dma_wait3A_54 = tpu.memref_slice %arg5[%dma_wait3A_51, %dma_wait3A_52, %dma_wait3A_53] : memref<2x327680x128xf32, #tpu.memory_space<hbm>> -> memref<1x64x128xf32, #tpu.memory_space<hbm>>
      %dma_wait3A_55 = tpu.memref_squeeze %dma_wait3A_54 : memref<1x64x128xf32, #tpu.memory_space<hbm>> -> memref<64x128xf32, #tpu.memory_space<hbm>>
      %dma_wait3A_56 = arith.constant 0 : i32
      %dma_wait3A_57 = arith.constant 0 : i32
      %dma_wait3A_58 = tpu.memref_slice %arg5[%dma_wait3A_51, %dma_wait3A_56, %dma_wait3A_57] : memref<2x327680x128xf32, #tpu.memory_space<hbm>> -> memref<1x64x128xf32, #tpu.memory_space<hbm>>
      %dma_wait3A_59 = tpu.memref_squeeze %dma_wait3A_58 : memref<1x64x128xf32, #tpu.memory_space<hbm>> -> memref<64x128xf32, #tpu.memory_space<hbm>>
      tpu.wait_dma2 semaphore(%arg24 : memref<!tpu.dma_semaphore, #tpu.memory_space<semaphore_mem>>) src(%arg8 : memref<64x128xf32, #tpu.memory_space<vmem>>) dst(%dma_wait3A_59 : memref<64x128xf32, #tpu.memory_space<hbm>>)
      %dma_wait3A_60 = arith.constant 1 : i32
      %dma_wait3A_61 = arith.constant 0 : i32
      %dma_wait3A_62 = arith.constant 0 : i32
      %dma_wait3A_63 = tpu.memref_slice %arg5[%dma_wait3A_60, %dma_wait3A_61, %dma_wait3A_62] : memref<2x327680x128xf32, #tpu.memory_space<hbm>> -> memref<1x64x128xf32, #tpu.memory_space<hbm>>
      %dma_wait3A_64 = tpu.memref_squeeze %dma_wait3A_63 : memref<1x64x128xf32, #tpu.memory_space<hbm>> -> memref<64x128xf32, #tpu.memory_space<hbm>>
      %dma_wait3A_65 = arith.constant 0 : i32
      %dma_wait3A_66 = arith.constant 0 : i32
      %dma_wait3A_67 = tpu.memref_slice %arg5[%dma_wait3A_60, %dma_wait3A_65, %dma_wait3A_66] : memref<2x327680x128xf32, #tpu.memory_space<hbm>> -> memref<1x64x128xf32, #tpu.memory_space<hbm>>
      %dma_wait3A_68 = tpu.memref_squeeze %dma_wait3A_67 : memref<1x64x128xf32, #tpu.memory_space<hbm>> -> memref<64x128xf32, #tpu.memory_space<hbm>>
      tpu.wait_dma2 semaphore(%arg25 : memref<!tpu.dma_semaphore, #tpu.memory_space<semaphore_mem>>) src(%arg9 : memref<64x128xf32, #tpu.memory_space<vmem>>) dst(%dma_wait3A_68 : memref<64x128xf32, #tpu.memory_space<hbm>>)
      %dma_wait3A_69 = arith.constant 1 : i32
      %dma_wait3A_70 = arith.constant 0 : i32
      %dma_wait3A_71 = arith.constant 0 : i32
      %dma_wait3A_72 = tpu.memref_slice %arg5[%dma_wait3A_69, %dma_wait3A_70, %dma_wait3A_71] : memref<2x327680x128xf32, #tpu.memory_space<hbm>> -> memref<1x64x128xf32, #tpu.memory_space<hbm>>
      %dma_wait3A_73 = tpu.memref_squeeze %dma_wait3A_72 : memref<1x64x128xf32, #tpu.memory_space<hbm>> -> memref<64x128xf32, #tpu.memory_space<hbm>>
      %dma_wait3A_74 = arith.constant 0 : i32
      %dma_wait3A_75 = arith.constant 0 : i32
      %dma_wait3A_76 = tpu.memref_slice %arg5[%dma_wait3A_69, %dma_wait3A_74, %dma_wait3A_75] : memref<2x327680x128xf32, #tpu.memory_space<hbm>> -> memref<1x64x128xf32, #tpu.memory_space<hbm>>
      %dma_wait3A_77 = tpu.memref_squeeze %dma_wait3A_76 : memref<1x64x128xf32, #tpu.memory_space<hbm>> -> memref<64x128xf32, #tpu.memory_space<hbm>>
      tpu.wait_dma2 semaphore(%arg26 : memref<!tpu.dma_semaphore, #tpu.memory_space<semaphore_mem>>) src(%arg10 : memref<64x128xf32, #tpu.memory_space<vmem>>) dst(%dma_wait3A_77 : memref<64x128xf32, #tpu.memory_space<hbm>>)
      %dma_wait3A_78 = arith.constant 1 : i32
      %dma_wait3A_79 = arith.constant 0 : i32
      %dma_wait3A_80 = arith.constant 0 : i32
      %dma_wait3A_81 = tpu.memref_slice %arg5[%dma_wait3A_78, %dma_wait3A_79, %dma_wait3A_80] : memref<2x327680x128xf32, #tpu.memory_space<hbm>> -> memref<1x64x128xf32, #tpu.memory_space<hbm>>
      %dma_wait3A_82 = tpu.memref_squeeze %dma_wait3A_81 : memref<1x64x128xf32, #tpu.memory_space<hbm>> -> memref<64x128xf32, #tpu.memory_space<hbm>>
      %dma_wait3A_83 = arith.constant 0 : i32
      %dma_wait3A_84 = arith.constant 0 : i32
      %dma_wait3A_85 = tpu.memref_slice %arg5[%dma_wait3A_78, %dma_wait3A_83, %dma_wait3A_84] : memref<2x327680x128xf32, #tpu.memory_space<hbm>> -> memref<1x64x128xf32, #tpu.memory_space<hbm>>
      %dma_wait3A_86 = tpu.memref_squeeze %dma_wait3A_85 : memref<1x64x128xf32, #tpu.memory_space<hbm>> -> memref<64x128xf32, #tpu.memory_space<hbm>>
      tpu.wait_dma2 semaphore(%arg27 : memref<!tpu.dma_semaphore, #tpu.memory_space<semaphore_mem>>) src(%arg11 : memref<64x128xf32, #tpu.memory_space<vmem>>) dst(%dma_wait3A_86 : memref<64x128xf32, #tpu.memory_space<hbm>>)
      %dma_wait3A_87 = arith.constant 1 : i32
      %dma_wait3A_88 = arith.constant 0 : i32
      %dma_wait3A_89 = arith.constant 0 : i32
      %dma_wait3A_90 = tpu.memref_slice %arg5[%dma_wait3A_87, %dma_wait3A_88, %dma_wait3A_89] : memref<2x327680x128xf32, #tpu.memory_space<hbm>> -> memref<1x64x128xf32, #tpu.memory_space<hbm>>
      %dma_wait3A_91 = tpu.memref_squeeze %dma_wait3A_90 : memref<1x64x128xf32, #tpu.memory_space<hbm>> -> memref<64x128xf32, #tpu.memory_space<hbm>>
      %dma_wait3A_92 = arith.constant 0 : i32
      %dma_wait3A_93 = arith.constant 0 : i32
      %dma_wait3A_94 = tpu.memref_slice %arg5[%dma_wait3A_87, %dma_wait3A_92, %dma_wait3A_93] : memref<2x327680x128xf32, #tpu.memory_space<hbm>> -> memref<1x64x128xf32, #tpu.memory_space<hbm>>
      %dma_wait3A_95 = tpu.memref_squeeze %dma_wait3A_94 : memref<1x64x128xf32, #tpu.memory_space<hbm>> -> memref<64x128xf32, #tpu.memory_space<hbm>>
      tpu.wait_dma2 semaphore(%arg28 : memref<!tpu.dma_semaphore, #tpu.memory_space<semaphore_mem>>) src(%arg12 : memref<64x128xf32, #tpu.memory_space<vmem>>) dst(%dma_wait3A_95 : memref<64x128xf32, #tpu.memory_space<hbm>>)
      %dma_wait3A_96 = arith.constant 1 : i32
      %dma_wait3A_97 = arith.constant 0 : i32
      %dma_wait3A_98 = arith.constant 0 : i32
      %dma_wait3A_99 = tpu.memref_slice %arg5[%dma_wait3A_96, %dma_wait3A_97, %dma_wait3A_98] : memref<2x327680x128xf32, #tpu.memory_space<hbm>> -> memref<1x64x128xf32, #tpu.memory_space<hbm>>
      %dma_wait3A_100 = tpu.memref_squeeze %dma_wait3A_99 : memref<1x64x128xf32, #tpu.memory_space<hbm>> -> memref<64x128xf32, #tpu.memory_space<hbm>>
      %dma_wait3A_101 = arith.constant 0 : i32
      %dma_wait3A_102 = arith.constant 0 : i32
      %dma_wait3A_103 = tpu.memref_slice %arg5[%dma_wait3A_96, %dma_wait3A_101, %dma_wait3A_102] : memref<2x327680x128xf32, #tpu.memory_space<hbm>> -> memref<1x64x128xf32, #tpu.memory_space<hbm>>
      %dma_wait3A_104 = tpu.memref_squeeze %dma_wait3A_103 : memref<1x64x128xf32, #tpu.memory_space<hbm>> -> memref<64x128xf32, #tpu.memory_space<hbm>>
      tpu.wait_dma2 semaphore(%arg29 : memref<!tpu.dma_semaphore, #tpu.memory_space<semaphore_mem>>) src(%arg13 : memref<64x128xf32, #tpu.memory_space<vmem>>) dst(%dma_wait3A_104 : memref<64x128xf32, #tpu.memory_space<hbm>>)
      %dma_wait3A_105 = arith.constant 1 : i32
      %dma_wait3A_106 = arith.constant 0 : i32
      %dma_wait3A_107 = arith.constant 0 : i32
      %dma_wait3A_108 = tpu.memref_slice %arg5[%dma_wait3A_105, %dma_wait3A_106, %dma_wait3A_107] : memref<2x327680x128xf32, #tpu.memory_space<hbm>> -> memref<1x64x128xf32, #tpu.memory_space<hbm>>
      %dma_wait3A_109 = tpu.memref_squeeze %dma_wait3A_108 : memref<1x64x128xf32, #tpu.memory_space<hbm>> -> memref<64x128xf32, #tpu.memory_space<hbm>>
      %dma_wait3A_110 = arith.constant 0 : i32
      %dma_wait3A_111 = arith.constant 0 : i32
      %dma_wait3A_112 = tpu.memref_slice %arg5[%dma_wait3A_105, %dma_wait3A_110, %dma_wait3A_111] : memref<2x327680x128xf32, #tpu.memory_space<hbm>> -> memref<1x64x128xf32, #tpu.memory_space<hbm>>
      %dma_wait3A_113 = tpu.memref_squeeze %dma_wait3A_112 : memref<1x64x128xf32, #tpu.memory_space<hbm>> -> memref<64x128xf32, #tpu.memory_space<hbm>>
      tpu.wait_dma2 semaphore(%arg30 : memref<!tpu.dma_semaphore, #tpu.memory_space<semaphore_mem>>) src(%arg14 : memref<64x128xf32, #tpu.memory_space<vmem>>) dst(%dma_wait3A_113 : memref<64x128xf32, #tpu.memory_space<hbm>>)
    } else {
    }
    return
  }
}

#map = affine_map<(d0, d1) -> (0, 0)>
#map1 = affine_map<(d0, d1) -> (0)>
#map2 = affine_map<(d0, d1) -> (0, 0, 0)>
module attributes {stable_mosaic.version = 14 : i64} {
  func.func @k(%arg0: i32, %arg1: i32, %arg2: memref<20480x128xf32, #tpu.memory_space<hbm>>, %arg3: memref<327680xi32, #tpu.memory_space<hbm>>, %arg4: memref<327680xi32, #tpu.memory_space<hbm>>, %arg5: memref<2x327680x128xf32, #tpu.memory_space<hbm>>, %arg6: memref<20480xi32, #tpu.memory_space<vmem>>, %arg7: memref<64x128xf32, #tpu.memory_space<vmem>>, %arg8: memref<64x128xf32, #tpu.memory_space<vmem>>, %arg9: memref<64x128xf32, #tpu.memory_space<vmem>>, %arg10: memref<64x128xf32, #tpu.memory_space<vmem>>, %arg11: memref<64x128xf32, #tpu.memory_space<vmem>>, %arg12: memref<64x128xf32, #tpu.memory_space<vmem>>, %arg13: memref<64x128xf32, #tpu.memory_space<vmem>>, %arg14: memref<64x128xf32, #tpu.memory_space<vmem>>, %arg15: memref<!tpu.dma_semaphore, #tpu.memory_space<semaphore_mem>>, %arg16: memref<!tpu.dma_semaphore, #tpu.memory_space<semaphore_mem>>, %arg17: memref<!tpu.dma_semaphore, #tpu.memory_space<semaphore_mem>>, %arg18: memref<!tpu.dma_semaphore, #tpu.memory_space<semaphore_mem>>, %arg19: memref<!tpu.dma_semaphore, #tpu.memory_space<semaphore_mem>>, %arg20: memref<!tpu.dma_semaphore, #tpu.memory_space<semaphore_mem>>, %arg21: memref<!tpu.dma_semaphore, #tpu.memory_space<semaphore_mem>>, %arg22: memref<!tpu.dma_semaphore, #tpu.memory_space<semaphore_mem>>, %arg23: memref<!tpu.dma_semaphore, #tpu.memory_space<semaphore_mem>>, %arg24: memref<!tpu.dma_semaphore, #tpu.memory_space<semaphore_mem>>, %arg25: memref<!tpu.dma_semaphore, #tpu.memory_space<semaphore_mem>>, %arg26: memref<!tpu.dma_semaphore, #tpu.memory_space<semaphore_mem>>, %arg27: memref<!tpu.dma_semaphore, #tpu.memory_space<semaphore_mem>>, %arg28: memref<!tpu.dma_semaphore, #tpu.memory_space<semaphore_mem>>, %arg29: memref<!tpu.dma_semaphore, #tpu.memory_space<semaphore_mem>>, %arg30: memref<!tpu.dma_semaphore, #tpu.memory_space<semaphore_mem>>) attributes {dimension_semantics = [#tpu.dimension_semantics<core_parallel>, #tpu.dimension_semantics<subcore_parallel>], iteration_bounds = array<i64: 2, 16>, scalar_prefetch = 0 : i64, scratch_operands = 25 : i64, tpu.core_type = #tpu.core_type<sc_vector_subcore>, window_params = [{transform_indices = #map}, {transform_indices = #map1}, {transform_indices = #map1}, {transform_indices = #map2}]} {
    %mul3A = arith.constant 16 : i32
    %mul3A_0 = arith.muli %arg0, %mul3A : i32
    %add3A = arith.addi %mul3A_0, %arg1 : i32
    %jit3A = arith.constant 16 : i32
    %eq3A = arith.constant 0 : i32
    %eq3A_1 = arith.cmpi eq, %jit3A, %eq3A : i32
    %jit3A_2 = arith.constant 1 : i32
    %select_n3A = arith.select %eq3A_1, %jit3A_2, %jit3A : i32
    %rem3A = arith.remsi %add3A, %select_n3A : i32
    %ne3A = arith.constant 0 : i32
    %ne3A_3 = arith.cmpi ne, %rem3A, %ne3A : i32
    %lt3A = arith.constant 0 : i32
    %lt3A_4 = arith.cmpi slt, %rem3A, %lt3A : i32
    %lt3A_5 = arith.constant 0 : i32
    %lt3A_6 = arith.cmpi slt, %select_n3A, %lt3A_5 : i32
    %ne3A_7 = arith.xori %lt3A_4, %lt3A_6 : i1
    %and3A = arith.andi %ne3A_7, %ne3A_3 : i1
    %add3A_8 = arith.addi %rem3A, %select_n3A : i32
    %select_n3A_9 = arith.select %and3A, %add3A_8, %rem3A : i32
    %mul3A_10 = arith.constant 20480 : i32
    %mul3A_11 = arith.muli %select_n3A_9, %mul3A_10 : i32
    %lt3A_12 = arith.constant 16 : i32
    %lt3A_13 = arith.cmpi slt, %add3A, %lt3A_12 : i32
    %convert_element_type3A = arith.extui %lt3A_13 : i1 to i32
    %cond3A = arith.constant 0 : i32
    %cond3A_14 = arith.cmpi ne, %convert_element_type3A, %cond3A : i32
    scf.if %cond3A_14 {
      "tpu.region"() ({
        %run_scoped3A = tpu.sem_alloc : memref<!tpu.dma_semaphore, #tpu.memory_space<semaphore_mem>>
        %dma_start3A_114 = tpu.memref_slice %arg3[%mul3A_11] : memref<327680xi32, #tpu.memory_space<hbm>> -> memref<20480xi32, #tpu.memory_space<hbm>>
        %dma_start3A_115 = tpu.memref_slice %arg3[%mul3A_11] : memref<327680xi32, #tpu.memory_space<hbm>> -> memref<20480xi32, #tpu.memory_space<hbm>>
        tpu.enqueue_dma source(%dma_start3A_115 : memref<20480xi32, #tpu.memory_space<hbm>>) target(%arg6 : memref<20480xi32, #tpu.memory_space<vmem>>) target_semaphore(%run_scoped3A : memref<!tpu.dma_semaphore, #tpu.memory_space<semaphore_mem>>)
        %dma_wait3A_116 = tpu.memref_slice %arg3[%mul3A_11] : memref<327680xi32, #tpu.memory_space<hbm>> -> memref<20480xi32, #tpu.memory_space<hbm>>
        %dma_wait3A_117 = tpu.memref_slice %arg3[%mul3A_11] : memref<327680xi32, #tpu.memory_space<hbm>> -> memref<20480xi32, #tpu.memory_space<hbm>>
        tpu.wait_dma2 semaphore(%run_scoped3A : memref<!tpu.dma_semaphore, #tpu.memory_space<semaphore_mem>>) src(%dma_wait3A_117 : memref<20480xi32, #tpu.memory_space<hbm>>) dst(%arg6 : memref<20480xi32, #tpu.memory_space<vmem>>)
        tpu.yield
      }) : () -> ()
      %dma_start3A = arith.constant 0 : i32
      %dma_start3A_19 = tpu.memref_slice %arg6[%dma_start3A] : memref<20480xi32, #tpu.memory_space<vmem>> -> memref<64xi32, #tpu.memory_space<vmem>>
      %dma_start3A_20 = arith.constant 0 : i32
      %dma_start3A_21 = arith.constant 0 : i32
      %dma_start3A_22 = tpu.memref_slice %arg2[%dma_start3A_20, %dma_start3A_21] : memref<20480x128xf32, #tpu.memory_space<hbm>> -> memref<20480x128xf32, #tpu.memory_space<hbm>>
      tpu.enqueue_indirect_dma source(%dma_start3A_22 : memref<20480x128xf32, #tpu.memory_space<hbm>>) target(%arg7 : memref<64x128xf32, #tpu.memory_space<vmem>>) offsets(%dma_start3A_19 : memref<64xi32, #tpu.memory_space<vmem>>) semaphore(%arg15 : memref<!tpu.dma_semaphore, #tpu.memory_space<semaphore_mem>>)
      %dma_start3A_23 = arith.constant 64 : i32
      %dma_start3A_24 = tpu.memref_slice %arg6[%dma_start3A_23] : memref<20480xi32, #tpu.memory_space<vmem>> -> memref<64xi32, #tpu.memory_space<vmem>>
      %dma_start3A_25 = arith.constant 0 : i32
      %dma_start3A_26 = arith.constant 0 : i32
      %dma_start3A_27 = tpu.memref_slice %arg2[%dma_start3A_25, %dma_start3A_26] : memref<20480x128xf32, #tpu.memory_space<hbm>> -> memref<20480x128xf32, #tpu.memory_space<hbm>>
      tpu.enqueue_indirect_dma source(%dma_start3A_27 : memref<20480x128xf32, #tpu.memory_space<hbm>>) target(%arg8 : memref<64x128xf32, #tpu.memory_space<vmem>>) offsets(%dma_start3A_24 : memref<64xi32, #tpu.memory_space<vmem>>) semaphore(%arg16 : memref<!tpu.dma_semaphore, #tpu.memory_space<semaphore_mem>>)
      %dma_start3A_28 = arith.constant 128 : i32
      %dma_start3A_29 = tpu.memref_slice %arg6[%dma_start3A_28] : memref<20480xi32, #tpu.memory_space<vmem>> -> memref<64xi32, #tpu.memory_space<vmem>>
      %dma_start3A_30 = arith.constant 0 : i32
      %dma_start3A_31 = arith.constant 0 : i32
      %dma_start3A_32 = tpu.memref_slice %arg2[%dma_start3A_30, %dma_start3A_31] : memref<20480x128xf32, #tpu.memory_space<hbm>> -> memref<20480x128xf32, #tpu.memory_space<hbm>>
      tpu.enqueue_indirect_dma source(%dma_start3A_32 : memref<20480x128xf32, #tpu.memory_space<hbm>>) target(%arg9 : memref<64x128xf32, #tpu.memory_space<vmem>>) offsets(%dma_start3A_29 : memref<64xi32, #tpu.memory_space<vmem>>) semaphore(%arg17 : memref<!tpu.dma_semaphore, #tpu.memory_space<semaphore_mem>>)
      %dma_start3A_33 = arith.constant 192 : i32
      %dma_start3A_34 = tpu.memref_slice %arg6[%dma_start3A_33] : memref<20480xi32, #tpu.memory_space<vmem>> -> memref<64xi32, #tpu.memory_space<vmem>>
      %dma_start3A_35 = arith.constant 0 : i32
      %dma_start3A_36 = arith.constant 0 : i32
      %dma_start3A_37 = tpu.memref_slice %arg2[%dma_start3A_35, %dma_start3A_36] : memref<20480x128xf32, #tpu.memory_space<hbm>> -> memref<20480x128xf32, #tpu.memory_space<hbm>>
      tpu.enqueue_indirect_dma source(%dma_start3A_37 : memref<20480x128xf32, #tpu.memory_space<hbm>>) target(%arg10 : memref<64x128xf32, #tpu.memory_space<vmem>>) offsets(%dma_start3A_34 : memref<64xi32, #tpu.memory_space<vmem>>) semaphore(%arg18 : memref<!tpu.dma_semaphore, #tpu.memory_space<semaphore_mem>>)
      %scan3A = arith.constant 0 : i32
      %scan3A_38 = arith.constant 0 : i32
      %scan3A_39 = arith.constant 40 : i32
      %scan3A_40 = arith.addi %scan3A_38, %scan3A_39 : i32
      %scan3A_41 = arith.constant 1 : i32
      scf.for %scan3A_114 = %scan3A_38 to %scan3A_40 step %scan3A_41  : i32 {
        %mul3A_115 = arith.constant 8 : i32
        %mul3A_116 = arith.muli %mul3A_115, %scan3A_114 : i32
        %add3A_117 = arith.constant 0 : i32
        %add3A_118 = arith.addi %mul3A_116, %add3A_117 : i32
        %dma_wait3A_119 = arith.constant 0 : i32
        %dma_wait3A_120 = tpu.memref_slice %arg6[%dma_wait3A_119] : memref<20480xi32, #tpu.memory_space<vmem>> -> memref<64xi32, #tpu.memory_space<vmem>>
        %dma_wait3A_121 = arith.constant 0 : i32
        %dma_wait3A_122 = arith.constant 0 : i32
        %dma_wait3A_123 = tpu.memref_slice %arg2[%dma_wait3A_121, %dma_wait3A_122] : memref<20480x128xf32, #tpu.memory_space<hbm>> -> memref<20480x128xf32, #tpu.memory_space<hbm>>
        tpu.wait_indirect_dma semaphore(%arg15 : memref<!tpu.dma_semaphore, #tpu.memory_space<semaphore_mem>>) src(%dma_wait3A_123 : memref<20480x128xf32, #tpu.memory_space<hbm>>) dst(%arg7 : memref<64x128xf32, #tpu.memory_space<vmem>>)
        %jit3A_124 = arith.constant 320 : i32
        %eq3A_125 = arith.constant 0 : i32
        %eq3A_126 = arith.cmpi eq, %jit3A_124, %eq3A_125 : i32
        %jit3A_127 = arith.constant 1 : i32
        %select_n3A_128 = arith.select %eq3A_126, %jit3A_127, %jit3A_124 : i32
        %rem3A_129 = arith.remsi %add3A_118, %select_n3A_128 : i32
        %ne3A_130 = arith.constant 0 : i32
        %ne3A_131 = arith.cmpi ne, %rem3A_129, %ne3A_130 : i32
        %lt3A_132 = arith.constant 0 : i32
        %lt3A_133 = arith.cmpi slt, %rem3A_129, %lt3A_132 : i32
        %lt3A_134 = arith.constant 0 : i32
        %lt3A_135 = arith.cmpi slt, %select_n3A_128, %lt3A_134 : i32
        %ne3A_136 = arith.xori %lt3A_133, %lt3A_135 : i1
        %and3A_137 = arith.andi %ne3A_136, %ne3A_131 : i1
        %add3A_138 = arith.addi %rem3A_129, %select_n3A_128 : i32
        %select_n3A_139 = arith.select %and3A_137, %add3A_138, %rem3A_129 : i32
        %mul3A_140 = arith.constant 64 : i32
        %mul3A_141 = arith.muli %select_n3A_139, %mul3A_140 : i32
        %add3A_142 = arith.addi %mul3A_11, %mul3A_141 : i32
        %dma_start3A_143 = arith.constant 0 : i32
        %dma_start3A_144 = arith.constant 0 : i32
        %dma_start3A_145 = tpu.memref_slice %arg5[%dma_start3A_143, %add3A_142, %dma_start3A_144] : memref<2x327680x128xf32, #tpu.memory_space<hbm>> -> memref<1x64x128xf32, #tpu.memory_space<hbm>>
        %dma_start3A_146 = tpu.memref_squeeze %dma_start3A_145 : memref<1x64x128xf32, #tpu.memory_space<hbm>> -> memref<64x128xf32, #tpu.memory_space<hbm>>
        %dma_start3A_147 = arith.constant 0 : i32
        %dma_start3A_148 = tpu.memref_slice %arg5[%dma_start3A_143, %add3A_142, %dma_start3A_147] : memref<2x327680x128xf32, #tpu.memory_space<hbm>> -> memref<1x64x128xf32, #tpu.memory_space<hbm>>
        %dma_start3A_149 = tpu.memref_squeeze %dma_start3A_148 : memref<1x64x128xf32, #tpu.memory_space<hbm>> -> memref<64x128xf32, #tpu.memory_space<hbm>>
        tpu.enqueue_dma source(%arg7 : memref<64x128xf32, #tpu.memory_space<vmem>>) target(%dma_start3A_149 : memref<64x128xf32, #tpu.memory_space<hbm>>) target_semaphore(%arg23 : memref<!tpu.dma_semaphore, #tpu.memory_space<semaphore_mem>>)
        %gt3A = arith.constant 0 : i32
        %gt3A_150 = arith.cmpi sgt, %scan3A_114, %gt3A : i32
        %convert_element_type3A_151 = arith.extui %gt3A_150 : i1 to i32
        %cond3A_152 = arith.constant 0 : i32
        %cond3A_153 = arith.cmpi ne, %convert_element_type3A_151, %cond3A_152 : i32
        scf.if %cond3A_153 {
          %dma_wait3A_530 = arith.constant 0 : i32
          %dma_wait3A_531 = arith.constant 0 : i32
          %dma_wait3A_532 = arith.constant 0 : i32
          %dma_wait3A_533 = tpu.memref_slice %arg5[%dma_wait3A_530, %dma_wait3A_531, %dma_wait3A_532] : memref<2x327680x128xf32, #tpu.memory_space<hbm>> -> memref<1x64x128xf32, #tpu.memory_space<hbm>>
          %dma_wait3A_534 = tpu.memref_squeeze %dma_wait3A_533 : memref<1x64x128xf32, #tpu.memory_space<hbm>> -> memref<64x128xf32, #tpu.memory_space<hbm>>
          %dma_wait3A_535 = arith.constant 0 : i32
          %dma_wait3A_536 = arith.constant 0 : i32
          %dma_wait3A_537 = tpu.memref_slice %arg5[%dma_wait3A_530, %dma_wait3A_535, %dma_wait3A_536] : memref<2x327680x128xf32, #tpu.memory_space<hbm>> -> memref<1x64x128xf32, #tpu.memory_space<hbm>>
          %dma_wait3A_538 = tpu.memref_squeeze %dma_wait3A_537 : memref<1x64x128xf32, #tpu.memory_space<hbm>> -> memref<64x128xf32, #tpu.memory_space<hbm>>
          tpu.wait_dma2 semaphore(%arg27 : memref<!tpu.dma_semaphore, #tpu.memory_space<semaphore_mem>>) src(%arg11 : memref<64x128xf32, #tpu.memory_space<vmem>>) dst(%dma_wait3A_538 : memref<64x128xf32, #tpu.memory_space<hbm>>)
        } else {
        }
        %add3A_154 = arith.constant 4 : i32
        %add3A_155 = arith.addi %add3A_118, %add3A_154 : i32
        %jit3A_156 = arith.constant 320 : i32
        %eq3A_157 = arith.constant 0 : i32
        %eq3A_158 = arith.cmpi eq, %jit3A_156, %eq3A_157 : i32
        %jit3A_159 = arith.constant 1 : i32
        %select_n3A_160 = arith.select %eq3A_158, %jit3A_159, %jit3A_156 : i32
        %rem3A_161 = arith.remsi %add3A_155, %select_n3A_160 : i32
        %ne3A_162 = arith.constant 0 : i32
        %ne3A_163 = arith.cmpi ne, %rem3A_161, %ne3A_162 : i32
        %lt3A_164 = arith.constant 0 : i32
        %lt3A_165 = arith.cmpi slt, %rem3A_161, %lt3A_164 : i32
        %lt3A_166 = arith.constant 0 : i32
        %lt3A_167 = arith.cmpi slt, %select_n3A_160, %lt3A_166 : i32
        %ne3A_168 = arith.xori %lt3A_165, %lt3A_167 : i1
        %and3A_169 = arith.andi %ne3A_168, %ne3A_163 : i1
        %add3A_170 = arith.addi %rem3A_161, %select_n3A_160 : i32
        %select_n3A_171 = arith.select %and3A_169, %add3A_170, %rem3A_161 : i32
        %mul3A_172 = arith.constant 64 : i32
        %mul3A_173 = arith.muli %select_n3A_171, %mul3A_172 : i32
        %dma_start3A_174 = tpu.memref_slice %arg6[%mul3A_173] : memref<20480xi32, #tpu.memory_space<vmem>> -> memref<64xi32, #tpu.memory_space<vmem>>
        %dma_start3A_175 = arith.constant 0 : i32
        %dma_start3A_176 = arith.constant 0 : i32
        %dma_start3A_177 = tpu.memref_slice %arg2[%dma_start3A_175, %dma_start3A_176] : memref<20480x128xf32, #tpu.memory_space<hbm>> -> memref<20480x128xf32, #tpu.memory_space<hbm>>
        tpu.enqueue_indirect_dma source(%dma_start3A_177 : memref<20480x128xf32, #tpu.memory_space<hbm>>) target(%arg11 : memref<64x128xf32, #tpu.memory_space<vmem>>) offsets(%dma_start3A_174 : memref<64xi32, #tpu.memory_space<vmem>>) semaphore(%arg19 : memref<!tpu.dma_semaphore, #tpu.memory_space<semaphore_mem>>)
        %mul3A_178 = arith.constant 8 : i32
        %mul3A_179 = arith.muli %mul3A_178, %scan3A_114 : i32
        %add3A_180 = arith.constant 1 : i32
        %add3A_181 = arith.addi %mul3A_179, %add3A_180 : i32
        %dma_wait3A_182 = arith.constant 0 : i32
        %dma_wait3A_183 = tpu.memref_slice %arg6[%dma_wait3A_182] : memref<20480xi32, #tpu.memory_space<vmem>> -> memref<64xi32, #tpu.memory_space<vmem>>
        %dma_wait3A_184 = arith.constant 0 : i32
        %dma_wait3A_185 = arith.constant 0 : i32
        %dma_wait3A_186 = tpu.memref_slice %arg2[%dma_wait3A_184, %dma_wait3A_185] : memref<20480x128xf32, #tpu.memory_space<hbm>> -> memref<20480x128xf32, #tpu.memory_space<hbm>>
        tpu.wait_indirect_dma semaphore(%arg16 : memref<!tpu.dma_semaphore, #tpu.memory_space<semaphore_mem>>) src(%dma_wait3A_186 : memref<20480x128xf32, #tpu.memory_space<hbm>>) dst(%arg8 : memref<64x128xf32, #tpu.memory_space<vmem>>)
        %jit3A_187 = arith.constant 320 : i32
        %eq3A_188 = arith.constant 0 : i32
        %eq3A_189 = arith.cmpi eq, %jit3A_187, %eq3A_188 : i32
        %jit3A_190 = arith.constant 1 : i32
        %select_n3A_191 = arith.select %eq3A_189, %jit3A_190, %jit3A_187 : i32
        %rem3A_192 = arith.remsi %add3A_181, %select_n3A_191 : i32
        %ne3A_193 = arith.constant 0 : i32
        %ne3A_194 = arith.cmpi ne, %rem3A_192, %ne3A_193 : i32
        %lt3A_195 = arith.constant 0 : i32
        %lt3A_196 = arith.cmpi slt, %rem3A_192, %lt3A_195 : i32
        %lt3A_197 = arith.constant 0 : i32
        %lt3A_198 = arith.cmpi slt, %select_n3A_191, %lt3A_197 : i32
        %ne3A_199 = arith.xori %lt3A_196, %lt3A_198 : i1
        %and3A_200 = arith.andi %ne3A_199, %ne3A_194 : i1
        %add3A_201 = arith.addi %rem3A_192, %select_n3A_191 : i32
        %select_n3A_202 = arith.select %and3A_200, %add3A_201, %rem3A_192 : i32
        %mul3A_203 = arith.constant 64 : i32
        %mul3A_204 = arith.muli %select_n3A_202, %mul3A_203 : i32
        %add3A_205 = arith.addi %mul3A_11, %mul3A_204 : i32
        %dma_start3A_206 = arith.constant 0 : i32
        %dma_start3A_207 = arith.constant 0 : i32
        %dma_start3A_208 = tpu.memref_slice %arg5[%dma_start3A_206, %add3A_205, %dma_start3A_207] : memref<2x327680x128xf32, #tpu.memory_space<hbm>> -> memref<1x64x128xf32, #tpu.memory_space<hbm>>
        %dma_start3A_209 = tpu.memref_squeeze %dma_start3A_208 : memref<1x64x128xf32, #tpu.memory_space<hbm>> -> memref<64x128xf32, #tpu.memory_space<hbm>>
        %dma_start3A_210 = arith.constant 0 : i32
        %dma_start3A_211 = tpu.memref_slice %arg5[%dma_start3A_206, %add3A_205, %dma_start3A_210] : memref<2x327680x128xf32, #tpu.memory_space<hbm>> -> memref<1x64x128xf32, #tpu.memory_space<hbm>>
        %dma_start3A_212 = tpu.memref_squeeze %dma_start3A_211 : memref<1x64x128xf32, #tpu.memory_space<hbm>> -> memref<64x128xf32, #tpu.memory_space<hbm>>
        tpu.enqueue_dma source(%arg8 : memref<64x128xf32, #tpu.memory_space<vmem>>) target(%dma_start3A_212 : memref<64x128xf32, #tpu.memory_space<hbm>>) target_semaphore(%arg24 : memref<!tpu.dma_semaphore, #tpu.memory_space<semaphore_mem>>)
        %gt3A_213 = arith.constant 0 : i32
        %gt3A_214 = arith.cmpi sgt, %scan3A_114, %gt3A_213 : i32
        %convert_element_type3A_215 = arith.extui %gt3A_214 : i1 to i32
        %cond3A_216 = arith.constant 0 : i32
        %cond3A_217 = arith.cmpi ne, %convert_element_type3A_215, %cond3A_216 : i32
        scf.if %cond3A_217 {
          %dma_wait3A_530 = arith.constant 0 : i32
          %dma_wait3A_531 = arith.constant 0 : i32
          %dma_wait3A_532 = arith.constant 0 : i32
          %dma_wait3A_533 = tpu.memref_slice %arg5[%dma_wait3A_530, %dma_wait3A_531, %dma_wait3A_532] : memref<2x327680x128xf32, #tpu.memory_space<hbm>> -> memref<1x64x128xf32, #tpu.memory_space<hbm>>
          %dma_wait3A_534 = tpu.memref_squeeze %dma_wait3A_533 : memref<1x64x128xf32, #tpu.memory_space<hbm>> -> memref<64x128xf32, #tpu.memory_space<hbm>>
          %dma_wait3A_535 = arith.constant 0 : i32
          %dma_wait3A_536 = arith.constant 0 : i32
          %dma_wait3A_537 = tpu.memref_slice %arg5[%dma_wait3A_530, %dma_wait3A_535, %dma_wait3A_536] : memref<2x327680x128xf32, #tpu.memory_space<hbm>> -> memref<1x64x128xf32, #tpu.memory_space<hbm>>
          %dma_wait3A_538 = tpu.memref_squeeze %dma_wait3A_537 : memref<1x64x128xf32, #tpu.memory_space<hbm>> -> memref<64x128xf32, #tpu.memory_space<hbm>>
          tpu.wait_dma2 semaphore(%arg28 : memref<!tpu.dma_semaphore, #tpu.memory_space<semaphore_mem>>) src(%arg12 : memref<64x128xf32, #tpu.memory_space<vmem>>) dst(%dma_wait3A_538 : memref<64x128xf32, #tpu.memory_space<hbm>>)
        } else {
        }
        %add3A_218 = arith.constant 4 : i32
        %add3A_219 = arith.addi %add3A_181, %add3A_218 : i32
        %jit3A_220 = arith.constant 320 : i32
        %eq3A_221 = arith.constant 0 : i32
        %eq3A_222 = arith.cmpi eq, %jit3A_220, %eq3A_221 : i32
        %jit3A_223 = arith.constant 1 : i32
        %select_n3A_224 = arith.select %eq3A_222, %jit3A_223, %jit3A_220 : i32
        %rem3A_225 = arith.remsi %add3A_219, %select_n3A_224 : i32
        %ne3A_226 = arith.constant 0 : i32
        %ne3A_227 = arith.cmpi ne, %rem3A_225, %ne3A_226 : i32
        %lt3A_228 = arith.constant 0 : i32
        %lt3A_229 = arith.cmpi slt, %rem3A_225, %lt3A_228 : i32
        %lt3A_230 = arith.constant 0 : i32
        %lt3A_231 = arith.cmpi slt, %select_n3A_224, %lt3A_230 : i32
        %ne3A_232 = arith.xori %lt3A_229, %lt3A_231 : i1
        %and3A_233 = arith.andi %ne3A_232, %ne3A_227 : i1
        %add3A_234 = arith.addi %rem3A_225, %select_n3A_224 : i32
        %select_n3A_235 = arith.select %and3A_233, %add3A_234, %rem3A_225 : i32
        %mul3A_236 = arith.constant 64 : i32
        %mul3A_237 = arith.muli %select_n3A_235, %mul3A_236 : i32
        %dma_start3A_238 = tpu.memref_slice %arg6[%mul3A_237] : memref<20480xi32, #tpu.memory_space<vmem>> -> memref<64xi32, #tpu.memory_space<vmem>>
        %dma_start3A_239 = arith.constant 0 : i32
        %dma_start3A_240 = arith.constant 0 : i32
        %dma_start3A_241 = tpu.memref_slice %arg2[%dma_start3A_239, %dma_start3A_240] : memref<20480x128xf32, #tpu.memory_space<hbm>> -> memref<20480x128xf32, #tpu.memory_space<hbm>>
        tpu.enqueue_indirect_dma source(%dma_start3A_241 : memref<20480x128xf32, #tpu.memory_space<hbm>>) target(%arg12 : memref<64x128xf32, #tpu.memory_space<vmem>>) offsets(%dma_start3A_238 : memref<64xi32, #tpu.memory_space<vmem>>) semaphore(%arg20 : memref<!tpu.dma_semaphore, #tpu.memory_space<semaphore_mem>>)
        %mul3A_242 = arith.constant 8 : i32
        %mul3A_243 = arith.muli %mul3A_242, %scan3A_114 : i32
        %add3A_244 = arith.constant 2 : i32
        %add3A_245 = arith.addi %mul3A_243, %add3A_244 : i32
        %dma_wait3A_246 = arith.constant 0 : i32
        %dma_wait3A_247 = tpu.memref_slice %arg6[%dma_wait3A_246] : memref<20480xi32, #tpu.memory_space<vmem>> -> memref<64xi32, #tpu.memory_space<vmem>>
        %dma_wait3A_248 = arith.constant 0 : i32
        %dma_wait3A_249 = arith.constant 0 : i32
        %dma_wait3A_250 = tpu.memref_slice %arg2[%dma_wait3A_248, %dma_wait3A_249] : memref<20480x128xf32, #tpu.memory_space<hbm>> -> memref<20480x128xf32, #tpu.memory_space<hbm>>
        tpu.wait_indirect_dma semaphore(%arg17 : memref<!tpu.dma_semaphore, #tpu.memory_space<semaphore_mem>>) src(%dma_wait3A_250 : memref<20480x128xf32, #tpu.memory_space<hbm>>) dst(%arg9 : memref<64x128xf32, #tpu.memory_space<vmem>>)
        %jit3A_251 = arith.constant 320 : i32
        %eq3A_252 = arith.constant 0 : i32
        %eq3A_253 = arith.cmpi eq, %jit3A_251, %eq3A_252 : i32
        %jit3A_254 = arith.constant 1 : i32
        %select_n3A_255 = arith.select %eq3A_253, %jit3A_254, %jit3A_251 : i32
        %rem3A_256 = arith.remsi %add3A_245, %select_n3A_255 : i32
        %ne3A_257 = arith.constant 0 : i32
        %ne3A_258 = arith.cmpi ne, %rem3A_256, %ne3A_257 : i32
        %lt3A_259 = arith.constant 0 : i32
        %lt3A_260 = arith.cmpi slt, %rem3A_256, %lt3A_259 : i32
        %lt3A_261 = arith.constant 0 : i32
        %lt3A_262 = arith.cmpi slt, %select_n3A_255, %lt3A_261 : i32
        %ne3A_263 = arith.xori %lt3A_260, %lt3A_262 : i1
        %and3A_264 = arith.andi %ne3A_263, %ne3A_258 : i1
        %add3A_265 = arith.addi %rem3A_256, %select_n3A_255 : i32
        %select_n3A_266 = arith.select %and3A_264, %add3A_265, %rem3A_256 : i32
        %mul3A_267 = arith.constant 64 : i32
        %mul3A_268 = arith.muli %select_n3A_266, %mul3A_267 : i32
        %add3A_269 = arith.addi %mul3A_11, %mul3A_268 : i32
        %dma_start3A_270 = arith.constant 0 : i32
        %dma_start3A_271 = arith.constant 0 : i32
        %dma_start3A_272 = tpu.memref_slice %arg5[%dma_start3A_270, %add3A_269, %dma_start3A_271] : memref<2x327680x128xf32, #tpu.memory_space<hbm>> -> memref<1x64x128xf32, #tpu.memory_space<hbm>>
        %dma_start3A_273 = tpu.memref_squeeze %dma_start3A_272 : memref<1x64x128xf32, #tpu.memory_space<hbm>> -> memref<64x128xf32, #tpu.memory_space<hbm>>
        %dma_start3A_274 = arith.constant 0 : i32
        %dma_start3A_275 = tpu.memref_slice %arg5[%dma_start3A_270, %add3A_269, %dma_start3A_274] : memref<2x327680x128xf32, #tpu.memory_space<hbm>> -> memref<1x64x128xf32, #tpu.memory_space<hbm>>
        %dma_start3A_276 = tpu.memref_squeeze %dma_start3A_275 : memref<1x64x128xf32, #tpu.memory_space<hbm>> -> memref<64x128xf32, #tpu.memory_space<hbm>>
        tpu.enqueue_dma source(%arg9 : memref<64x128xf32, #tpu.memory_space<vmem>>) target(%dma_start3A_276 : memref<64x128xf32, #tpu.memory_space<hbm>>) target_semaphore(%arg25 : memref<!tpu.dma_semaphore, #tpu.memory_space<semaphore_mem>>)
        %gt3A_277 = arith.constant 0 : i32
        %gt3A_278 = arith.cmpi sgt, %scan3A_114, %gt3A_277 : i32
        %convert_element_type3A_279 = arith.extui %gt3A_278 : i1 to i32
        %cond3A_280 = arith.constant 0 : i32
        %cond3A_281 = arith.cmpi ne, %convert_element_type3A_279, %cond3A_280 : i32
        scf.if %cond3A_281 {
          %dma_wait3A_530 = arith.constant 0 : i32
          %dma_wait3A_531 = arith.constant 0 : i32
          %dma_wait3A_532 = arith.constant 0 : i32
          %dma_wait3A_533 = tpu.memref_slice %arg5[%dma_wait3A_530, %dma_wait3A_531, %dma_wait3A_532] : memref<2x327680x128xf32, #tpu.memory_space<hbm>> -> memref<1x64x128xf32, #tpu.memory_space<hbm>>
          %dma_wait3A_534 = tpu.memref_squeeze %dma_wait3A_533 : memref<1x64x128xf32, #tpu.memory_space<hbm>> -> memref<64x128xf32, #tpu.memory_space<hbm>>
          %dma_wait3A_535 = arith.constant 0 : i32
          %dma_wait3A_536 = arith.constant 0 : i32
          %dma_wait3A_537 = tpu.memref_slice %arg5[%dma_wait3A_530, %dma_wait3A_535, %dma_wait3A_536] : memref<2x327680x128xf32, #tpu.memory_space<hbm>> -> memref<1x64x128xf32, #tpu.memory_space<hbm>>
          %dma_wait3A_538 = tpu.memref_squeeze %dma_wait3A_537 : memref<1x64x128xf32, #tpu.memory_space<hbm>> -> memref<64x128xf32, #tpu.memory_space<hbm>>
          tpu.wait_dma2 semaphore(%arg29 : memref<!tpu.dma_semaphore, #tpu.memory_space<semaphore_mem>>) src(%arg13 : memref<64x128xf32, #tpu.memory_space<vmem>>) dst(%dma_wait3A_538 : memref<64x128xf32, #tpu.memory_space<hbm>>)
        } else {
        }
        %add3A_282 = arith.constant 4 : i32
        %add3A_283 = arith.addi %add3A_245, %add3A_282 : i32
        %jit3A_284 = arith.constant 320 : i32
        %eq3A_285 = arith.constant 0 : i32
        %eq3A_286 = arith.cmpi eq, %jit3A_284, %eq3A_285 : i32
        %jit3A_287 = arith.constant 1 : i32
        %select_n3A_288 = arith.select %eq3A_286, %jit3A_287, %jit3A_284 : i32
        %rem3A_289 = arith.remsi %add3A_283, %select_n3A_288 : i32
        %ne3A_290 = arith.constant 0 : i32
        %ne3A_291 = arith.cmpi ne, %rem3A_289, %ne3A_290 : i32
        %lt3A_292 = arith.constant 0 : i32
        %lt3A_293 = arith.cmpi slt, %rem3A_289, %lt3A_292 : i32
        %lt3A_294 = arith.constant 0 : i32
        %lt3A_295 = arith.cmpi slt, %select_n3A_288, %lt3A_294 : i32
        %ne3A_296 = arith.xori %lt3A_293, %lt3A_295 : i1
        %and3A_297 = arith.andi %ne3A_296, %ne3A_291 : i1
        %add3A_298 = arith.addi %rem3A_289, %select_n3A_288 : i32
        %select_n3A_299 = arith.select %and3A_297, %add3A_298, %rem3A_289 : i32
        %mul3A_300 = arith.constant 64 : i32
        %mul3A_301 = arith.muli %select_n3A_299, %mul3A_300 : i32
        %dma_start3A_302 = tpu.memref_slice %arg6[%mul3A_301] : memref<20480xi32, #tpu.memory_space<vmem>> -> memref<64xi32, #tpu.memory_space<vmem>>
        %dma_start3A_303 = arith.constant 0 : i32
        %dma_start3A_304 = arith.constant 0 : i32
        %dma_start3A_305 = tpu.memref_slice %arg2[%dma_start3A_303, %dma_start3A_304] : memref<20480x128xf32, #tpu.memory_space<hbm>> -> memref<20480x128xf32, #tpu.memory_space<hbm>>
        tpu.enqueue_indirect_dma source(%dma_start3A_305 : memref<20480x128xf32, #tpu.memory_space<hbm>>) target(%arg13 : memref<64x128xf32, #tpu.memory_space<vmem>>) offsets(%dma_start3A_302 : memref<64xi32, #tpu.memory_space<vmem>>) semaphore(%arg21 : memref<!tpu.dma_semaphore, #tpu.memory_space<semaphore_mem>>)
        %mul3A_306 = arith.constant 8 : i32
        %mul3A_307 = arith.muli %mul3A_306, %scan3A_114 : i32
        %add3A_308 = arith.constant 3 : i32
        %add3A_309 = arith.addi %mul3A_307, %add3A_308 : i32
        %dma_wait3A_310 = arith.constant 0 : i32
        %dma_wait3A_311 = tpu.memref_slice %arg6[%dma_wait3A_310] : memref<20480xi32, #tpu.memory_space<vmem>> -> memref<64xi32, #tpu.memory_space<vmem>>
        %dma_wait3A_312 = arith.constant 0 : i32
        %dma_wait3A_313 = arith.constant 0 : i32
        %dma_wait3A_314 = tpu.memref_slice %arg2[%dma_wait3A_312, %dma_wait3A_313] : memref<20480x128xf32, #tpu.memory_space<hbm>> -> memref<20480x128xf32, #tpu.memory_space<hbm>>
        tpu.wait_indirect_dma semaphore(%arg18 : memref<!tpu.dma_semaphore, #tpu.memory_space<semaphore_mem>>) src(%dma_wait3A_314 : memref<20480x128xf32, #tpu.memory_space<hbm>>) dst(%arg10 : memref<64x128xf32, #tpu.memory_space<vmem>>)
        %jit3A_315 = arith.constant 320 : i32
        %eq3A_316 = arith.constant 0 : i32
        %eq3A_317 = arith.cmpi eq, %jit3A_315, %eq3A_316 : i32
        %jit3A_318 = arith.constant 1 : i32
        %select_n3A_319 = arith.select %eq3A_317, %jit3A_318, %jit3A_315 : i32
        %rem3A_320 = arith.remsi %add3A_309, %select_n3A_319 : i32
        %ne3A_321 = arith.constant 0 : i32
        %ne3A_322 = arith.cmpi ne, %rem3A_320, %ne3A_321 : i32
        %lt3A_323 = arith.constant 0 : i32
        %lt3A_324 = arith.cmpi slt, %rem3A_320, %lt3A_323 : i32
        %lt3A_325 = arith.constant 0 : i32
        %lt3A_326 = arith.cmpi slt, %select_n3A_319, %lt3A_325 : i32
        %ne3A_327 = arith.xori %lt3A_324, %lt3A_326 : i1
        %and3A_328 = arith.andi %ne3A_327, %ne3A_322 : i1
        %add3A_329 = arith.addi %rem3A_320, %select_n3A_319 : i32
        %select_n3A_330 = arith.select %and3A_328, %add3A_329, %rem3A_320 : i32
        %mul3A_331 = arith.constant 64 : i32
        %mul3A_332 = arith.muli %select_n3A_330, %mul3A_331 : i32
        %add3A_333 = arith.addi %mul3A_11, %mul3A_332 : i32
        %dma_start3A_334 = arith.constant 0 : i32
        %dma_start3A_335 = arith.constant 0 : i32
        %dma_start3A_336 = tpu.memref_slice %arg5[%dma_start3A_334, %add3A_333, %dma_start3A_335] : memref<2x327680x128xf32, #tpu.memory_space<hbm>> -> memref<1x64x128xf32, #tpu.memory_space<hbm>>
        %dma_start3A_337 = tpu.memref_squeeze %dma_start3A_336 : memref<1x64x128xf32, #tpu.memory_space<hbm>> -> memref<64x128xf32, #tpu.memory_space<hbm>>
        %dma_start3A_338 = arith.constant 0 : i32
        %dma_start3A_339 = tpu.memref_slice %arg5[%dma_start3A_334, %add3A_333, %dma_start3A_338] : memref<2x327680x128xf32, #tpu.memory_space<hbm>> -> memref<1x64x128xf32, #tpu.memory_space<hbm>>
        %dma_start3A_340 = tpu.memref_squeeze %dma_start3A_339 : memref<1x64x128xf32, #tpu.memory_space<hbm>> -> memref<64x128xf32, #tpu.memory_space<hbm>>
        tpu.enqueue_dma source(%arg10 : memref<64x128xf32, #tpu.memory_space<vmem>>) target(%dma_start3A_340 : memref<64x128xf32, #tpu.memory_space<hbm>>) target_semaphore(%arg26 : memref<!tpu.dma_semaphore, #tpu.memory_space<semaphore_mem>>)
        %gt3A_341 = arith.constant 0 : i32
        %gt3A_342 = arith.cmpi sgt, %scan3A_114, %gt3A_341 : i32
        %convert_element_type3A_343 = arith.extui %gt3A_342 : i1 to i32
        %cond3A_344 = arith.constant 0 : i32
        %cond3A_345 = arith.cmpi ne, %convert_element_type3A_343, %cond3A_344 : i32
        scf.if %cond3A_345 {
          %dma_wait3A_530 = arith.constant 0 : i32
          %dma_wait3A_531 = arith.constant 0 : i32
          %dma_wait3A_532 = arith.constant 0 : i32
          %dma_wait3A_533 = tpu.memref_slice %arg5[%dma_wait3A_530, %dma_wait3A_531, %dma_wait3A_532] : memref<2x327680x128xf32, #tpu.memory_space<hbm>> -> memref<1x64x128xf32, #tpu.memory_space<hbm>>
          %dma_wait3A_534 = tpu.memref_squeeze %dma_wait3A_533 : memref<1x64x128xf32, #tpu.memory_space<hbm>> -> memref<64x128xf32, #tpu.memory_space<hbm>>
          %dma_wait3A_535 = arith.constant 0 : i32
          %dma_wait3A_536 = arith.constant 0 : i32
          %dma_wait3A_537 = tpu.memref_slice %arg5[%dma_wait3A_530, %dma_wait3A_535, %dma_wait3A_536] : memref<2x327680x128xf32, #tpu.memory_space<hbm>> -> memref<1x64x128xf32, #tpu.memory_space<hbm>>
          %dma_wait3A_538 = tpu.memref_squeeze %dma_wait3A_537 : memref<1x64x128xf32, #tpu.memory_space<hbm>> -> memref<64x128xf32, #tpu.memory_space<hbm>>
          tpu.wait_dma2 semaphore(%arg30 : memref<!tpu.dma_semaphore, #tpu.memory_space<semaphore_mem>>) src(%arg14 : memref<64x128xf32, #tpu.memory_space<vmem>>) dst(%dma_wait3A_538 : memref<64x128xf32, #tpu.memory_space<hbm>>)
        } else {
        }
        %add3A_346 = arith.constant 4 : i32
        %add3A_347 = arith.addi %add3A_309, %add3A_346 : i32
        %jit3A_348 = arith.constant 320 : i32
        %eq3A_349 = arith.constant 0 : i32
        %eq3A_350 = arith.cmpi eq, %jit3A_348, %eq3A_349 : i32
        %jit3A_351 = arith.constant 1 : i32
        %select_n3A_352 = arith.select %eq3A_350, %jit3A_351, %jit3A_348 : i32
        %rem3A_353 = arith.remsi %add3A_347, %select_n3A_352 : i32
        %ne3A_354 = arith.constant 0 : i32
        %ne3A_355 = arith.cmpi ne, %rem3A_353, %ne3A_354 : i32
        %lt3A_356 = arith.constant 0 : i32
        %lt3A_357 = arith.cmpi slt, %rem3A_353, %lt3A_356 : i32
        %lt3A_358 = arith.constant 0 : i32
        %lt3A_359 = arith.cmpi slt, %select_n3A_352, %lt3A_358 : i32
        %ne3A_360 = arith.xori %lt3A_357, %lt3A_359 : i1
        %and3A_361 = arith.andi %ne3A_360, %ne3A_355 : i1
        %add3A_362 = arith.addi %rem3A_353, %select_n3A_352 : i32
        %select_n3A_363 = arith.select %and3A_361, %add3A_362, %rem3A_353 : i32
        %mul3A_364 = arith.constant 64 : i32
        %mul3A_365 = arith.muli %select_n3A_363, %mul3A_364 : i32
        %dma_start3A_366 = tpu.memref_slice %arg6[%mul3A_365] : memref<20480xi32, #tpu.memory_space<vmem>> -> memref<64xi32, #tpu.memory_space<vmem>>
        %dma_start3A_367 = arith.constant 0 : i32
        %dma_start3A_368 = arith.constant 0 : i32
        %dma_start3A_369 = tpu.memref_slice %arg2[%dma_start3A_367, %dma_start3A_368] : memref<20480x128xf32, #tpu.memory_space<hbm>> -> memref<20480x128xf32, #tpu.memory_space<hbm>>
        tpu.enqueue_indirect_dma source(%dma_start3A_369 : memref<20480x128xf32, #tpu.memory_space<hbm>>) target(%arg14 : memref<64x128xf32, #tpu.memory_space<vmem>>) offsets(%dma_start3A_366 : memref<64xi32, #tpu.memory_space<vmem>>) semaphore(%arg22 : memref<!tpu.dma_semaphore, #tpu.memory_space<semaphore_mem>>)
        %mul3A_370 = arith.constant 8 : i32
        %mul3A_371 = arith.muli %mul3A_370, %scan3A_114 : i32
        %add3A_372 = arith.constant 4 : i32
        %add3A_373 = arith.addi %mul3A_371, %add3A_372 : i32
        %dma_wait3A_374 = arith.constant 0 : i32
        %dma_wait3A_375 = tpu.memref_slice %arg6[%dma_wait3A_374] : memref<20480xi32, #tpu.memory_space<vmem>> -> memref<64xi32, #tpu.memory_space<vmem>>
        %dma_wait3A_376 = arith.constant 0 : i32
        %dma_wait3A_377 = arith.constant 0 : i32
        %dma_wait3A_378 = tpu.memref_slice %arg2[%dma_wait3A_376, %dma_wait3A_377] : memref<20480x128xf32, #tpu.memory_space<hbm>> -> memref<20480x128xf32, #tpu.memory_space<hbm>>
        tpu.wait_indirect_dma semaphore(%arg19 : memref<!tpu.dma_semaphore, #tpu.memory_space<semaphore_mem>>) src(%dma_wait3A_378 : memref<20480x128xf32, #tpu.memory_space<hbm>>) dst(%arg11 : memref<64x128xf32, #tpu.memory_space<vmem>>)
        %jit3A_379 = arith.constant 320 : i32
        %eq3A_380 = arith.constant 0 : i32
        %eq3A_381 = arith.cmpi eq, %jit3A_379, %eq3A_380 : i32
        %jit3A_382 = arith.constant 1 : i32
        %select_n3A_383 = arith.select %eq3A_381, %jit3A_382, %jit3A_379 : i32
        %rem3A_384 = arith.remsi %add3A_373, %select_n3A_383 : i32
        %ne3A_385 = arith.constant 0 : i32
        %ne3A_386 = arith.cmpi ne, %rem3A_384, %ne3A_385 : i32
        %lt3A_387 = arith.constant 0 : i32
        %lt3A_388 = arith.cmpi slt, %rem3A_384, %lt3A_387 : i32
        %lt3A_389 = arith.constant 0 : i32
        %lt3A_390 = arith.cmpi slt, %select_n3A_383, %lt3A_389 : i32
        %ne3A_391 = arith.xori %lt3A_388, %lt3A_390 : i1
        %and3A_392 = arith.andi %ne3A_391, %ne3A_386 : i1
        %add3A_393 = arith.addi %rem3A_384, %select_n3A_383 : i32
        %select_n3A_394 = arith.select %and3A_392, %add3A_393, %rem3A_384 : i32
        %mul3A_395 = arith.constant 64 : i32
        %mul3A_396 = arith.muli %select_n3A_394, %mul3A_395 : i32
        %add3A_397 = arith.addi %mul3A_11, %mul3A_396 : i32
        %dma_start3A_398 = arith.constant 0 : i32
        %dma_start3A_399 = arith.constant 0 : i32
        %dma_start3A_400 = tpu.memref_slice %arg5[%dma_start3A_398, %add3A_397, %dma_start3A_399] : memref<2x327680x128xf32, #tpu.memory_space<hbm>> -> memref<1x64x128xf32, #tpu.memory_space<hbm>>
        %dma_start3A_401 = tpu.memref_squeeze %dma_start3A_400 : memref<1x64x128xf32, #tpu.memory_space<hbm>> -> memref<64x128xf32, #tpu.memory_space<hbm>>
        %dma_start3A_402 = arith.constant 0 : i32
        %dma_start3A_403 = tpu.memref_slice %arg5[%dma_start3A_398, %add3A_397, %dma_start3A_402] : memref<2x327680x128xf32, #tpu.memory_space<hbm>> -> memref<1x64x128xf32, #tpu.memory_space<hbm>>
        %dma_start3A_404 = tpu.memref_squeeze %dma_start3A_403 : memref<1x64x128xf32, #tpu.memory_space<hbm>> -> memref<64x128xf32, #tpu.memory_space<hbm>>
        tpu.enqueue_dma source(%arg11 : memref<64x128xf32, #tpu.memory_space<vmem>>) target(%dma_start3A_404 : memref<64x128xf32, #tpu.memory_space<hbm>>) target_semaphore(%arg27 : memref<!tpu.dma_semaphore, #tpu.memory_space<semaphore_mem>>)
        %lt3A_405 = arith.constant 39 : i32
        %lt3A_406 = arith.cmpi slt, %scan3A_114, %lt3A_405 : i32
        %convert_element_type3A_407 = arith.extui %lt3A_406 : i1 to i32
        %cond3A_408 = arith.constant 0 : i32
        %cond3A_409 = arith.cmpi ne, %convert_element_type3A_407, %cond3A_408 : i32
        scf.if %cond3A_409 {
          %dma_wait3A_530 = arith.constant 0 : i32
          %dma_wait3A_531 = arith.constant 0 : i32
          %dma_wait3A_532 = arith.constant 0 : i32
          %dma_wait3A_533 = tpu.memref_slice %arg5[%dma_wait3A_530, %dma_wait3A_531, %dma_wait3A_532] : memref<2x327680x128xf32, #tpu.memory_space<hbm>> -> memref<1x64x128xf32, #tpu.memory_space<hbm>>
          %dma_wait3A_534 = tpu.memref_squeeze %dma_wait3A_533 : memref<1x64x128xf32, #tpu.memory_space<hbm>> -> memref<64x128xf32, #tpu.memory_space<hbm>>
          %dma_wait3A_535 = arith.constant 0 : i32
          %dma_wait3A_536 = arith.constant 0 : i32
          %dma_wait3A_537 = tpu.memref_slice %arg5[%dma_wait3A_530, %dma_wait3A_535, %dma_wait3A_536] : memref<2x327680x128xf32, #tpu.memory_space<hbm>> -> memref<1x64x128xf32, #tpu.memory_space<hbm>>
          %dma_wait3A_538 = tpu.memref_squeeze %dma_wait3A_537 : memref<1x64x128xf32, #tpu.memory_space<hbm>> -> memref<64x128xf32, #tpu.memory_space<hbm>>
          tpu.wait_dma2 semaphore(%arg23 : memref<!tpu.dma_semaphore, #tpu.memory_space<semaphore_mem>>) src(%arg7 : memref<64x128xf32, #tpu.memory_space<vmem>>) dst(%dma_wait3A_538 : memref<64x128xf32, #tpu.memory_space<hbm>>)
          %add3A_539 = arith.constant 4 : i32
          %add3A_540 = arith.addi %add3A_373, %add3A_539 : i32
          %jit3A_541 = arith.constant 320 : i32
          %eq3A_542 = arith.constant 0 : i32
          %eq3A_543 = arith.cmpi eq, %jit3A_541, %eq3A_542 : i32
          %jit3A_544 = arith.constant 1 : i32
          %select_n3A_545 = arith.select %eq3A_543, %jit3A_544, %jit3A_541 : i32
          %rem3A_546 = arith.remsi %add3A_540, %select_n3A_545 : i32
          %ne3A_547 = arith.constant 0 : i32
          %ne3A_548 = arith.cmpi ne, %rem3A_546, %ne3A_547 : i32
          %lt3A_549 = arith.constant 0 : i32
          %lt3A_550 = arith.cmpi slt, %rem3A_546, %lt3A_549 : i32
          %lt3A_551 = arith.constant 0 : i32
          %lt3A_552 = arith.cmpi slt, %select_n3A_545, %lt3A_551 : i32
          %ne3A_553 = arith.xori %lt3A_550, %lt3A_552 : i1
          %and3A_554 = arith.andi %ne3A_553, %ne3A_548 : i1
          %add3A_555 = arith.addi %rem3A_546, %select_n3A_545 : i32
          %select_n3A_556 = arith.select %and3A_554, %add3A_555, %rem3A_546 : i32
          %mul3A_557 = arith.constant 64 : i32
          %mul3A_558 = arith.muli %select_n3A_556, %mul3A_557 : i32
          %dma_start3A_559 = tpu.memref_slice %arg6[%mul3A_558] : memref<20480xi32, #tpu.memory_space<vmem>> -> memref<64xi32, #tpu.memory_space<vmem>>
          %dma_start3A_560 = arith.constant 0 : i32
          %dma_start3A_561 = arith.constant 0 : i32
          %dma_start3A_562 = tpu.memref_slice %arg2[%dma_start3A_560, %dma_start3A_561] : memref<20480x128xf32, #tpu.memory_space<hbm>> -> memref<20480x128xf32, #tpu.memory_space<hbm>>
          tpu.enqueue_indirect_dma source(%dma_start3A_562 : memref<20480x128xf32, #tpu.memory_space<hbm>>) target(%arg7 : memref<64x128xf32, #tpu.memory_space<vmem>>) offsets(%dma_start3A_559 : memref<64xi32, #tpu.memory_space<vmem>>) semaphore(%arg15 : memref<!tpu.dma_semaphore, #tpu.memory_space<semaphore_mem>>)
        } else {
        }
        %mul3A_410 = arith.constant 8 : i32
        %mul3A_411 = arith.muli %mul3A_410, %scan3A_114 : i32
        %add3A_412 = arith.constant 5 : i32
        %add3A_413 = arith.addi %mul3A_411, %add3A_412 : i32
        %dma_wait3A_414 = arith.constant 0 : i32
        %dma_wait3A_415 = tpu.memref_slice %arg6[%dma_wait3A_414] : memref<20480xi32, #tpu.memory_space<vmem>> -> memref<64xi32, #tpu.memory_space<vmem>>
        %dma_wait3A_416 = arith.constant 0 : i32
        %dma_wait3A_417 = arith.constant 0 : i32
        %dma_wait3A_418 = tpu.memref_slice %arg2[%dma_wait3A_416, %dma_wait3A_417] : memref<20480x128xf32, #tpu.memory_space<hbm>> -> memref<20480x128xf32, #tpu.memory_space<hbm>>
        tpu.wait_indirect_dma semaphore(%arg20 : memref<!tpu.dma_semaphore, #tpu.memory_space<semaphore_mem>>) src(%dma_wait3A_418 : memref<20480x128xf32, #tpu.memory_space<hbm>>) dst(%arg12 : memref<64x128xf32, #tpu.memory_space<vmem>>)
        %jit3A_419 = arith.constant 320 : i32
        %eq3A_420 = arith.constant 0 : i32
        %eq3A_421 = arith.cmpi eq, %jit3A_419, %eq3A_420 : i32
        %jit3A_422 = arith.constant 1 : i32
        %select_n3A_423 = arith.select %eq3A_421, %jit3A_422, %jit3A_419 : i32
        %rem3A_424 = arith.remsi %add3A_413, %select_n3A_423 : i32
        %ne3A_425 = arith.constant 0 : i32
        %ne3A_426 = arith.cmpi ne, %rem3A_424, %ne3A_425 : i32
        %lt3A_427 = arith.constant 0 : i32
        %lt3A_428 = arith.cmpi slt, %rem3A_424, %lt3A_427 : i32
        %lt3A_429 = arith.constant 0 : i32
        %lt3A_430 = arith.cmpi slt, %select_n3A_423, %lt3A_429 : i32
        %ne3A_431 = arith.xori %lt3A_428, %lt3A_430 : i1
        %and3A_432 = arith.andi %ne3A_431, %ne3A_426 : i1
        %add3A_433 = arith.addi %rem3A_424, %select_n3A_423 : i32
        %select_n3A_434 = arith.select %and3A_432, %add3A_433, %rem3A_424 : i32
        %mul3A_435 = arith.constant 64 : i32
        %mul3A_436 = arith.muli %select_n3A_434, %mul3A_435 : i32
        %add3A_437 = arith.addi %mul3A_11, %mul3A_436 : i32
        %dma_start3A_438 = arith.constant 0 : i32
        %dma_start3A_439 = arith.constant 0 : i32
        %dma_start3A_440 = tpu.memref_slice %arg5[%dma_start3A_438, %add3A_437, %dma_start3A_439] : memref<2x327680x128xf32, #tpu.memory_space<hbm>> -> memref<1x64x128xf32, #tpu.memory_space<hbm>>
        %dma_start3A_441 = tpu.memref_squeeze %dma_start3A_440 : memref<1x64x128xf32, #tpu.memory_space<hbm>> -> memref<64x128xf32, #tpu.memory_space<hbm>>
        %dma_start3A_442 = arith.constant 0 : i32
        %dma_start3A_443 = tpu.memref_slice %arg5[%dma_start3A_438, %add3A_437, %dma_start3A_442] : memref<2x327680x128xf32, #tpu.memory_space<hbm>> -> memref<1x64x128xf32, #tpu.memory_space<hbm>>
        %dma_start3A_444 = tpu.memref_squeeze %dma_start3A_443 : memref<1x64x128xf32, #tpu.memory_space<hbm>> -> memref<64x128xf32, #tpu.memory_space<hbm>>
        tpu.enqueue_dma source(%arg12 : memref<64x128xf32, #tpu.memory_space<vmem>>) target(%dma_start3A_444 : memref<64x128xf32, #tpu.memory_space<hbm>>) target_semaphore(%arg28 : memref<!tpu.dma_semaphore, #tpu.memory_space<semaphore_mem>>)
        %lt3A_445 = arith.constant 39 : i32
        %lt3A_446 = arith.cmpi slt, %scan3A_114, %lt3A_445 : i32
        %convert_element_type3A_447 = arith.extui %lt3A_446 : i1 to i32
        %cond3A_448 = arith.constant 0 : i32
        %cond3A_449 = arith.cmpi ne, %convert_element_type3A_447, %cond3A_448 : i32
        scf.if %cond3A_449 {
          %dma_wait3A_530 = arith.constant 0 : i32
          %dma_wait3A_531 = arith.constant 0 : i32
          %dma_wait3A_532 = arith.constant 0 : i32
          %dma_wait3A_533 = tpu.memref_slice %arg5[%dma_wait3A_530, %dma_wait3A_531, %dma_wait3A_532] : memref<2x327680x128xf32, #tpu.memory_space<hbm>> -> memref<1x64x128xf32, #tpu.memory_space<hbm>>
          %dma_wait3A_534 = tpu.memref_squeeze %dma_wait3A_533 : memref<1x64x128xf32, #tpu.memory_space<hbm>> -> memref<64x128xf32, #tpu.memory_space<hbm>>
          %dma_wait3A_535 = arith.constant 0 : i32
          %dma_wait3A_536 = arith.constant 0 : i32
          %dma_wait3A_537 = tpu.memref_slice %arg5[%dma_wait3A_530, %dma_wait3A_535, %dma_wait3A_536] : memref<2x327680x128xf32, #tpu.memory_space<hbm>> -> memref<1x64x128xf32, #tpu.memory_space<hbm>>
          %dma_wait3A_538 = tpu.memref_squeeze %dma_wait3A_537 : memref<1x64x128xf32, #tpu.memory_space<hbm>> -> memref<64x128xf32, #tpu.memory_space<hbm>>
          tpu.wait_dma2 semaphore(%arg24 : memref<!tpu.dma_semaphore, #tpu.memory_space<semaphore_mem>>) src(%arg8 : memref<64x128xf32, #tpu.memory_space<vmem>>) dst(%dma_wait3A_538 : memref<64x128xf32, #tpu.memory_space<hbm>>)
          %add3A_539 = arith.constant 4 : i32
          %add3A_540 = arith.addi %add3A_413, %add3A_539 : i32
          %jit3A_541 = arith.constant 320 : i32
          %eq3A_542 = arith.constant 0 : i32
          %eq3A_543 = arith.cmpi eq, %jit3A_541, %eq3A_542 : i32
          %jit3A_544 = arith.constant 1 : i32
          %select_n3A_545 = arith.select %eq3A_543, %jit3A_544, %jit3A_541 : i32
          %rem3A_546 = arith.remsi %add3A_540, %select_n3A_545 : i32
          %ne3A_547 = arith.constant 0 : i32
          %ne3A_548 = arith.cmpi ne, %rem3A_546, %ne3A_547 : i32
          %lt3A_549 = arith.constant 0 : i32
          %lt3A_550 = arith.cmpi slt, %rem3A_546, %lt3A_549 : i32
          %lt3A_551 = arith.constant 0 : i32
          %lt3A_552 = arith.cmpi slt, %select_n3A_545, %lt3A_551 : i32
          %ne3A_553 = arith.xori %lt3A_550, %lt3A_552 : i1
          %and3A_554 = arith.andi %ne3A_553, %ne3A_548 : i1
          %add3A_555 = arith.addi %rem3A_546, %select_n3A_545 : i32
          %select_n3A_556 = arith.select %and3A_554, %add3A_555, %rem3A_546 : i32
          %mul3A_557 = arith.constant 64 : i32
          %mul3A_558 = arith.muli %select_n3A_556, %mul3A_557 : i32
          %dma_start3A_559 = tpu.memref_slice %arg6[%mul3A_558] : memref<20480xi32, #tpu.memory_space<vmem>> -> memref<64xi32, #tpu.memory_space<vmem>>
          %dma_start3A_560 = arith.constant 0 : i32
          %dma_start3A_561 = arith.constant 0 : i32
          %dma_start3A_562 = tpu.memref_slice %arg2[%dma_start3A_560, %dma_start3A_561] : memref<20480x128xf32, #tpu.memory_space<hbm>> -> memref<20480x128xf32, #tpu.memory_space<hbm>>
          tpu.enqueue_indirect_dma source(%dma_start3A_562 : memref<20480x128xf32, #tpu.memory_space<hbm>>) target(%arg8 : memref<64x128xf32, #tpu.memory_space<vmem>>) offsets(%dma_start3A_559 : memref<64xi32, #tpu.memory_space<vmem>>) semaphore(%arg16 : memref<!tpu.dma_semaphore, #tpu.memory_space<semaphore_mem>>)
        } else {
        }
        %mul3A_450 = arith.constant 8 : i32
        %mul3A_451 = arith.muli %mul3A_450, %scan3A_114 : i32
        %add3A_452 = arith.constant 6 : i32
        %add3A_453 = arith.addi %mul3A_451, %add3A_452 : i32
        %dma_wait3A_454 = arith.constant 0 : i32
        %dma_wait3A_455 = tpu.memref_slice %arg6[%dma_wait3A_454] : memref<20480xi32, #tpu.memory_space<vmem>> -> memref<64xi32, #tpu.memory_space<vmem>>
        %dma_wait3A_456 = arith.constant 0 : i32
        %dma_wait3A_457 = arith.constant 0 : i32
        %dma_wait3A_458 = tpu.memref_slice %arg2[%dma_wait3A_456, %dma_wait3A_457] : memref<20480x128xf32, #tpu.memory_space<hbm>> -> memref<20480x128xf32, #tpu.memory_space<hbm>>
        tpu.wait_indirect_dma semaphore(%arg21 : memref<!tpu.dma_semaphore, #tpu.memory_space<semaphore_mem>>) src(%dma_wait3A_458 : memref<20480x128xf32, #tpu.memory_space<hbm>>) dst(%arg13 : memref<64x128xf32, #tpu.memory_space<vmem>>)
        %jit3A_459 = arith.constant 320 : i32
        %eq3A_460 = arith.constant 0 : i32
        %eq3A_461 = arith.cmpi eq, %jit3A_459, %eq3A_460 : i32
        %jit3A_462 = arith.constant 1 : i32
        %select_n3A_463 = arith.select %eq3A_461, %jit3A_462, %jit3A_459 : i32
        %rem3A_464 = arith.remsi %add3A_453, %select_n3A_463 : i32
        %ne3A_465 = arith.constant 0 : i32
        %ne3A_466 = arith.cmpi ne, %rem3A_464, %ne3A_465 : i32
        %lt3A_467 = arith.constant 0 : i32
        %lt3A_468 = arith.cmpi slt, %rem3A_464, %lt3A_467 : i32
        %lt3A_469 = arith.constant 0 : i32
        %lt3A_470 = arith.cmpi slt, %select_n3A_463, %lt3A_469 : i32
        %ne3A_471 = arith.xori %lt3A_468, %lt3A_470 : i1
        %and3A_472 = arith.andi %ne3A_471, %ne3A_466 : i1
        %add3A_473 = arith.addi %rem3A_464, %select_n3A_463 : i32
        %select_n3A_474 = arith.select %and3A_472, %add3A_473, %rem3A_464 : i32
        %mul3A_475 = arith.constant 64 : i32
        %mul3A_476 = arith.muli %select_n3A_474, %mul3A_475 : i32
        %add3A_477 = arith.addi %mul3A_11, %mul3A_476 : i32
        %dma_start3A_478 = arith.constant 0 : i32
        %dma_start3A_479 = arith.constant 0 : i32
        %dma_start3A_480 = tpu.memref_slice %arg5[%dma_start3A_478, %add3A_477, %dma_start3A_479] : memref<2x327680x128xf32, #tpu.memory_space<hbm>> -> memref<1x64x128xf32, #tpu.memory_space<hbm>>
        %dma_start3A_481 = tpu.memref_squeeze %dma_start3A_480 : memref<1x64x128xf32, #tpu.memory_space<hbm>> -> memref<64x128xf32, #tpu.memory_space<hbm>>
        %dma_start3A_482 = arith.constant 0 : i32
        %dma_start3A_483 = tpu.memref_slice %arg5[%dma_start3A_478, %add3A_477, %dma_start3A_482] : memref<2x327680x128xf32, #tpu.memory_space<hbm>> -> memref<1x64x128xf32, #tpu.memory_space<hbm>>
        %dma_start3A_484 = tpu.memref_squeeze %dma_start3A_483 : memref<1x64x128xf32, #tpu.memory_space<hbm>> -> memref<64x128xf32, #tpu.memory_space<hbm>>
        tpu.enqueue_dma source(%arg13 : memref<64x128xf32, #tpu.memory_space<vmem>>) target(%dma_start3A_484 : memref<64x128xf32, #tpu.memory_space<hbm>>) target_semaphore(%arg29 : memref<!tpu.dma_semaphore, #tpu.memory_space<semaphore_mem>>)
        %lt3A_485 = arith.constant 39 : i32
        %lt3A_486 = arith.cmpi slt, %scan3A_114, %lt3A_485 : i32
        %convert_element_type3A_487 = arith.extui %lt3A_486 : i1 to i32
        %cond3A_488 = arith.constant 0 : i32
        %cond3A_489 = arith.cmpi ne, %convert_element_type3A_487, %cond3A_488 : i32
        scf.if %cond3A_489 {
          %dma_wait3A_530 = arith.constant 0 : i32
          %dma_wait3A_531 = arith.constant 0 : i32
          %dma_wait3A_532 = arith.constant 0 : i32
          %dma_wait3A_533 = tpu.memref_slice %arg5[%dma_wait3A_530, %dma_wait3A_531, %dma_wait3A_532] : memref<2x327680x128xf32, #tpu.memory_space<hbm>> -> memref<1x64x128xf32, #tpu.memory_space<hbm>>
          %dma_wait3A_534 = tpu.memref_squeeze %dma_wait3A_533 : memref<1x64x128xf32, #tpu.memory_space<hbm>> -> memref<64x128xf32, #tpu.memory_space<hbm>>
          %dma_wait3A_535 = arith.constant 0 : i32
          %dma_wait3A_536 = arith.constant 0 : i32
          %dma_wait3A_537 = tpu.memref_slice %arg5[%dma_wait3A_530, %dma_wait3A_535, %dma_wait3A_536] : memref<2x327680x128xf32, #tpu.memory_space<hbm>> -> memref<1x64x128xf32, #tpu.memory_space<hbm>>
          %dma_wait3A_538 = tpu.memref_squeeze %dma_wait3A_537 : memref<1x64x128xf32, #tpu.memory_space<hbm>> -> memref<64x128xf32, #tpu.memory_space<hbm>>
          tpu.wait_dma2 semaphore(%arg25 : memref<!tpu.dma_semaphore, #tpu.memory_space<semaphore_mem>>) src(%arg9 : memref<64x128xf32, #tpu.memory_space<vmem>>) dst(%dma_wait3A_538 : memref<64x128xf32, #tpu.memory_space<hbm>>)
          %add3A_539 = arith.constant 4 : i32
          %add3A_540 = arith.addi %add3A_453, %add3A_539 : i32
          %jit3A_541 = arith.constant 320 : i32
          %eq3A_542 = arith.constant 0 : i32
          %eq3A_543 = arith.cmpi eq, %jit3A_541, %eq3A_542 : i32
          %jit3A_544 = arith.constant 1 : i32
          %select_n3A_545 = arith.select %eq3A_543, %jit3A_544, %jit3A_541 : i32
          %rem3A_546 = arith.remsi %add3A_540, %select_n3A_545 : i32
          %ne3A_547 = arith.constant 0 : i32
          %ne3A_548 = arith.cmpi ne, %rem3A_546, %ne3A_547 : i32
          %lt3A_549 = arith.constant 0 : i32
          %lt3A_550 = arith.cmpi slt, %rem3A_546, %lt3A_549 : i32
          %lt3A_551 = arith.constant 0 : i32
          %lt3A_552 = arith.cmpi slt, %select_n3A_545, %lt3A_551 : i32
          %ne3A_553 = arith.xori %lt3A_550, %lt3A_552 : i1
          %and3A_554 = arith.andi %ne3A_553, %ne3A_548 : i1
          %add3A_555 = arith.addi %rem3A_546, %select_n3A_545 : i32
          %select_n3A_556 = arith.select %and3A_554, %add3A_555, %rem3A_546 : i32
          %mul3A_557 = arith.constant 64 : i32
          %mul3A_558 = arith.muli %select_n3A_556, %mul3A_557 : i32
          %dma_start3A_559 = tpu.memref_slice %arg6[%mul3A_558] : memref<20480xi32, #tpu.memory_space<vmem>> -> memref<64xi32, #tpu.memory_space<vmem>>
          %dma_start3A_560 = arith.constant 0 : i32
          %dma_start3A_561 = arith.constant 0 : i32
          %dma_start3A_562 = tpu.memref_slice %arg2[%dma_start3A_560, %dma_start3A_561] : memref<20480x128xf32, #tpu.memory_space<hbm>> -> memref<20480x128xf32, #tpu.memory_space<hbm>>
          tpu.enqueue_indirect_dma source(%dma_start3A_562 : memref<20480x128xf32, #tpu.memory_space<hbm>>) target(%arg9 : memref<64x128xf32, #tpu.memory_space<vmem>>) offsets(%dma_start3A_559 : memref<64xi32, #tpu.memory_space<vmem>>) semaphore(%arg17 : memref<!tpu.dma_semaphore, #tpu.memory_space<semaphore_mem>>)
        } else {
        }
        %mul3A_490 = arith.constant 8 : i32
        %mul3A_491 = arith.muli %mul3A_490, %scan3A_114 : i32
        %add3A_492 = arith.constant 7 : i32
        %add3A_493 = arith.addi %mul3A_491, %add3A_492 : i32
        %dma_wait3A_494 = arith.constant 0 : i32
        %dma_wait3A_495 = tpu.memref_slice %arg6[%dma_wait3A_494] : memref<20480xi32, #tpu.memory_space<vmem>> -> memref<64xi32, #tpu.memory_space<vmem>>
        %dma_wait3A_496 = arith.constant 0 : i32
        %dma_wait3A_497 = arith.constant 0 : i32
        %dma_wait3A_498 = tpu.memref_slice %arg2[%dma_wait3A_496, %dma_wait3A_497] : memref<20480x128xf32, #tpu.memory_space<hbm>> -> memref<20480x128xf32, #tpu.memory_space<hbm>>
        tpu.wait_indirect_dma semaphore(%arg22 : memref<!tpu.dma_semaphore, #tpu.memory_space<semaphore_mem>>) src(%dma_wait3A_498 : memref<20480x128xf32, #tpu.memory_space<hbm>>) dst(%arg14 : memref<64x128xf32, #tpu.memory_space<vmem>>)
        %jit3A_499 = arith.constant 320 : i32
        %eq3A_500 = arith.constant 0 : i32
        %eq3A_501 = arith.cmpi eq, %jit3A_499, %eq3A_500 : i32
        %jit3A_502 = arith.constant 1 : i32
        %select_n3A_503 = arith.select %eq3A_501, %jit3A_502, %jit3A_499 : i32
        %rem3A_504 = arith.remsi %add3A_493, %select_n3A_503 : i32
        %ne3A_505 = arith.constant 0 : i32
        %ne3A_506 = arith.cmpi ne, %rem3A_504, %ne3A_505 : i32
        %lt3A_507 = arith.constant 0 : i32
        %lt3A_508 = arith.cmpi slt, %rem3A_504, %lt3A_507 : i32
        %lt3A_509 = arith.constant 0 : i32
        %lt3A_510 = arith.cmpi slt, %select_n3A_503, %lt3A_509 : i32
        %ne3A_511 = arith.xori %lt3A_508, %lt3A_510 : i1
        %and3A_512 = arith.andi %ne3A_511, %ne3A_506 : i1
        %add3A_513 = arith.addi %rem3A_504, %select_n3A_503 : i32
        %select_n3A_514 = arith.select %and3A_512, %add3A_513, %rem3A_504 : i32
        %mul3A_515 = arith.constant 64 : i32
        %mul3A_516 = arith.muli %select_n3A_514, %mul3A_515 : i32
        %add3A_517 = arith.addi %mul3A_11, %mul3A_516 : i32
        %dma_start3A_518 = arith.constant 0 : i32
        %dma_start3A_519 = arith.constant 0 : i32
        %dma_start3A_520 = tpu.memref_slice %arg5[%dma_start3A_518, %add3A_517, %dma_start3A_519] : memref<2x327680x128xf32, #tpu.memory_space<hbm>> -> memref<1x64x128xf32, #tpu.memory_space<hbm>>
        %dma_start3A_521 = tpu.memref_squeeze %dma_start3A_520 : memref<1x64x128xf32, #tpu.memory_space<hbm>> -> memref<64x128xf32, #tpu.memory_space<hbm>>
        %dma_start3A_522 = arith.constant 0 : i32
        %dma_start3A_523 = tpu.memref_slice %arg5[%dma_start3A_518, %add3A_517, %dma_start3A_522] : memref<2x327680x128xf32, #tpu.memory_space<hbm>> -> memref<1x64x128xf32, #tpu.memory_space<hbm>>
        %dma_start3A_524 = tpu.memref_squeeze %dma_start3A_523 : memref<1x64x128xf32, #tpu.memory_space<hbm>> -> memref<64x128xf32, #tpu.memory_space<hbm>>
        tpu.enqueue_dma source(%arg14 : memref<64x128xf32, #tpu.memory_space<vmem>>) target(%dma_start3A_524 : memref<64x128xf32, #tpu.memory_space<hbm>>) target_semaphore(%arg30 : memref<!tpu.dma_semaphore, #tpu.memory_space<semaphore_mem>>)
        %lt3A_525 = arith.constant 39 : i32
        %lt3A_526 = arith.cmpi slt, %scan3A_114, %lt3A_525 : i32
        %convert_element_type3A_527 = arith.extui %lt3A_526 : i1 to i32
        %cond3A_528 = arith.constant 0 : i32
        %cond3A_529 = arith.cmpi ne, %convert_element_type3A_527, %cond3A_528 : i32
        scf.if %cond3A_529 {
          %dma_wait3A_530 = arith.constant 0 : i32
          %dma_wait3A_531 = arith.constant 0 : i32
          %dma_wait3A_532 = arith.constant 0 : i32
          %dma_wait3A_533 = tpu.memref_slice %arg5[%dma_wait3A_530, %dma_wait3A_531, %dma_wait3A_532] : memref<2x327680x128xf32, #tpu.memory_space<hbm>> -> memref<1x64x128xf32, #tpu.memory_space<hbm>>
          %dma_wait3A_534 = tpu.memref_squeeze %dma_wait3A_533 : memref<1x64x128xf32, #tpu.memory_space<hbm>> -> memref<64x128xf32, #tpu.memory_space<hbm>>
          %dma_wait3A_535 = arith.constant 0 : i32
          %dma_wait3A_536 = arith.constant 0 : i32
          %dma_wait3A_537 = tpu.memref_slice %arg5[%dma_wait3A_530, %dma_wait3A_535, %dma_wait3A_536] : memref<2x327680x128xf32, #tpu.memory_space<hbm>> -> memref<1x64x128xf32, #tpu.memory_space<hbm>>
          %dma_wait3A_538 = tpu.memref_squeeze %dma_wait3A_537 : memref<1x64x128xf32, #tpu.memory_space<hbm>> -> memref<64x128xf32, #tpu.memory_space<hbm>>
          tpu.wait_dma2 semaphore(%arg26 : memref<!tpu.dma_semaphore, #tpu.memory_space<semaphore_mem>>) src(%arg10 : memref<64x128xf32, #tpu.memory_space<vmem>>) dst(%dma_wait3A_538 : memref<64x128xf32, #tpu.memory_space<hbm>>)
          %add3A_539 = arith.constant 4 : i32
          %add3A_540 = arith.addi %add3A_493, %add3A_539 : i32
          %jit3A_541 = arith.constant 320 : i32
          %eq3A_542 = arith.constant 0 : i32
          %eq3A_543 = arith.cmpi eq, %jit3A_541, %eq3A_542 : i32
          %jit3A_544 = arith.constant 1 : i32
          %select_n3A_545 = arith.select %eq3A_543, %jit3A_544, %jit3A_541 : i32
          %rem3A_546 = arith.remsi %add3A_540, %select_n3A_545 : i32
          %ne3A_547 = arith.constant 0 : i32
          %ne3A_548 = arith.cmpi ne, %rem3A_546, %ne3A_547 : i32
          %lt3A_549 = arith.constant 0 : i32
          %lt3A_550 = arith.cmpi slt, %rem3A_546, %lt3A_549 : i32
          %lt3A_551 = arith.constant 0 : i32
          %lt3A_552 = arith.cmpi slt, %select_n3A_545, %lt3A_551 : i32
          %ne3A_553 = arith.xori %lt3A_550, %lt3A_552 : i1
          %and3A_554 = arith.andi %ne3A_553, %ne3A_548 : i1
          %add3A_555 = arith.addi %rem3A_546, %select_n3A_545 : i32
          %select_n3A_556 = arith.select %and3A_554, %add3A_555, %rem3A_546 : i32
          %mul3A_557 = arith.constant 64 : i32
          %mul3A_558 = arith.muli %select_n3A_556, %mul3A_557 : i32
          %dma_start3A_559 = tpu.memref_slice %arg6[%mul3A_558] : memref<20480xi32, #tpu.memory_space<vmem>> -> memref<64xi32, #tpu.memory_space<vmem>>
          %dma_start3A_560 = arith.constant 0 : i32
          %dma_start3A_561 = arith.constant 0 : i32
          %dma_start3A_562 = tpu.memref_slice %arg2[%dma_start3A_560, %dma_start3A_561] : memref<20480x128xf32, #tpu.memory_space<hbm>> -> memref<20480x128xf32, #tpu.memory_space<hbm>>
          tpu.enqueue_indirect_dma source(%dma_start3A_562 : memref<20480x128xf32, #tpu.memory_space<hbm>>) target(%arg10 : memref<64x128xf32, #tpu.memory_space<vmem>>) offsets(%dma_start3A_559 : memref<64xi32, #tpu.memory_space<vmem>>) semaphore(%arg18 : memref<!tpu.dma_semaphore, #tpu.memory_space<semaphore_mem>>)
        } else {
        }
      }
      %scan3A_42 = arith.constant 40 : i32
      %dma_wait3A = arith.constant 0 : i32
      %dma_wait3A_43 = arith.constant 0 : i32
      %dma_wait3A_44 = arith.constant 0 : i32
      %dma_wait3A_45 = tpu.memref_slice %arg5[%dma_wait3A, %dma_wait3A_43, %dma_wait3A_44] : memref<2x327680x128xf32, #tpu.memory_space<hbm>> -> memref<1x64x128xf32, #tpu.memory_space<hbm>>
      %dma_wait3A_46 = tpu.memref_squeeze %dma_wait3A_45 : memref<1x64x128xf32, #tpu.memory_space<hbm>> -> memref<64x128xf32, #tpu.memory_space<hbm>>
      %dma_wait3A_47 = arith.constant 0 : i32
      %dma_wait3A_48 = arith.constant 0 : i32
      %dma_wait3A_49 = tpu.memref_slice %arg5[%dma_wait3A, %dma_wait3A_47, %dma_wait3A_48] : memref<2x327680x128xf32, #tpu.memory_space<hbm>> -> memref<1x64x128xf32, #tpu.memory_space<hbm>>
      %dma_wait3A_50 = tpu.memref_squeeze %dma_wait3A_49 : memref<1x64x128xf32, #tpu.memory_space<hbm>> -> memref<64x128xf32, #tpu.memory_space<hbm>>
      tpu.wait_dma2 semaphore(%arg23 : memref<!tpu.dma_semaphore, #tpu.memory_space<semaphore_mem>>) src(%arg7 : memref<64x128xf32, #tpu.memory_space<vmem>>) dst(%dma_wait3A_50 : memref<64x128xf32, #tpu.memory_space<hbm>>)
      %dma_wait3A_51 = arith.constant 0 : i32
      %dma_wait3A_52 = arith.constant 0 : i32
      %dma_wait3A_53 = arith.constant 0 : i32
      %dma_wait3A_54 = tpu.memref_slice %arg5[%dma_wait3A_51, %dma_wait3A_52, %dma_wait3A_53] : memref<2x327680x128xf32, #tpu.memory_space<hbm>> -> memref<1x64x128xf32, #tpu.memory_space<hbm>>
      %dma_wait3A_55 = tpu.memref_squeeze %dma_wait3A_54 : memref<1x64x128xf32, #tpu.memory_space<hbm>> -> memref<64x128xf32, #tpu.memory_space<hbm>>
      %dma_wait3A_56 = arith.constant 0 : i32
      %dma_wait3A_57 = arith.constant 0 : i32
      %dma_wait3A_58 = tpu.memref_slice %arg5[%dma_wait3A_51, %dma_wait3A_56, %dma_wait3A_57] : memref<2x327680x128xf32, #tpu.memory_space<hbm>> -> memref<1x64x128xf32, #tpu.memory_space<hbm>>
      %dma_wait3A_59 = tpu.memref_squeeze %dma_wait3A_58 : memref<1x64x128xf32, #tpu.memory_space<hbm>> -> memref<64x128xf32, #tpu.memory_space<hbm>>
      tpu.wait_dma2 semaphore(%arg24 : memref<!tpu.dma_semaphore, #tpu.memory_space<semaphore_mem>>) src(%arg8 : memref<64x128xf32, #tpu.memory_space<vmem>>) dst(%dma_wait3A_59 : memref<64x128xf32, #tpu.memory_space<hbm>>)
      %dma_wait3A_60 = arith.constant 0 : i32
      %dma_wait3A_61 = arith.constant 0 : i32
      %dma_wait3A_62 = arith.constant 0 : i32
      %dma_wait3A_63 = tpu.memref_slice %arg5[%dma_wait3A_60, %dma_wait3A_61, %dma_wait3A_62] : memref<2x327680x128xf32, #tpu.memory_space<hbm>> -> memref<1x64x128xf32, #tpu.memory_space<hbm>>
      %dma_wait3A_64 = tpu.memref_squeeze %dma_wait3A_63 : memref<1x64x128xf32, #tpu.memory_space<hbm>> -> memref<64x128xf32, #tpu.memory_space<hbm>>
      %dma_wait3A_65 = arith.constant 0 : i32
      %dma_wait3A_66 = arith.constant 0 : i32
      %dma_wait3A_67 = tpu.memref_slice %arg5[%dma_wait3A_60, %dma_wait3A_65, %dma_wait3A_66] : memref<2x327680x128xf32, #tpu.memory_space<hbm>> -> memref<1x64x128xf32, #tpu.memory_space<hbm>>
      %dma_wait3A_68 = tpu.memref_squeeze %dma_wait3A_67 : memref<1x64x128xf32, #tpu.memory_space<hbm>> -> memref<64x128xf32, #tpu.memory_space<hbm>>
      tpu.wait_dma2 semaphore(%arg25 : memref<!tpu.dma_semaphore, #tpu.memory_space<semaphore_mem>>) src(%arg9 : memref<64x128xf32, #tpu.memory_space<vmem>>) dst(%dma_wait3A_68 : memref<64x128xf32, #tpu.memory_space<hbm>>)
      %dma_wait3A_69 = arith.constant 0 : i32
      %dma_wait3A_70 = arith.constant 0 : i32
      %dma_wait3A_71 = arith.constant 0 : i32
      %dma_wait3A_72 = tpu.memref_slice %arg5[%dma_wait3A_69, %dma_wait3A_70, %dma_wait3A_71] : memref<2x327680x128xf32, #tpu.memory_space<hbm>> -> memref<1x64x128xf32, #tpu.memory_space<hbm>>
      %dma_wait3A_73 = tpu.memref_squeeze %dma_wait3A_72 : memref<1x64x128xf32, #tpu.memory_space<hbm>> -> memref<64x128xf32, #tpu.memory_space<hbm>>
      %dma_wait3A_74 = arith.constant 0 : i32
      %dma_wait3A_75 = arith.constant 0 : i32
      %dma_wait3A_76 = tpu.memref_slice %arg5[%dma_wait3A_69, %dma_wait3A_74, %dma_wait3A_75] : memref<2x327680x128xf32, #tpu.memory_space<hbm>> -> memref<1x64x128xf32, #tpu.memory_space<hbm>>
      %dma_wait3A_77 = tpu.memref_squeeze %dma_wait3A_76 : memref<1x64x128xf32, #tpu.memory_space<hbm>> -> memref<64x128xf32, #tpu.memory_space<hbm>>
      tpu.wait_dma2 semaphore(%arg26 : memref<!tpu.dma_semaphore, #tpu.memory_space<semaphore_mem>>) src(%arg10 : memref<64x128xf32, #tpu.memory_space<vmem>>) dst(%dma_wait3A_77 : memref<64x128xf32, #tpu.memory_space<hbm>>)
      %dma_wait3A_78 = arith.constant 0 : i32
      %dma_wait3A_79 = arith.constant 0 : i32
      %dma_wait3A_80 = arith.constant 0 : i32
      %dma_wait3A_81 = tpu.memref_slice %arg5[%dma_wait3A_78, %dma_wait3A_79, %dma_wait3A_80] : memref<2x327680x128xf32, #tpu.memory_space<hbm>> -> memref<1x64x128xf32, #tpu.memory_space<hbm>>
      %dma_wait3A_82 = tpu.memref_squeeze %dma_wait3A_81 : memref<1x64x128xf32, #tpu.memory_space<hbm>> -> memref<64x128xf32, #tpu.memory_space<hbm>>
      %dma_wait3A_83 = arith.constant 0 : i32
      %dma_wait3A_84 = arith.constant 0 : i32
      %dma_wait3A_85 = tpu.memref_slice %arg5[%dma_wait3A_78, %dma_wait3A_83, %dma_wait3A_84] : memref<2x327680x128xf32, #tpu.memory_space<hbm>> -> memref<1x64x128xf32, #tpu.memory_space<hbm>>
      %dma_wait3A_86 = tpu.memref_squeeze %dma_wait3A_85 : memref<1x64x128xf32, #tpu.memory_space<hbm>> -> memref<64x128xf32, #tpu.memory_space<hbm>>
      tpu.wait_dma2 semaphore(%arg27 : memref<!tpu.dma_semaphore, #tpu.memory_space<semaphore_mem>>) src(%arg11 : memref<64x128xf32, #tpu.memory_space<vmem>>) dst(%dma_wait3A_86 : memref<64x128xf32, #tpu.memory_space<hbm>>)
      %dma_wait3A_87 = arith.constant 0 : i32
      %dma_wait3A_88 = arith.constant 0 : i32
      %dma_wait3A_89 = arith.constant 0 : i32
      %dma_wait3A_90 = tpu.memref_slice %arg5[%dma_wait3A_87, %dma_wait3A_88, %dma_wait3A_89] : memref<2x327680x128xf32, #tpu.memory_space<hbm>> -> memref<1x64x128xf32, #tpu.memory_space<hbm>>
      %dma_wait3A_91 = tpu.memref_squeeze %dma_wait3A_90 : memref<1x64x128xf32, #tpu.memory_space<hbm>> -> memref<64x128xf32, #tpu.memory_space<hbm>>
      %dma_wait3A_92 = arith.constant 0 : i32
      %dma_wait3A_93 = arith.constant 0 : i32
      %dma_wait3A_94 = tpu.memref_slice %arg5[%dma_wait3A_87, %dma_wait3A_92, %dma_wait3A_93] : memref<2x327680x128xf32, #tpu.memory_space<hbm>> -> memref<1x64x128xf32, #tpu.memory_space<hbm>>
      %dma_wait3A_95 = tpu.memref_squeeze %dma_wait3A_94 : memref<1x64x128xf32, #tpu.memory_space<hbm>> -> memref<64x128xf32, #tpu.memory_space<hbm>>
      tpu.wait_dma2 semaphore(%arg28 : memref<!tpu.dma_semaphore, #tpu.memory_space<semaphore_mem>>) src(%arg12 : memref<64x128xf32, #tpu.memory_space<vmem>>) dst(%dma_wait3A_95 : memref<64x128xf32, #tpu.memory_space<hbm>>)
      %dma_wait3A_96 = arith.constant 0 : i32
      %dma_wait3A_97 = arith.constant 0 : i32
      %dma_wait3A_98 = arith.constant 0 : i32
      %dma_wait3A_99 = tpu.memref_slice %arg5[%dma_wait3A_96, %dma_wait3A_97, %dma_wait3A_98] : memref<2x327680x128xf32, #tpu.memory_space<hbm>> -> memref<1x64x128xf32, #tpu.memory_space<hbm>>
      %dma_wait3A_100 = tpu.memref_squeeze %dma_wait3A_99 : memref<1x64x128xf32, #tpu.memory_space<hbm>> -> memref<64x128xf32, #tpu.memory_space<hbm>>
      %dma_wait3A_101 = arith.constant 0 : i32
      %dma_wait3A_102 = arith.constant 0 : i32
      %dma_wait3A_103 = tpu.memref_slice %arg5[%dma_wait3A_96, %dma_wait3A_101, %dma_wait3A_102] : memref<2x327680x128xf32, #tpu.memory_space<hbm>> -> memref<1x64x128xf32, #tpu.memory_space<hbm>>
      %dma_wait3A_104 = tpu.memref_squeeze %dma_wait3A_103 : memref<1x64x128xf32, #tpu.memory_space<hbm>> -> memref<64x128xf32, #tpu.memory_space<hbm>>
      tpu.wait_dma2 semaphore(%arg29 : memref<!tpu.dma_semaphore, #tpu.memory_space<semaphore_mem>>) src(%arg13 : memref<64x128xf32, #tpu.memory_space<vmem>>) dst(%dma_wait3A_104 : memref<64x128xf32, #tpu.memory_space<hbm>>)
      %dma_wait3A_105 = arith.constant 0 : i32
      %dma_wait3A_106 = arith.constant 0 : i32
      %dma_wait3A_107 = arith.constant 0 : i32
      %dma_wait3A_108 = tpu.memref_slice %arg5[%dma_wait3A_105, %dma_wait3A_106, %dma_wait3A_107] : memref<2x327680x128xf32, #tpu.memory_space<hbm>> -> memref<1x64x128xf32, #tpu.memory_space<hbm>>
      %dma_wait3A_109 = tpu.memref_squeeze %dma_wait3A_108 : memref<1x64x128xf32, #tpu.memory_space<hbm>> -> memref<64x128xf32, #tpu.memory_space<hbm>>
      %dma_wait3A_110 = arith.constant 0 : i32
      %dma_wait3A_111 = arith.constant 0 : i32
      %dma_wait3A_112 = tpu.memref_slice %arg5[%dma_wait3A_105, %dma_wait3A_110, %dma_wait3A_111] : memref<2x327680x128xf32, #tpu.memory_space<hbm>> -> memref<1x64x128xf32, #tpu.memory_space<hbm>>
      %dma_wait3A_113 = tpu.memref_squeeze %dma_wait3A_112 : memref<1x64x128xf32, #tpu.memory_space<hbm>> -> memref<64x128xf32, #tpu.memory_space<hbm>>
      tpu.wait_dma2 semaphore(%arg30 : memref<!tpu.dma_semaphore, #tpu.memory_space<semaphore_mem>>) src(%arg14 : memref<64x128xf32, #tpu.memory_space<vmem>>) dst(%dma_wait3A_113 : memref<64x128xf32, #tpu.memory_space<hbm>>)
    } else {
    }
    %ge3A = arith.constant 16 : i32
    %ge3A_15 = arith.cmpi sge, %add3A, %ge3A : i32
    %convert_element_type3A_16 = arith.extui %ge3A_15 : i1 to i32
    %cond3A_17 = arith.constant 0 : i32
    %cond3A_18 = arith.cmpi ne, %convert_element_type3A_16, %cond3A_17 : i32
    scf.if %cond3A_18 {
      "tpu.region"() ({
        %run_scoped3A = tpu.sem_alloc : memref<!tpu.dma_semaphore, #tpu.memory_space<semaphore_mem>>
        %dma_start3A_114 = tpu.memref_slice %arg4[%mul3A_11] : memref<327680xi32, #tpu.memory_space<hbm>> -> memref<20480xi32, #tpu.memory_space<hbm>>
        %dma_start3A_115 = tpu.memref_slice %arg4[%mul3A_11] : memref<327680xi32, #tpu.memory_space<hbm>> -> memref<20480xi32, #tpu.memory_space<hbm>>
        tpu.enqueue_dma source(%dma_start3A_115 : memref<20480xi32, #tpu.memory_space<hbm>>) target(%arg6 : memref<20480xi32, #tpu.memory_space<vmem>>) target_semaphore(%run_scoped3A : memref<!tpu.dma_semaphore, #tpu.memory_space<semaphore_mem>>)
        %dma_wait3A_116 = tpu.memref_slice %arg4[%mul3A_11] : memref<327680xi32, #tpu.memory_space<hbm>> -> memref<20480xi32, #tpu.memory_space<hbm>>
        %dma_wait3A_117 = tpu.memref_slice %arg4[%mul3A_11] : memref<327680xi32, #tpu.memory_space<hbm>> -> memref<20480xi32, #tpu.memory_space<hbm>>
        tpu.wait_dma2 semaphore(%run_scoped3A : memref<!tpu.dma_semaphore, #tpu.memory_space<semaphore_mem>>) src(%dma_wait3A_117 : memref<20480xi32, #tpu.memory_space<hbm>>) dst(%arg6 : memref<20480xi32, #tpu.memory_space<vmem>>)
        tpu.yield
      }) : () -> ()
      %dma_start3A = arith.constant 0 : i32
      %dma_start3A_19 = tpu.memref_slice %arg6[%dma_start3A] : memref<20480xi32, #tpu.memory_space<vmem>> -> memref<64xi32, #tpu.memory_space<vmem>>
      %dma_start3A_20 = arith.constant 0 : i32
      %dma_start3A_21 = arith.constant 0 : i32
      %dma_start3A_22 = tpu.memref_slice %arg2[%dma_start3A_20, %dma_start3A_21] : memref<20480x128xf32, #tpu.memory_space<hbm>> -> memref<20480x128xf32, #tpu.memory_space<hbm>>
      tpu.enqueue_indirect_dma source(%dma_start3A_22 : memref<20480x128xf32, #tpu.memory_space<hbm>>) target(%arg7 : memref<64x128xf32, #tpu.memory_space<vmem>>) offsets(%dma_start3A_19 : memref<64xi32, #tpu.memory_space<vmem>>) semaphore(%arg15 : memref<!tpu.dma_semaphore, #tpu.memory_space<semaphore_mem>>)
      %dma_start3A_23 = arith.constant 64 : i32
      %dma_start3A_24 = tpu.memref_slice %arg6[%dma_start3A_23] : memref<20480xi32, #tpu.memory_space<vmem>> -> memref<64xi32, #tpu.memory_space<vmem>>
      %dma_start3A_25 = arith.constant 0 : i32
      %dma_start3A_26 = arith.constant 0 : i32
      %dma_start3A_27 = tpu.memref_slice %arg2[%dma_start3A_25, %dma_start3A_26] : memref<20480x128xf32, #tpu.memory_space<hbm>> -> memref<20480x128xf32, #tpu.memory_space<hbm>>
      tpu.enqueue_indirect_dma source(%dma_start3A_27 : memref<20480x128xf32, #tpu.memory_space<hbm>>) target(%arg8 : memref<64x128xf32, #tpu.memory_space<vmem>>) offsets(%dma_start3A_24 : memref<64xi32, #tpu.memory_space<vmem>>) semaphore(%arg16 : memref<!tpu.dma_semaphore, #tpu.memory_space<semaphore_mem>>)
      %dma_start3A_28 = arith.constant 128 : i32
      %dma_start3A_29 = tpu.memref_slice %arg6[%dma_start3A_28] : memref<20480xi32, #tpu.memory_space<vmem>> -> memref<64xi32, #tpu.memory_space<vmem>>
      %dma_start3A_30 = arith.constant 0 : i32
      %dma_start3A_31 = arith.constant 0 : i32
      %dma_start3A_32 = tpu.memref_slice %arg2[%dma_start3A_30, %dma_start3A_31] : memref<20480x128xf32, #tpu.memory_space<hbm>> -> memref<20480x128xf32, #tpu.memory_space<hbm>>
      tpu.enqueue_indirect_dma source(%dma_start3A_32 : memref<20480x128xf32, #tpu.memory_space<hbm>>) target(%arg9 : memref<64x128xf32, #tpu.memory_space<vmem>>) offsets(%dma_start3A_29 : memref<64xi32, #tpu.memory_space<vmem>>) semaphore(%arg17 : memref<!tpu.dma_semaphore, #tpu.memory_space<semaphore_mem>>)
      %dma_start3A_33 = arith.constant 192 : i32
      %dma_start3A_34 = tpu.memref_slice %arg6[%dma_start3A_33] : memref<20480xi32, #tpu.memory_space<vmem>> -> memref<64xi32, #tpu.memory_space<vmem>>
      %dma_start3A_35 = arith.constant 0 : i32
      %dma_start3A_36 = arith.constant 0 : i32
      %dma_start3A_37 = tpu.memref_slice %arg2[%dma_start3A_35, %dma_start3A_36] : memref<20480x128xf32, #tpu.memory_space<hbm>> -> memref<20480x128xf32, #tpu.memory_space<hbm>>
      tpu.enqueue_indirect_dma source(%dma_start3A_37 : memref<20480x128xf32, #tpu.memory_space<hbm>>) target(%arg10 : memref<64x128xf32, #tpu.memory_space<vmem>>) offsets(%dma_start3A_34 : memref<64xi32, #tpu.memory_space<vmem>>) semaphore(%arg18 : memref<!tpu.dma_semaphore, #tpu.memory_space<semaphore_mem>>)
      %scan3A = arith.constant 0 : i32
      %scan3A_38 = arith.constant 0 : i32
      %scan3A_39 = arith.constant 40 : i32
      %scan3A_40 = arith.addi %scan3A_38, %scan3A_39 : i32
      %scan3A_41 = arith.constant 1 : i32
      scf.for %scan3A_114 = %scan3A_38 to %scan3A_40 step %scan3A_41  : i32 {
        %mul3A_115 = arith.constant 8 : i32
        %mul3A_116 = arith.muli %mul3A_115, %scan3A_114 : i32
        %add3A_117 = arith.constant 0 : i32
        %add3A_118 = arith.addi %mul3A_116, %add3A_117 : i32
        %dma_wait3A_119 = arith.constant 0 : i32
        %dma_wait3A_120 = tpu.memref_slice %arg6[%dma_wait3A_119] : memref<20480xi32, #tpu.memory_space<vmem>> -> memref<64xi32, #tpu.memory_space<vmem>>
        %dma_wait3A_121 = arith.constant 0 : i32
        %dma_wait3A_122 = arith.constant 0 : i32
        %dma_wait3A_123 = tpu.memref_slice %arg2[%dma_wait3A_121, %dma_wait3A_122] : memref<20480x128xf32, #tpu.memory_space<hbm>> -> memref<20480x128xf32, #tpu.memory_space<hbm>>
        tpu.wait_indirect_dma semaphore(%arg15 : memref<!tpu.dma_semaphore, #tpu.memory_space<semaphore_mem>>) src(%dma_wait3A_123 : memref<20480x128xf32, #tpu.memory_space<hbm>>) dst(%arg7 : memref<64x128xf32, #tpu.memory_space<vmem>>)
        %jit3A_124 = arith.constant 320 : i32
        %eq3A_125 = arith.constant 0 : i32
        %eq3A_126 = arith.cmpi eq, %jit3A_124, %eq3A_125 : i32
        %jit3A_127 = arith.constant 1 : i32
        %select_n3A_128 = arith.select %eq3A_126, %jit3A_127, %jit3A_124 : i32
        %rem3A_129 = arith.remsi %add3A_118, %select_n3A_128 : i32
        %ne3A_130 = arith.constant 0 : i32
        %ne3A_131 = arith.cmpi ne, %rem3A_129, %ne3A_130 : i32
        %lt3A_132 = arith.constant 0 : i32
        %lt3A_133 = arith.cmpi slt, %rem3A_129, %lt3A_132 : i32
        %lt3A_134 = arith.constant 0 : i32
        %lt3A_135 = arith.cmpi slt, %select_n3A_128, %lt3A_134 : i32
        %ne3A_136 = arith.xori %lt3A_133, %lt3A_135 : i1
        %and3A_137 = arith.andi %ne3A_136, %ne3A_131 : i1
        %add3A_138 = arith.addi %rem3A_129, %select_n3A_128 : i32
        %select_n3A_139 = arith.select %and3A_137, %add3A_138, %rem3A_129 : i32
        %mul3A_140 = arith.constant 64 : i32
        %mul3A_141 = arith.muli %select_n3A_139, %mul3A_140 : i32
        %add3A_142 = arith.addi %mul3A_11, %mul3A_141 : i32
        %dma_start3A_143 = arith.constant 1 : i32
        %dma_start3A_144 = arith.constant 0 : i32
        %dma_start3A_145 = tpu.memref_slice %arg5[%dma_start3A_143, %add3A_142, %dma_start3A_144] : memref<2x327680x128xf32, #tpu.memory_space<hbm>> -> memref<1x64x128xf32, #tpu.memory_space<hbm>>
        %dma_start3A_146 = tpu.memref_squeeze %dma_start3A_145 : memref<1x64x128xf32, #tpu.memory_space<hbm>> -> memref<64x128xf32, #tpu.memory_space<hbm>>
        %dma_start3A_147 = arith.constant 0 : i32
        %dma_start3A_148 = tpu.memref_slice %arg5[%dma_start3A_143, %add3A_142, %dma_start3A_147] : memref<2x327680x128xf32, #tpu.memory_space<hbm>> -> memref<1x64x128xf32, #tpu.memory_space<hbm>>
        %dma_start3A_149 = tpu.memref_squeeze %dma_start3A_148 : memref<1x64x128xf32, #tpu.memory_space<hbm>> -> memref<64x128xf32, #tpu.memory_space<hbm>>
        tpu.enqueue_dma source(%arg7 : memref<64x128xf32, #tpu.memory_space<vmem>>) target(%dma_start3A_149 : memref<64x128xf32, #tpu.memory_space<hbm>>) target_semaphore(%arg23 : memref<!tpu.dma_semaphore, #tpu.memory_space<semaphore_mem>>)
        %gt3A = arith.constant 0 : i32
        %gt3A_150 = arith.cmpi sgt, %scan3A_114, %gt3A : i32
        %convert_element_type3A_151 = arith.extui %gt3A_150 : i1 to i32
        %cond3A_152 = arith.constant 0 : i32
        %cond3A_153 = arith.cmpi ne, %convert_element_type3A_151, %cond3A_152 : i32
        scf.if %cond3A_153 {
          %dma_wait3A_530 = arith.constant 1 : i32
          %dma_wait3A_531 = arith.constant 0 : i32
          %dma_wait3A_532 = arith.constant 0 : i32
          %dma_wait3A_533 = tpu.memref_slice %arg5[%dma_wait3A_530, %dma_wait3A_531, %dma_wait3A_532] : memref<2x327680x128xf32, #tpu.memory_space<hbm>> -> memref<1x64x128xf32, #tpu.memory_space<hbm>>
          %dma_wait3A_534 = tpu.memref_squeeze %dma_wait3A_533 : memref<1x64x128xf32, #tpu.memory_space<hbm>> -> memref<64x128xf32, #tpu.memory_space<hbm>>
          %dma_wait3A_535 = arith.constant 0 : i32
          %dma_wait3A_536 = arith.constant 0 : i32
          %dma_wait3A_537 = tpu.memref_slice %arg5[%dma_wait3A_530, %dma_wait3A_535, %dma_wait3A_536] : memref<2x327680x128xf32, #tpu.memory_space<hbm>> -> memref<1x64x128xf32, #tpu.memory_space<hbm>>
          %dma_wait3A_538 = tpu.memref_squeeze %dma_wait3A_537 : memref<1x64x128xf32, #tpu.memory_space<hbm>> -> memref<64x128xf32, #tpu.memory_space<hbm>>
          tpu.wait_dma2 semaphore(%arg27 : memref<!tpu.dma_semaphore, #tpu.memory_space<semaphore_mem>>) src(%arg11 : memref<64x128xf32, #tpu.memory_space<vmem>>) dst(%dma_wait3A_538 : memref<64x128xf32, #tpu.memory_space<hbm>>)
        } else {
        }
        %add3A_154 = arith.constant 4 : i32
        %add3A_155 = arith.addi %add3A_118, %add3A_154 : i32
        %jit3A_156 = arith.constant 320 : i32
        %eq3A_157 = arith.constant 0 : i32
        %eq3A_158 = arith.cmpi eq, %jit3A_156, %eq3A_157 : i32
        %jit3A_159 = arith.constant 1 : i32
        %select_n3A_160 = arith.select %eq3A_158, %jit3A_159, %jit3A_156 : i32
        %rem3A_161 = arith.remsi %add3A_155, %select_n3A_160 : i32
        %ne3A_162 = arith.constant 0 : i32
        %ne3A_163 = arith.cmpi ne, %rem3A_161, %ne3A_162 : i32
        %lt3A_164 = arith.constant 0 : i32
        %lt3A_165 = arith.cmpi slt, %rem3A_161, %lt3A_164 : i32
        %lt3A_166 = arith.constant 0 : i32
        %lt3A_167 = arith.cmpi slt, %select_n3A_160, %lt3A_166 : i32
        %ne3A_168 = arith.xori %lt3A_165, %lt3A_167 : i1
        %and3A_169 = arith.andi %ne3A_168, %ne3A_163 : i1
        %add3A_170 = arith.addi %rem3A_161, %select_n3A_160 : i32
        %select_n3A_171 = arith.select %and3A_169, %add3A_170, %rem3A_161 : i32
        %mul3A_172 = arith.constant 64 : i32
        %mul3A_173 = arith.muli %select_n3A_171, %mul3A_172 : i32
        %dma_start3A_174 = tpu.memref_slice %arg6[%mul3A_173] : memref<20480xi32, #tpu.memory_space<vmem>> -> memref<64xi32, #tpu.memory_space<vmem>>
        %dma_start3A_175 = arith.constant 0 : i32
        %dma_start3A_176 = arith.constant 0 : i32
        %dma_start3A_177 = tpu.memref_slice %arg2[%dma_start3A_175, %dma_start3A_176] : memref<20480x128xf32, #tpu.memory_space<hbm>> -> memref<20480x128xf32, #tpu.memory_space<hbm>>
        tpu.enqueue_indirect_dma source(%dma_start3A_177 : memref<20480x128xf32, #tpu.memory_space<hbm>>) target(%arg11 : memref<64x128xf32, #tpu.memory_space<vmem>>) offsets(%dma_start3A_174 : memref<64xi32, #tpu.memory_space<vmem>>) semaphore(%arg19 : memref<!tpu.dma_semaphore, #tpu.memory_space<semaphore_mem>>)
        %mul3A_178 = arith.constant 8 : i32
        %mul3A_179 = arith.muli %mul3A_178, %scan3A_114 : i32
        %add3A_180 = arith.constant 1 : i32
        %add3A_181 = arith.addi %mul3A_179, %add3A_180 : i32
        %dma_wait3A_182 = arith.constant 0 : i32
        %dma_wait3A_183 = tpu.memref_slice %arg6[%dma_wait3A_182] : memref<20480xi32, #tpu.memory_space<vmem>> -> memref<64xi32, #tpu.memory_space<vmem>>
        %dma_wait3A_184 = arith.constant 0 : i32
        %dma_wait3A_185 = arith.constant 0 : i32
        %dma_wait3A_186 = tpu.memref_slice %arg2[%dma_wait3A_184, %dma_wait3A_185] : memref<20480x128xf32, #tpu.memory_space<hbm>> -> memref<20480x128xf32, #tpu.memory_space<hbm>>
        tpu.wait_indirect_dma semaphore(%arg16 : memref<!tpu.dma_semaphore, #tpu.memory_space<semaphore_mem>>) src(%dma_wait3A_186 : memref<20480x128xf32, #tpu.memory_space<hbm>>) dst(%arg8 : memref<64x128xf32, #tpu.memory_space<vmem>>)
        %jit3A_187 = arith.constant 320 : i32
        %eq3A_188 = arith.constant 0 : i32
        %eq3A_189 = arith.cmpi eq, %jit3A_187, %eq3A_188 : i32
        %jit3A_190 = arith.constant 1 : i32
        %select_n3A_191 = arith.select %eq3A_189, %jit3A_190, %jit3A_187 : i32
        %rem3A_192 = arith.remsi %add3A_181, %select_n3A_191 : i32
        %ne3A_193 = arith.constant 0 : i32
        %ne3A_194 = arith.cmpi ne, %rem3A_192, %ne3A_193 : i32
        %lt3A_195 = arith.constant 0 : i32
        %lt3A_196 = arith.cmpi slt, %rem3A_192, %lt3A_195 : i32
        %lt3A_197 = arith.constant 0 : i32
        %lt3A_198 = arith.cmpi slt, %select_n3A_191, %lt3A_197 : i32
        %ne3A_199 = arith.xori %lt3A_196, %lt3A_198 : i1
        %and3A_200 = arith.andi %ne3A_199, %ne3A_194 : i1
        %add3A_201 = arith.addi %rem3A_192, %select_n3A_191 : i32
        %select_n3A_202 = arith.select %and3A_200, %add3A_201, %rem3A_192 : i32
        %mul3A_203 = arith.constant 64 : i32
        %mul3A_204 = arith.muli %select_n3A_202, %mul3A_203 : i32
        %add3A_205 = arith.addi %mul3A_11, %mul3A_204 : i32
        %dma_start3A_206 = arith.constant 1 : i32
        %dma_start3A_207 = arith.constant 0 : i32
        %dma_start3A_208 = tpu.memref_slice %arg5[%dma_start3A_206, %add3A_205, %dma_start3A_207] : memref<2x327680x128xf32, #tpu.memory_space<hbm>> -> memref<1x64x128xf32, #tpu.memory_space<hbm>>
        %dma_start3A_209 = tpu.memref_squeeze %dma_start3A_208 : memref<1x64x128xf32, #tpu.memory_space<hbm>> -> memref<64x128xf32, #tpu.memory_space<hbm>>
        %dma_start3A_210 = arith.constant 0 : i32
        %dma_start3A_211 = tpu.memref_slice %arg5[%dma_start3A_206, %add3A_205, %dma_start3A_210] : memref<2x327680x128xf32, #tpu.memory_space<hbm>> -> memref<1x64x128xf32, #tpu.memory_space<hbm>>
        %dma_start3A_212 = tpu.memref_squeeze %dma_start3A_211 : memref<1x64x128xf32, #tpu.memory_space<hbm>> -> memref<64x128xf32, #tpu.memory_space<hbm>>
        tpu.enqueue_dma source(%arg8 : memref<64x128xf32, #tpu.memory_space<vmem>>) target(%dma_start3A_212 : memref<64x128xf32, #tpu.memory_space<hbm>>) target_semaphore(%arg24 : memref<!tpu.dma_semaphore, #tpu.memory_space<semaphore_mem>>)
        %gt3A_213 = arith.constant 0 : i32
        %gt3A_214 = arith.cmpi sgt, %scan3A_114, %gt3A_213 : i32
        %convert_element_type3A_215 = arith.extui %gt3A_214 : i1 to i32
        %cond3A_216 = arith.constant 0 : i32
        %cond3A_217 = arith.cmpi ne, %convert_element_type3A_215, %cond3A_216 : i32
        scf.if %cond3A_217 {
          %dma_wait3A_530 = arith.constant 1 : i32
          %dma_wait3A_531 = arith.constant 0 : i32
          %dma_wait3A_532 = arith.constant 0 : i32
          %dma_wait3A_533 = tpu.memref_slice %arg5[%dma_wait3A_530, %dma_wait3A_531, %dma_wait3A_532] : memref<2x327680x128xf32, #tpu.memory_space<hbm>> -> memref<1x64x128xf32, #tpu.memory_space<hbm>>
          %dma_wait3A_534 = tpu.memref_squeeze %dma_wait3A_533 : memref<1x64x128xf32, #tpu.memory_space<hbm>> -> memref<64x128xf32, #tpu.memory_space<hbm>>
          %dma_wait3A_535 = arith.constant 0 : i32
          %dma_wait3A_536 = arith.constant 0 : i32
          %dma_wait3A_537 = tpu.memref_slice %arg5[%dma_wait3A_530, %dma_wait3A_535, %dma_wait3A_536] : memref<2x327680x128xf32, #tpu.memory_space<hbm>> -> memref<1x64x128xf32, #tpu.memory_space<hbm>>
          %dma_wait3A_538 = tpu.memref_squeeze %dma_wait3A_537 : memref<1x64x128xf32, #tpu.memory_space<hbm>> -> memref<64x128xf32, #tpu.memory_space<hbm>>
          tpu.wait_dma2 semaphore(%arg28 : memref<!tpu.dma_semaphore, #tpu.memory_space<semaphore_mem>>) src(%arg12 : memref<64x128xf32, #tpu.memory_space<vmem>>) dst(%dma_wait3A_538 : memref<64x128xf32, #tpu.memory_space<hbm>>)
        } else {
        }
        %add3A_218 = arith.constant 4 : i32
        %add3A_219 = arith.addi %add3A_181, %add3A_218 : i32
        %jit3A_220 = arith.constant 320 : i32
        %eq3A_221 = arith.constant 0 : i32
        %eq3A_222 = arith.cmpi eq, %jit3A_220, %eq3A_221 : i32
        %jit3A_223 = arith.constant 1 : i32
        %select_n3A_224 = arith.select %eq3A_222, %jit3A_223, %jit3A_220 : i32
        %rem3A_225 = arith.remsi %add3A_219, %select_n3A_224 : i32
        %ne3A_226 = arith.constant 0 : i32
        %ne3A_227 = arith.cmpi ne, %rem3A_225, %ne3A_226 : i32
        %lt3A_228 = arith.constant 0 : i32
        %lt3A_229 = arith.cmpi slt, %rem3A_225, %lt3A_228 : i32
        %lt3A_230 = arith.constant 0 : i32
        %lt3A_231 = arith.cmpi slt, %select_n3A_224, %lt3A_230 : i32
        %ne3A_232 = arith.xori %lt3A_229, %lt3A_231 : i1
        %and3A_233 = arith.andi %ne3A_232, %ne3A_227 : i1
        %add3A_234 = arith.addi %rem3A_225, %select_n3A_224 : i32
        %select_n3A_235 = arith.select %and3A_233, %add3A_234, %rem3A_225 : i32
        %mul3A_236 = arith.constant 64 : i32
        %mul3A_237 = arith.muli %select_n3A_235, %mul3A_236 : i32
        %dma_start3A_238 = tpu.memref_slice %arg6[%mul3A_237] : memref<20480xi32, #tpu.memory_space<vmem>> -> memref<64xi32, #tpu.memory_space<vmem>>
        %dma_start3A_239 = arith.constant 0 : i32
        %dma_start3A_240 = arith.constant 0 : i32
        %dma_start3A_241 = tpu.memref_slice %arg2[%dma_start3A_239, %dma_start3A_240] : memref<20480x128xf32, #tpu.memory_space<hbm>> -> memref<20480x128xf32, #tpu.memory_space<hbm>>
        tpu.enqueue_indirect_dma source(%dma_start3A_241 : memref<20480x128xf32, #tpu.memory_space<hbm>>) target(%arg12 : memref<64x128xf32, #tpu.memory_space<vmem>>) offsets(%dma_start3A_238 : memref<64xi32, #tpu.memory_space<vmem>>) semaphore(%arg20 : memref<!tpu.dma_semaphore, #tpu.memory_space<semaphore_mem>>)
        %mul3A_242 = arith.constant 8 : i32
        %mul3A_243 = arith.muli %mul3A_242, %scan3A_114 : i32
        %add3A_244 = arith.constant 2 : i32
        %add3A_245 = arith.addi %mul3A_243, %add3A_244 : i32
        %dma_wait3A_246 = arith.constant 0 : i32
        %dma_wait3A_247 = tpu.memref_slice %arg6[%dma_wait3A_246] : memref<20480xi32, #tpu.memory_space<vmem>> -> memref<64xi32, #tpu.memory_space<vmem>>
        %dma_wait3A_248 = arith.constant 0 : i32
        %dma_wait3A_249 = arith.constant 0 : i32
        %dma_wait3A_250 = tpu.memref_slice %arg2[%dma_wait3A_248, %dma_wait3A_249] : memref<20480x128xf32, #tpu.memory_space<hbm>> -> memref<20480x128xf32, #tpu.memory_space<hbm>>
        tpu.wait_indirect_dma semaphore(%arg17 : memref<!tpu.dma_semaphore, #tpu.memory_space<semaphore_mem>>) src(%dma_wait3A_250 : memref<20480x128xf32, #tpu.memory_space<hbm>>) dst(%arg9 : memref<64x128xf32, #tpu.memory_space<vmem>>)
        %jit3A_251 = arith.constant 320 : i32
        %eq3A_252 = arith.constant 0 : i32
        %eq3A_253 = arith.cmpi eq, %jit3A_251, %eq3A_252 : i32
        %jit3A_254 = arith.constant 1 : i32
        %select_n3A_255 = arith.select %eq3A_253, %jit3A_254, %jit3A_251 : i32
        %rem3A_256 = arith.remsi %add3A_245, %select_n3A_255 : i32
        %ne3A_257 = arith.constant 0 : i32
        %ne3A_258 = arith.cmpi ne, %rem3A_256, %ne3A_257 : i32
        %lt3A_259 = arith.constant 0 : i32
        %lt3A_260 = arith.cmpi slt, %rem3A_256, %lt3A_259 : i32
        %lt3A_261 = arith.constant 0 : i32
        %lt3A_262 = arith.cmpi slt, %select_n3A_255, %lt3A_261 : i32
        %ne3A_263 = arith.xori %lt3A_260, %lt3A_262 : i1
        %and3A_264 = arith.andi %ne3A_263, %ne3A_258 : i1
        %add3A_265 = arith.addi %rem3A_256, %select_n3A_255 : i32
        %select_n3A_266 = arith.select %and3A_264, %add3A_265, %rem3A_256 : i32
        %mul3A_267 = arith.constant 64 : i32
        %mul3A_268 = arith.muli %select_n3A_266, %mul3A_267 : i32
        %add3A_269 = arith.addi %mul3A_11, %mul3A_268 : i32
        %dma_start3A_270 = arith.constant 1 : i32
        %dma_start3A_271 = arith.constant 0 : i32
        %dma_start3A_272 = tpu.memref_slice %arg5[%dma_start3A_270, %add3A_269, %dma_start3A_271] : memref<2x327680x128xf32, #tpu.memory_space<hbm>> -> memref<1x64x128xf32, #tpu.memory_space<hbm>>
        %dma_start3A_273 = tpu.memref_squeeze %dma_start3A_272 : memref<1x64x128xf32, #tpu.memory_space<hbm>> -> memref<64x128xf32, #tpu.memory_space<hbm>>
        %dma_start3A_274 = arith.constant 0 : i32
        %dma_start3A_275 = tpu.memref_slice %arg5[%dma_start3A_270, %add3A_269, %dma_start3A_274] : memref<2x327680x128xf32, #tpu.memory_space<hbm>> -> memref<1x64x128xf32, #tpu.memory_space<hbm>>
        %dma_start3A_276 = tpu.memref_squeeze %dma_start3A_275 : memref<1x64x128xf32, #tpu.memory_space<hbm>> -> memref<64x128xf32, #tpu.memory_space<hbm>>
        tpu.enqueue_dma source(%arg9 : memref<64x128xf32, #tpu.memory_space<vmem>>) target(%dma_start3A_276 : memref<64x128xf32, #tpu.memory_space<hbm>>) target_semaphore(%arg25 : memref<!tpu.dma_semaphore, #tpu.memory_space<semaphore_mem>>)
        %gt3A_277 = arith.constant 0 : i32
        %gt3A_278 = arith.cmpi sgt, %scan3A_114, %gt3A_277 : i32
        %convert_element_type3A_279 = arith.extui %gt3A_278 : i1 to i32
        %cond3A_280 = arith.constant 0 : i32
        %cond3A_281 = arith.cmpi ne, %convert_element_type3A_279, %cond3A_280 : i32
        scf.if %cond3A_281 {
          %dma_wait3A_530 = arith.constant 1 : i32
          %dma_wait3A_531 = arith.constant 0 : i32
          %dma_wait3A_532 = arith.constant 0 : i32
          %dma_wait3A_533 = tpu.memref_slice %arg5[%dma_wait3A_530, %dma_wait3A_531, %dma_wait3A_532] : memref<2x327680x128xf32, #tpu.memory_space<hbm>> -> memref<1x64x128xf32, #tpu.memory_space<hbm>>
          %dma_wait3A_534 = tpu.memref_squeeze %dma_wait3A_533 : memref<1x64x128xf32, #tpu.memory_space<hbm>> -> memref<64x128xf32, #tpu.memory_space<hbm>>
          %dma_wait3A_535 = arith.constant 0 : i32
          %dma_wait3A_536 = arith.constant 0 : i32
          %dma_wait3A_537 = tpu.memref_slice %arg5[%dma_wait3A_530, %dma_wait3A_535, %dma_wait3A_536] : memref<2x327680x128xf32, #tpu.memory_space<hbm>> -> memref<1x64x128xf32, #tpu.memory_space<hbm>>
          %dma_wait3A_538 = tpu.memref_squeeze %dma_wait3A_537 : memref<1x64x128xf32, #tpu.memory_space<hbm>> -> memref<64x128xf32, #tpu.memory_space<hbm>>
          tpu.wait_dma2 semaphore(%arg29 : memref<!tpu.dma_semaphore, #tpu.memory_space<semaphore_mem>>) src(%arg13 : memref<64x128xf32, #tpu.memory_space<vmem>>) dst(%dma_wait3A_538 : memref<64x128xf32, #tpu.memory_space<hbm>>)
        } else {
        }
        %add3A_282 = arith.constant 4 : i32
        %add3A_283 = arith.addi %add3A_245, %add3A_282 : i32
        %jit3A_284 = arith.constant 320 : i32
        %eq3A_285 = arith.constant 0 : i32
        %eq3A_286 = arith.cmpi eq, %jit3A_284, %eq3A_285 : i32
        %jit3A_287 = arith.constant 1 : i32
        %select_n3A_288 = arith.select %eq3A_286, %jit3A_287, %jit3A_284 : i32
        %rem3A_289 = arith.remsi %add3A_283, %select_n3A_288 : i32
        %ne3A_290 = arith.constant 0 : i32
        %ne3A_291 = arith.cmpi ne, %rem3A_289, %ne3A_290 : i32
        %lt3A_292 = arith.constant 0 : i32
        %lt3A_293 = arith.cmpi slt, %rem3A_289, %lt3A_292 : i32
        %lt3A_294 = arith.constant 0 : i32
        %lt3A_295 = arith.cmpi slt, %select_n3A_288, %lt3A_294 : i32
        %ne3A_296 = arith.xori %lt3A_293, %lt3A_295 : i1
        %and3A_297 = arith.andi %ne3A_296, %ne3A_291 : i1
        %add3A_298 = arith.addi %rem3A_289, %select_n3A_288 : i32
        %select_n3A_299 = arith.select %and3A_297, %add3A_298, %rem3A_289 : i32
        %mul3A_300 = arith.constant 64 : i32
        %mul3A_301 = arith.muli %select_n3A_299, %mul3A_300 : i32
        %dma_start3A_302 = tpu.memref_slice %arg6[%mul3A_301] : memref<20480xi32, #tpu.memory_space<vmem>> -> memref<64xi32, #tpu.memory_space<vmem>>
        %dma_start3A_303 = arith.constant 0 : i32
        %dma_start3A_304 = arith.constant 0 : i32
        %dma_start3A_305 = tpu.memref_slice %arg2[%dma_start3A_303, %dma_start3A_304] : memref<20480x128xf32, #tpu.memory_space<hbm>> -> memref<20480x128xf32, #tpu.memory_space<hbm>>
        tpu.enqueue_indirect_dma source(%dma_start3A_305 : memref<20480x128xf32, #tpu.memory_space<hbm>>) target(%arg13 : memref<64x128xf32, #tpu.memory_space<vmem>>) offsets(%dma_start3A_302 : memref<64xi32, #tpu.memory_space<vmem>>) semaphore(%arg21 : memref<!tpu.dma_semaphore, #tpu.memory_space<semaphore_mem>>)
        %mul3A_306 = arith.constant 8 : i32
        %mul3A_307 = arith.muli %mul3A_306, %scan3A_114 : i32
        %add3A_308 = arith.constant 3 : i32
        %add3A_309 = arith.addi %mul3A_307, %add3A_308 : i32
        %dma_wait3A_310 = arith.constant 0 : i32
        %dma_wait3A_311 = tpu.memref_slice %arg6[%dma_wait3A_310] : memref<20480xi32, #tpu.memory_space<vmem>> -> memref<64xi32, #tpu.memory_space<vmem>>
        %dma_wait3A_312 = arith.constant 0 : i32
        %dma_wait3A_313 = arith.constant 0 : i32
        %dma_wait3A_314 = tpu.memref_slice %arg2[%dma_wait3A_312, %dma_wait3A_313] : memref<20480x128xf32, #tpu.memory_space<hbm>> -> memref<20480x128xf32, #tpu.memory_space<hbm>>
        tpu.wait_indirect_dma semaphore(%arg18 : memref<!tpu.dma_semaphore, #tpu.memory_space<semaphore_mem>>) src(%dma_wait3A_314 : memref<20480x128xf32, #tpu.memory_space<hbm>>) dst(%arg10 : memref<64x128xf32, #tpu.memory_space<vmem>>)
        %jit3A_315 = arith.constant 320 : i32
        %eq3A_316 = arith.constant 0 : i32
        %eq3A_317 = arith.cmpi eq, %jit3A_315, %eq3A_316 : i32
        %jit3A_318 = arith.constant 1 : i32
        %select_n3A_319 = arith.select %eq3A_317, %jit3A_318, %jit3A_315 : i32
        %rem3A_320 = arith.remsi %add3A_309, %select_n3A_319 : i32
        %ne3A_321 = arith.constant 0 : i32
        %ne3A_322 = arith.cmpi ne, %rem3A_320, %ne3A_321 : i32
        %lt3A_323 = arith.constant 0 : i32
        %lt3A_324 = arith.cmpi slt, %rem3A_320, %lt3A_323 : i32
        %lt3A_325 = arith.constant 0 : i32
        %lt3A_326 = arith.cmpi slt, %select_n3A_319, %lt3A_325 : i32
        %ne3A_327 = arith.xori %lt3A_324, %lt3A_326 : i1
        %and3A_328 = arith.andi %ne3A_327, %ne3A_322 : i1
        %add3A_329 = arith.addi %rem3A_320, %select_n3A_319 : i32
        %select_n3A_330 = arith.select %and3A_328, %add3A_329, %rem3A_320 : i32
        %mul3A_331 = arith.constant 64 : i32
        %mul3A_332 = arith.muli %select_n3A_330, %mul3A_331 : i32
        %add3A_333 = arith.addi %mul3A_11, %mul3A_332 : i32
        %dma_start3A_334 = arith.constant 1 : i32
        %dma_start3A_335 = arith.constant 0 : i32
        %dma_start3A_336 = tpu.memref_slice %arg5[%dma_start3A_334, %add3A_333, %dma_start3A_335] : memref<2x327680x128xf32, #tpu.memory_space<hbm>> -> memref<1x64x128xf32, #tpu.memory_space<hbm>>
        %dma_start3A_337 = tpu.memref_squeeze %dma_start3A_336 : memref<1x64x128xf32, #tpu.memory_space<hbm>> -> memref<64x128xf32, #tpu.memory_space<hbm>>
        %dma_start3A_338 = arith.constant 0 : i32
        %dma_start3A_339 = tpu.memref_slice %arg5[%dma_start3A_334, %add3A_333, %dma_start3A_338] : memref<2x327680x128xf32, #tpu.memory_space<hbm>> -> memref<1x64x128xf32, #tpu.memory_space<hbm>>
        %dma_start3A_340 = tpu.memref_squeeze %dma_start3A_339 : memref<1x64x128xf32, #tpu.memory_space<hbm>> -> memref<64x128xf32, #tpu.memory_space<hbm>>
        tpu.enqueue_dma source(%arg10 : memref<64x128xf32, #tpu.memory_space<vmem>>) target(%dma_start3A_340 : memref<64x128xf32, #tpu.memory_space<hbm>>) target_semaphore(%arg26 : memref<!tpu.dma_semaphore, #tpu.memory_space<semaphore_mem>>)
        %gt3A_341 = arith.constant 0 : i32
        %gt3A_342 = arith.cmpi sgt, %scan3A_114, %gt3A_341 : i32
        %convert_element_type3A_343 = arith.extui %gt3A_342 : i1 to i32
        %cond3A_344 = arith.constant 0 : i32
        %cond3A_345 = arith.cmpi ne, %convert_element_type3A_343, %cond3A_344 : i32
        scf.if %cond3A_345 {
          %dma_wait3A_530 = arith.constant 1 : i32
          %dma_wait3A_531 = arith.constant 0 : i32
          %dma_wait3A_532 = arith.constant 0 : i32
          %dma_wait3A_533 = tpu.memref_slice %arg5[%dma_wait3A_530, %dma_wait3A_531, %dma_wait3A_532] : memref<2x327680x128xf32, #tpu.memory_space<hbm>> -> memref<1x64x128xf32, #tpu.memory_space<hbm>>
          %dma_wait3A_534 = tpu.memref_squeeze %dma_wait3A_533 : memref<1x64x128xf32, #tpu.memory_space<hbm>> -> memref<64x128xf32, #tpu.memory_space<hbm>>
          %dma_wait3A_535 = arith.constant 0 : i32
          %dma_wait3A_536 = arith.constant 0 : i32
          %dma_wait3A_537 = tpu.memref_slice %arg5[%dma_wait3A_530, %dma_wait3A_535, %dma_wait3A_536] : memref<2x327680x128xf32, #tpu.memory_space<hbm>> -> memref<1x64x128xf32, #tpu.memory_space<hbm>>
          %dma_wait3A_538 = tpu.memref_squeeze %dma_wait3A_537 : memref<1x64x128xf32, #tpu.memory_space<hbm>> -> memref<64x128xf32, #tpu.memory_space<hbm>>
          tpu.wait_dma2 semaphore(%arg30 : memref<!tpu.dma_semaphore, #tpu.memory_space<semaphore_mem>>) src(%arg14 : memref<64x128xf32, #tpu.memory_space<vmem>>) dst(%dma_wait3A_538 : memref<64x128xf32, #tpu.memory_space<hbm>>)
        } else {
        }
        %add3A_346 = arith.constant 4 : i32
        %add3A_347 = arith.addi %add3A_309, %add3A_346 : i32
        %jit3A_348 = arith.constant 320 : i32
        %eq3A_349 = arith.constant 0 : i32
        %eq3A_350 = arith.cmpi eq, %jit3A_348, %eq3A_349 : i32
        %jit3A_351 = arith.constant 1 : i32
        %select_n3A_352 = arith.select %eq3A_350, %jit3A_351, %jit3A_348 : i32
        %rem3A_353 = arith.remsi %add3A_347, %select_n3A_352 : i32
        %ne3A_354 = arith.constant 0 : i32
        %ne3A_355 = arith.cmpi ne, %rem3A_353, %ne3A_354 : i32
        %lt3A_356 = arith.constant 0 : i32
        %lt3A_357 = arith.cmpi slt, %rem3A_353, %lt3A_356 : i32
        %lt3A_358 = arith.constant 0 : i32
        %lt3A_359 = arith.cmpi slt, %select_n3A_352, %lt3A_358 : i32
        %ne3A_360 = arith.xori %lt3A_357, %lt3A_359 : i1
        %and3A_361 = arith.andi %ne3A_360, %ne3A_355 : i1
        %add3A_362 = arith.addi %rem3A_353, %select_n3A_352 : i32
        %select_n3A_363 = arith.select %and3A_361, %add3A_362, %rem3A_353 : i32
        %mul3A_364 = arith.constant 64 : i32
        %mul3A_365 = arith.muli %select_n3A_363, %mul3A_364 : i32
        %dma_start3A_366 = tpu.memref_slice %arg6[%mul3A_365] : memref<20480xi32, #tpu.memory_space<vmem>> -> memref<64xi32, #tpu.memory_space<vmem>>
        %dma_start3A_367 = arith.constant 0 : i32
        %dma_start3A_368 = arith.constant 0 : i32
        %dma_start3A_369 = tpu.memref_slice %arg2[%dma_start3A_367, %dma_start3A_368] : memref<20480x128xf32, #tpu.memory_space<hbm>> -> memref<20480x128xf32, #tpu.memory_space<hbm>>
        tpu.enqueue_indirect_dma source(%dma_start3A_369 : memref<20480x128xf32, #tpu.memory_space<hbm>>) target(%arg14 : memref<64x128xf32, #tpu.memory_space<vmem>>) offsets(%dma_start3A_366 : memref<64xi32, #tpu.memory_space<vmem>>) semaphore(%arg22 : memref<!tpu.dma_semaphore, #tpu.memory_space<semaphore_mem>>)
        %mul3A_370 = arith.constant 8 : i32
        %mul3A_371 = arith.muli %mul3A_370, %scan3A_114 : i32
        %add3A_372 = arith.constant 4 : i32
        %add3A_373 = arith.addi %mul3A_371, %add3A_372 : i32
        %dma_wait3A_374 = arith.constant 0 : i32
        %dma_wait3A_375 = tpu.memref_slice %arg6[%dma_wait3A_374] : memref<20480xi32, #tpu.memory_space<vmem>> -> memref<64xi32, #tpu.memory_space<vmem>>
        %dma_wait3A_376 = arith.constant 0 : i32
        %dma_wait3A_377 = arith.constant 0 : i32
        %dma_wait3A_378 = tpu.memref_slice %arg2[%dma_wait3A_376, %dma_wait3A_377] : memref<20480x128xf32, #tpu.memory_space<hbm>> -> memref<20480x128xf32, #tpu.memory_space<hbm>>
        tpu.wait_indirect_dma semaphore(%arg19 : memref<!tpu.dma_semaphore, #tpu.memory_space<semaphore_mem>>) src(%dma_wait3A_378 : memref<20480x128xf32, #tpu.memory_space<hbm>>) dst(%arg11 : memref<64x128xf32, #tpu.memory_space<vmem>>)
        %jit3A_379 = arith.constant 320 : i32
        %eq3A_380 = arith.constant 0 : i32
        %eq3A_381 = arith.cmpi eq, %jit3A_379, %eq3A_380 : i32
        %jit3A_382 = arith.constant 1 : i32
        %select_n3A_383 = arith.select %eq3A_381, %jit3A_382, %jit3A_379 : i32
        %rem3A_384 = arith.remsi %add3A_373, %select_n3A_383 : i32
        %ne3A_385 = arith.constant 0 : i32
        %ne3A_386 = arith.cmpi ne, %rem3A_384, %ne3A_385 : i32
        %lt3A_387 = arith.constant 0 : i32
        %lt3A_388 = arith.cmpi slt, %rem3A_384, %lt3A_387 : i32
        %lt3A_389 = arith.constant 0 : i32
        %lt3A_390 = arith.cmpi slt, %select_n3A_383, %lt3A_389 : i32
        %ne3A_391 = arith.xori %lt3A_388, %lt3A_390 : i1
        %and3A_392 = arith.andi %ne3A_391, %ne3A_386 : i1
        %add3A_393 = arith.addi %rem3A_384, %select_n3A_383 : i32
        %select_n3A_394 = arith.select %and3A_392, %add3A_393, %rem3A_384 : i32
        %mul3A_395 = arith.constant 64 : i32
        %mul3A_396 = arith.muli %select_n3A_394, %mul3A_395 : i32
        %add3A_397 = arith.addi %mul3A_11, %mul3A_396 : i32
        %dma_start3A_398 = arith.constant 1 : i32
        %dma_start3A_399 = arith.constant 0 : i32
        %dma_start3A_400 = tpu.memref_slice %arg5[%dma_start3A_398, %add3A_397, %dma_start3A_399] : memref<2x327680x128xf32, #tpu.memory_space<hbm>> -> memref<1x64x128xf32, #tpu.memory_space<hbm>>
        %dma_start3A_401 = tpu.memref_squeeze %dma_start3A_400 : memref<1x64x128xf32, #tpu.memory_space<hbm>> -> memref<64x128xf32, #tpu.memory_space<hbm>>
        %dma_start3A_402 = arith.constant 0 : i32
        %dma_start3A_403 = tpu.memref_slice %arg5[%dma_start3A_398, %add3A_397, %dma_start3A_402] : memref<2x327680x128xf32, #tpu.memory_space<hbm>> -> memref<1x64x128xf32, #tpu.memory_space<hbm>>
        %dma_start3A_404 = tpu.memref_squeeze %dma_start3A_403 : memref<1x64x128xf32, #tpu.memory_space<hbm>> -> memref<64x128xf32, #tpu.memory_space<hbm>>
        tpu.enqueue_dma source(%arg11 : memref<64x128xf32, #tpu.memory_space<vmem>>) target(%dma_start3A_404 : memref<64x128xf32, #tpu.memory_space<hbm>>) target_semaphore(%arg27 : memref<!tpu.dma_semaphore, #tpu.memory_space<semaphore_mem>>)
        %lt3A_405 = arith.constant 39 : i32
        %lt3A_406 = arith.cmpi slt, %scan3A_114, %lt3A_405 : i32
        %convert_element_type3A_407 = arith.extui %lt3A_406 : i1 to i32
        %cond3A_408 = arith.constant 0 : i32
        %cond3A_409 = arith.cmpi ne, %convert_element_type3A_407, %cond3A_408 : i32
        scf.if %cond3A_409 {
          %dma_wait3A_530 = arith.constant 1 : i32
          %dma_wait3A_531 = arith.constant 0 : i32
          %dma_wait3A_532 = arith.constant 0 : i32
          %dma_wait3A_533 = tpu.memref_slice %arg5[%dma_wait3A_530, %dma_wait3A_531, %dma_wait3A_532] : memref<2x327680x128xf32, #tpu.memory_space<hbm>> -> memref<1x64x128xf32, #tpu.memory_space<hbm>>
          %dma_wait3A_534 = tpu.memref_squeeze %dma_wait3A_533 : memref<1x64x128xf32, #tpu.memory_space<hbm>> -> memref<64x128xf32, #tpu.memory_space<hbm>>
          %dma_wait3A_535 = arith.constant 0 : i32
          %dma_wait3A_536 = arith.constant 0 : i32
          %dma_wait3A_537 = tpu.memref_slice %arg5[%dma_wait3A_530, %dma_wait3A_535, %dma_wait3A_536] : memref<2x327680x128xf32, #tpu.memory_space<hbm>> -> memref<1x64x128xf32, #tpu.memory_space<hbm>>
          %dma_wait3A_538 = tpu.memref_squeeze %dma_wait3A_537 : memref<1x64x128xf32, #tpu.memory_space<hbm>> -> memref<64x128xf32, #tpu.memory_space<hbm>>
          tpu.wait_dma2 semaphore(%arg23 : memref<!tpu.dma_semaphore, #tpu.memory_space<semaphore_mem>>) src(%arg7 : memref<64x128xf32, #tpu.memory_space<vmem>>) dst(%dma_wait3A_538 : memref<64x128xf32, #tpu.memory_space<hbm>>)
          %add3A_539 = arith.constant 4 : i32
          %add3A_540 = arith.addi %add3A_373, %add3A_539 : i32
          %jit3A_541 = arith.constant 320 : i32
          %eq3A_542 = arith.constant 0 : i32
          %eq3A_543 = arith.cmpi eq, %jit3A_541, %eq3A_542 : i32
          %jit3A_544 = arith.constant 1 : i32
          %select_n3A_545 = arith.select %eq3A_543, %jit3A_544, %jit3A_541 : i32
          %rem3A_546 = arith.remsi %add3A_540, %select_n3A_545 : i32
          %ne3A_547 = arith.constant 0 : i32
          %ne3A_548 = arith.cmpi ne, %rem3A_546, %ne3A_547 : i32
          %lt3A_549 = arith.constant 0 : i32
          %lt3A_550 = arith.cmpi slt, %rem3A_546, %lt3A_549 : i32
          %lt3A_551 = arith.constant 0 : i32
          %lt3A_552 = arith.cmpi slt, %select_n3A_545, %lt3A_551 : i32
          %ne3A_553 = arith.xori %lt3A_550, %lt3A_552 : i1
          %and3A_554 = arith.andi %ne3A_553, %ne3A_548 : i1
          %add3A_555 = arith.addi %rem3A_546, %select_n3A_545 : i32
          %select_n3A_556 = arith.select %and3A_554, %add3A_555, %rem3A_546 : i32
          %mul3A_557 = arith.constant 64 : i32
          %mul3A_558 = arith.muli %select_n3A_556, %mul3A_557 : i32
          %dma_start3A_559 = tpu.memref_slice %arg6[%mul3A_558] : memref<20480xi32, #tpu.memory_space<vmem>> -> memref<64xi32, #tpu.memory_space<vmem>>
          %dma_start3A_560 = arith.constant 0 : i32
          %dma_start3A_561 = arith.constant 0 : i32
          %dma_start3A_562 = tpu.memref_slice %arg2[%dma_start3A_560, %dma_start3A_561] : memref<20480x128xf32, #tpu.memory_space<hbm>> -> memref<20480x128xf32, #tpu.memory_space<hbm>>
          tpu.enqueue_indirect_dma source(%dma_start3A_562 : memref<20480x128xf32, #tpu.memory_space<hbm>>) target(%arg7 : memref<64x128xf32, #tpu.memory_space<vmem>>) offsets(%dma_start3A_559 : memref<64xi32, #tpu.memory_space<vmem>>) semaphore(%arg15 : memref<!tpu.dma_semaphore, #tpu.memory_space<semaphore_mem>>)
        } else {
        }
        %mul3A_410 = arith.constant 8 : i32
        %mul3A_411 = arith.muli %mul3A_410, %scan3A_114 : i32
        %add3A_412 = arith.constant 5 : i32
        %add3A_413 = arith.addi %mul3A_411, %add3A_412 : i32
        %dma_wait3A_414 = arith.constant 0 : i32
        %dma_wait3A_415 = tpu.memref_slice %arg6[%dma_wait3A_414] : memref<20480xi32, #tpu.memory_space<vmem>> -> memref<64xi32, #tpu.memory_space<vmem>>
        %dma_wait3A_416 = arith.constant 0 : i32
        %dma_wait3A_417 = arith.constant 0 : i32
        %dma_wait3A_418 = tpu.memref_slice %arg2[%dma_wait3A_416, %dma_wait3A_417] : memref<20480x128xf32, #tpu.memory_space<hbm>> -> memref<20480x128xf32, #tpu.memory_space<hbm>>
        tpu.wait_indirect_dma semaphore(%arg20 : memref<!tpu.dma_semaphore, #tpu.memory_space<semaphore_mem>>) src(%dma_wait3A_418 : memref<20480x128xf32, #tpu.memory_space<hbm>>) dst(%arg12 : memref<64x128xf32, #tpu.memory_space<vmem>>)
        %jit3A_419 = arith.constant 320 : i32
        %eq3A_420 = arith.constant 0 : i32
        %eq3A_421 = arith.cmpi eq, %jit3A_419, %eq3A_420 : i32
        %jit3A_422 = arith.constant 1 : i32
        %select_n3A_423 = arith.select %eq3A_421, %jit3A_422, %jit3A_419 : i32
        %rem3A_424 = arith.remsi %add3A_413, %select_n3A_423 : i32
        %ne3A_425 = arith.constant 0 : i32
        %ne3A_426 = arith.cmpi ne, %rem3A_424, %ne3A_425 : i32
        %lt3A_427 = arith.constant 0 : i32
        %lt3A_428 = arith.cmpi slt, %rem3A_424, %lt3A_427 : i32
        %lt3A_429 = arith.constant 0 : i32
        %lt3A_430 = arith.cmpi slt, %select_n3A_423, %lt3A_429 : i32
        %ne3A_431 = arith.xori %lt3A_428, %lt3A_430 : i1
        %and3A_432 = arith.andi %ne3A_431, %ne3A_426 : i1
        %add3A_433 = arith.addi %rem3A_424, %select_n3A_423 : i32
        %select_n3A_434 = arith.select %and3A_432, %add3A_433, %rem3A_424 : i32
        %mul3A_435 = arith.constant 64 : i32
        %mul3A_436 = arith.muli %select_n3A_434, %mul3A_435 : i32
        %add3A_437 = arith.addi %mul3A_11, %mul3A_436 : i32
        %dma_start3A_438 = arith.constant 1 : i32
        %dma_start3A_439 = arith.constant 0 : i32
        %dma_start3A_440 = tpu.memref_slice %arg5[%dma_start3A_438, %add3A_437, %dma_start3A_439] : memref<2x327680x128xf32, #tpu.memory_space<hbm>> -> memref<1x64x128xf32, #tpu.memory_space<hbm>>
        %dma_start3A_441 = tpu.memref_squeeze %dma_start3A_440 : memref<1x64x128xf32, #tpu.memory_space<hbm>> -> memref<64x128xf32, #tpu.memory_space<hbm>>
        %dma_start3A_442 = arith.constant 0 : i32
        %dma_start3A_443 = tpu.memref_slice %arg5[%dma_start3A_438, %add3A_437, %dma_start3A_442] : memref<2x327680x128xf32, #tpu.memory_space<hbm>> -> memref<1x64x128xf32, #tpu.memory_space<hbm>>
        %dma_start3A_444 = tpu.memref_squeeze %dma_start3A_443 : memref<1x64x128xf32, #tpu.memory_space<hbm>> -> memref<64x128xf32, #tpu.memory_space<hbm>>
        tpu.enqueue_dma source(%arg12 : memref<64x128xf32, #tpu.memory_space<vmem>>) target(%dma_start3A_444 : memref<64x128xf32, #tpu.memory_space<hbm>>) target_semaphore(%arg28 : memref<!tpu.dma_semaphore, #tpu.memory_space<semaphore_mem>>)
        %lt3A_445 = arith.constant 39 : i32
        %lt3A_446 = arith.cmpi slt, %scan3A_114, %lt3A_445 : i32
        %convert_element_type3A_447 = arith.extui %lt3A_446 : i1 to i32
        %cond3A_448 = arith.constant 0 : i32
        %cond3A_449 = arith.cmpi ne, %convert_element_type3A_447, %cond3A_448 : i32
        scf.if %cond3A_449 {
          %dma_wait3A_530 = arith.constant 1 : i32
          %dma_wait3A_531 = arith.constant 0 : i32
          %dma_wait3A_532 = arith.constant 0 : i32
          %dma_wait3A_533 = tpu.memref_slice %arg5[%dma_wait3A_530, %dma_wait3A_531, %dma_wait3A_532] : memref<2x327680x128xf32, #tpu.memory_space<hbm>> -> memref<1x64x128xf32, #tpu.memory_space<hbm>>
          %dma_wait3A_534 = tpu.memref_squeeze %dma_wait3A_533 : memref<1x64x128xf32, #tpu.memory_space<hbm>> -> memref<64x128xf32, #tpu.memory_space<hbm>>
          %dma_wait3A_535 = arith.constant 0 : i32
          %dma_wait3A_536 = arith.constant 0 : i32
          %dma_wait3A_537 = tpu.memref_slice %arg5[%dma_wait3A_530, %dma_wait3A_535, %dma_wait3A_536] : memref<2x327680x128xf32, #tpu.memory_space<hbm>> -> memref<1x64x128xf32, #tpu.memory_space<hbm>>
          %dma_wait3A_538 = tpu.memref_squeeze %dma_wait3A_537 : memref<1x64x128xf32, #tpu.memory_space<hbm>> -> memref<64x128xf32, #tpu.memory_space<hbm>>
          tpu.wait_dma2 semaphore(%arg24 : memref<!tpu.dma_semaphore, #tpu.memory_space<semaphore_mem>>) src(%arg8 : memref<64x128xf32, #tpu.memory_space<vmem>>) dst(%dma_wait3A_538 : memref<64x128xf32, #tpu.memory_space<hbm>>)
          %add3A_539 = arith.constant 4 : i32
          %add3A_540 = arith.addi %add3A_413, %add3A_539 : i32
          %jit3A_541 = arith.constant 320 : i32
          %eq3A_542 = arith.constant 0 : i32
          %eq3A_543 = arith.cmpi eq, %jit3A_541, %eq3A_542 : i32
          %jit3A_544 = arith.constant 1 : i32
          %select_n3A_545 = arith.select %eq3A_543, %jit3A_544, %jit3A_541 : i32
          %rem3A_546 = arith.remsi %add3A_540, %select_n3A_545 : i32
          %ne3A_547 = arith.constant 0 : i32
          %ne3A_548 = arith.cmpi ne, %rem3A_546, %ne3A_547 : i32
          %lt3A_549 = arith.constant 0 : i32
          %lt3A_550 = arith.cmpi slt, %rem3A_546, %lt3A_549 : i32
          %lt3A_551 = arith.constant 0 : i32
          %lt3A_552 = arith.cmpi slt, %select_n3A_545, %lt3A_551 : i32
          %ne3A_553 = arith.xori %lt3A_550, %lt3A_552 : i1
          %and3A_554 = arith.andi %ne3A_553, %ne3A_548 : i1
          %add3A_555 = arith.addi %rem3A_546, %select_n3A_545 : i32
          %select_n3A_556 = arith.select %and3A_554, %add3A_555, %rem3A_546 : i32
          %mul3A_557 = arith.constant 64 : i32
          %mul3A_558 = arith.muli %select_n3A_556, %mul3A_557 : i32
          %dma_start3A_559 = tpu.memref_slice %arg6[%mul3A_558] : memref<20480xi32, #tpu.memory_space<vmem>> -> memref<64xi32, #tpu.memory_space<vmem>>
          %dma_start3A_560 = arith.constant 0 : i32
          %dma_start3A_561 = arith.constant 0 : i32
          %dma_start3A_562 = tpu.memref_slice %arg2[%dma_start3A_560, %dma_start3A_561] : memref<20480x128xf32, #tpu.memory_space<hbm>> -> memref<20480x128xf32, #tpu.memory_space<hbm>>
          tpu.enqueue_indirect_dma source(%dma_start3A_562 : memref<20480x128xf32, #tpu.memory_space<hbm>>) target(%arg8 : memref<64x128xf32, #tpu.memory_space<vmem>>) offsets(%dma_start3A_559 : memref<64xi32, #tpu.memory_space<vmem>>) semaphore(%arg16 : memref<!tpu.dma_semaphore, #tpu.memory_space<semaphore_mem>>)
        } else {
        }
        %mul3A_450 = arith.constant 8 : i32
        %mul3A_451 = arith.muli %mul3A_450, %scan3A_114 : i32
        %add3A_452 = arith.constant 6 : i32
        %add3A_453 = arith.addi %mul3A_451, %add3A_452 : i32
        %dma_wait3A_454 = arith.constant 0 : i32
        %dma_wait3A_455 = tpu.memref_slice %arg6[%dma_wait3A_454] : memref<20480xi32, #tpu.memory_space<vmem>> -> memref<64xi32, #tpu.memory_space<vmem>>
        %dma_wait3A_456 = arith.constant 0 : i32
        %dma_wait3A_457 = arith.constant 0 : i32
        %dma_wait3A_458 = tpu.memref_slice %arg2[%dma_wait3A_456, %dma_wait3A_457] : memref<20480x128xf32, #tpu.memory_space<hbm>> -> memref<20480x128xf32, #tpu.memory_space<hbm>>
        tpu.wait_indirect_dma semaphore(%arg21 : memref<!tpu.dma_semaphore, #tpu.memory_space<semaphore_mem>>) src(%dma_wait3A_458 : memref<20480x128xf32, #tpu.memory_space<hbm>>) dst(%arg13 : memref<64x128xf32, #tpu.memory_space<vmem>>)
        %jit3A_459 = arith.constant 320 : i32
        %eq3A_460 = arith.constant 0 : i32
        %eq3A_461 = arith.cmpi eq, %jit3A_459, %eq3A_460 : i32
        %jit3A_462 = arith.constant 1 : i32
        %select_n3A_463 = arith.select %eq3A_461, %jit3A_462, %jit3A_459 : i32
        %rem3A_464 = arith.remsi %add3A_453, %select_n3A_463 : i32
        %ne3A_465 = arith.constant 0 : i32
        %ne3A_466 = arith.cmpi ne, %rem3A_464, %ne3A_465 : i32
        %lt3A_467 = arith.constant 0 : i32
        %lt3A_468 = arith.cmpi slt, %rem3A_464, %lt3A_467 : i32
        %lt3A_469 = arith.constant 0 : i32
        %lt3A_470 = arith.cmpi slt, %select_n3A_463, %lt3A_469 : i32
        %ne3A_471 = arith.xori %lt3A_468, %lt3A_470 : i1
        %and3A_472 = arith.andi %ne3A_471, %ne3A_466 : i1
        %add3A_473 = arith.addi %rem3A_464, %select_n3A_463 : i32
        %select_n3A_474 = arith.select %and3A_472, %add3A_473, %rem3A_464 : i32
        %mul3A_475 = arith.constant 64 : i32
        %mul3A_476 = arith.muli %select_n3A_474, %mul3A_475 : i32
        %add3A_477 = arith.addi %mul3A_11, %mul3A_476 : i32
        %dma_start3A_478 = arith.constant 1 : i32
        %dma_start3A_479 = arith.constant 0 : i32
        %dma_start3A_480 = tpu.memref_slice %arg5[%dma_start3A_478, %add3A_477, %dma_start3A_479] : memref<2x327680x128xf32, #tpu.memory_space<hbm>> -> memref<1x64x128xf32, #tpu.memory_space<hbm>>
        %dma_start3A_481 = tpu.memref_squeeze %dma_start3A_480 : memref<1x64x128xf32, #tpu.memory_space<hbm>> -> memref<64x128xf32, #tpu.memory_space<hbm>>
        %dma_start3A_482 = arith.constant 0 : i32
        %dma_start3A_483 = tpu.memref_slice %arg5[%dma_start3A_478, %add3A_477, %dma_start3A_482] : memref<2x327680x128xf32, #tpu.memory_space<hbm>> -> memref<1x64x128xf32, #tpu.memory_space<hbm>>
        %dma_start3A_484 = tpu.memref_squeeze %dma_start3A_483 : memref<1x64x128xf32, #tpu.memory_space<hbm>> -> memref<64x128xf32, #tpu.memory_space<hbm>>
        tpu.enqueue_dma source(%arg13 : memref<64x128xf32, #tpu.memory_space<vmem>>) target(%dma_start3A_484 : memref<64x128xf32, #tpu.memory_space<hbm>>) target_semaphore(%arg29 : memref<!tpu.dma_semaphore, #tpu.memory_space<semaphore_mem>>)
        %lt3A_485 = arith.constant 39 : i32
        %lt3A_486 = arith.cmpi slt, %scan3A_114, %lt3A_485 : i32
        %convert_element_type3A_487 = arith.extui %lt3A_486 : i1 to i32
        %cond3A_488 = arith.constant 0 : i32
        %cond3A_489 = arith.cmpi ne, %convert_element_type3A_487, %cond3A_488 : i32
        scf.if %cond3A_489 {
          %dma_wait3A_530 = arith.constant 1 : i32
          %dma_wait3A_531 = arith.constant 0 : i32
          %dma_wait3A_532 = arith.constant 0 : i32
          %dma_wait3A_533 = tpu.memref_slice %arg5[%dma_wait3A_530, %dma_wait3A_531, %dma_wait3A_532] : memref<2x327680x128xf32, #tpu.memory_space<hbm>> -> memref<1x64x128xf32, #tpu.memory_space<hbm>>
          %dma_wait3A_534 = tpu.memref_squeeze %dma_wait3A_533 : memref<1x64x128xf32, #tpu.memory_space<hbm>> -> memref<64x128xf32, #tpu.memory_space<hbm>>
          %dma_wait3A_535 = arith.constant 0 : i32
          %dma_wait3A_536 = arith.constant 0 : i32
          %dma_wait3A_537 = tpu.memref_slice %arg5[%dma_wait3A_530, %dma_wait3A_535, %dma_wait3A_536] : memref<2x327680x128xf32, #tpu.memory_space<hbm>> -> memref<1x64x128xf32, #tpu.memory_space<hbm>>
          %dma_wait3A_538 = tpu.memref_squeeze %dma_wait3A_537 : memref<1x64x128xf32, #tpu.memory_space<hbm>> -> memref<64x128xf32, #tpu.memory_space<hbm>>
          tpu.wait_dma2 semaphore(%arg25 : memref<!tpu.dma_semaphore, #tpu.memory_space<semaphore_mem>>) src(%arg9 : memref<64x128xf32, #tpu.memory_space<vmem>>) dst(%dma_wait3A_538 : memref<64x128xf32, #tpu.memory_space<hbm>>)
          %add3A_539 = arith.constant 4 : i32
          %add3A_540 = arith.addi %add3A_453, %add3A_539 : i32
          %jit3A_541 = arith.constant 320 : i32
          %eq3A_542 = arith.constant 0 : i32
          %eq3A_543 = arith.cmpi eq, %jit3A_541, %eq3A_542 : i32
          %jit3A_544 = arith.constant 1 : i32
          %select_n3A_545 = arith.select %eq3A_543, %jit3A_544, %jit3A_541 : i32
          %rem3A_546 = arith.remsi %add3A_540, %select_n3A_545 : i32
          %ne3A_547 = arith.constant 0 : i32
          %ne3A_548 = arith.cmpi ne, %rem3A_546, %ne3A_547 : i32
          %lt3A_549 = arith.constant 0 : i32
          %lt3A_550 = arith.cmpi slt, %rem3A_546, %lt3A_549 : i32
          %lt3A_551 = arith.constant 0 : i32
          %lt3A_552 = arith.cmpi slt, %select_n3A_545, %lt3A_551 : i32
          %ne3A_553 = arith.xori %lt3A_550, %lt3A_552 : i1
          %and3A_554 = arith.andi %ne3A_553, %ne3A_548 : i1
          %add3A_555 = arith.addi %rem3A_546, %select_n3A_545 : i32
          %select_n3A_556 = arith.select %and3A_554, %add3A_555, %rem3A_546 : i32
          %mul3A_557 = arith.constant 64 : i32
          %mul3A_558 = arith.muli %select_n3A_556, %mul3A_557 : i32
          %dma_start3A_559 = tpu.memref_slice %arg6[%mul3A_558] : memref<20480xi32, #tpu.memory_space<vmem>> -> memref<64xi32, #tpu.memory_space<vmem>>
          %dma_start3A_560 = arith.constant 0 : i32
          %dma_start3A_561 = arith.constant 0 : i32
          %dma_start3A_562 = tpu.memref_slice %arg2[%dma_start3A_560, %dma_start3A_561] : memref<20480x128xf32, #tpu.memory_space<hbm>> -> memref<20480x128xf32, #tpu.memory_space<hbm>>
          tpu.enqueue_indirect_dma source(%dma_start3A_562 : memref<20480x128xf32, #tpu.memory_space<hbm>>) target(%arg9 : memref<64x128xf32, #tpu.memory_space<vmem>>) offsets(%dma_start3A_559 : memref<64xi32, #tpu.memory_space<vmem>>) semaphore(%arg17 : memref<!tpu.dma_semaphore, #tpu.memory_space<semaphore_mem>>)
        } else {
        }
        %mul3A_490 = arith.constant 8 : i32
        %mul3A_491 = arith.muli %mul3A_490, %scan3A_114 : i32
        %add3A_492 = arith.constant 7 : i32
        %add3A_493 = arith.addi %mul3A_491, %add3A_492 : i32
        %dma_wait3A_494 = arith.constant 0 : i32
        %dma_wait3A_495 = tpu.memref_slice %arg6[%dma_wait3A_494] : memref<20480xi32, #tpu.memory_space<vmem>> -> memref<64xi32, #tpu.memory_space<vmem>>
        %dma_wait3A_496 = arith.constant 0 : i32
        %dma_wait3A_497 = arith.constant 0 : i32
        %dma_wait3A_498 = tpu.memref_slice %arg2[%dma_wait3A_496, %dma_wait3A_497] : memref<20480x128xf32, #tpu.memory_space<hbm>> -> memref<20480x128xf32, #tpu.memory_space<hbm>>
        tpu.wait_indirect_dma semaphore(%arg22 : memref<!tpu.dma_semaphore, #tpu.memory_space<semaphore_mem>>) src(%dma_wait3A_498 : memref<20480x128xf32, #tpu.memory_space<hbm>>) dst(%arg14 : memref<64x128xf32, #tpu.memory_space<vmem>>)
        %jit3A_499 = arith.constant 320 : i32
        %eq3A_500 = arith.constant 0 : i32
        %eq3A_501 = arith.cmpi eq, %jit3A_499, %eq3A_500 : i32
        %jit3A_502 = arith.constant 1 : i32
        %select_n3A_503 = arith.select %eq3A_501, %jit3A_502, %jit3A_499 : i32
        %rem3A_504 = arith.remsi %add3A_493, %select_n3A_503 : i32
        %ne3A_505 = arith.constant 0 : i32
        %ne3A_506 = arith.cmpi ne, %rem3A_504, %ne3A_505 : i32
        %lt3A_507 = arith.constant 0 : i32
        %lt3A_508 = arith.cmpi slt, %rem3A_504, %lt3A_507 : i32
        %lt3A_509 = arith.constant 0 : i32
        %lt3A_510 = arith.cmpi slt, %select_n3A_503, %lt3A_509 : i32
        %ne3A_511 = arith.xori %lt3A_508, %lt3A_510 : i1
        %and3A_512 = arith.andi %ne3A_511, %ne3A_506 : i1
        %add3A_513 = arith.addi %rem3A_504, %select_n3A_503 : i32
        %select_n3A_514 = arith.select %and3A_512, %add3A_513, %rem3A_504 : i32
        %mul3A_515 = arith.constant 64 : i32
        %mul3A_516 = arith.muli %select_n3A_514, %mul3A_515 : i32
        %add3A_517 = arith.addi %mul3A_11, %mul3A_516 : i32
        %dma_start3A_518 = arith.constant 1 : i32
        %dma_start3A_519 = arith.constant 0 : i32
        %dma_start3A_520 = tpu.memref_slice %arg5[%dma_start3A_518, %add3A_517, %dma_start3A_519] : memref<2x327680x128xf32, #tpu.memory_space<hbm>> -> memref<1x64x128xf32, #tpu.memory_space<hbm>>
        %dma_start3A_521 = tpu.memref_squeeze %dma_start3A_520 : memref<1x64x128xf32, #tpu.memory_space<hbm>> -> memref<64x128xf32, #tpu.memory_space<hbm>>
        %dma_start3A_522 = arith.constant 0 : i32
        %dma_start3A_523 = tpu.memref_slice %arg5[%dma_start3A_518, %add3A_517, %dma_start3A_522] : memref<2x327680x128xf32, #tpu.memory_space<hbm>> -> memref<1x64x128xf32, #tpu.memory_space<hbm>>
        %dma_start3A_524 = tpu.memref_squeeze %dma_start3A_523 : memref<1x64x128xf32, #tpu.memory_space<hbm>> -> memref<64x128xf32, #tpu.memory_space<hbm>>
        tpu.enqueue_dma source(%arg14 : memref<64x128xf32, #tpu.memory_space<vmem>>) target(%dma_start3A_524 : memref<64x128xf32, #tpu.memory_space<hbm>>) target_semaphore(%arg30 : memref<!tpu.dma_semaphore, #tpu.memory_space<semaphore_mem>>)
        %lt3A_525 = arith.constant 39 : i32
        %lt3A_526 = arith.cmpi slt, %scan3A_114, %lt3A_525 : i32
        %convert_element_type3A_527 = arith.extui %lt3A_526 : i1 to i32
        %cond3A_528 = arith.constant 0 : i32
        %cond3A_529 = arith.cmpi ne, %convert_element_type3A_527, %cond3A_528 : i32
        scf.if %cond3A_529 {
          %dma_wait3A_530 = arith.constant 1 : i32
          %dma_wait3A_531 = arith.constant 0 : i32
          %dma_wait3A_532 = arith.constant 0 : i32
          %dma_wait3A_533 = tpu.memref_slice %arg5[%dma_wait3A_530, %dma_wait3A_531, %dma_wait3A_532] : memref<2x327680x128xf32, #tpu.memory_space<hbm>> -> memref<1x64x128xf32, #tpu.memory_space<hbm>>
          %dma_wait3A_534 = tpu.memref_squeeze %dma_wait3A_533 : memref<1x64x128xf32, #tpu.memory_space<hbm>> -> memref<64x128xf32, #tpu.memory_space<hbm>>
          %dma_wait3A_535 = arith.constant 0 : i32
          %dma_wait3A_536 = arith.constant 0 : i32
          %dma_wait3A_537 = tpu.memref_slice %arg5[%dma_wait3A_530, %dma_wait3A_535, %dma_wait3A_536] : memref<2x327680x128xf32, #tpu.memory_space<hbm>> -> memref<1x64x128xf32, #tpu.memory_space<hbm>>
          %dma_wait3A_538 = tpu.memref_squeeze %dma_wait3A_537 : memref<1x64x128xf32, #tpu.memory_space<hbm>> -> memref<64x128xf32, #tpu.memory_space<hbm>>
          tpu.wait_dma2 semaphore(%arg26 : memref<!tpu.dma_semaphore, #tpu.memory_space<semaphore_mem>>) src(%arg10 : memref<64x128xf32, #tpu.memory_space<vmem>>) dst(%dma_wait3A_538 : memref<64x128xf32, #tpu.memory_space<hbm>>)
          %add3A_539 = arith.constant 4 : i32
          %add3A_540 = arith.addi %add3A_493, %add3A_539 : i32
          %jit3A_541 = arith.constant 320 : i32
          %eq3A_542 = arith.constant 0 : i32
          %eq3A_543 = arith.cmpi eq, %jit3A_541, %eq3A_542 : i32
          %jit3A_544 = arith.constant 1 : i32
          %select_n3A_545 = arith.select %eq3A_543, %jit3A_544, %jit3A_541 : i32
          %rem3A_546 = arith.remsi %add3A_540, %select_n3A_545 : i32
          %ne3A_547 = arith.constant 0 : i32
          %ne3A_548 = arith.cmpi ne, %rem3A_546, %ne3A_547 : i32
          %lt3A_549 = arith.constant 0 : i32
          %lt3A_550 = arith.cmpi slt, %rem3A_546, %lt3A_549 : i32
          %lt3A_551 = arith.constant 0 : i32
          %lt3A_552 = arith.cmpi slt, %select_n3A_545, %lt3A_551 : i32
          %ne3A_553 = arith.xori %lt3A_550, %lt3A_552 : i1
          %and3A_554 = arith.andi %ne3A_553, %ne3A_548 : i1
          %add3A_555 = arith.addi %rem3A_546, %select_n3A_545 : i32
          %select_n3A_556 = arith.select %and3A_554, %add3A_555, %rem3A_546 : i32
          %mul3A_557 = arith.constant 64 : i32
          %mul3A_558 = arith.muli %select_n3A_556, %mul3A_557 : i32
          %dma_start3A_559 = tpu.memref_slice %arg6[%mul3A_558] : memref<20480xi32, #tpu.memory_space<vmem>> -> memref<64xi32, #tpu.memory_space<vmem>>
          %dma_start3A_560 = arith.constant 0 : i32
          %dma_start3A_561 = arith.constant 0 : i32
          %dma_start3A_562 = tpu.memref_slice %arg2[%dma_start3A_560, %dma_start3A_561] : memref<20480x128xf32, #tpu.memory_space<hbm>> -> memref<20480x128xf32, #tpu.memory_space<hbm>>
          tpu.enqueue_indirect_dma source(%dma_start3A_562 : memref<20480x128xf32, #tpu.memory_space<hbm>>) target(%arg10 : memref<64x128xf32, #tpu.memory_space<vmem>>) offsets(%dma_start3A_559 : memref<64xi32, #tpu.memory_space<vmem>>) semaphore(%arg18 : memref<!tpu.dma_semaphore, #tpu.memory_space<semaphore_mem>>)
        } else {
        }
      }
      %scan3A_42 = arith.constant 40 : i32
      %dma_wait3A = arith.constant 1 : i32
      %dma_wait3A_43 = arith.constant 0 : i32
      %dma_wait3A_44 = arith.constant 0 : i32
      %dma_wait3A_45 = tpu.memref_slice %arg5[%dma_wait3A, %dma_wait3A_43, %dma_wait3A_44] : memref<2x327680x128xf32, #tpu.memory_space<hbm>> -> memref<1x64x128xf32, #tpu.memory_space<hbm>>
      %dma_wait3A_46 = tpu.memref_squeeze %dma_wait3A_45 : memref<1x64x128xf32, #tpu.memory_space<hbm>> -> memref<64x128xf32, #tpu.memory_space<hbm>>
      %dma_wait3A_47 = arith.constant 0 : i32
      %dma_wait3A_48 = arith.constant 0 : i32
      %dma_wait3A_49 = tpu.memref_slice %arg5[%dma_wait3A, %dma_wait3A_47, %dma_wait3A_48] : memref<2x327680x128xf32, #tpu.memory_space<hbm>> -> memref<1x64x128xf32, #tpu.memory_space<hbm>>
      %dma_wait3A_50 = tpu.memref_squeeze %dma_wait3A_49 : memref<1x64x128xf32, #tpu.memory_space<hbm>> -> memref<64x128xf32, #tpu.memory_space<hbm>>
      tpu.wait_dma2 semaphore(%arg23 : memref<!tpu.dma_semaphore, #tpu.memory_space<semaphore_mem>>) src(%arg7 : memref<64x128xf32, #tpu.memory_space<vmem>>) dst(%dma_wait3A_50 : memref<64x128xf32, #tpu.memory_space<hbm>>)
      %dma_wait3A_51 = arith.constant 1 : i32
      %dma_wait3A_52 = arith.constant 0 : i32
      %dma_wait3A_53 = arith.constant 0 : i32
      %dma_wait3A_54 = tpu.memref_slice %arg5[%dma_wait3A_51, %dma_wait3A_52, %dma_wait3A_53] : memref<2x327680x128xf32, #tpu.memory_space<hbm>> -> memref<1x64x128xf32, #tpu.memory_space<hbm>>
      %dma_wait3A_55 = tpu.memref_squeeze %dma_wait3A_54 : memref<1x64x128xf32, #tpu.memory_space<hbm>> -> memref<64x128xf32, #tpu.memory_space<hbm>>
      %dma_wait3A_56 = arith.constant 0 : i32
      %dma_wait3A_57 = arith.constant 0 : i32
      %dma_wait3A_58 = tpu.memref_slice %arg5[%dma_wait3A_51, %dma_wait3A_56, %dma_wait3A_57] : memref<2x327680x128xf32, #tpu.memory_space<hbm>> -> memref<1x64x128xf32, #tpu.memory_space<hbm>>
      %dma_wait3A_59 = tpu.memref_squeeze %dma_wait3A_58 : memref<1x64x128xf32, #tpu.memory_space<hbm>> -> memref<64x128xf32, #tpu.memory_space<hbm>>
      tpu.wait_dma2 semaphore(%arg24 : memref<!tpu.dma_semaphore, #tpu.memory_space<semaphore_mem>>) src(%arg8 : memref<64x128xf32, #tpu.memory_space<vmem>>) dst(%dma_wait3A_59 : memref<64x128xf32, #tpu.memory_space<hbm>>)
      %dma_wait3A_60 = arith.constant 1 : i32
      %dma_wait3A_61 = arith.constant 0 : i32
      %dma_wait3A_62 = arith.constant 0 : i32
      %dma_wait3A_63 = tpu.memref_slice %arg5[%dma_wait3A_60, %dma_wait3A_61, %dma_wait3A_62] : memref<2x327680x128xf32, #tpu.memory_space<hbm>> -> memref<1x64x128xf32, #tpu.memory_space<hbm>>
      %dma_wait3A_64 = tpu.memref_squeeze %dma_wait3A_63 : memref<1x64x128xf32, #tpu.memory_space<hbm>> -> memref<64x128xf32, #tpu.memory_space<hbm>>
      %dma_wait3A_65 = arith.constant 0 : i32
      %dma_wait3A_66 = arith.constant 0 : i32
      %dma_wait3A_67 = tpu.memref_slice %arg5[%dma_wait3A_60, %dma_wait3A_65, %dma_wait3A_66] : memref<2x327680x128xf32, #tpu.memory_space<hbm>> -> memref<1x64x128xf32, #tpu.memory_space<hbm>>
      %dma_wait3A_68 = tpu.memref_squeeze %dma_wait3A_67 : memref<1x64x128xf32, #tpu.memory_space<hbm>> -> memref<64x128xf32, #tpu.memory_space<hbm>>
      tpu.wait_dma2 semaphore(%arg25 : memref<!tpu.dma_semaphore, #tpu.memory_space<semaphore_mem>>) src(%arg9 : memref<64x128xf32, #tpu.memory_space<vmem>>) dst(%dma_wait3A_68 : memref<64x128xf32, #tpu.memory_space<hbm>>)
      %dma_wait3A_69 = arith.constant 1 : i32
      %dma_wait3A_70 = arith.constant 0 : i32
      %dma_wait3A_71 = arith.constant 0 : i32
      %dma_wait3A_72 = tpu.memref_slice %arg5[%dma_wait3A_69, %dma_wait3A_70, %dma_wait3A_71] : memref<2x327680x128xf32, #tpu.memory_space<hbm>> -> memref<1x64x128xf32, #tpu.memory_space<hbm>>
      %dma_wait3A_73 = tpu.memref_squeeze %dma_wait3A_72 : memref<1x64x128xf32, #tpu.memory_space<hbm>> -> memref<64x128xf32, #tpu.memory_space<hbm>>
      %dma_wait3A_74 = arith.constant 0 : i32
      %dma_wait3A_75 = arith.constant 0 : i32
      %dma_wait3A_76 = tpu.memref_slice %arg5[%dma_wait3A_69, %dma_wait3A_74, %dma_wait3A_75] : memref<2x327680x128xf32, #tpu.memory_space<hbm>> -> memref<1x64x128xf32, #tpu.memory_space<hbm>>
      %dma_wait3A_77 = tpu.memref_squeeze %dma_wait3A_76 : memref<1x64x128xf32, #tpu.memory_space<hbm>> -> memref<64x128xf32, #tpu.memory_space<hbm>>
      tpu.wait_dma2 semaphore(%arg26 : memref<!tpu.dma_semaphore, #tpu.memory_space<semaphore_mem>>) src(%arg10 : memref<64x128xf32, #tpu.memory_space<vmem>>) dst(%dma_wait3A_77 : memref<64x128xf32, #tpu.memory_space<hbm>>)
      %dma_wait3A_78 = arith.constant 1 : i32
      %dma_wait3A_79 = arith.constant 0 : i32
      %dma_wait3A_80 = arith.constant 0 : i32
      %dma_wait3A_81 = tpu.memref_slice %arg5[%dma_wait3A_78, %dma_wait3A_79, %dma_wait3A_80] : memref<2x327680x128xf32, #tpu.memory_space<hbm>> -> memref<1x64x128xf32, #tpu.memory_space<hbm>>
      %dma_wait3A_82 = tpu.memref_squeeze %dma_wait3A_81 : memref<1x64x128xf32, #tpu.memory_space<hbm>> -> memref<64x128xf32, #tpu.memory_space<hbm>>
      %dma_wait3A_83 = arith.constant 0 : i32
      %dma_wait3A_84 = arith.constant 0 : i32
      %dma_wait3A_85 = tpu.memref_slice %arg5[%dma_wait3A_78, %dma_wait3A_83, %dma_wait3A_84] : memref<2x327680x128xf32, #tpu.memory_space<hbm>> -> memref<1x64x128xf32, #tpu.memory_space<hbm>>
      %dma_wait3A_86 = tpu.memref_squeeze %dma_wait3A_85 : memref<1x64x128xf32, #tpu.memory_space<hbm>> -> memref<64x128xf32, #tpu.memory_space<hbm>>
      tpu.wait_dma2 semaphore(%arg27 : memref<!tpu.dma_semaphore, #tpu.memory_space<semaphore_mem>>) src(%arg11 : memref<64x128xf32, #tpu.memory_space<vmem>>) dst(%dma_wait3A_86 : memref<64x128xf32, #tpu.memory_space<hbm>>)
      %dma_wait3A_87 = arith.constant 1 : i32
      %dma_wait3A_88 = arith.constant 0 : i32
      %dma_wait3A_89 = arith.constant 0 : i32
      %dma_wait3A_90 = tpu.memref_slice %arg5[%dma_wait3A_87, %dma_wait3A_88, %dma_wait3A_89] : memref<2x327680x128xf32, #tpu.memory_space<hbm>> -> memref<1x64x128xf32, #tpu.memory_space<hbm>>
      %dma_wait3A_91 = tpu.memref_squeeze %dma_wait3A_90 : memref<1x64x128xf32, #tpu.memory_space<hbm>> -> memref<64x128xf32, #tpu.memory_space<hbm>>
      %dma_wait3A_92 = arith.constant 0 : i32
      %dma_wait3A_93 = arith.constant 0 : i32
      %dma_wait3A_94 = tpu.memref_slice %arg5[%dma_wait3A_87, %dma_wait3A_92, %dma_wait3A_93] : memref<2x327680x128xf32, #tpu.memory_space<hbm>> -> memref<1x64x128xf32, #tpu.memory_space<hbm>>
      %dma_wait3A_95 = tpu.memref_squeeze %dma_wait3A_94 : memref<1x64x128xf32, #tpu.memory_space<hbm>> -> memref<64x128xf32, #tpu.memory_space<hbm>>
      tpu.wait_dma2 semaphore(%arg28 : memref<!tpu.dma_semaphore, #tpu.memory_space<semaphore_mem>>) src(%arg12 : memref<64x128xf32, #tpu.memory_space<vmem>>) dst(%dma_wait3A_95 : memref<64x128xf32, #tpu.memory_space<hbm>>)
      %dma_wait3A_96 = arith.constant 1 : i32
      %dma_wait3A_97 = arith.constant 0 : i32
      %dma_wait3A_98 = arith.constant 0 : i32
      %dma_wait3A_99 = tpu.memref_slice %arg5[%dma_wait3A_96, %dma_wait3A_97, %dma_wait3A_98] : memref<2x327680x128xf32, #tpu.memory_space<hbm>> -> memref<1x64x128xf32, #tpu.memory_space<hbm>>
      %dma_wait3A_100 = tpu.memref_squeeze %dma_wait3A_99 : memref<1x64x128xf32, #tpu.memory_space<hbm>> -> memref<64x128xf32, #tpu.memory_space<hbm>>
      %dma_wait3A_101 = arith.constant 0 : i32
      %dma_wait3A_102 = arith.constant 0 : i32
      %dma_wait3A_103 = tpu.memref_slice %arg5[%dma_wait3A_96, %dma_wait3A_101, %dma_wait3A_102] : memref<2x327680x128xf32, #tpu.memory_space<hbm>> -> memref<1x64x128xf32, #tpu.memory_space<hbm>>
      %dma_wait3A_104 = tpu.memref_squeeze %dma_wait3A_103 : memref<1x64x128xf32, #tpu.memory_space<hbm>> -> memref<64x128xf32, #tpu.memory_space<hbm>>
      tpu.wait_dma2 semaphore(%arg29 : memref<!tpu.dma_semaphore, #tpu.memory_space<semaphore_mem>>) src(%arg13 : memref<64x128xf32, #tpu.memory_space<vmem>>) dst(%dma_wait3A_104 : memref<64x128xf32, #tpu.memory_space<hbm>>)
      %dma_wait3A_105 = arith.constant 1 : i32
      %dma_wait3A_106 = arith.constant 0 : i32
      %dma_wait3A_107 = arith.constant 0 : i32
      %dma_wait3A_108 = tpu.memref_slice %arg5[%dma_wait3A_105, %dma_wait3A_106, %dma_wait3A_107] : memref<2x327680x128xf32, #tpu.memory_space<hbm>> -> memref<1x64x128xf32, #tpu.memory_space<hbm>>
      %dma_wait3A_109 = tpu.memref_squeeze %dma_wait3A_108 : memref<1x64x128xf32, #tpu.memory_space<hbm>> -> memref<64x128xf32, #tpu.memory_space<hbm>>
      %dma_wait3A_110 = arith.constant 0 : i32
      %dma_wait3A_111 = arith.constant 0 : i32
      %dma_wait3A_112 = tpu.memref_slice %arg5[%dma_wait3A_105, %dma_wait3A_110, %dma_wait3A_111] : memref<2x327680x128xf32, #tpu.memory_space<hbm>> -> memref<1x64x128xf32, #tpu.memory_space<hbm>>
      %dma_wait3A_113 = tpu.memref_squeeze %dma_wait3A_112 : memref<1x64x128xf32, #tpu.memory_space<hbm>> -> memref<64x128xf32, #tpu.memory_space<hbm>>
      tpu.wait_dma2 semaphore(%arg30 : memref<!tpu.dma_semaphore, #tpu.memory_space<semaphore_mem>>) src(%arg14 : memref<64x128xf32, #tpu.memory_space<vmem>>) dst(%dma_wait3A_113 : memref<64x128xf32, #tpu.memory_space<hbm>>)
    } else {
    }
    return
  }
}

#map = affine_map<(d0, d1) -> (0, 0)>
#map1 = affine_map<(d0, d1) -> (0)>
#map2 = affine_map<(d0, d1) -> (0, 0, 0)>
module attributes {stable_mosaic.version = 14 : i64} {
  func.func @k(%arg0: i32, %arg1: i32, %arg2: memref<327680x128xf32, #tpu.memory_space<hbm>>, %arg3: memref<327680xi32, #tpu.memory_space<hbm>>, %arg4: memref<640x128xf32, #tpu.memory_space<hbm>>, %arg5: memref<2x10240x128xf32, #tpu.memory_space<hbm>>, %arg6: memref<10240x128xf32, #tpu.memory_space<vmem_shared>>, %arg7: memref<128xi32, #tpu.memory_space<vmem>>, %arg8: memref<128xi32, #tpu.memory_space<vmem>>, %arg9: memref<128x128xf32, #tpu.memory_space<vmem>>, %arg10: memref<128x128xf32, #tpu.memory_space<vmem>>, %arg11: memref<!tpu.dma_semaphore, #tpu.memory_space<semaphore_mem>>, %arg12: memref<!tpu.dma_semaphore, #tpu.memory_space<semaphore_mem>>, %arg13: memref<!tpu.dma_semaphore, #tpu.memory_space<semaphore_mem>>, %arg14: memref<!tpu.dma_semaphore, #tpu.memory_space<semaphore_mem>>, %arg15: memref<!tpu.dma_semaphore, #tpu.memory_space<semaphore_mem>>, %arg16: memref<!tpu.dma_semaphore, #tpu.memory_space<semaphore_mem>>) attributes {dimension_semantics = [#tpu.dimension_semantics<core_parallel>, #tpu.dimension_semantics<subcore_parallel>], iteration_bounds = array<i64: 2, 16>, scalar_prefetch = 0 : i64, scratch_operands = 11 : i64, tpu.core_type = #tpu.core_type<sc_vector_subcore>, window_params = [{transform_indices = #map}, {transform_indices = #map1}, {transform_indices = #map}, {transform_indices = #map2}]} {
    %mul3A = arith.constant 163840 : i32
    %mul3A_0 = arith.muli %arg0, %mul3A : i32
    %mul3A_1 = arith.constant 10240 : i32
    %mul3A_2 = arith.muli %arg1, %mul3A_1 : i32
    %add3A = arith.addi %mul3A_0, %mul3A_2 : i32
    %mul3A_3 = arith.constant 640 : i32
    %mul3A_4 = arith.muli %arg1, %mul3A_3 : i32
    "tpu.region"() ({
      %run_scoped3A = tpu.sem_alloc : memref<!tpu.dma_semaphore, #tpu.memory_space<semaphore_mem>>
      %dma_start3A_35 = arith.constant 0 : i32
      %dma_start3A_36 = tpu.memref_slice %arg6[%mul3A_4, %dma_start3A_35] : memref<10240x128xf32, #tpu.memory_space<vmem_shared>> -> memref<640x128xf32, #tpu.memory_space<vmem_shared>>
      tpu.enqueue_dma source(%arg4 : memref<640x128xf32, #tpu.memory_space<hbm>>) target(%dma_start3A_36 : memref<640x128xf32, #tpu.memory_space<vmem_shared>>) target_semaphore(%run_scoped3A : memref<!tpu.dma_semaphore, #tpu.memory_space<semaphore_mem>>)
      %dma_wait3A_37 = arith.constant 0 : i32
      %dma_wait3A_38 = tpu.memref_slice %arg6[%mul3A_4, %dma_wait3A_37] : memref<10240x128xf32, #tpu.memory_space<vmem_shared>> -> memref<640x128xf32, #tpu.memory_space<vmem_shared>>
      tpu.wait_dma2 semaphore(%run_scoped3A : memref<!tpu.dma_semaphore, #tpu.memory_space<semaphore_mem>>) src(%arg4 : memref<640x128xf32, #tpu.memory_space<hbm>>) dst(%dma_wait3A_38 : memref<640x128xf32, #tpu.memory_space<vmem_shared>>)
      tpu.yield
    }) : () -> ()
    %barrier3A = arith.constant 0 : index
    tpu.barrier barrier_id(%barrier3A)
    %add3A_5 = arith.constant 0 : i32
    %add3A_6 = arith.addi %add3A, %add3A_5 : i32
    %dma_start3A = tpu.memref_slice %arg3[%add3A_6] : memref<327680xi32, #tpu.memory_space<hbm>> -> memref<128xi32, #tpu.memory_space<hbm>>
    %dma_start3A_7 = tpu.memref_slice %arg3[%add3A_6] : memref<327680xi32, #tpu.memory_space<hbm>> -> memref<128xi32, #tpu.memory_space<hbm>>
    tpu.enqueue_dma source(%dma_start3A_7 : memref<128xi32, #tpu.memory_space<hbm>>) target(%arg7 : memref<128xi32, #tpu.memory_space<vmem>>) target_semaphore(%arg11 : memref<!tpu.dma_semaphore, #tpu.memory_space<semaphore_mem>>)
    %dma_start3A_8 = arith.constant 0 : i32
    %dma_start3A_9 = tpu.memref_slice %arg2[%add3A_6, %dma_start3A_8] : memref<327680x128xf32, #tpu.memory_space<hbm>> -> memref<128x128xf32, #tpu.memory_space<hbm>>
    %dma_start3A_10 = arith.constant 0 : i32
    %dma_start3A_11 = tpu.memref_slice %arg2[%add3A_6, %dma_start3A_10] : memref<327680x128xf32, #tpu.memory_space<hbm>> -> memref<128x128xf32, #tpu.memory_space<hbm>>
    tpu.enqueue_dma source(%dma_start3A_11 : memref<128x128xf32, #tpu.memory_space<hbm>>) target(%arg9 : memref<128x128xf32, #tpu.memory_space<vmem>>) target_semaphore(%arg13 : memref<!tpu.dma_semaphore, #tpu.memory_space<semaphore_mem>>)
    %add3A_12 = arith.constant 128 : i32
    %add3A_13 = arith.addi %add3A, %add3A_12 : i32
    %dma_start3A_14 = tpu.memref_slice %arg3[%add3A_13] : memref<327680xi32, #tpu.memory_space<hbm>> -> memref<128xi32, #tpu.memory_space<hbm>>
    %dma_start3A_15 = tpu.memref_slice %arg3[%add3A_13] : memref<327680xi32, #tpu.memory_space<hbm>> -> memref<128xi32, #tpu.memory_space<hbm>>
    tpu.enqueue_dma source(%dma_start3A_15 : memref<128xi32, #tpu.memory_space<hbm>>) target(%arg8 : memref<128xi32, #tpu.memory_space<vmem>>) target_semaphore(%arg12 : memref<!tpu.dma_semaphore, #tpu.memory_space<semaphore_mem>>)
    %dma_start3A_16 = arith.constant 0 : i32
    %dma_start3A_17 = tpu.memref_slice %arg2[%add3A_13, %dma_start3A_16] : memref<327680x128xf32, #tpu.memory_space<hbm>> -> memref<128x128xf32, #tpu.memory_space<hbm>>
    %dma_start3A_18 = arith.constant 0 : i32
    %dma_start3A_19 = tpu.memref_slice %arg2[%add3A_13, %dma_start3A_18] : memref<327680x128xf32, #tpu.memory_space<hbm>> -> memref<128x128xf32, #tpu.memory_space<hbm>>
    tpu.enqueue_dma source(%dma_start3A_19 : memref<128x128xf32, #tpu.memory_space<hbm>>) target(%arg10 : memref<128x128xf32, #tpu.memory_space<vmem>>) target_semaphore(%arg14 : memref<!tpu.dma_semaphore, #tpu.memory_space<semaphore_mem>>)
    %scan3A = arith.constant 0 : i32
    %scan3A_20 = arith.constant 0 : i32
    %scan3A_21 = arith.constant 40 : i32
    %scan3A_22 = arith.addi %scan3A_20, %scan3A_21 : i32
    %scan3A_23 = arith.constant 1 : i32
    scf.for %scan3A_35 = %scan3A_20 to %scan3A_22 step %scan3A_23  : i32 {
      %mul3A_36 = arith.constant 2 : i32
      %mul3A_37 = arith.muli %mul3A_36, %scan3A_35 : i32
      %add3A_38 = arith.constant 0 : i32
      %add3A_39 = arith.addi %mul3A_37, %add3A_38 : i32
      %dma_wait3A_40 = arith.constant 0 : i32
      %dma_wait3A_41 = tpu.memref_slice %arg3[%dma_wait3A_40] : memref<327680xi32, #tpu.memory_space<hbm>> -> memref<128xi32, #tpu.memory_space<hbm>>
      %dma_wait3A_42 = arith.constant 0 : i32
      %dma_wait3A_43 = tpu.memref_slice %arg3[%dma_wait3A_42] : memref<327680xi32, #tpu.memory_space<hbm>> -> memref<128xi32, #tpu.memory_space<hbm>>
      tpu.wait_dma2 semaphore(%arg11 : memref<!tpu.dma_semaphore, #tpu.memory_space<semaphore_mem>>) src(%dma_wait3A_43 : memref<128xi32, #tpu.memory_space<hbm>>) dst(%arg7 : memref<128xi32, #tpu.memory_space<vmem>>)
      %dma_wait3A_44 = arith.constant 0 : i32
      %dma_wait3A_45 = arith.constant 0 : i32
      %dma_wait3A_46 = tpu.memref_slice %arg2[%dma_wait3A_44, %dma_wait3A_45] : memref<327680x128xf32, #tpu.memory_space<hbm>> -> memref<128x128xf32, #tpu.memory_space<hbm>>
      %dma_wait3A_47 = arith.constant 0 : i32
      %dma_wait3A_48 = arith.constant 0 : i32
      %dma_wait3A_49 = tpu.memref_slice %arg2[%dma_wait3A_47, %dma_wait3A_48] : memref<327680x128xf32, #tpu.memory_space<hbm>> -> memref<128x128xf32, #tpu.memory_space<hbm>>
      tpu.wait_dma2 semaphore(%arg13 : memref<!tpu.dma_semaphore, #tpu.memory_space<semaphore_mem>>) src(%dma_wait3A_49 : memref<128x128xf32, #tpu.memory_space<hbm>>) dst(%arg9 : memref<128x128xf32, #tpu.memory_space<vmem>>)
      %dma_start3A_50 = arith.constant 0 : i32
      %dma_start3A_51 = arith.constant 0 : i32
      %dma_start3A_52 = tpu.memref_slice %arg6[%dma_start3A_50, %dma_start3A_51] : memref<10240x128xf32, #tpu.memory_space<vmem_shared>> -> memref<10240x128xf32, #tpu.memory_space<vmem_shared>>
      tpu.enqueue_indirect_dma source(%arg9 : memref<128x128xf32, #tpu.memory_space<vmem>>) target(%dma_start3A_52 : memref<10240x128xf32, #tpu.memory_space<vmem_shared>>) offsets(%arg7 : memref<128xi32, #tpu.memory_space<vmem>>) semaphore(%arg15 : memref<!tpu.dma_semaphore, #tpu.memory_space<semaphore_mem>>) {add = true}
      %lt3A = arith.constant 39 : i32
      %lt3A_53 = arith.cmpi slt, %scan3A_35, %lt3A : i32
      %convert_element_type3A = arith.extui %lt3A_53 : i1 to i32
      %cond3A = arith.constant 0 : i32
      %cond3A_54 = arith.cmpi ne, %convert_element_type3A, %cond3A : i32
      scf.if %cond3A_54 {
        %dma_wait3A_77 = arith.constant 0 : i32
        %dma_wait3A_78 = arith.constant 0 : i32
        %dma_wait3A_79 = tpu.memref_slice %arg6[%dma_wait3A_77, %dma_wait3A_78] : memref<10240x128xf32, #tpu.memory_space<vmem_shared>> -> memref<10240x128xf32, #tpu.memory_space<vmem_shared>>
        tpu.wait_indirect_dma semaphore(%arg15 : memref<!tpu.dma_semaphore, #tpu.memory_space<semaphore_mem>>) src(%arg9 : memref<128x128xf32, #tpu.memory_space<vmem>>) dst(%dma_wait3A_79 : memref<10240x128xf32, #tpu.memory_space<vmem_shared>>)
        %add3A_80 = arith.constant 2 : i32
        %add3A_81 = arith.addi %add3A_39, %add3A_80 : i32
        %mul3A_82 = arith.constant 128 : i32
        %mul3A_83 = arith.muli %add3A_81, %mul3A_82 : i32
        %add3A_84 = arith.addi %add3A, %mul3A_83 : i32
        %dma_start3A_85 = tpu.memref_slice %arg3[%add3A_84] : memref<327680xi32, #tpu.memory_space<hbm>> -> memref<128xi32, #tpu.memory_space<hbm>>
        %dma_start3A_86 = tpu.memref_slice %arg3[%add3A_84] : memref<327680xi32, #tpu.memory_space<hbm>> -> memref<128xi32, #tpu.memory_space<hbm>>
        tpu.enqueue_dma source(%dma_start3A_86 : memref<128xi32, #tpu.memory_space<hbm>>) target(%arg7 : memref<128xi32, #tpu.memory_space<vmem>>) target_semaphore(%arg11 : memref<!tpu.dma_semaphore, #tpu.memory_space<semaphore_mem>>)
        %dma_start3A_87 = arith.constant 0 : i32
        %dma_start3A_88 = tpu.memref_slice %arg2[%add3A_84, %dma_start3A_87] : memref<327680x128xf32, #tpu.memory_space<hbm>> -> memref<128x128xf32, #tpu.memory_space<hbm>>
        %dma_start3A_89 = arith.constant 0 : i32
        %dma_start3A_90 = tpu.memref_slice %arg2[%add3A_84, %dma_start3A_89] : memref<327680x128xf32, #tpu.memory_space<hbm>> -> memref<128x128xf32, #tpu.memory_space<hbm>>
        tpu.enqueue_dma source(%dma_start3A_90 : memref<128x128xf32, #tpu.memory_space<hbm>>) target(%arg9 : memref<128x128xf32, #tpu.memory_space<vmem>>) target_semaphore(%arg13 : memref<!tpu.dma_semaphore, #tpu.memory_space<semaphore_mem>>)
      } else {
      }
      %mul3A_55 = arith.constant 2 : i32
      %mul3A_56 = arith.muli %mul3A_55, %scan3A_35 : i32
      %add3A_57 = arith.constant 1 : i32
      %add3A_58 = arith.addi %mul3A_56, %add3A_57 : i32
      %dma_wait3A_59 = arith.constant 0 : i32
      %dma_wait3A_60 = tpu.memref_slice %arg3[%dma_wait3A_59] : memref<327680xi32, #tpu.memory_space<hbm>> -> memref<128xi32, #tpu.memory_space<hbm>>
      %dma_wait3A_61 = arith.constant 0 : i32
      %dma_wait3A_62 = tpu.memref_slice %arg3[%dma_wait3A_61] : memref<327680xi32, #tpu.memory_space<hbm>> -> memref<128xi32, #tpu.memory_space<hbm>>
      tpu.wait_dma2 semaphore(%arg12 : memref<!tpu.dma_semaphore, #tpu.memory_space<semaphore_mem>>) src(%dma_wait3A_62 : memref<128xi32, #tpu.memory_space<hbm>>) dst(%arg8 : memref<128xi32, #tpu.memory_space<vmem>>)
      %dma_wait3A_63 = arith.constant 0 : i32
      %dma_wait3A_64 = arith.constant 0 : i32
      %dma_wait3A_65 = tpu.memref_slice %arg2[%dma_wait3A_63, %dma_wait3A_64] : memref<327680x128xf32, #tpu.memory_space<hbm>> -> memref<128x128xf32, #tpu.memory_space<hbm>>
      %dma_wait3A_66 = arith.constant 0 : i32
      %dma_wait3A_67 = arith.constant 0 : i32
      %dma_wait3A_68 = tpu.memref_slice %arg2[%dma_wait3A_66, %dma_wait3A_67] : memref<327680x128xf32, #tpu.memory_space<hbm>> -> memref<128x128xf32, #tpu.memory_space<hbm>>
      tpu.wait_dma2 semaphore(%arg14 : memref<!tpu.dma_semaphore, #tpu.memory_space<semaphore_mem>>) src(%dma_wait3A_68 : memref<128x128xf32, #tpu.memory_space<hbm>>) dst(%arg10 : memref<128x128xf32, #tpu.memory_space<vmem>>)
      %dma_start3A_69 = arith.constant 0 : i32
      %dma_start3A_70 = arith.constant 0 : i32
      %dma_start3A_71 = tpu.memref_slice %arg6[%dma_start3A_69, %dma_start3A_70] : memref<10240x128xf32, #tpu.memory_space<vmem_shared>> -> memref<10240x128xf32, #tpu.memory_space<vmem_shared>>
      tpu.enqueue_indirect_dma source(%arg10 : memref<128x128xf32, #tpu.memory_space<vmem>>) target(%dma_start3A_71 : memref<10240x128xf32, #tpu.memory_space<vmem_shared>>) offsets(%arg8 : memref<128xi32, #tpu.memory_space<vmem>>) semaphore(%arg16 : memref<!tpu.dma_semaphore, #tpu.memory_space<semaphore_mem>>) {add = true}
      %lt3A_72 = arith.constant 39 : i32
      %lt3A_73 = arith.cmpi slt, %scan3A_35, %lt3A_72 : i32
      %convert_element_type3A_74 = arith.extui %lt3A_73 : i1 to i32
      %cond3A_75 = arith.constant 0 : i32
      %cond3A_76 = arith.cmpi ne, %convert_element_type3A_74, %cond3A_75 : i32
      scf.if %cond3A_76 {
        %dma_wait3A_77 = arith.constant 0 : i32
        %dma_wait3A_78 = arith.constant 0 : i32
        %dma_wait3A_79 = tpu.memref_slice %arg6[%dma_wait3A_77, %dma_wait3A_78] : memref<10240x128xf32, #tpu.memory_space<vmem_shared>> -> memref<10240x128xf32, #tpu.memory_space<vmem_shared>>
        tpu.wait_indirect_dma semaphore(%arg16 : memref<!tpu.dma_semaphore, #tpu.memory_space<semaphore_mem>>) src(%arg10 : memref<128x128xf32, #tpu.memory_space<vmem>>) dst(%dma_wait3A_79 : memref<10240x128xf32, #tpu.memory_space<vmem_shared>>)
        %add3A_80 = arith.constant 2 : i32
        %add3A_81 = arith.addi %add3A_58, %add3A_80 : i32
        %mul3A_82 = arith.constant 128 : i32
        %mul3A_83 = arith.muli %add3A_81, %mul3A_82 : i32
        %add3A_84 = arith.addi %add3A, %mul3A_83 : i32
        %dma_start3A_85 = tpu.memref_slice %arg3[%add3A_84] : memref<327680xi32, #tpu.memory_space<hbm>> -> memref<128xi32, #tpu.memory_space<hbm>>
        %dma_start3A_86 = tpu.memref_slice %arg3[%add3A_84] : memref<327680xi32, #tpu.memory_space<hbm>> -> memref<128xi32, #tpu.memory_space<hbm>>
        tpu.enqueue_dma source(%dma_start3A_86 : memref<128xi32, #tpu.memory_space<hbm>>) target(%arg8 : memref<128xi32, #tpu.memory_space<vmem>>) target_semaphore(%arg12 : memref<!tpu.dma_semaphore, #tpu.memory_space<semaphore_mem>>)
        %dma_start3A_87 = arith.constant 0 : i32
        %dma_start3A_88 = tpu.memref_slice %arg2[%add3A_84, %dma_start3A_87] : memref<327680x128xf32, #tpu.memory_space<hbm>> -> memref<128x128xf32, #tpu.memory_space<hbm>>
        %dma_start3A_89 = arith.constant 0 : i32
        %dma_start3A_90 = tpu.memref_slice %arg2[%add3A_84, %dma_start3A_89] : memref<327680x128xf32, #tpu.memory_space<hbm>> -> memref<128x128xf32, #tpu.memory_space<hbm>>
        tpu.enqueue_dma source(%dma_start3A_90 : memref<128x128xf32, #tpu.memory_space<hbm>>) target(%arg10 : memref<128x128xf32, #tpu.memory_space<vmem>>) target_semaphore(%arg14 : memref<!tpu.dma_semaphore, #tpu.memory_space<semaphore_mem>>)
      } else {
      }
    }
    %scan3A_24 = arith.constant 40 : i32
    %dma_wait3A = arith.constant 0 : i32
    %dma_wait3A_25 = arith.constant 0 : i32
    %dma_wait3A_26 = tpu.memref_slice %arg6[%dma_wait3A, %dma_wait3A_25] : memref<10240x128xf32, #tpu.memory_space<vmem_shared>> -> memref<10240x128xf32, #tpu.memory_space<vmem_shared>>
    tpu.wait_indirect_dma semaphore(%arg15 : memref<!tpu.dma_semaphore, #tpu.memory_space<semaphore_mem>>) src(%arg9 : memref<128x128xf32, #tpu.memory_space<vmem>>) dst(%dma_wait3A_26 : memref<10240x128xf32, #tpu.memory_space<vmem_shared>>)
    %dma_wait3A_27 = arith.constant 0 : i32
    %dma_wait3A_28 = arith.constant 0 : i32
    %dma_wait3A_29 = tpu.memref_slice %arg6[%dma_wait3A_27, %dma_wait3A_28] : memref<10240x128xf32, #tpu.memory_space<vmem_shared>> -> memref<10240x128xf32, #tpu.memory_space<vmem_shared>>
    tpu.wait_indirect_dma semaphore(%arg16 : memref<!tpu.dma_semaphore, #tpu.memory_space<semaphore_mem>>) src(%arg10 : memref<128x128xf32, #tpu.memory_space<vmem>>) dst(%dma_wait3A_29 : memref<10240x128xf32, #tpu.memory_space<vmem_shared>>)
    %barrier3A_30 = arith.constant 0 : index
    tpu.barrier barrier_id(%barrier3A_30)
    %mul3A_31 = arith.constant 640 : i32
    %mul3A_32 = arith.muli %arg1, %mul3A_31 : i32
    %mul3A_33 = arith.constant 640 : i32
    %mul3A_34 = arith.muli %arg1, %mul3A_33 : i32
    "tpu.region"() ({
      %run_scoped3A = tpu.sem_alloc : memref<!tpu.dma_semaphore, #tpu.memory_space<semaphore_mem>>
      %dma_start3A_35 = arith.constant 0 : i32
      %dma_start3A_36 = tpu.memref_slice %arg5[%arg0, %mul3A_34, %dma_start3A_35] : memref<2x10240x128xf32, #tpu.memory_space<hbm>> -> memref<1x640x128xf32, #tpu.memory_space<hbm>>
      %dma_start3A_37 = tpu.memref_squeeze %dma_start3A_36 : memref<1x640x128xf32, #tpu.memory_space<hbm>> -> memref<640x128xf32, #tpu.memory_space<hbm>>
      %dma_start3A_38 = arith.constant 0 : i32
      %dma_start3A_39 = tpu.memref_slice %arg6[%mul3A_32, %dma_start3A_38] : memref<10240x128xf32, #tpu.memory_space<vmem_shared>> -> memref<640x128xf32, #tpu.memory_space<vmem_shared>>
      tpu.enqueue_dma source(%dma_start3A_39 : memref<640x128xf32, #tpu.memory_space<vmem_shared>>) target(%dma_start3A_37 : memref<640x128xf32, #tpu.memory_space<hbm>>) target_semaphore(%run_scoped3A : memref<!tpu.dma_semaphore, #tpu.memory_space<semaphore_mem>>)
      %dma_wait3A_40 = arith.constant 0 : i32
      %dma_wait3A_41 = tpu.memref_slice %arg5[%arg0, %mul3A_34, %dma_wait3A_40] : memref<2x10240x128xf32, #tpu.memory_space<hbm>> -> memref<1x640x128xf32, #tpu.memory_space<hbm>>
      %dma_wait3A_42 = tpu.memref_squeeze %dma_wait3A_41 : memref<1x640x128xf32, #tpu.memory_space<hbm>> -> memref<640x128xf32, #tpu.memory_space<hbm>>
      %dma_wait3A_43 = arith.constant 0 : i32
      %dma_wait3A_44 = tpu.memref_slice %arg6[%mul3A_32, %dma_wait3A_43] : memref<10240x128xf32, #tpu.memory_space<vmem_shared>> -> memref<640x128xf32, #tpu.memory_space<vmem_shared>>
      tpu.wait_dma2 semaphore(%run_scoped3A : memref<!tpu.dma_semaphore, #tpu.memory_space<semaphore_mem>>) src(%dma_wait3A_44 : memref<640x128xf32, #tpu.memory_space<vmem_shared>>) dst(%dma_wait3A_42 : memref<640x128xf32, #tpu.memory_space<hbm>>)
      tpu.yield
    }) : () -> ()
    return
  }
}

module attributes {stable_mosaic.version = 14 : i64} {
  func.func @_embed_kernel(%arg0: i32, %arg1: memref<256x8xf32, #tpu.memory_space<vmem>>, %arg2: memref<256x16xf32, #tpu.memory_space<vmem>>, %arg3: memref<8x64xf32, #tpu.memory_space<vmem>>, %arg4: memref<56x64xf32, #tpu.memory_space<vmem>>, %arg5: memref<1x56xf32, #tpu.memory_space<vmem>>, %arg6: memref<1x64xf32, #tpu.memory_space<vmem>>, %arg7: memref<256x128xf32, #tpu.memory_space<vmem>>) attributes {dimension_semantics = [#tpu.dimension_semantics<arbitrary>], iteration_bounds = array<i64: 80>, scalar_prefetch = 0 : i64, scratch_operands = 0 : i64, tpu.core_type = #tpu.core_type<tc>, window_params = [{transform_indices = @transform_0, window_bounds = array<i64: 256, 8>}, {transform_indices = @transform_1, window_bounds = array<i64: 256, 16>}, {pipeline_mode = #tpu.pipeline_mode<synchronous>, transform_indices = @transform_2, window_bounds = array<i64: 8, 64>}, {pipeline_mode = #tpu.pipeline_mode<synchronous>, transform_indices = @transform_3, window_bounds = array<i64: 56, 64>}, {pipeline_mode = #tpu.pipeline_mode<synchronous>, transform_indices = @transform_4, window_bounds = array<i64: 1, 56>}, {pipeline_mode = #tpu.pipeline_mode<synchronous>, transform_indices = @transform_5, window_bounds = array<i64: 1, 64>}, {transform_indices = @transform_6, window_bounds = array<i64: 256, 128>}]} {
    %get3A = arith.constant 0 : index
    %get3A_0 = arith.constant 0 : index
    %get3A_1 = vector.load %arg1[%get3A, %get3A_0] : memref<256x8xf32, #tpu.memory_space<vmem>>, vector<256x8xf32>
    %get3A_2 = arith.constant 0 : index
    %get3A_3 = arith.constant 0 : index
    %get3A_4 = vector.load %arg3[%get3A_2, %get3A_3] : memref<8x64xf32, #tpu.memory_space<vmem>>, vector<8x64xf32>
    %dot_general3A = arith.constant dense<0.000000e+00> : vector<256x64xf32>
    %dot_general3A_5 = tpu.matmul %get3A_1, %get3A_4, %dot_general3A {dimension_numbers = #tpu.dot_dimension_numbers<[1], [0], [0], [1], [0, 0, 1, 1], [], []>, transpose_lhs_hint = false} : vector<256x8xf32>, vector<8x64xf32>, vector<256x64xf32> -> vector<256x64xf32>
    %get3A_6 = arith.constant 0 : index
    %get3A_7 = arith.constant 0 : index
    %get3A_8 = vector.load %arg5[%get3A_6, %get3A_7] : memref<1x56xf32, #tpu.memory_space<vmem>>, vector<1x56xf32>
    %get3A_9 = arith.constant 0 : index
    %get3A_10 = arith.constant 0 : index
    %get3A_11 = vector.load %arg4[%get3A_9, %get3A_10] : memref<56x64xf32, #tpu.memory_space<vmem>>, vector<56x64xf32>
    %dot_general3A_12 = arith.constant dense<0.000000e+00> : vector<1x64xf32>
    %dot_general3A_13 = tpu.matmul %get3A_8, %get3A_11, %dot_general3A_12 {dimension_numbers = #tpu.dot_dimension_numbers<[1], [0], [0], [1], [0, 0, 1, 1], [], []>, transpose_lhs_hint = false} : vector<1x56xf32>, vector<56x64xf32>, vector<1x64xf32> -> vector<1x64xf32>
    %add3A = vector.broadcast %dot_general3A_13 : vector<1x64xf32> to vector<256x64xf32>
    %add3A_14 = arith.addf %dot_general3A_5, %add3A : vector<256x64xf32>
    %get3A_15 = arith.constant 0 : index
    %get3A_16 = arith.constant 0 : index
    %get3A_17 = vector.load %arg6[%get3A_15, %get3A_16] : memref<1x64xf32, #tpu.memory_space<vmem>>, vector<1x64xf32>
    %add3A_18 = vector.broadcast %get3A_17 : vector<1x64xf32> to vector<256x64xf32>
    %add3A_19 = arith.addf %add3A_14, %add3A_18 : vector<256x64xf32>
    %broadcast_in_dim3A = arith.constant 0.000000e+00 : f32
    %broadcast_in_dim3A_20 = vector.broadcast %broadcast_in_dim3A : f32 to vector<256x48xf32>
    %get3A_21 = arith.constant 0 : index
    %get3A_22 = arith.constant 0 : index
    %get3A_23 = vector.load %arg2[%get3A_21, %get3A_22] : memref<256x16xf32, #tpu.memory_space<vmem>>, vector<256x16xf32>
    %concatenate3A = tpu.concatenate %add3A_19, %get3A_23, %broadcast_in_dim3A_20 in 1 : vector<256x64xf32>, vector<256x16xf32>, vector<256x48xf32> -> vector<256x128xf32>
    %swap3A = arith.constant 0 : index
    %swap3A_24 = arith.constant 0 : index
    %swap3A_25 = vector.load %arg7[%swap3A, %swap3A_24] : memref<256x128xf32, #tpu.memory_space<vmem>>, vector<256x128xf32>
    tpu.vector_store %arg7[%swap3A, %swap3A_24], %concatenate3A {strides = array<i32>} : memref<256x128xf32, #tpu.memory_space<vmem>>, vector<256x128xf32>,
    return
  }
  func.func @transform_0(%arg0: i32) -> (i32, i32) {
    %c0_i32 = arith.constant 0 : i32
    %c0_i32_0 = arith.constant 0 : i32
    return %arg0, %c0_i32 : i32, i32
  }
  func.func @transform_1(%arg0: i32) -> (i32, i32) {
    %c0_i32 = arith.constant 0 : i32
    %c0_i32_0 = arith.constant 0 : i32
    return %arg0, %c0_i32 : i32, i32
  }
  func.func @transform_2(%arg0: i32) -> (i32, i32) {
    %c0_i32 = arith.constant 0 : i32
    %c0_i32_0 = arith.constant 0 : i32
    %c0_i32_1 = arith.constant 0 : i32
    return %c0_i32, %c0_i32_0 : i32, i32
  }
  func.func @transform_3(%arg0: i32) -> (i32, i32) {
    %c0_i32 = arith.constant 0 : i32
    %c0_i32_0 = arith.constant 0 : i32
    %c0_i32_1 = arith.constant 0 : i32
    return %c0_i32, %c0_i32_0 : i32, i32
  }
  func.func @transform_4(%arg0: i32) -> (i32, i32) {
    %c0_i32 = arith.constant 0 : i32
    %c0_i32_0 = arith.constant 0 : i32
    %c0_i32_1 = arith.constant 0 : i32
    return %c0_i32, %c0_i32_0 : i32, i32
  }
  func.func @transform_5(%arg0: i32) -> (i32, i32) {
    %c0_i32 = arith.constant 0 : i32
    %c0_i32_0 = arith.constant 0 : i32
    %c0_i32_1 = arith.constant 0 : i32
    return %c0_i32, %c0_i32_0 : i32, i32
  }
  func.func @transform_6(%arg0: i32) -> (i32, i32) {
    %c0_i32 = arith.constant 0 : i32
    %c0_i32_0 = arith.constant 0 : i32
    return %arg0, %c0_i32 : i32, i32
  }
}

module attributes {stable_mosaic.version = 14 : i64} {
  func.func @_edge_kernel(%arg0: i32, %arg1: memref<1x4096x128xf32, #tpu.memory_space<vmem>>, %arg2: memref<1x4096x128xf32, #tpu.memory_space<vmem>>, %arg3: memref<4x4096xf32, #tpu.memory_space<vmem>>, %arg4: memref<64x64xf32, #tpu.memory_space<vmem>>, %arg5: memref<64x64xf32, #tpu.memory_space<vmem>>, %arg6: memref<1x64xf32, #tpu.memory_space<vmem>>, %arg7: memref<4x64xf32, #tpu.memory_space<vmem>>, %arg8: memref<1x64xf32, #tpu.memory_space<vmem>>, %arg9: memref<64x64xf32, #tpu.memory_space<vmem>>, %arg10: memref<1x64xf32, #tpu.memory_space<vmem>>, %arg11: memref<64x64xf32, #tpu.memory_space<vmem>>, %arg12: memref<1x64xf32, #tpu.memory_space<vmem>>, %arg13: memref<64x1xf32, #tpu.memory_space<vmem>>, %arg14: memref<1x1xf32, #tpu.memory_space<vmem>>, %arg15: memref<4096x128xf32, #tpu.memory_space<vmem>>) attributes {dimension_semantics = [#tpu.dimension_semantics<arbitrary>], iteration_bounds = array<i64: 80>, scalar_prefetch = 0 : i64, scratch_operands = 0 : i64, tpu.core_type = #tpu.core_type<tc>, window_params = [{transform_indices = @transform_0, window_bounds = array<i64: 1, 4096, 128>}, {transform_indices = @transform_1, window_bounds = array<i64: 1, 4096, 128>}, {transform_indices = @transform_2, window_bounds = array<i64: 4, 4096>}, {pipeline_mode = #tpu.pipeline_mode<synchronous>, transform_indices = @transform_3, window_bounds = array<i64: 64, 64>}, {pipeline_mode = #tpu.pipeline_mode<synchronous>, transform_indices = @transform_4, window_bounds = array<i64: 64, 64>}, {pipeline_mode = #tpu.pipeline_mode<synchronous>, transform_indices = @transform_5, window_bounds = array<i64: 1, 64>}, {pipeline_mode = #tpu.pipeline_mode<synchronous>, transform_indices = @transform_6, window_bounds = array<i64: 4, 64>}, {pipeline_mode = #tpu.pipeline_mode<synchronous>, transform_indices = @transform_7, window_bounds = array<i64: 1, 64>}, {pipeline_mode = #tpu.pipeline_mode<synchronous>, transform_indices = @transform_8, window_bounds = array<i64: 64, 64>}, {pipeline_mode = #tpu.pipeline_mode<synchronous>, transform_indices = @transform_9, window_bounds = array<i64: 1, 64>}, {pipeline_mode = #tpu.pipeline_mode<synchronous>, transform_indices = @transform_10, window_bounds = array<i64: 64, 64>}, {pipeline_mode = #tpu.pipeline_mode<synchronous>, transform_indices = @transform_11, window_bounds = array<i64: 1, 64>}, {pipeline_mode = #tpu.pipeline_mode<synchronous>, transform_indices = @transform_12, window_bounds = array<i64: 64, 1>}, {pipeline_mode = #tpu.pipeline_mode<synchronous>, transform_indices = @transform_13, window_bounds = array<i64: 1, 1>}, {transform_indices = @transform_14, window_bounds = array<i64: 4096, 128>}]} {
    %get3A = arith.constant 0 : index
    %get3A_0 = arith.constant 0 : index
    %get3A_1 = arith.constant 0 : index
    %get3A_2 = vector.load %arg1[%get3A, %get3A_0, %get3A_1] : memref<1x4096x128xf32, #tpu.memory_space<vmem>>, vector<1x4096x128xf32>
    %get3A_3 = vector.shape_cast %get3A_2 : vector<1x4096x128xf32> to vector<4096x128xf32>
    %get3A_4 = arith.constant 0 : index
    %get3A_5 = arith.constant 0 : index
    %get3A_6 = arith.constant 0 : index
    %get3A_7 = vector.load %arg2[%get3A_4, %get3A_5, %get3A_6] : memref<1x4096x128xf32, #tpu.memory_space<vmem>>, vector<1x4096x128xf32>
    %get3A_8 = vector.shape_cast %get3A_7 : vector<1x4096x128xf32> to vector<4096x128xf32>
    %slice3A = vector.extract_strided_slice %get3A_3 {offsets = [0, 0], sizes = [4096, 64], strides = [1, 1]} : vector<4096x128xf32> to vector<4096x64xf32>
    %slice3A_9 = vector.extract_strided_slice %get3A_8 {offsets = [0, 0], sizes = [4096, 64], strides = [1, 1]} : vector<4096x128xf32> to vector<4096x64xf32>
    %slice3A_10 = vector.extract_strided_slice %get3A_3 {offsets = [0, 64], sizes = [4096, 16], strides = [1, 1]} : vector<4096x128xf32> to vector<4096x16xf32>
    %slice3A_11 = vector.extract_strided_slice %get3A_8 {offsets = [0, 64], sizes = [4096, 16], strides = [1, 1]} : vector<4096x128xf32> to vector<4096x16xf32>
    %sub3A = arith.subf %slice3A_10, %slice3A_11 : vector<4096x16xf32>
    %slice3A_12 = vector.extract_strided_slice %sub3A {offsets = [0, 0], sizes = [4096, 3], strides = [1, 1]} : vector<4096x16xf32> to vector<4096x3xf32>
    %slice3A_13 = vector.extract_strided_slice %sub3A {offsets = [0, 0], sizes = [4096, 3], strides = [1, 1]} : vector<4096x16xf32> to vector<4096x3xf32>
    %mul3A = arith.mulf %slice3A_12, %slice3A_13 : vector<4096x3xf32>
    %reduce_sum3A = arith.constant dense<0.000000e+00> : vector<4096xf32>
    %reduce_sum3A_14 = vector.multi_reduction <add>, %mul3A, %reduce_sum3A [1] : vector<4096x3xf32> to vector<4096xf32>
    %broadcast_in_dim3A = vector.shape_cast %reduce_sum3A_14 : vector<4096xf32> to vector<4096x1xf32>
    %get3A_15 = arith.constant 0 : index
    %get3A_16 = arith.constant 0 : index
    %get3A_17 = vector.load %arg3[%get3A_15, %get3A_16] : memref<4x4096xf32, #tpu.memory_space<vmem>>, vector<4x4096xf32>
    %get3A_18 = arith.constant 0 : index
    %get3A_19 = arith.constant 0 : index
    %get3A_20 = vector.load %arg7[%get3A_18, %get3A_19] : memref<4x64xf32, #tpu.memory_space<vmem>>, vector<4x64xf32>
    %dot_general3A = arith.constant dense<0.000000e+00> : vector<4096x64xf32>
    %dot_general3A_21 = tpu.matmul %get3A_17, %get3A_20, %dot_general3A {dimension_numbers = #tpu.dot_dimension_numbers<[0], [0], [1], [1], [0, 1, 1, 1], [], []>, transpose_lhs_hint = false} : vector<4x4096xf32>, vector<4x64xf32>, vector<4096x64xf32> -> vector<4096x64xf32>
    %get3A_22 = arith.constant 0 : index
    %get3A_23 = arith.constant 0 : index
    %get3A_24 = vector.load %arg4[%get3A_22, %get3A_23] : memref<64x64xf32, #tpu.memory_space<vmem>>, vector<64x64xf32>
    %dot_general3A_25 = arith.constant dense<0.000000e+00> : vector<4096x64xf32>
    %dot_general3A_26 = tpu.matmul %slice3A, %get3A_24, %dot_general3A_25 {dimension_numbers = #tpu.dot_dimension_numbers<[1], [0], [0], [1], [0, 0, 1, 1], [], []>, transpose_lhs_hint = false} : vector<4096x64xf32>, vector<64x64xf32>, vector<4096x64xf32> -> vector<4096x64xf32>
    %get3A_27 = arith.constant 0 : index
    %get3A_28 = arith.constant 0 : index
    %get3A_29 = vector.load %arg5[%get3A_27, %get3A_28] : memref<64x64xf32, #tpu.memory_space<vmem>>, vector<64x64xf32>
    %dot_general3A_30 = arith.constant dense<0.000000e+00> : vector<4096x64xf32>
    %dot_general3A_31 = tpu.matmul %slice3A_9, %get3A_29, %dot_general3A_30 {dimension_numbers = #tpu.dot_dimension_numbers<[1], [0], [0], [1], [0, 0, 1, 1], [], []>, transpose_lhs_hint = false} : vector<4096x64xf32>, vector<64x64xf32>, vector<4096x64xf32> -> vector<4096x64xf32>
    %add3A = arith.addf %dot_general3A_26, %dot_general3A_31 : vector<4096x64xf32>
    %get3A_32 = arith.constant 0 : index
    %get3A_33 = arith.constant 0 : index
    %get3A_34 = vector.load %arg6[%get3A_32, %get3A_33] : memref<1x64xf32, #tpu.memory_space<vmem>>, vector<1x64xf32>
    %mul3A_35 = vector.broadcast %broadcast_in_dim3A : vector<4096x1xf32> to vector<4096x64xf32>
    %mul3A_36 = vector.broadcast %get3A_34 : vector<1x64xf32> to vector<4096x64xf32>
    %mul3A_37 = arith.mulf %mul3A_35, %mul3A_36 : vector<4096x64xf32>
    %add3A_38 = arith.addf %add3A, %mul3A_37 : vector<4096x64xf32>
    %add3A_39 = arith.addf %add3A_38, %dot_general3A_21 : vector<4096x64xf32>
    %get3A_40 = arith.constant 0 : index
    %get3A_41 = arith.constant 0 : index
    %get3A_42 = vector.load %arg8[%get3A_40, %get3A_41] : memref<1x64xf32, #tpu.memory_space<vmem>>, vector<1x64xf32>
    %add3A_43 = vector.broadcast %get3A_42 : vector<1x64xf32> to vector<4096x64xf32>
    %add3A_44 = arith.addf %add3A_39, %add3A_43 : vector<4096x64xf32>
    %logistic3A = arith.negf %add3A_44 : vector<4096x64xf32>
    %logistic3A_45 = math.exp %logistic3A : vector<4096x64xf32>
    %logistic3A_46 = arith.constant 1.000000e+00 : f32
    %logistic3A_47 = vector.broadcast %logistic3A_46 : f32 to vector<4096x64xf32>
    %logistic3A_48 = arith.addf %logistic3A_47, %logistic3A_45 : vector<4096x64xf32>
    %logistic3A_49 = arith.divf %logistic3A_47, %logistic3A_48 : vector<4096x64xf32>
    %mul3A_50 = arith.mulf %add3A_44, %logistic3A_49 : vector<4096x64xf32>
    %get3A_51 = arith.constant 0 : index
    %get3A_52 = arith.constant 0 : index
    %get3A_53 = vector.load %arg9[%get3A_51, %get3A_52] : memref<64x64xf32, #tpu.memory_space<vmem>>, vector<64x64xf32>
    %dot_general3A_54 = arith.constant dense<0.000000e+00> : vector<4096x64xf32>
    %dot_general3A_55 = tpu.matmul %mul3A_50, %get3A_53, %dot_general3A_54 {dimension_numbers = #tpu.dot_dimension_numbers<[1], [0], [0], [1], [0, 0, 1, 1], [], []>, transpose_lhs_hint = false} : vector<4096x64xf32>, vector<64x64xf32>, vector<4096x64xf32> -> vector<4096x64xf32>
    %get3A_56 = arith.constant 0 : index
    %get3A_57 = arith.constant 0 : index
    %get3A_58 = vector.load %arg10[%get3A_56, %get3A_57] : memref<1x64xf32, #tpu.memory_space<vmem>>, vector<1x64xf32>
    %add3A_59 = vector.broadcast %get3A_58 : vector<1x64xf32> to vector<4096x64xf32>
    %add3A_60 = arith.addf %dot_general3A_55, %add3A_59 : vector<4096x64xf32>
    %logistic3A_61 = arith.negf %add3A_60 : vector<4096x64xf32>
    %logistic3A_62 = math.exp %logistic3A_61 : vector<4096x64xf32>
    %logistic3A_63 = arith.constant 1.000000e+00 : f32
    %logistic3A_64 = vector.broadcast %logistic3A_63 : f32 to vector<4096x64xf32>
    %logistic3A_65 = arith.addf %logistic3A_64, %logistic3A_62 : vector<4096x64xf32>
    %logistic3A_66 = arith.divf %logistic3A_64, %logistic3A_65 : vector<4096x64xf32>
    %mul3A_67 = arith.mulf %add3A_60, %logistic3A_66 : vector<4096x64xf32>
    %get3A_68 = arith.constant 0 : index
    %get3A_69 = arith.constant 0 : index
    %get3A_70 = vector.load %arg11[%get3A_68, %get3A_69] : memref<64x64xf32, #tpu.memory_space<vmem>>, vector<64x64xf32>
    %dot_general3A_71 = arith.constant dense<0.000000e+00> : vector<4096x64xf32>
    %dot_general3A_72 = tpu.matmul %mul3A_67, %get3A_70, %dot_general3A_71 {dimension_numbers = #tpu.dot_dimension_numbers<[1], [0], [0], [1], [0, 0, 1, 1], [], []>, transpose_lhs_hint = false} : vector<4096x64xf32>, vector<64x64xf32>, vector<4096x64xf32> -> vector<4096x64xf32>
    %get3A_73 = arith.constant 0 : index
    %get3A_74 = arith.constant 0 : index
    %get3A_75 = vector.load %arg12[%get3A_73, %get3A_74] : memref<1x64xf32, #tpu.memory_space<vmem>>, vector<1x64xf32>
    %add3A_76 = vector.broadcast %get3A_75 : vector<1x64xf32> to vector<4096x64xf32>
    %add3A_77 = arith.addf %dot_general3A_72, %add3A_76 : vector<4096x64xf32>
    %logistic3A_78 = arith.negf %add3A_77 : vector<4096x64xf32>
    %logistic3A_79 = math.exp %logistic3A_78 : vector<4096x64xf32>
    %logistic3A_80 = arith.constant 1.000000e+00 : f32
    %logistic3A_81 = vector.broadcast %logistic3A_80 : f32 to vector<4096x64xf32>
    %logistic3A_82 = arith.addf %logistic3A_81, %logistic3A_79 : vector<4096x64xf32>
    %logistic3A_83 = arith.divf %logistic3A_81, %logistic3A_82 : vector<4096x64xf32>
    %mul3A_84 = arith.mulf %add3A_77, %logistic3A_83 : vector<4096x64xf32>
    %get3A_85 = arith.constant 0 : index
    %get3A_86 = arith.constant 0 : index
    %get3A_87 = vector.load %arg13[%get3A_85, %get3A_86] : memref<64x1xf32, #tpu.memory_space<vmem>>, vector<64x1xf32>
    %dot_general3A_88 = arith.constant dense<0.000000e+00> : vector<4096x1xf32>
    %dot_general3A_89 = tpu.matmul %mul3A_84, %get3A_87, %dot_general3A_88 {dimension_numbers = #tpu.dot_dimension_numbers<[1], [0], [0], [1], [0, 0, 1, 1], [], []>, transpose_lhs_hint = false} : vector<4096x64xf32>, vector<64x1xf32>, vector<4096x1xf32> -> vector<4096x1xf32>
    %get3A_90 = arith.constant 0 : index
    %get3A_91 = arith.constant 0 : index
    %get3A_92 = vector.load %arg14[%get3A_90, %get3A_91] : memref<1x1xf32, #tpu.memory_space<vmem>>, vector<1x1xf32>
    %add3A_93 = vector.broadcast %get3A_92 : vector<1x1xf32> to vector<4096x1xf32>
    %add3A_94 = arith.addf %dot_general3A_89, %add3A_93 : vector<4096x1xf32>
    %iota3A = tpu.iota {dimensions = array<i32: 1>} : vector<1x16xi32>
    %eq3A = arith.constant 6 : i32
    %eq3A_95 = vector.broadcast %eq3A : i32 to vector<1x16xi32>
    %eq3A_96 = arith.cmpi eq, %iota3A, %eq3A_95 : vector<1x16xi32>
    %convert_element_type3A = arith.extui %eq3A_96 : vector<1x16xi1> to vector<1x16xi32>
    %convert_element_type3A_97 = arith.sitofp %convert_element_type3A : vector<1x16xi32> to vector<1x16xf32>
    %mul3A_98 = vector.broadcast %add3A_94 : vector<4096x1xf32> to vector<4096x16xf32>
    %mul3A_99 = arith.mulf %sub3A, %mul3A_98 : vector<4096x16xf32>
    %add3A_100 = vector.broadcast %convert_element_type3A_97 : vector<1x16xf32> to vector<4096x16xf32>
    %add3A_101 = arith.addf %mul3A_99, %add3A_100 : vector<4096x16xf32>
    %broadcast_in_dim3A_102 = arith.constant 0.000000e+00 : f32
    %broadcast_in_dim3A_103 = vector.broadcast %broadcast_in_dim3A_102 : f32 to vector<4096x48xf32>
    %concatenate3A = tpu.concatenate %mul3A_67, %add3A_101, %broadcast_in_dim3A_103 in 1 : vector<4096x64xf32>, vector<4096x16xf32>, vector<4096x48xf32> -> vector<4096x128xf32>
    %swap3A = arith.constant 0 : index
    %swap3A_104 = arith.constant 0 : index
    %swap3A_105 = vector.load %arg15[%swap3A, %swap3A_104] : memref<4096x128xf32, #tpu.memory_space<vmem>>, vector<4096x128xf32>
    tpu.vector_store %arg15[%swap3A, %swap3A_104], %concatenate3A {strides = array<i32>} : memref<4096x128xf32, #tpu.memory_space<vmem>>, vector<4096x128xf32>,
    return
  }
  func.func @transform_0(%arg0: i32) -> (i32, i32, i32) {
    %c0_i32 = arith.constant 0 : i32
    %c0_i32_0 = arith.constant 0 : i32
    %c0_i32_1 = arith.constant 0 : i32
    return %c0_i32, %arg0, %c0_i32_0 : i32, i32, i32
  }
  func.func @transform_1(%arg0: i32) -> (i32, i32, i32) {
    %c1_i32 = arith.constant 1 : i32
    %c0_i32 = arith.constant 0 : i32
    %c0_i32_0 = arith.constant 0 : i32
    return %c1_i32, %arg0, %c0_i32 : i32, i32, i32
  }
  func.func @transform_2(%arg0: i32) -> (i32, i32) {
    %c0_i32 = arith.constant 0 : i32
    %c0_i32_0 = arith.constant 0 : i32
    return %c0_i32, %arg0 : i32, i32
  }
  func.func @transform_3(%arg0: i32) -> (i32, i32) {
    %c0_i32 = arith.constant 0 : i32
    %c0_i32_0 = arith.constant 0 : i32
    %c0_i32_1 = arith.constant 0 : i32
    return %c0_i32, %c0_i32_0 : i32, i32
  }
  func.func @transform_4(%arg0: i32) -> (i32, i32) {
    %c0_i32 = arith.constant 0 : i32
    %c0_i32_0 = arith.constant 0 : i32
    %c0_i32_1 = arith.constant 0 : i32
    return %c0_i32, %c0_i32_0 : i32, i32
  }
  func.func @transform_5(%arg0: i32) -> (i32, i32) {
    %c0_i32 = arith.constant 0 : i32
    %c0_i32_0 = arith.constant 0 : i32
    %c0_i32_1 = arith.constant 0 : i32
    return %c0_i32, %c0_i32_0 : i32, i32
  }
  func.func @transform_6(%arg0: i32) -> (i32, i32) {
    %c0_i32 = arith.constant 0 : i32
    %c0_i32_0 = arith.constant 0 : i32
    %c0_i32_1 = arith.constant 0 : i32
    return %c0_i32, %c0_i32_0 : i32, i32
  }
  func.func @transform_7(%arg0: i32) -> (i32, i32) {
    %c0_i32 = arith.constant 0 : i32
    %c0_i32_0 = arith.constant 0 : i32
    %c0_i32_1 = arith.constant 0 : i32
    return %c0_i32, %c0_i32_0 : i32, i32
  }
  func.func @transform_8(%arg0: i32) -> (i32, i32) {
    %c0_i32 = arith.constant 0 : i32
    %c0_i32_0 = arith.constant 0 : i32
    %c0_i32_1 = arith.constant 0 : i32
    return %c0_i32, %c0_i32_0 : i32, i32
  }
  func.func @transform_9(%arg0: i32) -> (i32, i32) {
    %c0_i32 = arith.constant 0 : i32
    %c0_i32_0 = arith.constant 0 : i32
    %c0_i32_1 = arith.constant 0 : i32
    return %c0_i32, %c0_i32_0 : i32, i32
  }
  func.func @transform_10(%arg0: i32) -> (i32, i32) {
    %c0_i32 = arith.constant 0 : i32
    %c0_i32_0 = arith.constant 0 : i32
    %c0_i32_1 = arith.constant 0 : i32
    return %c0_i32, %c0_i32_0 : i32, i32
  }
  func.func @transform_11(%arg0: i32) -> (i32, i32) {
    %c0_i32 = arith.constant 0 : i32
    %c0_i32_0 = arith.constant 0 : i32
    %c0_i32_1 = arith.constant 0 : i32
    return %c0_i32, %c0_i32_0 : i32, i32
  }
  func.func @transform_12(%arg0: i32) -> (i32, i32) {
    %c0_i32 = arith.constant 0 : i32
    %c0_i32_0 = arith.constant 0 : i32
    %c0_i32_1 = arith.constant 0 : i32
    return %c0_i32, %c0_i32_0 : i32, i32
  }
  func.func @transform_13(%arg0: i32) -> (i32, i32) {
    %c0_i32 = arith.constant 0 : i32
    %c0_i32_0 = arith.constant 0 : i32
    %c0_i32_1 = arith.constant 0 : i32
    return %c0_i32, %c0_i32_0 : i32, i32
  }
  func.func @transform_14(%arg0: i32) -> (i32, i32) {
    %c0_i32 = arith.constant 0 : i32
    %c0_i32_0 = arith.constant 0 : i32
    return %arg0, %c0_i32 : i32, i32
  }
}

module attributes {stable_mosaic.version = 14 : i64} {
  func.func @_node_kernel(%arg0: i32, %arg1: memref<256x128xf32, #tpu.memory_space<vmem>>, %arg2: memref<1x256x128xf32, #tpu.memory_space<vmem>>, %arg3: memref<64x64xf32, #tpu.memory_space<vmem>>, %arg4: memref<1x64xf32, #tpu.memory_space<vmem>>, %arg5: memref<64x1xf32, #tpu.memory_space<vmem>>, %arg6: memref<1x1xf32, #tpu.memory_space<vmem>>, %arg7: memref<64x64xf32, #tpu.memory_space<vmem>>, %arg8: memref<64x64xf32, #tpu.memory_space<vmem>>, %arg9: memref<1x64xf32, #tpu.memory_space<vmem>>, %arg10: memref<64x64xf32, #tpu.memory_space<vmem>>, %arg11: memref<1x64xf32, #tpu.memory_space<vmem>>, %arg12: memref<256x128xf32, #tpu.memory_space<vmem>>) attributes {dimension_semantics = [#tpu.dimension_semantics<arbitrary>], iteration_bounds = array<i64: 80>, scalar_prefetch = 0 : i64, scratch_operands = 0 : i64, tpu.core_type = #tpu.core_type<tc>, window_params = [{transform_indices = @transform_0, window_bounds = array<i64: 256, 128>}, {transform_indices = @transform_1, window_bounds = array<i64: 1, 256, 128>}, {pipeline_mode = #tpu.pipeline_mode<synchronous>, transform_indices = @transform_2, window_bounds = array<i64: 64, 64>}, {pipeline_mode = #tpu.pipeline_mode<synchronous>, transform_indices = @transform_3, window_bounds = array<i64: 1, 64>}, {pipeline_mode = #tpu.pipeline_mode<synchronous>, transform_indices = @transform_4, window_bounds = array<i64: 64, 1>}, {pipeline_mode = #tpu.pipeline_mode<synchronous>, transform_indices = @transform_5, window_bounds = array<i64: 1, 1>}, {pipeline_mode = #tpu.pipeline_mode<synchronous>, transform_indices = @transform_6, window_bounds = array<i64: 64, 64>}, {pipeline_mode = #tpu.pipeline_mode<synchronous>, transform_indices = @transform_7, window_bounds = array<i64: 64, 64>}, {pipeline_mode = #tpu.pipeline_mode<synchronous>, transform_indices = @transform_8, window_bounds = array<i64: 1, 64>}, {pipeline_mode = #tpu.pipeline_mode<synchronous>, transform_indices = @transform_9, window_bounds = array<i64: 64, 64>}, {pipeline_mode = #tpu.pipeline_mode<synchronous>, transform_indices = @transform_10, window_bounds = array<i64: 1, 64>}, {transform_indices = @transform_11, window_bounds = array<i64: 256, 128>}]} {
    %get3A = arith.constant 0 : index
    %get3A_0 = arith.constant 0 : index
    %get3A_1 = vector.load %arg1[%get3A, %get3A_0] : memref<256x128xf32, #tpu.memory_space<vmem>>, vector<256x128xf32>
    %slice3A = vector.extract_strided_slice %get3A_1 {offsets = [0, 0], sizes = [256, 64], strides = [1, 1]} : vector<256x128xf32> to vector<256x64xf32>
    %slice3A_2 = vector.extract_strided_slice %get3A_1 {offsets = [0, 64], sizes = [256, 3], strides = [1, 1]} : vector<256x128xf32> to vector<256x3xf32>
    %slice3A_3 = vector.extract_strided_slice %get3A_1 {offsets = [0, 67], sizes = [256, 3], strides = [1, 1]} : vector<256x128xf32> to vector<256x3xf32>
    %get3A_4 = arith.constant 0 : index
    %get3A_5 = arith.constant 0 : index
    %get3A_6 = arith.constant 0 : index
    %get3A_7 = vector.load %arg2[%get3A_4, %get3A_5, %get3A_6] : memref<1x256x128xf32, #tpu.memory_space<vmem>>, vector<1x256x128xf32>
    %get3A_8 = vector.shape_cast %get3A_7 : vector<1x256x128xf32> to vector<256x128xf32>
    %slice3A_9 = vector.extract_strided_slice %get3A_8 {offsets = [0, 0], sizes = [256, 64], strides = [1, 1]} : vector<256x128xf32> to vector<256x64xf32>
    %slice3A_10 = vector.extract_strided_slice %get3A_8 {offsets = [0, 70], sizes = [256, 1], strides = [1, 1]} : vector<256x128xf32> to vector<256x1xf32>
    %jit3A = arith.constant 1.000000e+00 : f32
    %max3A = vector.broadcast %jit3A : f32 to vector<256x1xf32>
    %max3A_11 = arith.maximumf %max3A, %slice3A_10 : vector<256x1xf32>
    %slice3A_12 = vector.extract_strided_slice %get3A_8 {offsets = [0, 64], sizes = [256, 3], strides = [1, 1]} : vector<256x128xf32> to vector<256x3xf32>
    %div3A = vector.broadcast %max3A_11 : vector<256x1xf32> to vector<256x3xf32>
    %div3A_13 = arith.divf %slice3A_12, %div3A : vector<256x3xf32>
    %get3A_14 = arith.constant 0 : index
    %get3A_15 = arith.constant 0 : index
    %get3A_16 = vector.load %arg3[%get3A_14, %get3A_15] : memref<64x64xf32, #tpu.memory_space<vmem>>, vector<64x64xf32>
    %dot_general3A = arith.constant dense<0.000000e+00> : vector<256x64xf32>
    %dot_general3A_17 = tpu.matmul %slice3A, %get3A_16, %dot_general3A {dimension_numbers = #tpu.dot_dimension_numbers<[1], [0], [0], [1], [0, 0, 1, 1], [], []>, transpose_lhs_hint = false} : vector<256x64xf32>, vector<64x64xf32>, vector<256x64xf32> -> vector<256x64xf32>
    %get3A_18 = arith.constant 0 : index
    %get3A_19 = arith.constant 0 : index
    %get3A_20 = vector.load %arg4[%get3A_18, %get3A_19] : memref<1x64xf32, #tpu.memory_space<vmem>>, vector<1x64xf32>
    %add3A = vector.broadcast %get3A_20 : vector<1x64xf32> to vector<256x64xf32>
    %add3A_21 = arith.addf %dot_general3A_17, %add3A : vector<256x64xf32>
    %logistic3A = arith.negf %add3A_21 : vector<256x64xf32>
    %logistic3A_22 = math.exp %logistic3A : vector<256x64xf32>
    %logistic3A_23 = arith.constant 1.000000e+00 : f32
    %logistic3A_24 = vector.broadcast %logistic3A_23 : f32 to vector<256x64xf32>
    %logistic3A_25 = arith.addf %logistic3A_24, %logistic3A_22 : vector<256x64xf32>
    %logistic3A_26 = arith.divf %logistic3A_24, %logistic3A_25 : vector<256x64xf32>
    %mul3A = arith.mulf %add3A_21, %logistic3A_26 : vector<256x64xf32>
    %get3A_27 = arith.constant 0 : index
    %get3A_28 = arith.constant 0 : index
    %get3A_29 = vector.load %arg5[%get3A_27, %get3A_28] : memref<64x1xf32, #tpu.memory_space<vmem>>, vector<64x1xf32>
    %dot_general3A_30 = arith.constant dense<0.000000e+00> : vector<256x1xf32>
    %dot_general3A_31 = tpu.matmul %mul3A, %get3A_29, %dot_general3A_30 {dimension_numbers = #tpu.dot_dimension_numbers<[1], [0], [0], [1], [0, 0, 1, 1], [], []>, transpose_lhs_hint = false} : vector<256x64xf32>, vector<64x1xf32>, vector<256x1xf32> -> vector<256x1xf32>
    %get3A_32 = arith.constant 0 : index
    %get3A_33 = arith.constant 0 : index
    %get3A_34 = vector.load %arg6[%get3A_32, %get3A_33] : memref<1x1xf32, #tpu.memory_space<vmem>>, vector<1x1xf32>
    %add3A_35 = vector.broadcast %get3A_34 : vector<1x1xf32> to vector<256x1xf32>
    %add3A_36 = arith.addf %dot_general3A_31, %add3A_35 : vector<256x1xf32>
    %mul3A_37 = vector.broadcast %add3A_36 : vector<256x1xf32> to vector<256x3xf32>
    %mul3A_38 = arith.mulf %mul3A_37, %slice3A_3 : vector<256x3xf32>
    %add3A_39 = arith.addf %mul3A_38, %div3A_13 : vector<256x3xf32>
    %add3A_40 = arith.addf %slice3A_2, %add3A_39 : vector<256x3xf32>
    %get3A_41 = arith.constant 0 : index
    %get3A_42 = arith.constant 0 : index
    %get3A_43 = vector.load %arg7[%get3A_41, %get3A_42] : memref<64x64xf32, #tpu.memory_space<vmem>>, vector<64x64xf32>
    %dot_general3A_44 = arith.constant dense<0.000000e+00> : vector<256x64xf32>
    %dot_general3A_45 = tpu.matmul %slice3A, %get3A_43, %dot_general3A_44 {dimension_numbers = #tpu.dot_dimension_numbers<[1], [0], [0], [1], [0, 0, 1, 1], [], []>, transpose_lhs_hint = false} : vector<256x64xf32>, vector<64x64xf32>, vector<256x64xf32> -> vector<256x64xf32>
    %get3A_46 = arith.constant 0 : index
    %get3A_47 = arith.constant 0 : index
    %get3A_48 = vector.load %arg8[%get3A_46, %get3A_47] : memref<64x64xf32, #tpu.memory_space<vmem>>, vector<64x64xf32>
    %dot_general3A_49 = arith.constant dense<0.000000e+00> : vector<256x64xf32>
    %dot_general3A_50 = tpu.matmul %slice3A_9, %get3A_48, %dot_general3A_49 {dimension_numbers = #tpu.dot_dimension_numbers<[1], [0], [0], [1], [0, 0, 1, 1], [], []>, transpose_lhs_hint = false} : vector<256x64xf32>, vector<64x64xf32>, vector<256x64xf32> -> vector<256x64xf32>
    %add3A_51 = arith.addf %dot_general3A_45, %dot_general3A_50 : vector<256x64xf32>
    %get3A_52 = arith.constant 0 : index
    %get3A_53 = arith.constant 0 : index
    %get3A_54 = vector.load %arg9[%get3A_52, %get3A_53] : memref<1x64xf32, #tpu.memory_space<vmem>>, vector<1x64xf32>
    %add3A_55 = vector.broadcast %get3A_54 : vector<1x64xf32> to vector<256x64xf32>
    %add3A_56 = arith.addf %add3A_51, %add3A_55 : vector<256x64xf32>
    %logistic3A_57 = arith.negf %add3A_56 : vector<256x64xf32>
    %logistic3A_58 = math.exp %logistic3A_57 : vector<256x64xf32>
    %logistic3A_59 = arith.constant 1.000000e+00 : f32
    %logistic3A_60 = vector.broadcast %logistic3A_59 : f32 to vector<256x64xf32>
    %logistic3A_61 = arith.addf %logistic3A_60, %logistic3A_58 : vector<256x64xf32>
    %logistic3A_62 = arith.divf %logistic3A_60, %logistic3A_61 : vector<256x64xf32>
    %mul3A_63 = arith.mulf %add3A_56, %logistic3A_62 : vector<256x64xf32>
    %get3A_64 = arith.constant 0 : index
    %get3A_65 = arith.constant 0 : index
    %get3A_66 = vector.load %arg10[%get3A_64, %get3A_65] : memref<64x64xf32, #tpu.memory_space<vmem>>, vector<64x64xf32>
    %dot_general3A_67 = arith.constant dense<0.000000e+00> : vector<256x64xf32>
    %dot_general3A_68 = tpu.matmul %mul3A_63, %get3A_66, %dot_general3A_67 {dimension_numbers = #tpu.dot_dimension_numbers<[1], [0], [0], [1], [0, 0, 1, 1], [], []>, transpose_lhs_hint = false} : vector<256x64xf32>, vector<64x64xf32>, vector<256x64xf32> -> vector<256x64xf32>
    %get3A_69 = arith.constant 0 : index
    %get3A_70 = arith.constant 0 : index
    %get3A_71 = vector.load %arg11[%get3A_69, %get3A_70] : memref<1x64xf32, #tpu.memory_space<vmem>>, vector<1x64xf32>
    %add3A_72 = vector.broadcast %get3A_71 : vector<1x64xf32> to vector<256x64xf32>
    %add3A_73 = arith.addf %dot_general3A_68, %add3A_72 : vector<256x64xf32>
    %add3A_74 = arith.addf %slice3A, %add3A_73 : vector<256x64xf32>
    %broadcast_in_dim3A = arith.constant 0.000000e+00 : f32
    %broadcast_in_dim3A_75 = vector.broadcast %broadcast_in_dim3A : f32 to vector<256x58xf32>
    %concatenate3A = tpu.concatenate %add3A_74, %add3A_40, %add3A_39, %broadcast_in_dim3A_75 in 1 : vector<256x64xf32>, vector<256x3xf32>, vector<256x3xf32>, vector<256x58xf32> -> vector<256x128xf32>
    %swap3A = arith.constant 0 : index
    %swap3A_76 = arith.constant 0 : index
    %swap3A_77 = vector.load %arg12[%swap3A, %swap3A_76] : memref<256x128xf32, #tpu.memory_space<vmem>>, vector<256x128xf32>
    tpu.vector_store %arg12[%swap3A, %swap3A_76], %concatenate3A {strides = array<i32>} : memref<256x128xf32, #tpu.memory_space<vmem>>, vector<256x128xf32>,
    return
  }
  func.func @transform_0(%arg0: i32) -> (i32, i32) {
    %c0_i32 = arith.constant 0 : i32
    %c0_i32_0 = arith.constant 0 : i32
    return %arg0, %c0_i32 : i32, i32
  }
  func.func @transform_1(%arg0: i32) -> (i32, i32, i32) {
    %jit3A = arith.constant 40 : i32
    %div3A = arith.divsi %arg0, %jit3A : i32
    %sign3A = arith.constant 0 : i32
    %sign3A_0 = arith.cmpi sgt, %arg0, %sign3A : i32
    %sign3A_1 = arith.extui %sign3A_0 : i1 to i32
    %sign3A_2 = arith.constant 0 : i32
    %sign3A_3 = arith.cmpi slt, %arg0, %sign3A_2 : i32
    %sign3A_4 = arith.extui %sign3A_3 : i1 to i32
    %sign3A_5 = arith.subi %sign3A_1, %sign3A_4 : i32
    %sign3A_6 = arith.constant 0 : i32
    %sign3A_7 = arith.cmpi sgt, %jit3A, %sign3A_6 : i32
    %sign3A_8 = arith.extui %sign3A_7 : i1 to i32
    %sign3A_9 = arith.constant 0 : i32
    %sign3A_10 = arith.cmpi slt, %jit3A, %sign3A_9 : i32
    %sign3A_11 = arith.extui %sign3A_10 : i1 to i32
    %sign3A_12 = arith.subi %sign3A_8, %sign3A_11 : i32
    %ne3A = arith.cmpi ne, %sign3A_5, %sign3A_12 : i32
    %rem3A = arith.remsi %arg0, %jit3A : i32
    %ne3A_13 = arith.constant 0 : i32
    %ne3A_14 = arith.cmpi ne, %rem3A, %ne3A_13 : i32
    %and3A = arith.andi %ne3A, %ne3A_14 : i1
    %sub3A = arith.constant 1 : i32
    %sub3A_15 = arith.subi %div3A, %sub3A : i32
    %select_n3A = arith.select %and3A, %sub3A_15, %div3A : i32
    %jit3A_16 = arith.constant 40 : i32
    %eq3A = arith.constant 0 : i32
    %eq3A_17 = arith.cmpi eq, %jit3A_16, %eq3A : i32
    %jit3A_18 = arith.constant 1 : i32
    %select_n3A_19 = arith.select %eq3A_17, %jit3A_18, %jit3A_16 : i32
    %rem3A_20 = arith.remsi %arg0, %select_n3A_19 : i32
    %ne3A_21 = arith.constant 0 : i32
    %ne3A_22 = arith.cmpi ne, %rem3A_20, %ne3A_21 : i32
    %lt3A = arith.constant 0 : i32
    %lt3A_23 = arith.cmpi slt, %rem3A_20, %lt3A : i32
    %lt3A_24 = arith.constant 0 : i32
    %lt3A_25 = arith.cmpi slt, %select_n3A_19, %lt3A_24 : i32
    %ne3A_26 = arith.xori %lt3A_23, %lt3A_25 : i1
    %and3A_27 = arith.andi %ne3A_26, %ne3A_22 : i1
    %add3A = arith.addi %rem3A_20, %select_n3A_19 : i32
    %select_n3A_28 = arith.select %and3A_27, %add3A, %rem3A_20 : i32
    %c0_i32 = arith.constant 0 : i32
    %c0_i32_29 = arith.constant 0 : i32
    return %select_n3A, %select_n3A_28, %c0_i32 : i32, i32, i32
  }
  func.func @transform_2(%arg0: i32) -> (i32, i32) {
    %c0_i32 = arith.constant 0 : i32
    %c0_i32_0 = arith.constant 0 : i32
    %c0_i32_1 = arith.constant 0 : i32
    return %c0_i32, %c0_i32_0 : i32, i32
  }
  func.func @transform_3(%arg0: i32) -> (i32, i32) {
    %c0_i32 = arith.constant 0 : i32
    %c0_i32_0 = arith.constant 0 : i32
    %c0_i32_1 = arith.constant 0 : i32
    return %c0_i32, %c0_i32_0 : i32, i32
  }
  func.func @transform_4(%arg0: i32) -> (i32, i32) {
    %c0_i32 = arith.constant 0 : i32
    %c0_i32_0 = arith.constant 0 : i32
    %c0_i32_1 = arith.constant 0 : i32
    return %c0_i32, %c0_i32_0 : i32, i32
  }
  func.func @transform_5(%arg0: i32) -> (i32, i32) {
    %c0_i32 = arith.constant 0 : i32
    %c0_i32_0 = arith.constant 0 : i32
    %c0_i32_1 = arith.constant 0 : i32
    return %c0_i32, %c0_i32_0 : i32, i32
  }
  func.func @transform_6(%arg0: i32) -> (i32, i32) {
    %c0_i32 = arith.constant 0 : i32
    %c0_i32_0 = arith.constant 0 : i32
    %c0_i32_1 = arith.constant 0 : i32
    return %c0_i32, %c0_i32_0 : i32, i32
  }
  func.func @transform_7(%arg0: i32) -> (i32, i32) {
    %c0_i32 = arith.constant 0 : i32
    %c0_i32_0 = arith.constant 0 : i32
    %c0_i32_1 = arith.constant 0 : i32
    return %c0_i32, %c0_i32_0 : i32, i32
  }
  func.func @transform_8(%arg0: i32) -> (i32, i32) {
    %c0_i32 = arith.constant 0 : i32
    %c0_i32_0 = arith.constant 0 : i32
    %c0_i32_1 = arith.constant 0 : i32
    return %c0_i32, %c0_i32_0 : i32, i32
  }
  func.func @transform_9(%arg0: i32) -> (i32, i32) {
    %c0_i32 = arith.constant 0 : i32
    %c0_i32_0 = arith.constant 0 : i32
    %c0_i32_1 = arith.constant 0 : i32
    return %c0_i32, %c0_i32_0 : i32, i32
  }
  func.func @transform_10(%arg0: i32) -> (i32, i32) {
    %c0_i32 = arith.constant 0 : i32
    %c0_i32_0 = arith.constant 0 : i32
    %c0_i32_1 = arith.constant 0 : i32
    return %c0_i32, %c0_i32_0 : i32, i32
  }
  func.func @transform_11(%arg0: i32) -> (i32, i32) {
    %c0_i32 = arith.constant 0 : i32
    %c0_i32_0 = arith.constant 0 : i32
    return %arg0, %c0_i32 : i32, i32
  }
}

</mosaic_0001>

<sc_bundles>
// kernel: kernel.11.cloned.1.call-start
scs
__scs_entry_jumppad:
0x0: {  	(pc) =	sbr.rel $0x88, $3  }
0x1: {  	(tag) =	ssettag $0x0;
	lr =	simm.s32 $0x1  }
0x2: {  	[smem:$0x3F7A] =	sst lr;
	_ =	strace $0xD0000000  }
0x3: {  	_ = 	snop  }
0x4: {  	_ = 	snop  }
0x5: {  	_ = 	snop  }
0x6: {  	_ = 	snop  }
0x7: {  	_ = 	snop  }
__scs_overlays_trampoline_lowered:
0x8: {  	[smem:$0x3F89] =	sst s0  }
0x9: {  	[smem:$0x3F8A] =	sst s1  }
0xa: {  	[smem:$0x3F8B] =	sst s2  }
0xb: {  	[smem:$0x3F8C] =	sst s3  }
0xc: {  	[smem:$0x3F8D] =	sst s4  }
0xd: {  	[smem:$0x3F8E] =	sst s5  }
0xe: {  	[smem:$0x3F8F] =	sst s6  }
0xf: {  	[smem:$0x3F90] =	sst s7  }
0x10: {  	[smem:$0x3F91] =	sst s8  }
0x11: {  	[smem:$0x3F92] =	sst s9;
	s0 =	simm.s32 @!p0 $0x0  }
0x12: {  	s1 =	sld [smem:$0x3F78];
	s0 =	simm.s32 @p0 $0x1  }
0x13: {  	[smem:$0x3F93] =	sst s0;
	s0 =	simm.s32 @!p1 $0x0  }
0x14: {  	s2 =	sld [smem:$0x3F77];
	s0 =	simm.s32 @p1 $0x1  }
0x15: {  	[smem:$0x3F94] =	sst s0;
	s0 =	simm.s32 @!p2 $0x0  }
0x16: {  	s3 =	sld [smem:$0x3FDB];
	s0 =	simm.s32 @p2 $0x1  }
0x17: {  	s4 =	simm.s32 $0x1BF5;
	[smem:$0x3F96] =	sst s0  }
0x18: {  	s0 =	sld [smem:$0x3F79];
	_ =	swait.ge [sflag:s4], $0x0  }
0x19: {  	s7 =	sld [smem:$0x3F7A]  }
0x1a: {  	s8 =	sadd.s32 $0xFFFFE003, lr  }
0x1b: {  	s9 =	sadd.s32 $0xFFFFFEF7, lr;
	s5 =	simm.s32 $0xFFFFFFFF;
	p2 =	slt.u32 s8, $0xFFFFF086  }
0x1c: {  	p1 =	slt.u32 s9, $0xF7A;
	s5 =	simm.s32 @!p2 $0x0  }
0x1d: {  	s5 =	simm.s32 @p1 $0x1;
	p0 =	seq.s32 s7, s2  }
0x1e: {  	s7 =	smul.u32 @!p0 $0xF7A, s2;
	p2 =	seq.s32 @!p0 s5, $0x0  }
0x1f: {  	s9 =	smul.u32 $0xF7A, s1;
	s8 =	simm.s32 @!p0 $0x1BF5;
	p2 =	por !p2, p0  }
0x20: {  	[sflag:s8] =	ssyncset.s32 @!p0 $0xFFFFF086;
	s6 =	sadd.s32 @!p0 s3, s7;
	s7 =	simm.s32 @!p0 $0x108  }
0x21: {  	s3 =	sadd.s32 s3, s9;
	s6 =	sadd.s32 @!p0 $0x88, s6;
	s7 =	simm.s32 @p2 $0x1082  }
0x22: {  	[simem:s7], [sflag:s8] =	dma.local @!p0 [hbm:s6], $0xF7A  }
0x23: {  	s9 =	sor.u32 $0xD0000000, s2;
	s6 =	simm.s32 $0x108;
	_ =	swait.ge @!p0 [sflag:s8], $0x0  }
0x24: {  	s3 =	sadd.s32 $0x88, s3;
	s6 =	simm.s32 @!p1 $0x1082;
	[sflag:s4] =	ssyncset.s32 $0xFFFFF086  }
0x25: {  	[simem:s6], [sflag:s4] =	dma.local [hbm:s3], $0xF7A  }
0x26: {  	[smem:$0x3F7A] =	sst s1;
	(tag) =	ssettag s2;
	_ =	strace s9  }
0x27: {  	s1 =	sld [smem:$0x3F8A]  }
0x28: {  	s2 =	sld [smem:$0x3F8B]  }
0x29: {  	s4 =	sld [smem:$0x3F8D]  }
0x2a: {  	p0 =	seq.s32 s5, $0x0;
	s5 =	sld [smem:$0x3F8E]  }
0x2b: {  	s6 =	sld [smem:$0x3F8F]  }
0x2c: {  	s7 =	sld [smem:$0x3F90]  }
0x2d: {  	s3 =	simm.s32 $0x108;
	s8 =	sld [smem:$0x3F91]  }
0x2e: {  	s3 =	simm.s32 @!p0 $0x1082;
	s9 =	sld [smem:$0x3F92]  }
0x2f: {  	lr =	sadd.s32 s0, s3;
	s0 =	sld [smem:$0x3F89]  }
0x30: {  	s3 =	sld [smem:$0x3F8C]  }
0x31: {  	[smem:$0x3F95] =	sst s10  }
0x32: {  	s10 =	sld [smem:$0x3F93];
	_ =	sdelay $0x3  }
0x33: {  	p0 =	seq.s32 s10, $0x1;
	s10 =	sld [smem:$0x3F95];
	_ =	sdelay $0x3  }
0x34: {  	[smem:$0x3F95] =	sst s10  }
0x35: {  	s10 =	sld [smem:$0x3F94];
	_ =	sdelay $0x3  }
0x36: {  	p1 =	seq.s32 s10, $0x1;
	s10 =	sld [smem:$0x3F95];
	_ =	sdelay $0x3  }
0x37: {  	[smem:$0x3F95] =	sst s10  }
0x38: {  	s10 =	sld [smem:$0x3F96]  }
0x39: {  	_ = 	snop;
	(pc) =	sbr.ind lr, $3  }
0x3a: {  	_ = 	snop  }
0x3b: {  	_ = 	snop  }
0x3c: {  	p2 =	seq.s32 s10, $0x1;
	s10 =	sld [smem:$0x3F95]  }
0x3d: {  	_ =	shalt  }
0x3e: {  	_ =	shalt  }
0x3f: {  	_ =	shalt  }
0x40: {  	_ =	shalt  }
0x41: {  	_ =	shalt  }
0x42: {  	_ =	shalt  }
0x43: {  	_ =	shalt  }
0x44: {  	_ =	shalt  }
0x45: {  	_ =	shalt  }
0x46: {  	_ =	shalt  }
0x47: {  	_ =	shalt  }
0x48: {  	_ =	shalt  }
0x49: {  	_ =	shalt  }
0x4a: {  	_ =	shalt  }
0x4b: {  	_ =	shalt  }
0x4c: {  	_ =	shalt  }
0x4d: {  	_ =	shalt  }
0x4e: {  	_ =	shalt  }
0x4f: {  	_ =	shalt  }
0x50: {  	_ =	shalt  }
0x51: {  	_ =	shalt  }
0x52: {  	_ =	shalt  }
0x53: {  	_ =	shalt  }
0x54: {  	_ =	shalt  }
0x55: {  	_ =	shalt  }
0x56: {  	_ =	shalt  }
0x57: {  	_ =	shalt  }
0x58: {  	_ =	shalt  }
0x59: {  	_ =	shalt  }
0x5a: {  	_ =	shalt  }
0x5b: {  	_ =	shalt  }
0x5c: {  	_ =	shalt  }
0x5d: {  	_ =	shalt  }
0x5e: {  	_ =	shalt  }
0x5f: {  	_ =	shalt  }
0x60: {  	_ =	shalt  }
0x61: {  	_ =	shalt  }
0x62: {  	_ =	shalt  }
0x63: {  	_ =	shalt  }
0x64: {  	_ =	shalt  }
0x65: {  	_ =	shalt  }
0x66: {  	_ =	shalt  }
0x67: {  	_ =	shalt  }
0x68: {  	_ =	shalt  }
0x69: {  	_ =	shalt  }
0x6a: {  	_ =	shalt  }
0x6b: {  	_ =	shalt  }
0x6c: {  	_ =	shalt  }
0x6d: {  	_ =	shalt  }
0x6e: {  	_ =	shalt  }
0x6f: {  	_ =	shalt  }
0x70: {  	_ =	shalt  }
0x71: {  	_ =	shalt  }
0x72: {  	_ =	shalt  }
0x73: {  	_ =	shalt  }
0x74: {  	_ =	shalt  }
0x75: {  	_ =	shalt  }
0x76: {  	_ =	shalt  }
0x77: {  	_ =	shalt  }
0x78: {  	_ =	shalt  }
0x79: {  	_ =	shalt  }
0x7a: {  	_ =	shalt  }
0x7b: {  	_ =	shalt  }
0x7c: {  	_ =	shalt  }
0x7d: {  	_ =	shalt  }
0x7e: {  	_ =	shalt  }
0x7f: {  	_ =	shalt  }
0x80: {  	_ =	shalt  }
0x81: {  	_ =	shalt  }
0x82: {  	_ =	shalt  }
0x83: {  	_ =	shalt  }
0x84: {  	_ =	shalt  }
0x85: {  	_ =	shalt  }
0x86: {  	_ =	shalt  }
0x87: {  	_ =	shalt  }
.Lfunc_end0:
.L_simem_size_0:
called_computation_lowered:
.L_overlay_start_0:
0x88: {  	s2 =	sld [smem:$0x3FD9]  }
0x89: {  	s3 =	sld [smem:$0x3FFE];
	_ =	sdelay $0x1  }
0x8a: {  	s1 =	srdreg.scid  }
0x8b: {  	s0 =	sand.u32 $0x1, s1  }
0x8c: {  	s16 =	sshll.u32 s0, $0xA;
	s2 =	sadd.s32 s3, s2  }
0x8d: {  	s2 =	sadd.s32 s2, s16  }
0x8e: {  	[smem:$0x3FA1] =	sst s2  }
0x8f: {  	_ = 	snop  }
0x90: {  	(tm) =	ssettm $0x1  }
0x91: {  	s17 =	sld [smem:$0x3FFB];
	_ =	sdelay $0x3  }
0x92: {  	_ =	strace s17  }
0x93: {  	s2 =	sld [smem:$0x3FFC];
	_ =	sdelay $0x3  }
0x94: {  	_ =	strace s2  }
0x95: {  	s2 =	sld [smem:$0x3FFD];
	_ =	sdelay $0x3  }
0x96: {  	_ =	strace s2  }
0x97: {  	_ =	strace $0x8FFFFFFF  }
0x98: {  	s18 =	sld [smem:$0x3FDB];
	_ =	sdelay $0x1  }
0x99: {  	s19 =	simm.s32 $_scs_section_size  }
0x9a: {  	s4 =	simm.s32 $_size__tile_overlayer_lowered;
	s5 =	simm.s32 $_tile_overlayer_lowered  }
0x9b: {  	s22 =	simm.s32 $0x1BFF;
	s21 =	sshll.u32 s5, $0x1;
	s2 =	sadd.s32 s19, s18  }
0x9c: {  	s6 =	simm.s32 $0x0;
	s20 =	sshll.u32 s4, $0x1;
	s4 =	sadd.s32 s21, s2  }
0x9d: {  	[timem:s6], [sflag:s22] =	dma.local [hbm:s4], s20  }
0x9e: {  	_ =	swait.ge [sflag:s22], s20  }
0x9f: {  	s3 =	ssub.s32 $0x0, s20;
	[sflag:s22] =	ssyncset.done $0x0  }
0xa0: {  	[sflag:s22] =	ssyncadd.s32 s3;
	_ =	sdelay $0x1  }
0xa1: {  	s23 =	simm.s32 $0x1B8B  }
0xa2: {  	_ =	swait.ge [sflag:s23], $0x1  }
0xa3: {  	[sflag:s23] =	ssyncset.done $0x0  }
0xa4: {  	s25 =	simm.s32 $0x1B8E;
	s24 =	sld [smem:$0x3FFE];
	[sflag:s23] =	ssyncadd.s32 $0xFFFFFFFF  }
0xa5: {  	s26 =	simm.s32 $execute0_lowered;
	[smem:$0x3FD2] =	sst s25  }
0xa6: {  	s4 =	sshll.u32 s26, $0x1;
	_ =	strace $0x80000046;
	[dreg:$0x1] =	wrdreg $0xFFFFFFFF  }
0xa7: {  	s28 =	simm.s32 $_size_execute0_lowered;
	s2 =	sadd.s32 s2, s4;
	[dreg:$0x0] =	wrdreg $0x0  }
0xa8: {  	s4 =	sshll.u32 s28, $0x1;
	[dreg:$0x2] =	wrdreg s2  }
0xa9: {  	[dreg:$0x3] =	wrdreg s4  }
0xaa: {  	[dreg:$0x4] =	wrdreg $0xC0  }
0xab: {  	_ =	task [dreg:s6], $0x5FFFF  }
0xac: {  	[dreg:$0x1] =	wrdreg $0xFFFFFFFF  }
0xad: {  	[dreg:$0x0] =	wrdreg $0x60  }
0xae: {  	[dreg:$0x2] =	wrdreg s24  }
0xaf: {  	[dreg:$0x3] =	wrdreg $0x9  }
0xb0: {  	_ =	task.clear_ibuf [dreg:s6], $0x4FFFF;
	_ =	strace $0x90000046  }
0xb1: {  	s29 =	simm.s32 $0x9;
	_ =	strace $0x80000048  }
0xb2: {  	_ =	swait.ge [sflag:s29], $0x1  }
0xb3: {  	[sflag:s29] =	ssyncadd.s32 $0xFFFFFFFF  }
0xb4: {  	_ =	strace $0x90000048  }
0xb5: {  	_ =	sfence  }
0xb6: {  	s30 =	sld [smem:$0x0];
	_ =	sdelay $0x2  }
0xb7: {  	s31 =	sshll.u32 s1, $0xD;
	s1 =	sshrl.u32 s1, $0x2  }
0xb8: {  	s3 =	sand.u32 $0x4000, s31;
	s1 =	sadd.s32 s1, s30  }
0xb9: {  	s0 =	sor.u32 s3, s0;
	s1 =	sshll.u32 s1, $0x11  }
0xba: {  	s0 =	sor.u32 s1, s0  }
0xbb: {  	s0 =	sadd.s32 $0x8F2B, s0  }
0xbc: {  	[sflag:s0] =	ssyncadd.remote.s32 $0x1  }
0xbd: {  	_ =	sfence.sel $0xFFFF  }
0xbe: {  	[dreg:$0x0] =	wrdreg $0xFFFFFFFF;
	(pc) =	sbr.abs _section_cstart, $3  }
0xbf: {  	[dreg:$0x1] =	wrdreg $0xFFFFFFFF  }
0xc0: {  	_ =	task.clear_ibuf [dreg:s6], $0x2FFFF;
	_ =	strace $0x9FFFFFFF  }
0xc1: {  	(tm) =	ssettm $0x7FFFFFFF  }
tec
execute0_lowered:
.L_overlay_start_1:
0x0: {  	(tag) =	ssettag $0x1  }
0x1: {  	s0 =	rddreg [dreg:$0x0]  }
0x2: {  	s2 =	simm.s32 $0x0;
	s3 =	stileid.u32;
	s1 =	srdreg.scid  }
0x3: {  	s13 =	simm.s32 $0x40;
	s14 =	simm.s32 $0x5000;
	s15 =	simm.s32 $0x7000  }
0x4: {  	s17 =	simm.s32 $0x9000;
	s19 =	simm.s32 $0xB000;
	s20 =	simm.s32 $0x1  }
0x5: {  	s21 =	simm.s32 $0xD000;
	s22 =	simm.s32 $0x2;
	s28 =	simm.s32 $0x13000  }
0x6: {  	s29 =	simm.s32 $0x5;
	s30 =	simm.s32 $0x7;
	s31 =	simm.s32 $0xB  }
0x7: {  	s8 =	simm.s32 $0x0;
	[smem:$0x7FF] =	sst s2;
	s4 =	smul.u32 $0xA00, s3  }
0x8: {  	s1 =	sand.u32 $0x1, s1;
	s6 =	smul.u32 $0x50000, s3;
	s3 =	sadd.s32 $0x8E00, s0  }
0x9: {  	_ =	strace $0x80000047;
	s5 =	ssub.s32 $0x2, s1;
	p0 =	sne.s32 s1, $0x0  }
0xa: {  	s1 =	simm.s32 $0xC;
	s4 =	sadd.s32 s4, s0;
	s7 =	sshrl.u32 s5, $0x1  }
0xb: {  	s0 =	sadd.s32 s6, s0;
	s5 =	ssub.s32 s5, s7;
	s23 =	sadd.s32 $0x62E00, s4  }
0xc: {  	s4 =	sadd.s32 $0x58E00, s4;
	s6 =	sadd.s32 $0xC6200, s0;
	s24 =	sadd.s32 $0xC6A00, s0  }
.Ltmp0:
0xd: {  	s9 =	sadd.s32 $0x5C6200, s0;
	[dreg:$0x2] =	wrdreg s23;
	(pc) =	sbr.rel .LBB2_1-.Ltmp0, $4  }
0xe: {  	s26 =	sadd.s32 $0x5C6A00, s0;
	s11 =	sadd.s32 $0x76E00, s0;
	[dreg:$0x3] =	wrdreg s4  }
0xf: {  	s0 =	simm.s32 $0x8;
	[dreg:$0x4] =	wrdreg s24;
	s25 =	smax.u32 s5, $0x1  }
0x10: {  	[dreg:$0x6] =	wrdreg s26;
	s23 =	simm.s32 $0xF000;
	s24 =	simm.s32 $0x3  }
0x11: {  	s26 =	simm.s32 $0x4;
	[dreg:$0x5] =	wrdreg s25;
	s25 =	simm.s32 $0x11000  }
.LBB2_8:
0x12: {  	s4 =	rddreg [dreg:$0x6]  }
.LBB2_9:
0x13: {  	_ =	swait.ge [sflag:s0], $0x2000  }
0x14: {  	[sflag:s0] =	ssyncset.done $0x0  }
0x15: {  	s5 =	simm.s32 $0x9;
	[sflag:s0] =	ssyncadd.s32 $0xFFFFE000  }
0x16: {  	[hbm4b:s4+s2] =	stream.linear.scatter [tilespmem:s28], [sflag:$0x10], $0x2000, $0x38;
	[tilespmem:$0x15000] =	vst v63  }
0x17: {  	_ =	swait.ge [sflag:s5], $0x2000  }
0x18: {  	[sflag:s5] =	ssyncset.done $0x0  }
0x19: {  	s7 =	simm.s32 $0xA;
	[sflag:s5] =	ssyncadd.s32 $0xFFFFE000  }
0x1a: {  	_ =	swait.ge [sflag:s7], $0x2000  }
0x1b: {  	[sflag:s7] =	ssyncset.done $0x0  }
0x1c: {  	[sflag:s7] =	ssyncadd.s32 $0xFFFFE000  }
0x1d: {  	_ =	swait.ge [sflag:s31], $0x2000  }
0x1e: {  	[sflag:s31] =	ssyncset.done $0x0  }
0x1f: {  	[sflag:s31] =	ssyncadd.s32 $0xFFFFE000  }
0x20: {  	_ =	swait.ge [sflag:s1], $0x2000  }
0x21: {  	[sflag:s1] =	ssyncset.done $0x0  }
0x22: {  	s10 =	simm.s32 $0xD;
	[sflag:s1] =	ssyncadd.s32 $0xFFFFE000  }
0x23: {  	_ =	swait.ge [sflag:s10], $0x2000  }
0x24: {  	[sflag:s10] =	ssyncset.done $0x0  }
0x25: {  	s12 =	simm.s32 $0xE;
	[sflag:s10] =	ssyncadd.s32 $0xFFFFE000  }
0x26: {  	_ =	swait.ge [sflag:s12], $0x2000  }
0x27: {  	[sflag:s12] =	ssyncset.done $0x0  }
0x28: {  	s16 =	simm.s32 $0xF;
	[sflag:s12] =	ssyncadd.s32 $0xFFFFE000  }
0x29: {  	_ =	swait.ge [sflag:s16], $0x2000  }
0x2a: {  	[sflag:s16] =	ssyncset.done $0x0  }
0x2b: {  	s5 =	simm.s32 $0x10;
	[sflag:s16] =	ssyncadd.s32 $0xFFFFE000  }
0x2c: {  	_ =	swait.ge [sflag:s5], $0x2000  }
0x2d: {  	s8 =	sadd.s32 $0x1, s8;
	s18 =	rddreg [dreg:$0x5]  }
0x2e: {  	p1 =	sne.s32 s8, s18  }
.Ltmp1:
0x2f: {  	_ = 	snop;
	(pc) =	sbr.rel @!p1 .LBB2_10-.Ltmp1, $3  }
0x30: {  	_ =	sdelay $0x1  }
0x31: {  	[sflag:s5] =	ssyncset.done $0x0  }
0x32: {  	[sflag:s5] =	ssyncadd.s32 $0xFFFFE000  }
.LBB2_1:
.Ltmp2:
0x33: {  	(pc) =	sbr.rel @p0 .LBB2_6-.Ltmp2, $2  }
0x34: {  	_ =	sdelay $0x2  }
0x35: {  	s12 =	simm.s32 $0x0  }
0x36: {  	s4 =	rddreg [dreg:$0x3];
	s10 =	simm.s32 $0x11  }
0x37: {  	[tilespmem:s12], [sflag:$0x11] =	stream.linear.gather [hbm4b:s4+s12], $0x5000, $0x38;
	[tilespmem:$0x15000] =	vst v63  }
0x38: {  	_ =	swait.ge [sflag:s10], $0x5000  }
0x39: {  	[sflag:s10] =	ssyncset.done $0x0  }
0x3a: {  	[sflag:s10] =	ssyncadd.s32 $0xFFFFB000  }
0x3b: {  	[tilespmem:s14], [sflag:$0x1] =	stream.indirect.gather [hbm4b:s3+s13], $0x80, s12, s13, $0xb8;
	[tilespmem:$0x15000] =	vst v63  }
0x3c: {  	_ = 	snop  }
0x3d: {  	[tilespmem:s15], [sflag:$0x2] =	stream.indirect.gather [hbm4b:s3+s13], $0x80, s13, s13, $0xb8;
	[tilespmem:$0x15000] =	vst v63  }
0x3e: {  	s16 =	simm.s32 $0x80  }
0x3f: {  	[tilespmem:s17], [sflag:$0x3] =	stream.indirect.gather [hbm4b:s3+s13], $0x80, s16, s13, $0xb8;
	[tilespmem:$0x15000] =	vst v63  }
0x40: {  	s18 =	simm.s32 $0xC0;
	s4 =	simm.s32 $0x180  }
0x41: {  	[tilespmem:s19], [sflag:$0x4] =	stream.indirect.gather [hbm4b:s3+s13], $0x80, s18, s13, $0xb8;
	[tilespmem:$0x15000] =	vst v63  }
.LBB2_3:
0x42: {  	_ =	swait.ge [sflag:s20], $0x2000  }
0x43: {  	p1 =	seq.s32 s12, $0x0;
	[sflag:s20] =	ssyncset.done $0x0  }
0x44: {  	s5 =	sadd.s32 s12, s11;
	s16 =	simm.s32 @!p1 $0xD;
	[sflag:s20] =	ssyncadd.s32 $0xFFFFE000  }
0x45: {  	[hbm4b:s5+s2] =	stream.linear.scatter [tilespmem:s14], [sflag:$0x9], $0x2000, $0x38;
	[tilespmem:$0x15000] =	vst v63  }
0x46: {  	_ =	swait.ge @!p1 [sflag:s16], $0x2000  }
0x47: {  	[sflag:s16] =	ssyncset.done @!p1 $0x0  }
0x48: {  	s10 =	sadd.s32 $0xFFFFFF80, s4;
	[sflag:s16] =	ssyncadd.s32 @!p1 $0xFFFFE000  }
0x49: {  	[tilespmem:s21], [sflag:$0x5] =	stream.indirect.gather [hbm4b:s3+s13], $0x80, s10, s13, $0xb8;
	[tilespmem:$0x15000] =	vst v63  }
0x4a: {  	_ =	swait.ge [sflag:s22], $0x2000  }
0x4b: {  	[sflag:s22] =	ssyncset.done $0x0  }
0x4c: {  	s18 =	sadd.s32 $0x400, s5;
	s16 =	simm.s32 @!p1 $0xE;
	[sflag:s22] =	ssyncadd.s32 $0xFFFFE000  }
0x4d: {  	[hbm4b:s18+s2] =	stream.linear.scatter [tilespmem:s15], [sflag:$0xA], $0x2000, $0x38;
	[tilespmem:$0x15000] =	vst v63  }
0x4e: {  	_ =	swait.ge @!p1 [sflag:s16], $0x2000  }
0x4f: {  	[sflag:s16] =	ssyncset.done @!p1 $0x0  }
0x50: {  	s7 =	sadd.s32 $0xFFFFFFC0, s4;
	[sflag:s16] =	ssyncadd.s32 @!p1 $0xFFFFE000  }
0x51: {  	[tilespmem:s23], [sflag:$0x6] =	stream.indirect.gather [hbm4b:s3+s13], $0x80, s7, s13, $0xb8;
	[tilespmem:$0x15000] =	vst v63  }
0x52: {  	_ =	swait.ge [sflag:s24], $0x2000  }
0x53: {  	[sflag:s24] =	ssyncset.done $0x0  }
0x54: {  	s10 =	sadd.s32 $0x800, s5;
	s16 =	simm.s32 @!p1 $0xF;
	[sflag:s24] =	ssyncadd.s32 $0xFFFFE000  }
0x55: {  	[hbm4b:s10+s2] =	stream.linear.scatter [tilespmem:s17], [sflag:$0xB], $0x2000, $0x38;
	[tilespmem:$0x15000] =	vst v63  }
0x56: {  	_ =	swait.ge @!p1 [sflag:s16], $0x2000  }
0x57: {  	[sflag:s16] =	ssyncset.done @!p1 $0x0  }
0x58: {  	[sflag:s16] =	ssyncadd.s32 @!p1 $0xFFFFE000  }
0x59: {  	[tilespmem:s25], [sflag:$0x7] =	stream.indirect.gather [hbm4b:s3+s13], $0x80, s4, s13, $0xb8;
	[tilespmem:$0x15000] =	vst v63  }
0x5a: {  	_ =	swait.ge [sflag:s26], $0x2000  }
0x5b: {  	[sflag:s26] =	ssyncset.done $0x0  }
0x5c: {  	s18 =	sadd.s32 $0xC00, s5;
	s16 =	simm.s32 @!p1 $0x10;
	[sflag:s26] =	ssyncadd.s32 $0xFFFFE000  }
0x5d: {  	[hbm4b:s18+s2] =	stream.linear.scatter [tilespmem:s19], [sflag:$0xC], $0x2000, $0x38;
	[tilespmem:$0x15000] =	vst v63  }
0x5e: {  	_ =	swait.ge @!p1 [sflag:s16], $0x2000  }
0x5f: {  	[sflag:s16] =	ssyncset.done @!p1 $0x0  }
0x60: {  	s7 =	sadd.s32 $0x40, s4;
	[sflag:s16] =	ssyncadd.s32 @!p1 $0xFFFFE000  }
0x61: {  	[tilespmem:s28], [sflag:$0x8] =	stream.indirect.gather [hbm4b:s3+s13], $0x80, s7, s13, $0xb8;
	[tilespmem:$0x15000] =	vst v63  }
0x62: {  	_ =	swait.ge [sflag:s29], $0x2000  }
0x63: {  	p1 =	seq.s32 s12, $0x4E000;
	[sflag:s29] =	ssyncset.done $0x0  }
0x64: {  	s10 =	sadd.s32 $0x1000, s5;
	s16 =	simm.s32 @p1 $0x6;
	[sflag:s29] =	ssyncadd.s32 $0xFFFFE000  }
0x65: {  	[hbm4b:s10+s2] =	stream.linear.scatter [tilespmem:s21], [sflag:$0xD], $0x2000, $0x38;
	[tilespmem:$0x15000] =	vst v63  }
0x66: {  	_ =	swait.ge @p1 [sflag:s16], $0x2000  }
0x67: {  	[sflag:s16] =	ssyncset.done @p1 $0x0  }
0x68: {  	s18 =	simm.s32 @p1 $0xF000;
	[sflag:s16] =	ssyncadd.s32 @p1 $0xFFFFE000;
	s16 =	simm.s32 @p1 $0x0  }
0x69: {  	[hbm4b:s6+s16] =	stream.linear.scatter @p1 [tilespmem:s18], [sflag:$0xE], $0x2000, $0x38;
	[tilespmem:$0x15000] =	vst v63  }
0x6a: {  	s16 =	simm.s32 @!p1 $0x9  }
0x6b: {  	_ =	swait.ge @!p1 [sflag:s16], $0x2000  }
0x6c: {  	s7 =	simm.s32 @!p1 $0x5000;
	[sflag:s16] =	ssyncset.done @!p1 $0x0  }
0x6d: {  	s18 =	simm.s32 @!p1 $0x40;
	[sflag:s16] =	ssyncadd.s32 @!p1 $0xFFFFE000;
	s16 =	sadd.s32 @!p1 $0x80, s4  }
0x6e: {  	[tilespmem:s7], [sflag:$0x1] =	stream.indirect.gather @!p1 [hbm4b:s3+s18], $0x80, s16, s18, $0xb8;
	[tilespmem:$0x15000] =	vst v63  }
0x6f: {  	s7 =	simm.s32 @!p1 $0x6  }
0x70: {  	_ =	swait.ge @!p1 [sflag:s7], $0x2000  }
0x71: {  	[sflag:s7] =	ssyncset.done @!p1 $0x0  }
0x72: {  	[sflag:s7] =	ssyncadd.s32 @!p1 $0xFFFFE000;
	s7 =	sadd.s32 @!p1 s12, s11  }
0x73: {  	s10 =	simm.s32 @!p1 $0xF000;
	s16 =	simm.s32 @!p1 $0x0;
	s7 =	sadd.s32 @!p1 $0x1400, s7  }
0x74: {  	[hbm4b:s7+s16] =	stream.linear.scatter @!p1 [tilespmem:s10], [sflag:$0xE], $0x2000, $0x38;
	[tilespmem:$0x15000] =	vst v63  }
0x75: {  	s7 =	simm.s32 @!p1 $0xA  }
0x76: {  	_ =	swait.ge @!p1 [sflag:s7], $0x2000  }
0x77: {  	[sflag:s7] =	ssyncset.done @!p1 $0x0  }
0x78: {  	s10 =	simm.s32 @!p1 $0x7000;
	[sflag:s7] =	ssyncadd.s32 @!p1 $0xFFFFE000;
	s7 =	sadd.s32 @!p1 $0xC0, s4  }
0x79: {  	[tilespmem:s10], [sflag:$0x2] =	stream.indirect.gather @!p1 [hbm4b:s3+s18], $0x80, s7, s18, $0xb8;
	[tilespmem:$0x15000] =	vst v63  }
.Ltmp3:
0x7a: {  	_ = 	snop;
	(pc) =	sbr.rel @p1 .LBB2_4-.Ltmp3, $4  }
0x7b: {  	_ =	swait.ge [sflag:s30], $0x2000  }
0x7c: {  	[sflag:s30] =	ssyncset.done $0x0  }
0x7d: {  	s18 =	sadd.s32 $0x1800, s5;
	[sflag:s30] =	ssyncadd.s32 $0xFFFFE000  }
0x7e: {  	[hbm4b:s18+s2] =	stream.linear.scatter [tilespmem:s25], [sflag:$0xF], $0x2000, $0x38;
	[tilespmem:$0x15000] =	vst v63  }
0x7f: {  	_ =	swait.ge [sflag:s31], $0x2000  }
0x80: {  	[sflag:s31] =	ssyncset.done $0x0  }
0x81: {  	s7 =	sadd.s32 $0x100, s4;
	[sflag:s31] =	ssyncadd.s32 $0xFFFFE000  }
0x82: {  	[tilespmem:s17], [sflag:$0x3] =	stream.indirect.gather [hbm4b:s3+s13], $0x80, s7, s13, $0xb8;
	[tilespmem:$0x15000] =	vst v63  }
0x83: {  	_ =	swait.ge [sflag:s0], $0x2000  }
0x84: {  	[sflag:s0] =	ssyncset.done $0x0  }
0x85: {  	s5 =	sadd.s32 $0x1C00, s5;
	[sflag:s0] =	ssyncadd.s32 $0xFFFFE000  }
0x86: {  	[hbm4b:s5+s2] =	stream.linear.scatter [tilespmem:s28], [sflag:$0x10], $0x2000, $0x38;
	[tilespmem:$0x15000] =	vst v63  }
.Ltmp4:
0x87: {  	_ = 	snop;
	(pc) =	sbr.rel .LBB2_3-.Ltmp4, $4  }
0x88: {  	_ =	swait.ge [sflag:s1], $0x2000  }
0x89: {  	s18 =	sadd.s32 $0x140, s4;
	[sflag:s1] =	ssyncset.done $0x0  }
0x8a: {  	s12 =	sadd.s32 $0x2000, s12;
	s4 =	sadd.s32 $0x200, s4;
	[sflag:s1] =	ssyncadd.s32 $0xFFFFE000  }
0x8b: {  	[tilespmem:s19], [sflag:$0x4] =	stream.indirect.gather [hbm4b:s3+s13], $0x80, s18, s13, $0xb8;
	[tilespmem:$0x15000] =	vst v63  }
.LBB2_6:
0x8c: {  	s4 =	rddreg [dreg:$0x2];
	s10 =	simm.s32 $0x11  }
0x8d: {  	[tilespmem:s12], [sflag:$0x11] =	stream.linear.gather [hbm4b:s4+s12], $0x5000, $0x38;
	[tilespmem:$0x15000] =	vst v63  }
0x8e: {  	_ =	swait.ge [sflag:s10], $0x5000  }
0x8f: {  	[sflag:s10] =	ssyncset.done $0x0  }
0x90: {  	[sflag:s10] =	ssyncadd.s32 $0xFFFFB000  }
0x91: {  	[tilespmem:s14], [sflag:$0x1] =	stream.indirect.gather [hbm4b:s3+s13], $0x80, s12, s13, $0xb8;
	[tilespmem:$0x15000] =	vst v63  }
0x92: {  	_ = 	snop  }
0x93: {  	[tilespmem:s15], [sflag:$0x2] =	stream.indirect.gather [hbm4b:s3+s13], $0x80, s13, s13, $0xb8;
	[tilespmem:$0x15000] =	vst v63  }
0x94: {  	s16 =	simm.s32 $0x80  }
0x95: {  	[tilespmem:s17], [sflag:$0x3] =	stream.indirect.gather [hbm4b:s3+s13], $0x80, s16, s13, $0xb8;
	[tilespmem:$0x15000] =	vst v63  }
0x96: {  	s18 =	simm.s32 $0xC0;
	s4 =	simm.s32 $0x180  }
0x97: {  	[tilespmem:s19], [sflag:$0x4] =	stream.indirect.gather [hbm4b:s3+s13], $0x80, s18, s13, $0xb8;
	[tilespmem:$0x15000] =	vst v63  }
.LBB2_7:
0x98: {  	_ =	swait.ge [sflag:s20], $0x2000  }
0x99: {  	s5 =	sadd.s32 s12, s11;
	[sflag:s20] =	ssyncset.done $0x0  }
0x9a: {  	p1 =	seq.s32 s12, $0x0;
	s7 =	sadd.s32 $0x500000, s5;
	[sflag:s20] =	ssyncadd.s32 $0xFFFFE000  }
0x9b: {  	[hbm4b:s7+s2] =	stream.linear.scatter [tilespmem:s14], [sflag:$0x9], $0x2000, $0x38;
	[tilespmem:$0x15000] =	vst v63  }
0x9c: {  	s7 =	simm.s32 @!p1 $0xD  }
0x9d: {  	_ =	swait.ge @!p1 [sflag:s7], $0x2000  }
0x9e: {  	[sflag:s7] =	ssyncset.done @!p1 $0x0  }
0x9f: {  	s16 =	sadd.s32 $0xFFFFFF80, s4;
	[sflag:s7] =	ssyncadd.s32 @!p1 $0xFFFFE000  }
0xa0: {  	[tilespmem:s21], [sflag:$0x5] =	stream.indirect.gather [hbm4b:s3+s13], $0x80, s16, s13, $0xb8;
	[tilespmem:$0x15000] =	vst v63  }
0xa1: {  	_ =	swait.ge [sflag:s22], $0x2000  }
0xa2: {  	[sflag:s22] =	ssyncset.done $0x0  }
0xa3: {  	s18 =	sadd.s32 $0x500400, s5;
	s7 =	simm.s32 @!p1 $0xE;
	[sflag:s22] =	ssyncadd.s32 $0xFFFFE000  }
0xa4: {  	[hbm4b:s18+s2] =	stream.linear.scatter [tilespmem:s15], [sflag:$0xA], $0x2000, $0x38;
	[tilespmem:$0x15000] =	vst v63  }
0xa5: {  	_ =	swait.ge @!p1 [sflag:s7], $0x2000  }
0xa6: {  	[sflag:s7] =	ssyncset.done @!p1 $0x0  }
0xa7: {  	s10 =	sadd.s32 $0xFFFFFFC0, s4;
	[sflag:s7] =	ssyncadd.s32 @!p1 $0xFFFFE000  }
0xa8: {  	[tilespmem:s23], [sflag:$0x6] =	stream.indirect.gather [hbm4b:s3+s13], $0x80, s10, s13, $0xb8;
	[tilespmem:$0x15000] =	vst v63  }
0xa9: {  	_ =	swait.ge [sflag:s24], $0x2000  }
0xaa: {  	[sflag:s24] =	ssyncset.done $0x0  }
0xab: {  	s16 =	sadd.s32 $0x500800, s5;
	s7 =	simm.s32 @!p1 $0xF;
	[sflag:s24] =	ssyncadd.s32 $0xFFFFE000  }
0xac: {  	[hbm4b:s16+s2] =	stream.linear.scatter [tilespmem:s17], [sflag:$0xB], $0x2000, $0x38;
	[tilespmem:$0x15000] =	vst v63  }
0xad: {  	_ =	swait.ge @!p1 [sflag:s7], $0x2000  }
0xae: {  	[sflag:s7] =	ssyncset.done @!p1 $0x0  }
0xaf: {  	[sflag:s7] =	ssyncadd.s32 @!p1 $0xFFFFE000  }
0xb0: {  	[tilespmem:s25], [sflag:$0x7] =	stream.indirect.gather [hbm4b:s3+s13], $0x80, s4, s13, $0xb8;
	[tilespmem:$0x15000] =	vst v63  }
0xb1: {  	_ =	swait.ge [sflag:s26], $0x2000  }
0xb2: {  	[sflag:s26] =	ssyncset.done $0x0  }
0xb3: {  	s18 =	sadd.s32 $0x500C00, s5;
	s7 =	simm.s32 @!p1 $0x10;
	[sflag:s26] =	ssyncadd.s32 $0xFFFFE000  }
0xb4: {  	[hbm4b:s18+s2] =	stream.linear.scatter [tilespmem:s19], [sflag:$0xC], $0x2000, $0x38;
	[tilespmem:$0x15000] =	vst v63  }
0xb5: {  	_ =	swait.ge @!p1 [sflag:s7], $0x2000  }
0xb6: {  	[sflag:s7] =	ssyncset.done @!p1 $0x0  }
0xb7: {  	s10 =	sadd.s32 $0x40, s4;
	[sflag:s7] =	ssyncadd.s32 @!p1 $0xFFFFE000  }
0xb8: {  	[tilespmem:s28], [sflag:$0x8] =	stream.indirect.gather [hbm4b:s3+s13], $0x80, s10, s13, $0xb8;
	[tilespmem:$0x15000] =	vst v63  }
0xb9: {  	_ =	swait.ge [sflag:s29], $0x2000  }
0xba: {  	p1 =	seq.s32 s12, $0x4E000;
	[sflag:s29] =	ssyncset.done $0x0  }
0xbb: {  	s16 =	sadd.s32 $0x501000, s5;
	s7 =	simm.s32 @p1 $0x6;
	[sflag:s29] =	ssyncadd.s32 $0xFFFFE000  }
0xbc: {  	[hbm4b:s16+s2] =	stream.linear.scatter [tilespmem:s21], [sflag:$0xD], $0x2000, $0x38;
	[tilespmem:$0x15000] =	vst v63  }
0xbd: {  	_ =	swait.ge @p1 [sflag:s7], $0x2000  }
0xbe: {  	[sflag:s7] =	ssyncset.done @p1 $0x0  }
0xbf: {  	s10 =	simm.s32 @p1 $0xF000;
	[sflag:s7] =	ssyncadd.s32 @p1 $0xFFFFE000;
	s7 =	simm.s32 @p1 $0x0  }
0xc0: {  	[hbm4b:s9+s7] =	stream.linear.scatter @p1 [tilespmem:s10], [sflag:$0xE], $0x2000, $0x38;
	[tilespmem:$0x15000] =	vst v63  }
0xc1: {  	s7 =	simm.s32 @!p1 $0x9  }
0xc2: {  	_ =	swait.ge @!p1 [sflag:s7], $0x2000  }
0xc3: {  	s16 =	simm.s32 @!p1 $0x5000;
	[sflag:s7] =	ssyncset.done @!p1 $0x0  }
0xc4: {  	s10 =	simm.s32 @!p1 $0x40;
	[sflag:s7] =	ssyncadd.s32 @!p1 $0xFFFFE000;
	s7 =	sadd.s32 @!p1 $0x80, s4  }
0xc5: {  	[tilespmem:s16], [sflag:$0x1] =	stream.indirect.gather @!p1 [hbm4b:s3+s10], $0x80, s7, s10, $0xb8;
	[tilespmem:$0x15000] =	vst v63  }
0xc6: {  	s7 =	simm.s32 @!p1 $0x6  }
0xc7: {  	_ =	swait.ge @!p1 [sflag:s7], $0x2000  }
0xc8: {  	[sflag:s7] =	ssyncset.done @!p1 $0x0  }
0xc9: {  	[sflag:s7] =	ssyncadd.s32 @!p1 $0xFFFFE000;
	s7 =	sadd.s32 @!p1 s12, s11  }
0xca: {  	s18 =	simm.s32 @!p1 $0xF000;
	s16 =	simm.s32 @!p1 $0x0;
	s7 =	sadd.s32 @!p1 $0x501400, s7  }
0xcb: {  	[hbm4b:s7+s16] =	stream.linear.scatter @!p1 [tilespmem:s18], [sflag:$0xE], $0x2000, $0x38;
	[tilespmem:$0x15000] =	vst v63  }
0xcc: {  	s7 =	simm.s32 @!p1 $0xA  }
0xcd: {  	_ =	swait.ge @!p1 [sflag:s7], $0x2000  }
0xce: {  	[sflag:s7] =	ssyncset.done @!p1 $0x0  }
0xcf: {  	s16 =	simm.s32 @!p1 $0x7000;
	[sflag:s7] =	ssyncadd.s32 @!p1 $0xFFFFE000;
	s7 =	sadd.s32 @!p1 $0xC0, s4  }
0xd0: {  	[tilespmem:s16], [sflag:$0x2] =	stream.indirect.gather @!p1 [hbm4b:s3+s10], $0x80, s7, s10, $0xb8;
	[tilespmem:$0x15000] =	vst v63  }
.Ltmp5:
0xd1: {  	_ = 	snop;
	(pc) =	sbr.rel @p1 .LBB2_8-.Ltmp5, $4  }
0xd2: {  	_ =	swait.ge [sflag:s30], $0x2000  }
0xd3: {  	[sflag:s30] =	ssyncset.done $0x0  }
0xd4: {  	s18 =	sadd.s32 $0x501800, s5;
	[sflag:s30] =	ssyncadd.s32 $0xFFFFE000  }
0xd5: {  	[hbm4b:s18+s2] =	stream.linear.scatter [tilespmem:s25], [sflag:$0xF], $0x2000, $0x38;
	[tilespmem:$0x15000] =	vst v63  }
0xd6: {  	_ =	swait.ge [sflag:s31], $0x2000  }
0xd7: {  	[sflag:s31] =	ssyncset.done $0x0  }
0xd8: {  	s7 =	sadd.s32 $0x100, s4;
	[sflag:s31] =	ssyncadd.s32 $0xFFFFE000  }
0xd9: {  	[tilespmem:s17], [sflag:$0x3] =	stream.indirect.gather [hbm4b:s3+s13], $0x80, s7, s13, $0xb8;
	[tilespmem:$0x15000] =	vst v63  }
0xda: {  	_ =	swait.ge [sflag:s0], $0x2000  }
0xdb: {  	[sflag:s0] =	ssyncset.done $0x0  }
0xdc: {  	s5 =	sadd.s32 $0x501C00, s5;
	[sflag:s0] =	ssyncadd.s32 $0xFFFFE000  }
0xdd: {  	[hbm4b:s5+s2] =	stream.linear.scatter [tilespmem:s28], [sflag:$0x10], $0x2000, $0x38;
	[tilespmem:$0x15000] =	vst v63  }
.Ltmp6:
0xde: {  	_ = 	snop;
	(pc) =	sbr.rel .LBB2_7-.Ltmp6, $4  }
0xdf: {  	_ =	swait.ge [sflag:s1], $0x2000  }
0xe0: {  	s18 =	sadd.s32 $0x140, s4;
	[sflag:s1] =	ssyncset.done $0x0  }
0xe1: {  	s12 =	sadd.s32 $0x2000, s12;
	s4 =	sadd.s32 $0x200, s4;
	[sflag:s1] =	ssyncadd.s32 $0xFFFFE000  }
0xe2: {  	[tilespmem:s19], [sflag:$0x4] =	stream.indirect.gather [hbm4b:s3+s13], $0x80, s18, s13, $0xb8;
	[tilespmem:$0x15000] =	vst v63  }
.LBB2_4:
.Ltmp7:
0xe3: {  	(pc) =	sbr.rel .LBB2_9-.Ltmp7, $2  }
0xe4: {  	_ =	sdelay $0x2  }
0xe5: {  	s4 =	rddreg [dreg:$0x4]  }
.LBB2_10:
0xe6: {  	_ =	sfence.sel $0x180000  }
0xe7: {  	[bflag:$0x0] =	sbarrier.arrive $0xFFFF  }
0xe8: {  	_ =	strace $0x90000047  }
0xe9: {  	s0 =	stileid.u32;
	[bflag:$0x2] =	sbarrier.arrive $0xFFFF  }
0xea: {  	p0 =	sne.s32 s0, $0x0;
	s0 =	rddreg [dreg:$0x1]  }
0xeb: {  	s0 =	sadd.s32 @!p0 $0x100000, s0  }
0xec: {  	[sflag:s0] =	ssyncadd.tile.s32 @!p0 $0x1;
	_ =	shalt  }
.Lfunc_end2:
_tile_overlayer_lowered:
.L_overlay_start_2:
0xed: {  	(tag) =	ssettag $0x2  }
0xee: {  	s0 =	rddreg [dreg:$0x0];
	s2 =	stileid.u32  }
0xef: {  	s1 =	rddreg [dreg:$0x1];
	p0 =	sne.s32 s2, $0x0  }
0xf0: {  	s3 =	rddreg [dreg:$0x2];
	[bflag:$0x3] =	sbarrier.arrive $0xFFFF;
	s2 =	simm.s32 @!p0 $0x1C11  }
0xf1: {  	[timem:s3], [sflag:s2] =	dma.local @!p0 [hbm:s0], s1  }
0xf2: {  	s0 =	simm.s32 @!p0 $0x11  }
0xf3: {  	_ =	swait.ge @!p0 [sflag:s0], s1  }
0xf4: {  	s1 =	ssub.s32 @!p0 $0x0, s1;
	[sflag:s0] =	ssyncset.done @!p0 $0x0  }
0xf5: {  	[sflag:s0] =	ssyncadd.s32 @!p0 s1  }
0xf6: {  	[bflag:$0x3] =	sbarrier.arrive $0xFFFF  }
0xf7: {  	_ =	shalt  }

// kernel: kernel.14.cloned.1.call-start
scs
__scs_entry_jumppad:
0x0: {  	(pc) =	sbr.rel $0x88, $3  }
0x1: {  	(tag) =	ssettag $0x0;
	lr =	simm.s32 $0x1  }
0x2: {  	[smem:$0x3F7A] =	sst lr;
	_ =	strace $0xD0000000  }
0x3: {  	_ = 	snop  }
0x4: {  	_ = 	snop  }
0x5: {  	_ = 	snop  }
0x6: {  	_ = 	snop  }
0x7: {  	_ = 	snop  }
__scs_overlays_trampoline_lowered:
0x8: {  	[smem:$0x3F89] =	sst s0  }
0x9: {  	[smem:$0x3F8A] =	sst s1  }
0xa: {  	[smem:$0x3F8B] =	sst s2  }
0xb: {  	[smem:$0x3F8C] =	sst s3  }
0xc: {  	[smem:$0x3F8D] =	sst s4  }
0xd: {  	[smem:$0x3F8E] =	sst s5  }
0xe: {  	[smem:$0x3F8F] =	sst s6  }
0xf: {  	[smem:$0x3F90] =	sst s7  }
0x10: {  	[smem:$0x3F91] =	sst s8  }
0x11: {  	[smem:$0x3F92] =	sst s9;
	s0 =	simm.s32 @!p0 $0x0  }
0x12: {  	s1 =	sld [smem:$0x3F78];
	s0 =	simm.s32 @p0 $0x1  }
0x13: {  	[smem:$0x3F93] =	sst s0;
	s0 =	simm.s32 @!p1 $0x0  }
0x14: {  	s2 =	sld [smem:$0x3F77];
	s0 =	simm.s32 @p1 $0x1  }
0x15: {  	[smem:$0x3F94] =	sst s0;
	s0 =	simm.s32 @!p2 $0x0  }
0x16: {  	s3 =	sld [smem:$0x3FDB];
	s0 =	simm.s32 @p2 $0x1  }
0x17: {  	s4 =	simm.s32 $0x1BF5;
	[smem:$0x3F96] =	sst s0  }
0x18: {  	s0 =	sld [smem:$0x3F79];
	_ =	swait.ge [sflag:s4], $0x0  }
0x19: {  	s7 =	sld [smem:$0x3F7A]  }
0x1a: {  	s8 =	sadd.s32 $0xFFFFE003, lr  }
0x1b: {  	s9 =	sadd.s32 $0xFFFFFEF7, lr;
	s5 =	simm.s32 $0xFFFFFFFF;
	p2 =	slt.u32 s8, $0xFFFFF086  }
0x1c: {  	p1 =	slt.u32 s9, $0xF7A;
	s5 =	simm.s32 @!p2 $0x0  }
0x1d: {  	s5 =	simm.s32 @p1 $0x1;
	p0 =	seq.s32 s7, s2  }
0x1e: {  	s7 =	smul.u32 @!p0 $0xF7A, s2;
	p2 =	seq.s32 @!p0 s5, $0x0  }
0x1f: {  	s9 =	smul.u32 $0xF7A, s1;
	s8 =	simm.s32 @!p0 $0x1BF5;
	p2 =	por !p2, p0  }
0x20: {  	[sflag:s8] =	ssyncset.s32 @!p0 $0xFFFFF086;
	s6 =	sadd.s32 @!p0 s3, s7;
	s7 =	simm.s32 @!p0 $0x108  }
0x21: {  	s3 =	sadd.s32 s3, s9;
	s6 =	sadd.s32 @!p0 $0x88, s6;
	s7 =	simm.s32 @p2 $0x1082  }
0x22: {  	[simem:s7], [sflag:s8] =	dma.local @!p0 [hbm:s6], $0xF7A  }
0x23: {  	s9 =	sor.u32 $0xD0000000, s2;
	s6 =	simm.s32 $0x108;
	_ =	swait.ge @!p0 [sflag:s8], $0x0  }
0x24: {  	s3 =	sadd.s32 $0x88, s3;
	s6 =	simm.s32 @!p1 $0x1082;
	[sflag:s4] =	ssyncset.s32 $0xFFFFF086  }
0x25: {  	[simem:s6], [sflag:s4] =	dma.local [hbm:s3], $0xF7A  }
0x26: {  	[smem:$0x3F7A] =	sst s1;
	(tag) =	ssettag s2;
	_ =	strace s9  }
0x27: {  	s1 =	sld [smem:$0x3F8A]  }
0x28: {  	s2 =	sld [smem:$0x3F8B]  }
0x29: {  	s4 =	sld [smem:$0x3F8D]  }
0x2a: {  	p0 =	seq.s32 s5, $0x0;
	s5 =	sld [smem:$0x3F8E]  }
0x2b: {  	s6 =	sld [smem:$0x3F8F]  }
0x2c: {  	s7 =	sld [smem:$0x3F90]  }
0x2d: {  	s3 =	simm.s32 $0x108;
	s8 =	sld [smem:$0x3F91]  }
0x2e: {  	s3 =	simm.s32 @!p0 $0x1082;
	s9 =	sld [smem:$0x3F92]  }
0x2f: {  	lr =	sadd.s32 s0, s3;
	s0 =	sld [smem:$0x3F89]  }
0x30: {  	s3 =	sld [smem:$0x3F8C]  }
0x31: {  	[smem:$0x3F95] =	sst s10  }
0x32: {  	s10 =	sld [smem:$0x3F93];
	_ =	sdelay $0x3  }
0x33: {  	p0 =	seq.s32 s10, $0x1;
	s10 =	sld [smem:$0x3F95];
	_ =	sdelay $0x3  }
0x34: {  	[smem:$0x3F95] =	sst s10  }
0x35: {  	s10 =	sld [smem:$0x3F94];
	_ =	sdelay $0x3  }
0x36: {  	p1 =	seq.s32 s10, $0x1;
	s10 =	sld [smem:$0x3F95];
	_ =	sdelay $0x3  }
0x37: {  	[smem:$0x3F95] =	sst s10  }
0x38: {  	s10 =	sld [smem:$0x3F96]  }
0x39: {  	_ = 	snop;
	(pc) =	sbr.ind lr, $3  }
0x3a: {  	_ = 	snop  }
0x3b: {  	_ = 	snop  }
0x3c: {  	p2 =	seq.s32 s10, $0x1;
	s10 =	sld [smem:$0x3F95]  }
0x3d: {  	_ =	shalt  }
0x3e: {  	_ =	shalt  }
0x3f: {  	_ =	shalt  }
0x40: {  	_ =	shalt  }
0x41: {  	_ =	shalt  }
0x42: {  	_ =	shalt  }
0x43: {  	_ =	shalt  }
0x44: {  	_ =	shalt  }
0x45: {  	_ =	shalt  }
0x46: {  	_ =	shalt  }
0x47: {  	_ =	shalt  }
0x48: {  	_ =	shalt  }
0x49: {  	_ =	shalt  }
0x4a: {  	_ =	shalt  }
0x4b: {  	_ =	shalt  }
0x4c: {  	_ =	shalt  }
0x4d: {  	_ =	shalt  }
0x4e: {  	_ =	shalt  }
0x4f: {  	_ =	shalt  }
0x50: {  	_ =	shalt  }
0x51: {  	_ =	shalt  }
0x52: {  	_ =	shalt  }
0x53: {  	_ =	shalt  }
0x54: {  	_ =	shalt  }
0x55: {  	_ =	shalt  }
0x56: {  	_ =	shalt  }
0x57: {  	_ =	shalt  }
0x58: {  	_ =	shalt  }
0x59: {  	_ =	shalt  }
0x5a: {  	_ =	shalt  }
0x5b: {  	_ =	shalt  }
0x5c: {  	_ =	shalt  }
0x5d: {  	_ =	shalt  }
0x5e: {  	_ =	shalt  }
0x5f: {  	_ =	shalt  }
0x60: {  	_ =	shalt  }
0x61: {  	_ =	shalt  }
0x62: {  	_ =	shalt  }
0x63: {  	_ =	shalt  }
0x64: {  	_ =	shalt  }
0x65: {  	_ =	shalt  }
0x66: {  	_ =	shalt  }
0x67: {  	_ =	shalt  }
0x68: {  	_ =	shalt  }
0x69: {  	_ =	shalt  }
0x6a: {  	_ =	shalt  }
0x6b: {  	_ =	shalt  }
0x6c: {  	_ =	shalt  }
0x6d: {  	_ =	shalt  }
0x6e: {  	_ =	shalt  }
0x6f: {  	_ =	shalt  }
0x70: {  	_ =	shalt  }
0x71: {  	_ =	shalt  }
0x72: {  	_ =	shalt  }
0x73: {  	_ =	shalt  }
0x74: {  	_ =	shalt  }
0x75: {  	_ =	shalt  }
0x76: {  	_ =	shalt  }
0x77: {  	_ =	shalt  }
0x78: {  	_ =	shalt  }
0x79: {  	_ =	shalt  }
0x7a: {  	_ =	shalt  }
0x7b: {  	_ =	shalt  }
0x7c: {  	_ =	shalt  }
0x7d: {  	_ =	shalt  }
0x7e: {  	_ =	shalt  }
0x7f: {  	_ =	shalt  }
0x80: {  	_ =	shalt  }
0x81: {  	_ =	shalt  }
0x82: {  	_ =	shalt  }
0x83: {  	_ =	shalt  }
0x84: {  	_ =	shalt  }
0x85: {  	_ =	shalt  }
0x86: {  	_ =	shalt  }
0x87: {  	_ =	shalt  }
.Lfunc_end0:
.L_simem_size_0:
called_computation.1_lowered:
.L_overlay_start_0:
0x88: {  	s2 =	sld [smem:$0x3FD9]  }
0x89: {  	s3 =	sld [smem:$0x3FFE];
	_ =	sdelay $0x1  }
0x8a: {  	s1 =	srdreg.scid  }
0x8b: {  	s0 =	sand.u32 $0x1, s1  }
0x8c: {  	s17 =	sshll.u32 s0, $0xA;
	s2 =	sadd.s32 s3, s2  }
0x8d: {  	s2 =	sadd.s32 s2, s17  }
0x8e: {  	[smem:$0x3FA1] =	sst s2  }
0x8f: {  	_ = 	snop  }
0x90: {  	s2 =	sld [smem:$0x3FD0];
	(tm) =	ssettm $0x1  }
0x91: {  	s18 =	sld [smem:$0x3FFB];
	_ =	sdelay $0x3  }
0x92: {  	_ =	strace s18  }
0x93: {  	s3 =	sld [smem:$0x3FFC];
	_ =	sdelay $0x3  }
0x94: {  	_ =	strace s3  }
0x95: {  	s3 =	sld [smem:$0x3FFD];
	_ =	sdelay $0x3  }
0x96: {  	_ =	strace s3  }
0x97: {  	_ =	strace $0x8FFFFFFF  }
0x98: {  	s19 =	sld [smem:$0x3FDB];
	_ =	sdelay $0x1  }
0x99: {  	s4 =	simm.s32 $_scs_section_size  }
0x9a: {  	s5 =	simm.s32 $_size__tile_overlayer_lowered;
	s6 =	simm.s32 $_tile_overlayer_lowered  }
0x9b: {  	s22 =	simm.s32 $0x1BFF;
	s21 =	sshll.u32 s6, $0x1;
	s3 =	sadd.s32 s4, s19  }
0x9c: {  	s7 =	simm.s32 $0x0;
	s20 =	sshll.u32 s5, $0x1;
	s5 =	sadd.s32 s21, s3  }
0x9d: {  	[timem:s7], [sflag:s22] =	dma.local [hbm:s5], s20  }
0x9e: {  	_ =	swait.ge [sflag:s22], s20  }
0x9f: {  	s4 =	ssub.s32 $0x0, s20;
	[sflag:s22] =	ssyncset.done $0x0  }
0xa0: {  	[sflag:s22] =	ssyncadd.s32 s4;
	_ =	sdelay $0x1  }
0xa1: {  	s23 =	simm.s32 $0x1B8B  }
0xa2: {  	_ =	swait.ge [sflag:s23], $0x1  }
0xa3: {  	[sflag:s23] =	ssyncset.done $0x0  }
0xa4: {  	s25 =	simm.s32 $0x1B8E;
	s24 =	sld [smem:$0x3FFE];
	[sflag:s23] =	ssyncadd.s32 $0xFFFFFFFF  }
0xa5: {  	s26 =	simm.s32 $execute0_lowered;
	[smem:$0x3FD2] =	sst s25  }
0xa6: {  	s5 =	sshll.u32 s26, $0x1;
	_ =	strace $0x80000049;
	[dreg:$0x1] =	wrdreg $0xFFFFFFFF  }
0xa7: {  	s28 =	simm.s32 $_size_execute0_lowered;
	s3 =	sadd.s32 s3, s5;
	[dreg:$0x0] =	wrdreg $0x0  }
0xa8: {  	s5 =	sshll.u32 s28, $0x1;
	[dreg:$0x2] =	wrdreg s3  }
0xa9: {  	[dreg:$0x3] =	wrdreg s5  }
0xaa: {  	[dreg:$0x4] =	wrdreg $0xC0  }
0xab: {  	_ =	task [dreg:s7], $0x5FFFF  }
0xac: {  	[dreg:$0x1] =	wrdreg $0xFFFFFFFF  }
0xad: {  	[dreg:$0x0] =	wrdreg $0x60  }
0xae: {  	[dreg:$0x2] =	wrdreg s24  }
0xaf: {  	[dreg:$0x3] =	wrdreg s2  }
0xb0: {  	[dreg:$0x4] =	wrdreg $0x0  }
0xb1: {  	[dreg:$0x5] =	wrdreg $0x9  }
0xb2: {  	_ =	task.clear_ibuf [dreg:s7], $0x6FFFF;
	_ =	strace $0x90000049  }
0xb3: {  	s29 =	simm.s32 $0x9;
	_ =	strace $0x8000004B  }
0xb4: {  	_ =	swait.ge [sflag:s29], $0x1  }
0xb5: {  	[sflag:s29] =	ssyncadd.s32 $0xFFFFFFFF  }
0xb6: {  	_ =	strace $0x9000004B  }
0xb7: {  	_ =	sfence  }
0xb8: {  	s30 =	sld [smem:$0x0];
	_ =	sdelay $0x2  }
0xb9: {  	s31 =	sshll.u32 s1, $0xD;
	s1 =	sshrl.u32 s1, $0x2  }
0xba: {  	s3 =	sand.u32 $0x4000, s31;
	s1 =	sadd.s32 s1, s30  }
0xbb: {  	s0 =	sor.u32 s3, s0;
	s1 =	sshll.u32 s1, $0x11  }
0xbc: {  	s0 =	sor.u32 s1, s0  }
0xbd: {  	s0 =	sadd.s32 $0x8F2B, s0  }
0xbe: {  	[sflag:s0] =	ssyncadd.remote.s32 $0x1  }
0xbf: {  	_ =	sfence.sel $0xFFFF  }
0xc0: {  	[dreg:$0x0] =	wrdreg $0xFFFFFFFF;
	(pc) =	sbr.abs _section_cstart, $3  }
0xc1: {  	[dreg:$0x1] =	wrdreg $0xFFFFFFFF  }
0xc2: {  	_ =	task.clear_ibuf [dreg:s7], $0x2FFFF;
	_ =	strace $0x9FFFFFFF  }
0xc3: {  	(tm) =	ssettm $0x7FFFFFFF  }
tec
execute0_lowered:
.L_overlay_start_1:
0x0: {  	(tag) =	ssettag $0x1  }
0x1: {  	s0 =	rddreg [dreg:$0x0]  }
0x2: {  	s2 =	rddreg [dreg:$0x2];
	s1 =	stileid.u32  }
0x3: {  	s3 =	srdreg.scid;
	s6 =	smul.u32 $0x14000, s1  }
0x4: {  	s4 =	simm.s32 $0x0;
	s17 =	simm.s32 $0x14000;
	s8 =	smul.u32 $0x50000, s1  }
0x5: {  	s28 =	simm.s32 $0x6;
	s29 =	simm.s32 $0x0;
	s10 =	smul.u32 $0x2800, s1  }
0x6: {  	s9 =	sand.u32 $0x1, s3;
	[smem:$0x7FF] =	sst s4;
	s24 =	smul.u32 $0x28000, s1  }
0x7: {  	s12 =	sadd.s32 $0xA9EE00, s0;
	s14 =	sadd.s32 $0x6CE00, s0;
	s5 =	smul.u32 $0x140000, s9  }
0x8: {  	s21 =	sshll.u32 s1, $0x6;
	s18 =	smul.u32 $0x28000, s9;
	s7 =	ssub.s32 $0x2, s9  }
0x9: {  	_ =	strace $0x8000004A;
	s16 =	smul.u32 $0x280000, s9;
	s19 =	sshrl.u32 s7, $0x1  }
0xa: {  	s20 =	sshrl.u32 s8, $0x2;
	s5 =	sadd.s32 s6, s5;
	s11 =	ssub.s32 s7, s19  }
0xb: {  	s13 =	sadd.s32 s10, s18;
	s15 =	sadd.s32 s20, s2;
	s18 =	simm.s32 $0x14100  }
0xc: {  	s19 =	simm.s32 $0x14080;
	s20 =	simm.s32 $0x18100;
	s5 =	sshrl.u32 s5, $0x3  }
0xd: {  	s6 =	sshrl.u32 s13, $0x3;
	s22 =	sshll.u32 s13, $0x4;
	s10 =	sor.u32 $0x80, s13  }
0xe: {  	s11 =	smax.u32 s11, $0x1;
	s25 =	sor.u32 $0x180, s13;
	s30 =	sor.u32 $0x100, s13  }
0xf: {  	s15 =	sshrl.u32 s15, $0x3;
	s0 =	sadd.s32 s5, s0;
	s5 =	sor.u32 $0x1C07, s21  }
0x10: {  	s6 =	sadd.s32 s14, s6;
	s7 =	sadd.s32 s12, s22;
	s23 =	sshrl.u32 s10, $0x3  }
0x11: {  	s10 =	sshll.u32 s10, $0x4;
	s26 =	sshrl.u32 s25, $0x3;
	s31 =	sshrl.u32 s30, $0x3  }
0x12: {  	s21 =	simm.s32 $0x1;
	s22 =	simm.s32 $0x3;
	s25 =	simm.s32 $0x2  }
0x13: {  	s8 =	sadd.s32 s14, s23;
	s9 =	sadd.s32 s12, s10;
	s10 =	sadd.s32 $0x76E00, s0  }
0x14: {  	s12 =	sadd.s32 s16, s12;
	s13 =	sadd.s32 s26, s14;
	s14 =	sadd.s32 s31, s14  }
0x15: {  	s16 =	simm.s32 $0x7;
	s23 =	simm.s32 $0x80;
	s0 =	sadd.s32 s24, s12  }
0x16: {  	s26 =	simm.s32 $0x4;
	s24 =	simm.s32 $0x5;
	s0 =	sadd.s32 $0x1800, s0  }
.LBB2_1:
0x17: {  	s1 =	rddreg [dreg:$0x1]  }
0x18: {  	[spmem:s15], [sflag:s5] =	dma.local [hbm:s1], $0x2800  }
0x19: {  	_ =	swait.ge [sflag:s16], $0x2800  }
0x1a: {  	[sflag:s16] =	ssyncset.done $0x0  }
0x1b: {  	[sflag:s16] =	ssyncadd.s32 $0xFFFFD800  }
0x1c: {  	[bflag:$0x0] =	sbarrier.arrive $0xFFFF  }
0x1d: {  	[tilespmem:s17], [sflag:$0x1] =	stream.linear.gather [hbm4b:s6+s4], $0x80, $0x38;
	[tilespmem:$0x1C100] =	vst v63  }
0x1e: {  	_ = 	snop  }
0x1f: {  	[tilespmem:s18], [sflag:$0x3] =	stream.linear.gather [hbm4b:s7+s4], $0x4000, $0x38;
	[tilespmem:$0x1C100] =	vst v63  }
0x20: {  	_ = 	snop  }
0x21: {  	[tilespmem:s19], [sflag:$0x2] =	stream.linear.gather [hbm4b:s8+s4], $0x80, $0x38;
	[tilespmem:$0x1C100] =	vst v63  }
0x22: {  	_ = 	snop  }
0x23: {  	[tilespmem:s20], [sflag:$0x4] =	stream.linear.gather [hbm4b:s9+s4], $0x4000, $0x38;
	[tilespmem:$0x1C100] =	vst v63  }
0x24: {  	_ =	swait.ge [sflag:s21], $0x80  }
0x25: {  	[sflag:s21] =	ssyncset.done $0x0  }
0x26: {  	[sflag:s21] =	ssyncadd.s32 $0xFFFFFF80  }
0x27: {  	_ =	swait.ge [sflag:s22], $0x4000  }
0x28: {  	[sflag:s22] =	ssyncset.done $0x0  }
0x29: {  	[sflag:s22] =	ssyncadd.s32 $0xFFFFC000  }
0x2a: {  	[spmem:s2] =	stream.indirect.scatter.add.f32 [tilespmem:s18], [sflag:$0x5], $0x80, s17, s23, $0xb8;
	[tilespmem:$0x1C100] =	vst v63  }
0x2b: {  	_ =	swait.ge [sflag:s24], $0x4000  }
0x2c: {  	[sflag:s24] =	ssyncset.done $0x0  }
0x2d: {  	s12 =	sadd.s32 $0x0, s14;
	[sflag:s24] =	ssyncadd.s32 $0xFFFFC000  }
0x2e: {  	[tilespmem:s17], [sflag:$0x1] =	stream.linear.gather [hbm4b:s12+s4], $0x80, $0x38;
	[tilespmem:$0x1C100] =	vst v63  }
0x2f: {  	s1 =	sadd.s32 $0xFFFFF800, s0  }
0x30: {  	[tilespmem:s18], [sflag:$0x3] =	stream.linear.gather [hbm4b:s1+s4], $0x4000, $0x38;
	[tilespmem:$0x1C100] =	vst v63  }
0x31: {  	_ =	swait.ge [sflag:s25], $0x80  }
0x32: {  	[sflag:s25] =	ssyncset.done $0x0  }
0x33: {  	[sflag:s25] =	ssyncadd.s32 $0xFFFFFF80  }
0x34: {  	_ =	swait.ge [sflag:s26], $0x4000  }
0x35: {  	[sflag:s26] =	ssyncset.done $0x0  }
0x36: {  	[sflag:s26] =	ssyncadd.s32 $0xFFFFC000  }
0x37: {  	[spmem:s2] =	stream.indirect.scatter.add.f32 [tilespmem:s20], [sflag:$0x6], $0x80, s19, s23, $0xb8;
	[tilespmem:$0x1C100] =	vst v63  }
0x38: {  	_ =	swait.ge [sflag:s28], $0x4000  }
0x39: {  	s3 =	sadd.s32 $0x0, s13;
	s30 =	simm.s32 $0x20;
	[sflag:s28] =	ssyncset.done $0x0  }
0x3a: {  	s31 =	sadd.s32 $0x1000, s0;
	s12 =	smov.u32 s0;
	[sflag:s28] =	ssyncadd.s32 $0xFFFFC000  }
0x3b: {  	[tilespmem:s19], [sflag:$0x2] =	stream.linear.gather [hbm4b:s3+s4], $0x80, $0x38;
	[tilespmem:$0x1C100] =	vst v63  }
.LBB2_2:
0x3c: {  	[tilespmem:s20], [sflag:$0x4] =	stream.linear.gather [hbm4b:s12+s4], $0x4000, $0x38;
	[tilespmem:$0x1C100] =	vst v63  }
0x3d: {  	s3 =	smov.u32 s30;
	s12 =	smov.u32 s31  }
0x3e: {  	p0 =	sne.s32 s30, $0x4C0;
	s30 =	sadd.s32 $0x20, s30;
	_ =	swait.ge [sflag:s21], $0x80  }
0x3f: {  	[sflag:s21] =	ssyncset.done $0x0  }
0x40: {  	[sflag:s21] =	ssyncadd.s32 $0xFFFFFF80  }
0x41: {  	_ =	swait.ge [sflag:s22], $0x4000  }
0x42: {  	[sflag:s22] =	ssyncset.done $0x0  }
0x43: {  	[sflag:s22] =	ssyncadd.s32 $0xFFFFC000  }
0x44: {  	[spmem:s2] =	stream.indirect.scatter.add.f32 [tilespmem:s18], [sflag:$0x5], $0x80, s17, s23, $0xb8;
	[tilespmem:$0x1C100] =	vst v63  }
0x45: {  	_ =	swait.ge [sflag:s24], $0x4000  }
0x46: {  	[sflag:s24] =	ssyncset.done $0x0  }
0x47: {  	s1 =	sadd.s32 s3, s14;
	[sflag:s24] =	ssyncadd.s32 $0xFFFFC000  }
0x48: {  	[tilespmem:s17], [sflag:$0x1] =	stream.linear.gather [hbm4b:s1+s4], $0x80, $0x38;
	[tilespmem:$0x1C100] =	vst v63  }
0x49: {  	s1 =	sadd.s32 $0xFFFFF800, s31  }
0x4a: {  	[tilespmem:s18], [sflag:$0x3] =	stream.linear.gather [hbm4b:s1+s4], $0x4000, $0x38;
	[tilespmem:$0x1C100] =	vst v63  }
0x4b: {  	_ =	swait.ge [sflag:s25], $0x80  }
0x4c: {  	[sflag:s25] =	ssyncset.done $0x0  }
0x4d: {  	[sflag:s25] =	ssyncadd.s32 $0xFFFFFF80  }
0x4e: {  	_ =	swait.ge [sflag:s26], $0x4000  }
0x4f: {  	[sflag:s26] =	ssyncset.done $0x0  }
0x50: {  	[sflag:s26] =	ssyncadd.s32 $0xFFFFC000  }
0x51: {  	[spmem:s2] =	stream.indirect.scatter.add.f32 [tilespmem:s20], [sflag:$0x6], $0x80, s19, s23, $0xb8;
	[tilespmem:$0x1C100] =	vst v63  }
.Ltmp0:
0x52: {  	_ =	swait.ge [sflag:s28], $0x4000;
	(pc) =	sbr.rel @p0 .LBB2_2-.Ltmp0, $4  }
0x53: {  	[sflag:s28] =	ssyncset.done $0x0  }
0x54: {  	s1 =	sadd.s32 s3, s13;
	[sflag:s28] =	ssyncadd.s32 $0xFFFFC000  }
0x55: {  	[tilespmem:s19], [sflag:$0x2] =	stream.linear.gather [hbm4b:s1+s4], $0x80, $0x38;
	[tilespmem:$0x1C100] =	vst v63  }
0x56: {  	s31 =	sadd.s32 $0x1000, s31  }
0x57: {  	[tilespmem:s20], [sflag:$0x4] =	stream.linear.gather [hbm4b:s12+s4], $0x4000, $0x38;
	[tilespmem:$0x1C100] =	vst v63  }
0x58: {  	_ =	swait.ge [sflag:s21], $0x80  }
0x59: {  	[sflag:s21] =	ssyncset.done $0x0  }
0x5a: {  	[sflag:s21] =	ssyncadd.s32 $0xFFFFFF80  }
0x5b: {  	_ =	swait.ge [sflag:s22], $0x4000  }
0x5c: {  	[sflag:s22] =	ssyncset.done $0x0  }
0x5d: {  	[sflag:s22] =	ssyncadd.s32 $0xFFFFC000  }
0x5e: {  	[spmem:s2] =	stream.indirect.scatter.add.f32 [tilespmem:s18], [sflag:$0x5], $0x80, s17, s23, $0xb8;
	[tilespmem:$0x1C100] =	vst v63  }
0x5f: {  	_ =	swait.ge [sflag:s25], $0x80  }
0x60: {  	[sflag:s25] =	ssyncset.done $0x0  }
0x61: {  	[sflag:s25] =	ssyncadd.s32 $0xFFFFFF80  }
0x62: {  	_ =	swait.ge [sflag:s26], $0x4000  }
0x63: {  	[sflag:s26] =	ssyncset.done $0x0  }
0x64: {  	[sflag:s26] =	ssyncadd.s32 $0xFFFFC000  }
0x65: {  	[spmem:s2] =	stream.indirect.scatter.add.f32 [tilespmem:s20], [sflag:$0x6], $0x80, s19, s23, $0xb8;
	[tilespmem:$0x1C100] =	vst v63  }
0x66: {  	_ =	swait.ge [sflag:s24], $0x4000  }
0x67: {  	[sflag:s24] =	ssyncset.done $0x0  }
0x68: {  	[sflag:s24] =	ssyncadd.s32 $0xFFFFC000  }
0x69: {  	_ =	swait.ge [sflag:s28], $0x4000  }
0x6a: {  	s29 =	sadd.s32 $0x1, s29;
	[sflag:s28] =	ssyncset.done $0x0  }
0x6b: {  	p0 =	sne.s32 s29, s11;
	[sflag:s28] =	ssyncadd.s32 $0xFFFFC000  }
.Ltmp1:
0x6c: {  	[bflag:$0x0] =	sbarrier.arrive $0xFFFF;
	(pc) =	sbr.rel @p0 .LBB2_1-.Ltmp1, $4  }
0x6d: {  	[hbm:s10], [sflag:s5] =	dma.local [spmem:s15], $0x2800  }
0x6e: {  	_ =	swait.ge [sflag:s16], $0x2800  }
0x6f: {  	[sflag:s16] =	ssyncset.done $0x0  }
0x70: {  	[sflag:s16] =	ssyncadd.s32 $0xFFFFD800  }
0x71: {  	_ =	sfence.sel $0x180000  }
0x72: {  	[bflag:$0x0] =	sbarrier.arrive $0xFFFF  }
0x73: {  	_ =	strace $0x9000004A  }
0x74: {  	s0 =	stileid.u32;
	[bflag:$0x2] =	sbarrier.arrive $0xFFFF  }
0x75: {  	p0 =	sne.s32 s0, $0x0;
	s0 =	rddreg [dreg:$0x3]  }
0x76: {  	s0 =	sadd.s32 @!p0 $0x100000, s0  }
0x77: {  	[sflag:s0] =	ssyncadd.tile.s32 @!p0 $0x1;
	_ =	shalt  }
.Lfunc_end2:
_tile_overlayer_lowered:
.L_overlay_start_2:
0x78: {  	(tag) =	ssettag $0x2  }
0x79: {  	s0 =	rddreg [dreg:$0x0];
	s2 =	stileid.u32  }
0x7a: {  	s1 =	rddreg [dreg:$0x1];
	p0 =	sne.s32 s2, $0x0  }
0x7b: {  	s3 =	rddreg [dreg:$0x2];
	[bflag:$0x3] =	sbarrier.arrive $0xFFFF;
	s2 =	simm.s32 @!p0 $0x1C07  }
0x7c: {  	[timem:s3], [sflag:s2] =	dma.local @!p0 [hbm:s0], s1  }
0x7d: {  	s0 =	simm.s32 @!p0 $0x7  }
0x7e: {  	_ =	swait.ge @!p0 [sflag:s0], s1  }
0x7f: {  	s1 =	ssub.s32 @!p0 $0x0, s1;
	[sflag:s0] =	ssyncset.done @!p0 $0x0  }
0x80: {  	[sflag:s0] =	ssyncadd.s32 @!p0 s1  }
0x81: {  	[bflag:$0x3] =	sbarrier.arrive $0xFFFF  }
0x82: {  	_ =	shalt  }

// kernel: kernel.17.cloned.1.call-start
scs
__scs_entry_jumppad:
0x0: {  	(pc) =	sbr.rel $0x88, $3  }
0x1: {  	(tag) =	ssettag $0x0;
	lr =	simm.s32 $0x1  }
0x2: {  	[smem:$0x3F7A] =	sst lr;
	_ =	strace $0xD0000000  }
0x3: {  	_ = 	snop  }
0x4: {  	_ = 	snop  }
0x5: {  	_ = 	snop  }
0x6: {  	_ = 	snop  }
0x7: {  	_ = 	snop  }
__scs_overlays_trampoline_lowered:
0x8: {  	[smem:$0x3F89] =	sst s0  }
0x9: {  	[smem:$0x3F8A] =	sst s1  }
0xa: {  	[smem:$0x3F8B] =	sst s2  }
0xb: {  	[smem:$0x3F8C] =	sst s3  }
0xc: {  	[smem:$0x3F8D] =	sst s4  }
0xd: {  	[smem:$0x3F8E] =	sst s5  }
0xe: {  	[smem:$0x3F8F] =	sst s6  }
0xf: {  	[smem:$0x3F90] =	sst s7  }
0x10: {  	[smem:$0x3F91] =	sst s8  }
0x11: {  	[smem:$0x3F92] =	sst s9;
	s0 =	simm.s32 @!p0 $0x0  }
0x12: {  	s1 =	sld [smem:$0x3F78];
	s0 =	simm.s32 @p0 $0x1  }
0x13: {  	[smem:$0x3F93] =	sst s0;
	s0 =	simm.s32 @!p1 $0x0  }
0x14: {  	s2 =	sld [smem:$0x3F77];
	s0 =	simm.s32 @p1 $0x1  }
0x15: {  	[smem:$0x3F94] =	sst s0;
	s0 =	simm.s32 @!p2 $0x0  }
0x16: {  	s3 =	sld [smem:$0x3FDB];
	s0 =	simm.s32 @p2 $0x1  }
0x17: {  	s4 =	simm.s32 $0x1BF5;
	[smem:$0x3F96] =	sst s0  }
0x18: {  	s0 =	sld [smem:$0x3F79];
	_ =	swait.ge [sflag:s4], $0x0  }
0x19: {  	s7 =	sld [smem:$0x3F7A]  }
0x1a: {  	s8 =	sadd.s32 $0xFFFFE003, lr  }
0x1b: {  	s9 =	sadd.s32 $0xFFFFFEF7, lr;
	s5 =	simm.s32 $0xFFFFFFFF;
	p2 =	slt.u32 s8, $0xFFFFF086  }
0x1c: {  	p1 =	slt.u32 s9, $0xF7A;
	s5 =	simm.s32 @!p2 $0x0  }
0x1d: {  	s5 =	simm.s32 @p1 $0x1;
	p0 =	seq.s32 s7, s2  }
0x1e: {  	s7 =	smul.u32 @!p0 $0xF7A, s2;
	p2 =	seq.s32 @!p0 s5, $0x0  }
0x1f: {  	s9 =	smul.u32 $0xF7A, s1;
	s8 =	simm.s32 @!p0 $0x1BF5;
	p2 =	por !p2, p0  }
0x20: {  	[sflag:s8] =	ssyncset.s32 @!p0 $0xFFFFF086;
	s6 =	sadd.s32 @!p0 s3, s7;
	s7 =	simm.s32 @!p0 $0x108  }
0x21: {  	s3 =	sadd.s32 s3, s9;
	s6 =	sadd.s32 @!p0 $0x88, s6;
	s7 =	simm.s32 @p2 $0x1082  }
0x22: {  	[simem:s7], [sflag:s8] =	dma.local @!p0 [hbm:s6], $0xF7A  }
0x23: {  	s9 =	sor.u32 $0xD0000000, s2;
	s6 =	simm.s32 $0x108;
	_ =	swait.ge @!p0 [sflag:s8], $0x0  }
0x24: {  	s3 =	sadd.s32 $0x88, s3;
	s6 =	simm.s32 @!p1 $0x1082;
	[sflag:s4] =	ssyncset.s32 $0xFFFFF086  }
0x25: {  	[simem:s6], [sflag:s4] =	dma.local [hbm:s3], $0xF7A  }
0x26: {  	[smem:$0x3F7A] =	sst s1;
	(tag) =	ssettag s2;
	_ =	strace s9  }
0x27: {  	s1 =	sld [smem:$0x3F8A]  }
0x28: {  	s2 =	sld [smem:$0x3F8B]  }
0x29: {  	s4 =	sld [smem:$0x3F8D]  }
0x2a: {  	p0 =	seq.s32 s5, $0x0;
	s5 =	sld [smem:$0x3F8E]  }
0x2b: {  	s6 =	sld [smem:$0x3F8F]  }
0x2c: {  	s7 =	sld [smem:$0x3F90]  }
0x2d: {  	s3 =	simm.s32 $0x108;
	s8 =	sld [smem:$0x3F91]  }
0x2e: {  	s3 =	simm.s32 @!p0 $0x1082;
	s9 =	sld [smem:$0x3F92]  }
0x2f: {  	lr =	sadd.s32 s0, s3;
	s0 =	sld [smem:$0x3F89]  }
0x30: {  	s3 =	sld [smem:$0x3F8C]  }
0x31: {  	[smem:$0x3F95] =	sst s10  }
0x32: {  	s10 =	sld [smem:$0x3F93];
	_ =	sdelay $0x3  }
0x33: {  	p0 =	seq.s32 s10, $0x1;
	s10 =	sld [smem:$0x3F95];
	_ =	sdelay $0x3  }
0x34: {  	[smem:$0x3F95] =	sst s10  }
0x35: {  	s10 =	sld [smem:$0x3F94];
	_ =	sdelay $0x3  }
0x36: {  	p1 =	seq.s32 s10, $0x1;
	s10 =	sld [smem:$0x3F95];
	_ =	sdelay $0x3  }
0x37: {  	[smem:$0x3F95] =	sst s10  }
0x38: {  	s10 =	sld [smem:$0x3F96]  }
0x39: {  	_ = 	snop;
	(pc) =	sbr.ind lr, $3  }
0x3a: {  	_ = 	snop  }
0x3b: {  	_ = 	snop  }
0x3c: {  	p2 =	seq.s32 s10, $0x1;
	s10 =	sld [smem:$0x3F95]  }
0x3d: {  	_ =	shalt  }
0x3e: {  	_ =	shalt  }
0x3f: {  	_ =	shalt  }
0x40: {  	_ =	shalt  }
0x41: {  	_ =	shalt  }
0x42: {  	_ =	shalt  }
0x43: {  	_ =	shalt  }
0x44: {  	_ =	shalt  }
0x45: {  	_ =	shalt  }
0x46: {  	_ =	shalt  }
0x47: {  	_ =	shalt  }
0x48: {  	_ =	shalt  }
0x49: {  	_ =	shalt  }
0x4a: {  	_ =	shalt  }
0x4b: {  	_ =	shalt  }
0x4c: {  	_ =	shalt  }
0x4d: {  	_ =	shalt  }
0x4e: {  	_ =	shalt  }
0x4f: {  	_ =	shalt  }
0x50: {  	_ =	shalt  }
0x51: {  	_ =	shalt  }
0x52: {  	_ =	shalt  }
0x53: {  	_ =	shalt  }
0x54: {  	_ =	shalt  }
0x55: {  	_ =	shalt  }
0x56: {  	_ =	shalt  }
0x57: {  	_ =	shalt  }
0x58: {  	_ =	shalt  }
0x59: {  	_ =	shalt  }
0x5a: {  	_ =	shalt  }
0x5b: {  	_ =	shalt  }
0x5c: {  	_ =	shalt  }
0x5d: {  	_ =	shalt  }
0x5e: {  	_ =	shalt  }
0x5f: {  	_ =	shalt  }
0x60: {  	_ =	shalt  }
0x61: {  	_ =	shalt  }
0x62: {  	_ =	shalt  }
0x63: {  	_ =	shalt  }
0x64: {  	_ =	shalt  }
0x65: {  	_ =	shalt  }
0x66: {  	_ =	shalt  }
0x67: {  	_ =	shalt  }
0x68: {  	_ =	shalt  }
0x69: {  	_ =	shalt  }
0x6a: {  	_ =	shalt  }
0x6b: {  	_ =	shalt  }
0x6c: {  	_ =	shalt  }
0x6d: {  	_ =	shalt  }
0x6e: {  	_ =	shalt  }
0x6f: {  	_ =	shalt  }
0x70: {  	_ =	shalt  }
0x71: {  	_ =	shalt  }
0x72: {  	_ =	shalt  }
0x73: {  	_ =	shalt  }
0x74: {  	_ =	shalt  }
0x75: {  	_ =	shalt  }
0x76: {  	_ =	shalt  }
0x77: {  	_ =	shalt  }
0x78: {  	_ =	shalt  }
0x79: {  	_ =	shalt  }
0x7a: {  	_ =	shalt  }
0x7b: {  	_ =	shalt  }
0x7c: {  	_ =	shalt  }
0x7d: {  	_ =	shalt  }
0x7e: {  	_ =	shalt  }
0x7f: {  	_ =	shalt  }
0x80: {  	_ =	shalt  }
0x81: {  	_ =	shalt  }
0x82: {  	_ =	shalt  }
0x83: {  	_ =	shalt  }
0x84: {  	_ =	shalt  }
0x85: {  	_ =	shalt  }
0x86: {  	_ =	shalt  }
0x87: {  	_ =	shalt  }
.Lfunc_end0:
.L_simem_size_0:
called_computation.2_lowered:
.L_overlay_start_0:
0x88: {  	s2 =	sld [smem:$0x3FD9]  }
0x89: {  	s3 =	sld [smem:$0x3FFE];
	_ =	sdelay $0x1  }
0x8a: {  	s1 =	srdreg.scid  }
0x8b: {  	s0 =	sand.u32 $0x1, s1  }
0x8c: {  	s16 =	sshll.u32 s0, $0xA;
	s2 =	sadd.s32 s3, s2  }
0x8d: {  	s2 =	sadd.s32 s2, s16  }
0x8e: {  	[smem:$0x3FA1] =	sst s2  }
0x8f: {  	_ = 	snop  }
0x90: {  	(tm) =	ssettm $0x1  }
0x91: {  	s17 =	sld [smem:$0x3FFB];
	_ =	sdelay $0x3  }
0x92: {  	_ =	strace s17  }
0x93: {  	s2 =	sld [smem:$0x3FFC];
	_ =	sdelay $0x3  }
0x94: {  	_ =	strace s2  }
0x95: {  	s2 =	sld [smem:$0x3FFD];
	_ =	sdelay $0x3  }
0x96: {  	_ =	strace s2  }
0x97: {  	_ =	strace $0x8FFFFFFF  }
0x98: {  	s18 =	sld [smem:$0x3FDB];
	_ =	sdelay $0x1  }
0x99: {  	s19 =	simm.s32 $_scs_section_size  }
0x9a: {  	s4 =	simm.s32 $_size__tile_overlayer_lowered;
	s5 =	simm.s32 $_tile_overlayer_lowered  }
0x9b: {  	s22 =	simm.s32 $0x1BFF;
	s21 =	sshll.u32 s5, $0x1;
	s2 =	sadd.s32 s19, s18  }
0x9c: {  	s6 =	simm.s32 $0x0;
	s20 =	sshll.u32 s4, $0x1;
	s4 =	sadd.s32 s21, s2  }
0x9d: {  	[timem:s6], [sflag:s22] =	dma.local [hbm:s4], s20  }
0x9e: {  	_ =	swait.ge [sflag:s22], s20  }
0x9f: {  	s3 =	ssub.s32 $0x0, s20;
	[sflag:s22] =	ssyncset.done $0x0  }
0xa0: {  	[sflag:s22] =	ssyncadd.s32 s3;
	_ =	sdelay $0x1  }
0xa1: {  	s23 =	simm.s32 $0x1B8B  }
0xa2: {  	_ =	swait.ge [sflag:s23], $0x1  }
0xa3: {  	[sflag:s23] =	ssyncset.done $0x0  }
0xa4: {  	s25 =	simm.s32 $0x1B8E;
	s24 =	sld [smem:$0x3FFE];
	[sflag:s23] =	ssyncadd.s32 $0xFFFFFFFF  }
0xa5: {  	s26 =	simm.s32 $execute0_lowered;
	[smem:$0x3FD2] =	sst s25  }
0xa6: {  	s4 =	sshll.u32 s26, $0x1;
	_ =	strace $0x8000004C;
	[dreg:$0x1] =	wrdreg $0xFFFFFFFF  }
0xa7: {  	s28 =	simm.s32 $_size_execute0_lowered;
	s2 =	sadd.s32 s2, s4;
	[dreg:$0x0] =	wrdreg $0x0  }
0xa8: {  	s4 =	sshll.u32 s28, $0x1;
	[dreg:$0x2] =	wrdreg s2  }
0xa9: {  	[dreg:$0x3] =	wrdreg s4  }
0xaa: {  	[dreg:$0x4] =	wrdreg $0xC0  }
0xab: {  	_ =	task [dreg:s6], $0x5FFFF  }
0xac: {  	[dreg:$0x1] =	wrdreg $0xFFFFFFFF  }
0xad: {  	[dreg:$0x0] =	wrdreg $0x60  }
0xae: {  	[dreg:$0x2] =	wrdreg s24  }
0xaf: {  	[dreg:$0x3] =	wrdreg $0x9  }
0xb0: {  	_ =	task.clear_ibuf [dreg:s6], $0x4FFFF;
	_ =	strace $0x9000004C  }
0xb1: {  	s29 =	simm.s32 $0x9;
	_ =	strace $0x8000004E  }
0xb2: {  	_ =	swait.ge [sflag:s29], $0x1  }
0xb3: {  	[sflag:s29] =	ssyncadd.s32 $0xFFFFFFFF  }
0xb4: {  	_ =	strace $0x9000004E  }
0xb5: {  	_ =	sfence  }
0xb6: {  	s30 =	sld [smem:$0x0];
	_ =	sdelay $0x2  }
0xb7: {  	s31 =	sshll.u32 s1, $0xD;
	s1 =	sshrl.u32 s1, $0x2  }
0xb8: {  	s3 =	sand.u32 $0x4000, s31;
	s1 =	sadd.s32 s1, s30  }
0xb9: {  	s0 =	sor.u32 s3, s0;
	s1 =	sshll.u32 s1, $0x11  }
0xba: {  	s0 =	sor.u32 s1, s0  }
0xbb: {  	s0 =	sadd.s32 $0x8F2B, s0  }
0xbc: {  	[sflag:s0] =	ssyncadd.remote.s32 $0x1  }
0xbd: {  	_ =	sfence.sel $0xFFFF  }
0xbe: {  	[dreg:$0x0] =	wrdreg $0xFFFFFFFF;
	(pc) =	sbr.abs _section_cstart, $3  }
0xbf: {  	[dreg:$0x1] =	wrdreg $0xFFFFFFFF  }
0xc0: {  	_ =	task.clear_ibuf [dreg:s6], $0x2FFFF;
	_ =	strace $0x9FFFFFFF  }
0xc1: {  	(tm) =	ssettm $0x7FFFFFFF  }
tec
execute0_lowered:
.L_overlay_start_1:
0x0: {  	(tag) =	ssettag $0x1  }
0x1: {  	s0 =	rddreg [dreg:$0x0]  }
0x2: {  	s2 =	simm.s32 $0x0;
	s3 =	stileid.u32;
	s1 =	srdreg.scid  }
0x3: {  	s13 =	simm.s32 $0x40;
	s14 =	simm.s32 $0x5000;
	s15 =	simm.s32 $0x7000  }
0x4: {  	s17 =	simm.s32 $0x9000;
	s19 =	simm.s32 $0xB000;
	s20 =	simm.s32 $0x1  }
0x5: {  	s21 =	simm.s32 $0xD000;
	s22 =	simm.s32 $0x2;
	s28 =	simm.s32 $0x13000  }
0x6: {  	s29 =	simm.s32 $0x5;
	s30 =	simm.s32 $0x7;
	s31 =	simm.s32 $0xB  }
0x7: {  	s8 =	simm.s32 $0x0;
	[smem:$0x7FF] =	sst s2;
	s4 =	smul.u32 $0xA00, s3  }
0x8: {  	s1 =	sand.u32 $0x1, s1;
	s6 =	smul.u32 $0x50000, s3;
	s3 =	sadd.s32 $0x8E00, s0  }
0x9: {  	_ =	strace $0x8000004D;
	s5 =	ssub.s32 $0x2, s1;
	p0 =	sne.s32 s1, $0x0  }
0xa: {  	s1 =	simm.s32 $0xC;
	s4 =	sadd.s32 s4, s0;
	s7 =	sshrl.u32 s5, $0x1  }
0xb: {  	s0 =	sadd.s32 s6, s0;
	s5 =	ssub.s32 s5, s7;
	s23 =	sadd.s32 $0x62E00, s4  }
0xc: {  	s4 =	sadd.s32 $0x58E00, s4;
	s6 =	sadd.s32 $0xC6200, s0;
	s24 =	sadd.s32 $0xC6A00, s0  }
.Ltmp0:
0xd: {  	s9 =	sadd.s32 $0x5C6200, s0;
	[dreg:$0x2] =	wrdreg s23;
	(pc) =	sbr.rel .LBB2_1-.Ltmp0, $4  }
0xe: {  	s26 =	sadd.s32 $0x5C6A00, s0;
	s11 =	sadd.s32 $0x76E00, s0;
	[dreg:$0x3] =	wrdreg s4  }
0xf: {  	s0 =	simm.s32 $0x8;
	[dreg:$0x4] =	wrdreg s24;
	s25 =	smax.u32 s5, $0x1  }
0x10: {  	[dreg:$0x6] =	wrdreg s26;
	s23 =	simm.s32 $0xF000;
	s24 =	simm.s32 $0x3  }
0x11: {  	s26 =	simm.s32 $0x4;
	[dreg:$0x5] =	wrdreg s25;
	s25 =	simm.s32 $0x11000  }
.LBB2_8:
0x12: {  	s4 =	rddreg [dreg:$0x6]  }
.LBB2_9:
0x13: {  	_ =	swait.ge [sflag:s0], $0x2000  }
0x14: {  	[sflag:s0] =	ssyncset.done $0x0  }
0x15: {  	s5 =	simm.s32 $0x9;
	[sflag:s0] =	ssyncadd.s32 $0xFFFFE000  }
0x16: {  	[hbm4b:s4+s2] =	stream.linear.scatter [tilespmem:s28], [sflag:$0x10], $0x2000, $0x38;
	[tilespmem:$0x15000] =	vst v63  }
0x17: {  	_ =	swait.ge [sflag:s5], $0x2000  }
0x18: {  	[sflag:s5] =	ssyncset.done $0x0  }
0x19: {  	s7 =	simm.s32 $0xA;
	[sflag:s5] =	ssyncadd.s32 $0xFFFFE000  }
0x1a: {  	_ =	swait.ge [sflag:s7], $0x2000  }
0x1b: {  	[sflag:s7] =	ssyncset.done $0x0  }
0x1c: {  	[sflag:s7] =	ssyncadd.s32 $0xFFFFE000  }
0x1d: {  	_ =	swait.ge [sflag:s31], $0x2000  }
0x1e: {  	[sflag:s31] =	ssyncset.done $0x0  }
0x1f: {  	[sflag:s31] =	ssyncadd.s32 $0xFFFFE000  }
0x20: {  	_ =	swait.ge [sflag:s1], $0x2000  }
0x21: {  	[sflag:s1] =	ssyncset.done $0x0  }
0x22: {  	s10 =	simm.s32 $0xD;
	[sflag:s1] =	ssyncadd.s32 $0xFFFFE000  }
0x23: {  	_ =	swait.ge [sflag:s10], $0x2000  }
0x24: {  	[sflag:s10] =	ssyncset.done $0x0  }
0x25: {  	s12 =	simm.s32 $0xE;
	[sflag:s10] =	ssyncadd.s32 $0xFFFFE000  }
0x26: {  	_ =	swait.ge [sflag:s12], $0x2000  }
0x27: {  	[sflag:s12] =	ssyncset.done $0x0  }
0x28: {  	s16 =	simm.s32 $0xF;
	[sflag:s12] =	ssyncadd.s32 $0xFFFFE000  }
0x29: {  	_ =	swait.ge [sflag:s16], $0x2000  }
0x2a: {  	[sflag:s16] =	ssyncset.done $0x0  }
0x2b: {  	s5 =	simm.s32 $0x10;
	[sflag:s16] =	ssyncadd.s32 $0xFFFFE000  }
0x2c: {  	_ =	swait.ge [sflag:s5], $0x2000  }
0x2d: {  	s8 =	sadd.s32 $0x1, s8;
	s18 =	rddreg [dreg:$0x5]  }
0x2e: {  	p1 =	sne.s32 s8, s18  }
.Ltmp1:
0x2f: {  	_ = 	snop;
	(pc) =	sbr.rel @!p1 .LBB2_10-.Ltmp1, $3  }
0x30: {  	_ =	sdelay $0x1  }
0x31: {  	[sflag:s5] =	ssyncset.done $0x0  }
0x32: {  	[sflag:s5] =	ssyncadd.s32 $0xFFFFE000  }
.LBB2_1:
.Ltmp2:
0x33: {  	(pc) =	sbr.rel @p0 .LBB2_6-.Ltmp2, $2  }
0x34: {  	_ =	sdelay $0x2  }
0x35: {  	s12 =	simm.s32 $0x0  }
0x36: {  	s4 =	rddreg [dreg:$0x3];
	s10 =	simm.s32 $0x11  }
0x37: {  	[tilespmem:s12], [sflag:$0x11] =	stream.linear.gather [hbm4b:s4+s12], $0x5000, $0x38;
	[tilespmem:$0x15000] =	vst v63  }
0x38: {  	_ =	swait.ge [sflag:s10], $0x5000  }
0x39: {  	[sflag:s10] =	ssyncset.done $0x0  }
0x3a: {  	[sflag:s10] =	ssyncadd.s32 $0xFFFFB000  }
0x3b: {  	[tilespmem:s14], [sflag:$0x1] =	stream.indirect.gather [hbm4b:s3+s13], $0x80, s12, s13, $0xb8;
	[tilespmem:$0x15000] =	vst v63  }
0x3c: {  	_ = 	snop  }
0x3d: {  	[tilespmem:s15], [sflag:$0x2] =	stream.indirect.gather [hbm4b:s3+s13], $0x80, s13, s13, $0xb8;
	[tilespmem:$0x15000] =	vst v63  }
0x3e: {  	s16 =	simm.s32 $0x80  }
0x3f: {  	[tilespmem:s17], [sflag:$0x3] =	stream.indirect.gather [hbm4b:s3+s13], $0x80, s16, s13, $0xb8;
	[tilespmem:$0x15000] =	vst v63  }
0x40: {  	s18 =	simm.s32 $0xC0;
	s4 =	simm.s32 $0x180  }
0x41: {  	[tilespmem:s19], [sflag:$0x4] =	stream.indirect.gather [hbm4b:s3+s13], $0x80, s18, s13, $0xb8;
	[tilespmem:$0x15000] =	vst v63  }
.LBB2_3:
0x42: {  	_ =	swait.ge [sflag:s20], $0x2000  }
0x43: {  	p1 =	seq.s32 s12, $0x0;
	[sflag:s20] =	ssyncset.done $0x0  }
0x44: {  	s5 =	sadd.s32 s12, s11;
	s16 =	simm.s32 @!p1 $0xD;
	[sflag:s20] =	ssyncadd.s32 $0xFFFFE000  }
0x45: {  	[hbm4b:s5+s2] =	stream.linear.scatter [tilespmem:s14], [sflag:$0x9], $0x2000, $0x38;
	[tilespmem:$0x15000] =	vst v63  }
0x46: {  	_ =	swait.ge @!p1 [sflag:s16], $0x2000  }
0x47: {  	[sflag:s16] =	ssyncset.done @!p1 $0x0  }
0x48: {  	s10 =	sadd.s32 $0xFFFFFF80, s4;
	[sflag:s16] =	ssyncadd.s32 @!p1 $0xFFFFE000  }
0x49: {  	[tilespmem:s21], [sflag:$0x5] =	stream.indirect.gather [hbm4b:s3+s13], $0x80, s10, s13, $0xb8;
	[tilespmem:$0x15000] =	vst v63  }
0x4a: {  	_ =	swait.ge [sflag:s22], $0x2000  }
0x4b: {  	[sflag:s22] =	ssyncset.done $0x0  }
0x4c: {  	s18 =	sadd.s32 $0x400, s5;
	s16 =	simm.s32 @!p1 $0xE;
	[sflag:s22] =	ssyncadd.s32 $0xFFFFE000  }
0x4d: {  	[hbm4b:s18+s2] =	stream.linear.scatter [tilespmem:s15], [sflag:$0xA], $0x2000, $0x38;
	[tilespmem:$0x15000] =	vst v63  }
0x4e: {  	_ =	swait.ge @!p1 [sflag:s16], $0x2000  }
0x4f: {  	[sflag:s16] =	ssyncset.done @!p1 $0x0  }
0x50: {  	s7 =	sadd.s32 $0xFFFFFFC0, s4;
	[sflag:s16] =	ssyncadd.s32 @!p1 $0xFFFFE000  }
0x51: {  	[tilespmem:s23], [sflag:$0x6] =	stream.indirect.gather [hbm4b:s3+s13], $0x80, s7, s13, $0xb8;
	[tilespmem:$0x15000] =	vst v63  }
0x52: {  	_ =	swait.ge [sflag:s24], $0x2000  }
0x53: {  	[sflag:s24] =	ssyncset.done $0x0  }
0x54: {  	s10 =	sadd.s32 $0x800, s5;
	s16 =	simm.s32 @!p1 $0xF;
	[sflag:s24] =	ssyncadd.s32 $0xFFFFE000  }
0x55: {  	[hbm4b:s10+s2] =	stream.linear.scatter [tilespmem:s17], [sflag:$0xB], $0x2000, $0x38;
	[tilespmem:$0x15000] =	vst v63  }
0x56: {  	_ =	swait.ge @!p1 [sflag:s16], $0x2000  }
0x57: {  	[sflag:s16] =	ssyncset.done @!p1 $0x0  }
0x58: {  	[sflag:s16] =	ssyncadd.s32 @!p1 $0xFFFFE000  }
0x59: {  	[tilespmem:s25], [sflag:$0x7] =	stream.indirect.gather [hbm4b:s3+s13], $0x80, s4, s13, $0xb8;
	[tilespmem:$0x15000] =	vst v63  }
0x5a: {  	_ =	swait.ge [sflag:s26], $0x2000  }
0x5b: {  	[sflag:s26] =	ssyncset.done $0x0  }
0x5c: {  	s18 =	sadd.s32 $0xC00, s5;
	s16 =	simm.s32 @!p1 $0x10;
	[sflag:s26] =	ssyncadd.s32 $0xFFFFE000  }
0x5d: {  	[hbm4b:s18+s2] =	stream.linear.scatter [tilespmem:s19], [sflag:$0xC], $0x2000, $0x38;
	[tilespmem:$0x15000] =	vst v63  }
0x5e: {  	_ =	swait.ge @!p1 [sflag:s16], $0x2000  }
0x5f: {  	[sflag:s16] =	ssyncset.done @!p1 $0x0  }
0x60: {  	s7 =	sadd.s32 $0x40, s4;
	[sflag:s16] =	ssyncadd.s32 @!p1 $0xFFFFE000  }
0x61: {  	[tilespmem:s28], [sflag:$0x8] =	stream.indirect.gather [hbm4b:s3+s13], $0x80, s7, s13, $0xb8;
	[tilespmem:$0x15000] =	vst v63  }
0x62: {  	_ =	swait.ge [sflag:s29], $0x2000  }
0x63: {  	p1 =	seq.s32 s12, $0x4E000;
	[sflag:s29] =	ssyncset.done $0x0  }
0x64: {  	s10 =	sadd.s32 $0x1000, s5;
	s16 =	simm.s32 @p1 $0x6;
	[sflag:s29] =	ssyncadd.s32 $0xFFFFE000  }
0x65: {  	[hbm4b:s10+s2] =	stream.linear.scatter [tilespmem:s21], [sflag:$0xD], $0x2000, $0x38;
	[tilespmem:$0x15000] =	vst v63  }
0x66: {  	_ =	swait.ge @p1 [sflag:s16], $0x2000  }
0x67: {  	[sflag:s16] =	ssyncset.done @p1 $0x0  }
0x68: {  	s18 =	simm.s32 @p1 $0xF000;
	[sflag:s16] =	ssyncadd.s32 @p1 $0xFFFFE000;
	s16 =	simm.s32 @p1 $0x0  }
0x69: {  	[hbm4b:s6+s16] =	stream.linear.scatter @p1 [tilespmem:s18], [sflag:$0xE], $0x2000, $0x38;
	[tilespmem:$0x15000] =	vst v63  }
0x6a: {  	s16 =	simm.s32 @!p1 $0x9  }
0x6b: {  	_ =	swait.ge @!p1 [sflag:s16], $0x2000  }
0x6c: {  	s7 =	simm.s32 @!p1 $0x5000;
	[sflag:s16] =	ssyncset.done @!p1 $0x0  }
0x6d: {  	s18 =	simm.s32 @!p1 $0x40;
	[sflag:s16] =	ssyncadd.s32 @!p1 $0xFFFFE000;
	s16 =	sadd.s32 @!p1 $0x80, s4  }
0x6e: {  	[tilespmem:s7], [sflag:$0x1] =	stream.indirect.gather @!p1 [hbm4b:s3+s18], $0x80, s16, s18, $0xb8;
	[tilespmem:$0x15000] =	vst v63  }
0x6f: {  	s7 =	simm.s32 @!p1 $0x6  }
0x70: {  	_ =	swait.ge @!p1 [sflag:s7], $0x2000  }
0x71: {  	[sflag:s7] =	ssyncset.done @!p1 $0x0  }
0x72: {  	[sflag:s7] =	ssyncadd.s32 @!p1 $0xFFFFE000;
	s7 =	sadd.s32 @!p1 s12, s11  }
0x73: {  	s10 =	simm.s32 @!p1 $0xF000;
	s16 =	simm.s32 @!p1 $0x0;
	s7 =	sadd.s32 @!p1 $0x1400, s7  }
0x74: {  	[hbm4b:s7+s16] =	stream.linear.scatter @!p1 [tilespmem:s10], [sflag:$0xE], $0x2000, $0x38;
	[tilespmem:$0x15000] =	vst v63  }
0x75: {  	s7 =	simm.s32 @!p1 $0xA  }
0x76: {  	_ =	swait.ge @!p1 [sflag:s7], $0x2000  }
0x77: {  	[sflag:s7] =	ssyncset.done @!p1 $0x0  }
0x78: {  	s10 =	simm.s32 @!p1 $0x7000;
	[sflag:s7] =	ssyncadd.s32 @!p1 $0xFFFFE000;
	s7 =	sadd.s32 @!p1 $0xC0, s4  }
0x79: {  	[tilespmem:s10], [sflag:$0x2] =	stream.indirect.gather @!p1 [hbm4b:s3+s18], $0x80, s7, s18, $0xb8;
	[tilespmem:$0x15000] =	vst v63  }
.Ltmp3:
0x7a: {  	_ = 	snop;
	(pc) =	sbr.rel @p1 .LBB2_4-.Ltmp3, $4  }
0x7b: {  	_ =	swait.ge [sflag:s30], $0x2000  }
0x7c: {  	[sflag:s30] =	ssyncset.done $0x0  }
0x7d: {  	s18 =	sadd.s32 $0x1800, s5;
	[sflag:s30] =	ssyncadd.s32 $0xFFFFE000  }
0x7e: {  	[hbm4b:s18+s2] =	stream.linear.scatter [tilespmem:s25], [sflag:$0xF], $0x2000, $0x38;
	[tilespmem:$0x15000] =	vst v63  }
0x7f: {  	_ =	swait.ge [sflag:s31], $0x2000  }
0x80: {  	[sflag:s31] =	ssyncset.done $0x0  }
0x81: {  	s7 =	sadd.s32 $0x100, s4;
	[sflag:s31] =	ssyncadd.s32 $0xFFFFE000  }
0x82: {  	[tilespmem:s17], [sflag:$0x3] =	stream.indirect.gather [hbm4b:s3+s13], $0x80, s7, s13, $0xb8;
	[tilespmem:$0x15000] =	vst v63  }
0x83: {  	_ =	swait.ge [sflag:s0], $0x2000  }
0x84: {  	[sflag:s0] =	ssyncset.done $0x0  }
0x85: {  	s5 =	sadd.s32 $0x1C00, s5;
	[sflag:s0] =	ssyncadd.s32 $0xFFFFE000  }
0x86: {  	[hbm4b:s5+s2] =	stream.linear.scatter [tilespmem:s28], [sflag:$0x10], $0x2000, $0x38;
	[tilespmem:$0x15000] =	vst v63  }
.Ltmp4:
0x87: {  	_ = 	snop;
	(pc) =	sbr.rel .LBB2_3-.Ltmp4, $4  }
0x88: {  	_ =	swait.ge [sflag:s1], $0x2000  }
0x89: {  	s18 =	sadd.s32 $0x140, s4;
	[sflag:s1] =	ssyncset.done $0x0  }
0x8a: {  	s12 =	sadd.s32 $0x2000, s12;
	s4 =	sadd.s32 $0x200, s4;
	[sflag:s1] =	ssyncadd.s32 $0xFFFFE000  }
0x8b: {  	[tilespmem:s19], [sflag:$0x4] =	stream.indirect.gather [hbm4b:s3+s13], $0x80, s18, s13, $0xb8;
	[tilespmem:$0x15000] =	vst v63  }
.LBB2_6:
0x8c: {  	s4 =	rddreg [dreg:$0x2];
	s10 =	simm.s32 $0x11  }
0x8d: {  	[tilespmem:s12], [sflag:$0x11] =	stream.linear.gather [hbm4b:s4+s12], $0x5000, $0x38;
	[tilespmem:$0x15000] =	vst v63  }
0x8e: {  	_ =	swait.ge [sflag:s10], $0x5000  }
0x8f: {  	[sflag:s10] =	ssyncset.done $0x0  }
0x90: {  	[sflag:s10] =	ssyncadd.s32 $0xFFFFB000  }
0x91: {  	[tilespmem:s14], [sflag:$0x1] =	stream.indirect.gather [hbm4b:s3+s13], $0x80, s12, s13, $0xb8;
	[tilespmem:$0x15000] =	vst v63  }
0x92: {  	_ = 	snop  }
0x93: {  	[tilespmem:s15], [sflag:$0x2] =	stream.indirect.gather [hbm4b:s3+s13], $0x80, s13, s13, $0xb8;
	[tilespmem:$0x15000] =	vst v63  }
0x94: {  	s16 =	simm.s32 $0x80  }
0x95: {  	[tilespmem:s17], [sflag:$0x3] =	stream.indirect.gather [hbm4b:s3+s13], $0x80, s16, s13, $0xb8;
	[tilespmem:$0x15000] =	vst v63  }
0x96: {  	s18 =	simm.s32 $0xC0;
	s4 =	simm.s32 $0x180  }
0x97: {  	[tilespmem:s19], [sflag:$0x4] =	stream.indirect.gather [hbm4b:s3+s13], $0x80, s18, s13, $0xb8;
	[tilespmem:$0x15000] =	vst v63  }
.LBB2_7:
0x98: {  	_ =	swait.ge [sflag:s20], $0x2000  }
0x99: {  	s5 =	sadd.s32 s12, s11;
	[sflag:s20] =	ssyncset.done $0x0  }
0x9a: {  	p1 =	seq.s32 s12, $0x0;
	s7 =	sadd.s32 $0x500000, s5;
	[sflag:s20] =	ssyncadd.s32 $0xFFFFE000  }
0x9b: {  	[hbm4b:s7+s2] =	stream.linear.scatter [tilespmem:s14], [sflag:$0x9], $0x2000, $0x38;
	[tilespmem:$0x15000] =	vst v63  }
0x9c: {  	s7 =	simm.s32 @!p1 $0xD  }
0x9d: {  	_ =	swait.ge @!p1 [sflag:s7], $0x2000  }
0x9e: {  	[sflag:s7] =	ssyncset.done @!p1 $0x0  }
0x9f: {  	s16 =	sadd.s32 $0xFFFFFF80, s4;
	[sflag:s7] =	ssyncadd.s32 @!p1 $0xFFFFE000  }
0xa0: {  	[tilespmem:s21], [sflag:$0x5] =	stream.indirect.gather [hbm4b:s3+s13], $0x80, s16, s13, $0xb8;
	[tilespmem:$0x15000] =	vst v63  }
0xa1: {  	_ =	swait.ge [sflag:s22], $0x2000  }
0xa2: {  	[sflag:s22] =	ssyncset.done $0x0  }
0xa3: {  	s18 =	sadd.s32 $0x500400, s5;
	s7 =	simm.s32 @!p1 $0xE;
	[sflag:s22] =	ssyncadd.s32 $0xFFFFE000  }
0xa4: {  	[hbm4b:s18+s2] =	stream.linear.scatter [tilespmem:s15], [sflag:$0xA], $0x2000, $0x38;
	[tilespmem:$0x15000] =	vst v63  }
0xa5: {  	_ =	swait.ge @!p1 [sflag:s7], $0x2000  }
0xa6: {  	[sflag:s7] =	ssyncset.done @!p1 $0x0  }
0xa7: {  	s10 =	sadd.s32 $0xFFFFFFC0, s4;
	[sflag:s7] =	ssyncadd.s32 @!p1 $0xFFFFE000  }
0xa8: {  	[tilespmem:s23], [sflag:$0x6] =	stream.indirect.gather [hbm4b:s3+s13], $0x80, s10, s13, $0xb8;
	[tilespmem:$0x15000] =	vst v63  }
0xa9: {  	_ =	swait.ge [sflag:s24], $0x2000  }
0xaa: {  	[sflag:s24] =	ssyncset.done $0x0  }
0xab: {  	s16 =	sadd.s32 $0x500800, s5;
	s7 =	simm.s32 @!p1 $0xF;
	[sflag:s24] =	ssyncadd.s32 $0xFFFFE000  }
0xac: {  	[hbm4b:s16+s2] =	stream.linear.scatter [tilespmem:s17], [sflag:$0xB], $0x2000, $0x38;
	[tilespmem:$0x15000] =	vst v63  }
0xad: {  	_ =	swait.ge @!p1 [sflag:s7], $0x2000  }
0xae: {  	[sflag:s7] =	ssyncset.done @!p1 $0x0  }
0xaf: {  	[sflag:s7] =	ssyncadd.s32 @!p1 $0xFFFFE000  }
0xb0: {  	[tilespmem:s25], [sflag:$0x7] =	stream.indirect.gather [hbm4b:s3+s13], $0x80, s4, s13, $0xb8;
	[tilespmem:$0x15000] =	vst v63  }
0xb1: {  	_ =	swait.ge [sflag:s26], $0x2000  }
0xb2: {  	[sflag:s26] =	ssyncset.done $0x0  }
0xb3: {  	s18 =	sadd.s32 $0x500C00, s5;
	s7 =	simm.s32 @!p1 $0x10;
	[sflag:s26] =	ssyncadd.s32 $0xFFFFE000  }
0xb4: {  	[hbm4b:s18+s2] =	stream.linear.scatter [tilespmem:s19], [sflag:$0xC], $0x2000, $0x38;
	[tilespmem:$0x15000] =	vst v63  }
0xb5: {  	_ =	swait.ge @!p1 [sflag:s7], $0x2000  }
0xb6: {  	[sflag:s7] =	ssyncset.done @!p1 $0x0  }
0xb7: {  	s10 =	sadd.s32 $0x40, s4;
	[sflag:s7] =	ssyncadd.s32 @!p1 $0xFFFFE000  }
0xb8: {  	[tilespmem:s28], [sflag:$0x8] =	stream.indirect.gather [hbm4b:s3+s13], $0x80, s10, s13, $0xb8;
	[tilespmem:$0x15000] =	vst v63  }
0xb9: {  	_ =	swait.ge [sflag:s29], $0x2000  }
0xba: {  	p1 =	seq.s32 s12, $0x4E000;
	[sflag:s29] =	ssyncset.done $0x0  }
0xbb: {  	s16 =	sadd.s32 $0x501000, s5;
	s7 =	simm.s32 @p1 $0x6;
	[sflag:s29] =	ssyncadd.s32 $0xFFFFE000  }
0xbc: {  	[hbm4b:s16+s2] =	stream.linear.scatter [tilespmem:s21], [sflag:$0xD], $0x2000, $0x38;
	[tilespmem:$0x15000] =	vst v63  }
0xbd: {  	_ =	swait.ge @p1 [sflag:s7], $0x2000  }
0xbe: {  	[sflag:s7] =	ssyncset.done @p1 $0x0  }
0xbf: {  	s10 =	simm.s32 @p1 $0xF000;
	[sflag:s7] =	ssyncadd.s32 @p1 $0xFFFFE000;
	s7 =	simm.s32 @p1 $0x0  }
0xc0: {  	[hbm4b:s9+s7] =	stream.linear.scatter @p1 [tilespmem:s10], [sflag:$0xE], $0x2000, $0x38;
	[tilespmem:$0x15000] =	vst v63  }
0xc1: {  	s7 =	simm.s32 @!p1 $0x9  }
0xc2: {  	_ =	swait.ge @!p1 [sflag:s7], $0x2000  }
0xc3: {  	s16 =	simm.s32 @!p1 $0x5000;
	[sflag:s7] =	ssyncset.done @!p1 $0x0  }
0xc4: {  	s10 =	simm.s32 @!p1 $0x40;
	[sflag:s7] =	ssyncadd.s32 @!p1 $0xFFFFE000;
	s7 =	sadd.s32 @!p1 $0x80, s4  }
0xc5: {  	[tilespmem:s16], [sflag:$0x1] =	stream.indirect.gather @!p1 [hbm4b:s3+s10], $0x80, s7, s10, $0xb8;
	[tilespmem:$0x15000] =	vst v63  }
0xc6: {  	s7 =	simm.s32 @!p1 $0x6  }
0xc7: {  	_ =	swait.ge @!p1 [sflag:s7], $0x2000  }
0xc8: {  	[sflag:s7] =	ssyncset.done @!p1 $0x0  }
0xc9: {  	[sflag:s7] =	ssyncadd.s32 @!p1 $0xFFFFE000;
	s7 =	sadd.s32 @!p1 s12, s11  }
0xca: {  	s18 =	simm.s32 @!p1 $0xF000;
	s16 =	simm.s32 @!p1 $0x0;
	s7 =	sadd.s32 @!p1 $0x501400, s7  }
0xcb: {  	[hbm4b:s7+s16] =	stream.linear.scatter @!p1 [tilespmem:s18], [sflag:$0xE], $0x2000, $0x38;
	[tilespmem:$0x15000] =	vst v63  }
0xcc: {  	s7 =	simm.s32 @!p1 $0xA  }
0xcd: {  	_ =	swait.ge @!p1 [sflag:s7], $0x2000  }
0xce: {  	[sflag:s7] =	ssyncset.done @!p1 $0x0  }
0xcf: {  	s16 =	simm.s32 @!p1 $0x7000;
	[sflag:s7] =	ssyncadd.s32 @!p1 $0xFFFFE000;
	s7 =	sadd.s32 @!p1 $0xC0, s4  }
0xd0: {  	[tilespmem:s16], [sflag:$0x2] =	stream.indirect.gather @!p1 [hbm4b:s3+s10], $0x80, s7, s10, $0xb8;
	[tilespmem:$0x15000] =	vst v63  }
.Ltmp5:
0xd1: {  	_ = 	snop;
	(pc) =	sbr.rel @p1 .LBB2_8-.Ltmp5, $4  }
0xd2: {  	_ =	swait.ge [sflag:s30], $0x2000  }
0xd3: {  	[sflag:s30] =	ssyncset.done $0x0  }
0xd4: {  	s18 =	sadd.s32 $0x501800, s5;
	[sflag:s30] =	ssyncadd.s32 $0xFFFFE000  }
0xd5: {  	[hbm4b:s18+s2] =	stream.linear.scatter [tilespmem:s25], [sflag:$0xF], $0x2000, $0x38;
	[tilespmem:$0x15000] =	vst v63  }
0xd6: {  	_ =	swait.ge [sflag:s31], $0x2000  }
0xd7: {  	[sflag:s31] =	ssyncset.done $0x0  }
0xd8: {  	s7 =	sadd.s32 $0x100, s4;
	[sflag:s31] =	ssyncadd.s32 $0xFFFFE000  }
0xd9: {  	[tilespmem:s17], [sflag:$0x3] =	stream.indirect.gather [hbm4b:s3+s13], $0x80, s7, s13, $0xb8;
	[tilespmem:$0x15000] =	vst v63  }
0xda: {  	_ =	swait.ge [sflag:s0], $0x2000  }
0xdb: {  	[sflag:s0] =	ssyncset.done $0x0  }
0xdc: {  	s5 =	sadd.s32 $0x501C00, s5;
	[sflag:s0] =	ssyncadd.s32 $0xFFFFE000  }
0xdd: {  	[hbm4b:s5+s2] =	stream.linear.scatter [tilespmem:s28], [sflag:$0x10], $0x2000, $0x38;
	[tilespmem:$0x15000] =	vst v63  }
.Ltmp6:
0xde: {  	_ = 	snop;
	(pc) =	sbr.rel .LBB2_7-.Ltmp6, $4  }
0xdf: {  	_ =	swait.ge [sflag:s1], $0x2000  }
0xe0: {  	s18 =	sadd.s32 $0x140, s4;
	[sflag:s1] =	ssyncset.done $0x0  }
0xe1: {  	s12 =	sadd.s32 $0x2000, s12;
	s4 =	sadd.s32 $0x200, s4;
	[sflag:s1] =	ssyncadd.s32 $0xFFFFE000  }
0xe2: {  	[tilespmem:s19], [sflag:$0x4] =	stream.indirect.gather [hbm4b:s3+s13], $0x80, s18, s13, $0xb8;
	[tilespmem:$0x15000] =	vst v63  }
.LBB2_4:
.Ltmp7:
0xe3: {  	(pc) =	sbr.rel .LBB2_9-.Ltmp7, $2  }
0xe4: {  	_ =	sdelay $0x2  }
0xe5: {  	s4 =	rddreg [dreg:$0x4]  }
.LBB2_10:
0xe6: {  	_ =	sfence.sel $0x180000  }
0xe7: {  	[bflag:$0x0] =	sbarrier.arrive $0xFFFF  }
0xe8: {  	_ =	strace $0x9000004D  }
0xe9: {  	s0 =	stileid.u32;
	[bflag:$0x2] =	sbarrier.arrive $0xFFFF  }
0xea: {  	p0 =	sne.s32 s0, $0x0;
	s0 =	rddreg [dreg:$0x1]  }
0xeb: {  	s0 =	sadd.s32 @!p0 $0x100000, s0  }
0xec: {  	[sflag:s0] =	ssyncadd.tile.s32 @!p0 $0x1;
	_ =	shalt  }
.Lfunc_end2:
_tile_overlayer_lowered:
.L_overlay_start_2:
0xed: {  	(tag) =	ssettag $0x2  }
0xee: {  	s0 =	rddreg [dreg:$0x0];
	s2 =	stileid.u32  }
0xef: {  	s1 =	rddreg [dreg:$0x1];
	p0 =	sne.s32 s2, $0x0  }
0xf0: {  	s3 =	rddreg [dreg:$0x2];
	[bflag:$0x3] =	sbarrier.arrive $0xFFFF;
	s2 =	simm.s32 @!p0 $0x1C11  }
0xf1: {  	[timem:s3], [sflag:s2] =	dma.local @!p0 [hbm:s0], s1  }
0xf2: {  	s0 =	simm.s32 @!p0 $0x11  }
0xf3: {  	_ =	swait.ge @!p0 [sflag:s0], s1  }
0xf4: {  	s1 =	ssub.s32 @!p0 $0x0, s1;
	[sflag:s0] =	ssyncset.done @!p0 $0x0  }
0xf5: {  	[sflag:s0] =	ssyncadd.s32 @!p0 s1  }
0xf6: {  	[bflag:$0x3] =	sbarrier.arrive $0xFFFF  }
0xf7: {  	_ =	shalt  }

// kernel: kernel.20.cloned.1.call-start
scs
__scs_entry_jumppad:
0x0: {  	(pc) =	sbr.rel $0x88, $3  }
0x1: {  	(tag) =	ssettag $0x0;
	lr =	simm.s32 $0x1  }
0x2: {  	[smem:$0x3F7A] =	sst lr;
	_ =	strace $0xD0000000  }
0x3: {  	_ = 	snop  }
0x4: {  	_ = 	snop  }
0x5: {  	_ = 	snop  }
0x6: {  	_ = 	snop  }
0x7: {  	_ = 	snop  }
__scs_overlays_trampoline_lowered:
0x8: {  	[smem:$0x3F89] =	sst s0  }
0x9: {  	[smem:$0x3F8A] =	sst s1  }
0xa: {  	[smem:$0x3F8B] =	sst s2  }
0xb: {  	[smem:$0x3F8C] =	sst s3  }
0xc: {  	[smem:$0x3F8D] =	sst s4  }
0xd: {  	[smem:$0x3F8E] =	sst s5  }
0xe: {  	[smem:$0x3F8F] =	sst s6  }
0xf: {  	[smem:$0x3F90] =	sst s7  }
0x10: {  	[smem:$0x3F91] =	sst s8  }
0x11: {  	[smem:$0x3F92] =	sst s9;
	s0 =	simm.s32 @!p0 $0x0  }
0x12: {  	s1 =	sld [smem:$0x3F78];
	s0 =	simm.s32 @p0 $0x1  }
0x13: {  	[smem:$0x3F93] =	sst s0;
	s0 =	simm.s32 @!p1 $0x0  }
0x14: {  	s2 =	sld [smem:$0x3F77];
	s0 =	simm.s32 @p1 $0x1  }
0x15: {  	[smem:$0x3F94] =	sst s0;
	s0 =	simm.s32 @!p2 $0x0  }
0x16: {  	s3 =	sld [smem:$0x3FDB];
	s0 =	simm.s32 @p2 $0x1  }
0x17: {  	s4 =	simm.s32 $0x1BF5;
	[smem:$0x3F96] =	sst s0  }
0x18: {  	s0 =	sld [smem:$0x3F79];
	_ =	swait.ge [sflag:s4], $0x0  }
0x19: {  	s7 =	sld [smem:$0x3F7A]  }
0x1a: {  	s8 =	sadd.s32 $0xFFFFE003, lr  }
0x1b: {  	s9 =	sadd.s32 $0xFFFFFEF7, lr;
	s5 =	simm.s32 $0xFFFFFFFF;
	p2 =	slt.u32 s8, $0xFFFFF086  }
0x1c: {  	p1 =	slt.u32 s9, $0xF7A;
	s5 =	simm.s32 @!p2 $0x0  }
0x1d: {  	s5 =	simm.s32 @p1 $0x1;
	p0 =	seq.s32 s7, s2  }
0x1e: {  	s7 =	smul.u32 @!p0 $0xF7A, s2;
	p2 =	seq.s32 @!p0 s5, $0x0  }
0x1f: {  	s9 =	smul.u32 $0xF7A, s1;
	s8 =	simm.s32 @!p0 $0x1BF5;
	p2 =	por !p2, p0  }
0x20: {  	[sflag:s8] =	ssyncset.s32 @!p0 $0xFFFFF086;
	s6 =	sadd.s32 @!p0 s3, s7;
	s7 =	simm.s32 @!p0 $0x108  }
0x21: {  	s3 =	sadd.s32 s3, s9;
	s6 =	sadd.s32 @!p0 $0x88, s6;
	s7 =	simm.s32 @p2 $0x1082  }
0x22: {  	[simem:s7], [sflag:s8] =	dma.local @!p0 [hbm:s6], $0xF7A  }
0x23: {  	s9 =	sor.u32 $0xD0000000, s2;
	s6 =	simm.s32 $0x108;
	_ =	swait.ge @!p0 [sflag:s8], $0x0  }
0x24: {  	s3 =	sadd.s32 $0x88, s3;
	s6 =	simm.s32 @!p1 $0x1082;
	[sflag:s4] =	ssyncset.s32 $0xFFFFF086  }
0x25: {  	[simem:s6], [sflag:s4] =	dma.local [hbm:s3], $0xF7A  }
0x26: {  	[smem:$0x3F7A] =	sst s1;
	(tag) =	ssettag s2;
	_ =	strace s9  }
0x27: {  	s1 =	sld [smem:$0x3F8A]  }
0x28: {  	s2 =	sld [smem:$0x3F8B]  }
0x29: {  	s4 =	sld [smem:$0x3F8D]  }
0x2a: {  	p0 =	seq.s32 s5, $0x0;
	s5 =	sld [smem:$0x3F8E]  }
0x2b: {  	s6 =	sld [smem:$0x3F8F]  }
0x2c: {  	s7 =	sld [smem:$0x3F90]  }
0x2d: {  	s3 =	simm.s32 $0x108;
	s8 =	sld [smem:$0x3F91]  }
0x2e: {  	s3 =	simm.s32 @!p0 $0x1082;
	s9 =	sld [smem:$0x3F92]  }
0x2f: {  	lr =	sadd.s32 s0, s3;
	s0 =	sld [smem:$0x3F89]  }
0x30: {  	s3 =	sld [smem:$0x3F8C]  }
0x31: {  	[smem:$0x3F95] =	sst s10  }
0x32: {  	s10 =	sld [smem:$0x3F93];
	_ =	sdelay $0x3  }
0x33: {  	p0 =	seq.s32 s10, $0x1;
	s10 =	sld [smem:$0x3F95];
	_ =	sdelay $0x3  }
0x34: {  	[smem:$0x3F95] =	sst s10  }
0x35: {  	s10 =	sld [smem:$0x3F94];
	_ =	sdelay $0x3  }
0x36: {  	p1 =	seq.s32 s10, $0x1;
	s10 =	sld [smem:$0x3F95];
	_ =	sdelay $0x3  }
0x37: {  	[smem:$0x3F95] =	sst s10  }
0x38: {  	s10 =	sld [smem:$0x3F96]  }
0x39: {  	_ = 	snop;
	(pc) =	sbr.ind lr, $3  }
0x3a: {  	_ = 	snop  }
0x3b: {  	_ = 	snop  }
0x3c: {  	p2 =	seq.s32 s10, $0x1;
	s10 =	sld [smem:$0x3F95]  }
0x3d: {  	_ =	shalt  }
0x3e: {  	_ =	shalt  }
0x3f: {  	_ =	shalt  }
0x40: {  	_ =	shalt  }
0x41: {  	_ =	shalt  }
0x42: {  	_ =	shalt  }
0x43: {  	_ =	shalt  }
0x44: {  	_ =	shalt  }
0x45: {  	_ =	shalt  }
0x46: {  	_ =	shalt  }
0x47: {  	_ =	shalt  }
0x48: {  	_ =	shalt  }
0x49: {  	_ =	shalt  }
0x4a: {  	_ =	shalt  }
0x4b: {  	_ =	shalt  }
0x4c: {  	_ =	shalt  }
0x4d: {  	_ =	shalt  }
0x4e: {  	_ =	shalt  }
0x4f: {  	_ =	shalt  }
0x50: {  	_ =	shalt  }
0x51: {  	_ =	shalt  }
0x52: {  	_ =	shalt  }
0x53: {  	_ =	shalt  }
0x54: {  	_ =	shalt  }
0x55: {  	_ =	shalt  }
0x56: {  	_ =	shalt  }
0x57: {  	_ =	shalt  }
0x58: {  	_ =	shalt  }
0x59: {  	_ =	shalt  }
0x5a: {  	_ =	shalt  }
0x5b: {  	_ =	shalt  }
0x5c: {  	_ =	shalt  }
0x5d: {  	_ =	shalt  }
0x5e: {  	_ =	shalt  }
0x5f: {  	_ =	shalt  }
0x60: {  	_ =	shalt  }
0x61: {  	_ =	shalt  }
0x62: {  	_ =	shalt  }
0x63: {  	_ =	shalt  }
0x64: {  	_ =	shalt  }
0x65: {  	_ =	shalt  }
0x66: {  	_ =	shalt  }
0x67: {  	_ =	shalt  }
0x68: {  	_ =	shalt  }
0x69: {  	_ =	shalt  }
0x6a: {  	_ =	shalt  }
0x6b: {  	_ =	shalt  }
0x6c: {  	_ =	shalt  }
0x6d: {  	_ =	shalt  }
0x6e: {  	_ =	shalt  }
0x6f: {  	_ =	shalt  }
0x70: {  	_ =	shalt  }
0x71: {  	_ =	shalt  }
0x72: {  	_ =	shalt  }
0x73: {  	_ =	shalt  }
0x74: {  	_ =	shalt  }
0x75: {  	_ =	shalt  }
0x76: {  	_ =	shalt  }
0x77: {  	_ =	shalt  }
0x78: {  	_ =	shalt  }
0x79: {  	_ =	shalt  }
0x7a: {  	_ =	shalt  }
0x7b: {  	_ =	shalt  }
0x7c: {  	_ =	shalt  }
0x7d: {  	_ =	shalt  }
0x7e: {  	_ =	shalt  }
0x7f: {  	_ =	shalt  }
0x80: {  	_ =	shalt  }
0x81: {  	_ =	shalt  }
0x82: {  	_ =	shalt  }
0x83: {  	_ =	shalt  }
0x84: {  	_ =	shalt  }
0x85: {  	_ =	shalt  }
0x86: {  	_ =	shalt  }
0x87: {  	_ =	shalt  }
.Lfunc_end0:
.L_simem_size_0:
called_computation.3_lowered:
.L_overlay_start_0:
0x88: {  	s2 =	sld [smem:$0x3FD9]  }
0x89: {  	s3 =	sld [smem:$0x3FFE];
	_ =	sdelay $0x1  }
0x8a: {  	s1 =	srdreg.scid  }
0x8b: {  	s0 =	sand.u32 $0x1, s1  }
0x8c: {  	s17 =	sshll.u32 s0, $0xA;
	s2 =	sadd.s32 s3, s2  }
0x8d: {  	s2 =	sadd.s32 s2, s17  }
0x8e: {  	[smem:$0x3FA1] =	sst s2  }
0x8f: {  	_ = 	snop  }
0x90: {  	s2 =	sld [smem:$0x3FD0];
	(tm) =	ssettm $0x1  }
0x91: {  	s18 =	sld [smem:$0x3FFB];
	_ =	sdelay $0x3  }
0x92: {  	_ =	strace s18  }
0x93: {  	s3 =	sld [smem:$0x3FFC];
	_ =	sdelay $0x3  }
0x94: {  	_ =	strace s3  }
0x95: {  	s3 =	sld [smem:$0x3FFD];
	_ =	sdelay $0x3  }
0x96: {  	_ =	strace s3  }
0x97: {  	_ =	strace $0x8FFFFFFF  }
0x98: {  	s19 =	sld [smem:$0x3FDB];
	_ =	sdelay $0x1  }
0x99: {  	s4 =	simm.s32 $_scs_section_size  }
0x9a: {  	s5 =	simm.s32 $_size__tile_overlayer_lowered;
	s6 =	simm.s32 $_tile_overlayer_lowered  }
0x9b: {  	s22 =	simm.s32 $0x1BFF;
	s21 =	sshll.u32 s6, $0x1;
	s3 =	sadd.s32 s4, s19  }
0x9c: {  	s7 =	simm.s32 $0x0;
	s20 =	sshll.u32 s5, $0x1;
	s5 =	sadd.s32 s21, s3  }
0x9d: {  	[timem:s7], [sflag:s22] =	dma.local [hbm:s5], s20  }
0x9e: {  	_ =	swait.ge [sflag:s22], s20  }
0x9f: {  	s4 =	ssub.s32 $0x0, s20;
	[sflag:s22] =	ssyncset.done $0x0  }
0xa0: {  	[sflag:s22] =	ssyncadd.s32 s4;
	_ =	sdelay $0x1  }
0xa1: {  	s23 =	simm.s32 $0x1B8B  }
0xa2: {  	_ =	swait.ge [sflag:s23], $0x1  }
0xa3: {  	[sflag:s23] =	ssyncset.done $0x0  }
0xa4: {  	s25 =	simm.s32 $0x1B8E;
	s24 =	sld [smem:$0x3FFE];
	[sflag:s23] =	ssyncadd.s32 $0xFFFFFFFF  }
0xa5: {  	s26 =	simm.s32 $execute0_lowered;
	[smem:$0x3FD2] =	sst s25  }
0xa6: {  	s5 =	sshll.u32 s26, $0x1;
	_ =	strace $0x8000004F;
	[dreg:$0x1] =	wrdreg $0xFFFFFFFF  }
0xa7: {  	s28 =	simm.s32 $_size_execute0_lowered;
	s3 =	sadd.s32 s3, s5;
	[dreg:$0x0] =	wrdreg $0x0  }
0xa8: {  	s5 =	sshll.u32 s28, $0x1;
	[dreg:$0x2] =	wrdreg s3  }
0xa9: {  	[dreg:$0x3] =	wrdreg s5  }
0xaa: {  	[dreg:$0x4] =	wrdreg $0xC0  }
0xab: {  	_ =	task [dreg:s7], $0x5FFFF  }
0xac: {  	[dreg:$0x1] =	wrdreg $0xFFFFFFFF  }
0xad: {  	[dreg:$0x0] =	wrdreg $0x60  }
0xae: {  	[dreg:$0x2] =	wrdreg s24  }
0xaf: {  	[dreg:$0x3] =	wrdreg s2  }
0xb0: {  	[dreg:$0x4] =	wrdreg $0x0  }
0xb1: {  	[dreg:$0x5] =	wrdreg $0x9  }
0xb2: {  	_ =	task.clear_ibuf [dreg:s7], $0x6FFFF;
	_ =	strace $0x9000004F  }
0xb3: {  	s29 =	simm.s32 $0x9;
	_ =	strace $0x80000051  }
0xb4: {  	_ =	swait.ge [sflag:s29], $0x1  }
0xb5: {  	[sflag:s29] =	ssyncadd.s32 $0xFFFFFFFF  }
0xb6: {  	_ =	strace $0x90000051  }
0xb7: {  	_ =	sfence  }
0xb8: {  	s30 =	sld [smem:$0x0];
	_ =	sdelay $0x2  }
0xb9: {  	s31 =	sshll.u32 s1, $0xD;
	s1 =	sshrl.u32 s1, $0x2  }
0xba: {  	s3 =	sand.u32 $0x4000, s31;
	s1 =	sadd.s32 s1, s30  }
0xbb: {  	s0 =	sor.u32 s3, s0;
	s1 =	sshll.u32 s1, $0x11  }
0xbc: {  	s0 =	sor.u32 s1, s0  }
0xbd: {  	s0 =	sadd.s32 $0x8F2B, s0  }
0xbe: {  	[sflag:s0] =	ssyncadd.remote.s32 $0x1  }
0xbf: {  	_ =	sfence.sel $0xFFFF  }
0xc0: {  	[dreg:$0x0] =	wrdreg $0xFFFFFFFF;
	(pc) =	sbr.abs _section_cstart, $3  }
0xc1: {  	[dreg:$0x1] =	wrdreg $0xFFFFFFFF  }
0xc2: {  	_ =	task.clear_ibuf [dreg:s7], $0x2FFFF;
	_ =	strace $0x9FFFFFFF  }
0xc3: {  	(tm) =	ssettm $0x7FFFFFFF  }
tec
execute0_lowered:
.L_overlay_start_1:
0x0: {  	(tag) =	ssettag $0x1  }
0x1: {  	s0 =	rddreg [dreg:$0x0]  }
0x2: {  	s2 =	rddreg [dreg:$0x2];
	s1 =	stileid.u32  }
0x3: {  	s3 =	srdreg.scid;
	s6 =	smul.u32 $0x14000, s1  }
0x4: {  	s4 =	simm.s32 $0x0;
	s17 =	simm.s32 $0x14000;
	s8 =	smul.u32 $0x50000, s1  }
0x5: {  	s28 =	simm.s32 $0x6;
	s29 =	simm.s32 $0x0;
	s10 =	smul.u32 $0x2800, s1  }
0x6: {  	s9 =	sand.u32 $0x1, s3;
	[smem:$0x7FF] =	sst s4;
	s24 =	smul.u32 $0x28000, s1  }
0x7: {  	s12 =	sadd.s32 $0xA9F000, s0;
	s14 =	sadd.s32 $0x6CE00, s0;
	s5 =	smul.u32 $0x140000, s9  }
0x8: {  	s21 =	sshll.u32 s1, $0x6;
	s18 =	smul.u32 $0x28000, s9;
	s7 =	ssub.s32 $0x2, s9  }
0x9: {  	_ =	strace $0x80000050;
	s16 =	smul.u32 $0x280000, s9;
	s19 =	sshrl.u32 s7, $0x1  }
0xa: {  	s20 =	sshrl.u32 s8, $0x2;
	s5 =	sadd.s32 s6, s5;
	s11 =	ssub.s32 s7, s19  }
0xb: {  	s13 =	sadd.s32 s10, s18;
	s15 =	sadd.s32 s20, s2;
	s18 =	simm.s32 $0x14100  }
0xc: {  	s19 =	simm.s32 $0x14080;
	s20 =	simm.s32 $0x18100;
	s5 =	sshrl.u32 s5, $0x3  }
0xd: {  	s6 =	sshrl.u32 s13, $0x3;
	s22 =	sshll.u32 s13, $0x4;
	s10 =	sor.u32 $0x80, s13  }
0xe: {  	s11 =	smax.u32 s11, $0x1;
	s25 =	sor.u32 $0x180, s13;
	s30 =	sor.u32 $0x100, s13  }
0xf: {  	s15 =	sshrl.u32 s15, $0x3;
	s0 =	sadd.s32 s5, s0;
	s5 =	sor.u32 $0x1C07, s21  }
0x10: {  	s6 =	sadd.s32 s14, s6;
	s7 =	sadd.s32 s12, s22;
	s23 =	sshrl.u32 s10, $0x3  }
0x11: {  	s10 =	sshll.u32 s10, $0x4;
	s26 =	sshrl.u32 s25, $0x3;
	s31 =	sshrl.u32 s30, $0x3  }
0x12: {  	s21 =	simm.s32 $0x1;
	s22 =	simm.s32 $0x3;
	s25 =	simm.s32 $0x2  }
0x13: {  	s8 =	sadd.s32 s14, s23;
	s9 =	sadd.s32 s12, s10;
	s10 =	sadd.s32 $0x76E00, s0  }
0x14: {  	s12 =	sadd.s32 s16, s12;
	s13 =	sadd.s32 s26, s14;
	s14 =	sadd.s32 s31, s14  }
0x15: {  	s16 =	simm.s32 $0x7;
	s23 =	simm.s32 $0x80;
	s0 =	sadd.s32 s24, s12  }
0x16: {  	s26 =	simm.s32 $0x4;
	s24 =	simm.s32 $0x5;
	s0 =	sadd.s32 $0x1800, s0  }
.LBB2_1:
0x17: {  	s1 =	rddreg [dreg:$0x1]  }
0x18: {  	[spmem:s15], [sflag:s5] =	dma.local [hbm:s1], $0x2800  }
0x19: {  	_ =	swait.ge [sflag:s16], $0x2800  }
0x1a: {  	[sflag:s16] =	ssyncset.done $0x0  }
0x1b: {  	[sflag:s16] =	ssyncadd.s32 $0xFFFFD800  }
0x1c: {  	[bflag:$0x0] =	sbarrier.arrive $0xFFFF  }
0x1d: {  	[tilespmem:s17], [sflag:$0x1] =	stream.linear.gather [hbm4b:s6+s4], $0x80, $0x38;
	[tilespmem:$0x1C100] =	vst v63  }
0x1e: {  	_ = 	snop  }
0x1f: {  	[tilespmem:s18], [sflag:$0x3] =	stream.linear.gather [hbm4b:s7+s4], $0x4000, $0x38;
	[tilespmem:$0x1C100] =	vst v63  }
0x20: {  	_ = 	snop  }
0x21: {  	[tilespmem:s19], [sflag:$0x2] =	stream.linear.gather [hbm4b:s8+s4], $0x80, $0x38;
	[tilespmem:$0x1C100] =	vst v63  }
0x22: {  	_ = 	snop  }
0x23: {  	[tilespmem:s20], [sflag:$0x4] =	stream.linear.gather [hbm4b:s9+s4], $0x4000, $0x38;
	[tilespmem:$0x1C100] =	vst v63  }
0x24: {  	_ =	swait.ge [sflag:s21], $0x80  }
0x25: {  	[sflag:s21] =	ssyncset.done $0x0  }
0x26: {  	[sflag:s21] =	ssyncadd.s32 $0xFFFFFF80  }
0x27: {  	_ =	swait.ge [sflag:s22], $0x4000  }
0x28: {  	[sflag:s22] =	ssyncset.done $0x0  }
0x29: {  	[sflag:s22] =	ssyncadd.s32 $0xFFFFC000  }
0x2a: {  	[spmem:s2] =	stream.indirect.scatter.add.f32 [tilespmem:s18], [sflag:$0x5], $0x80, s17, s23, $0xb8;
	[tilespmem:$0x1C100] =	vst v63  }
0x2b: {  	_ =	swait.ge [sflag:s24], $0x4000  }
0x2c: {  	[sflag:s24] =	ssyncset.done $0x0  }
0x2d: {  	s12 =	sadd.s32 $0x0, s14;
	[sflag:s24] =	ssyncadd.s32 $0xFFFFC000  }
0x2e: {  	[tilespmem:s17], [sflag:$0x1] =	stream.linear.gather [hbm4b:s12+s4], $0x80, $0x38;
	[tilespmem:$0x1C100] =	vst v63  }
0x2f: {  	s1 =	sadd.s32 $0xFFFFF800, s0  }
0x30: {  	[tilespmem:s18], [sflag:$0x3] =	stream.linear.gather [hbm4b:s1+s4], $0x4000, $0x38;
	[tilespmem:$0x1C100] =	vst v63  }
0x31: {  	_ =	swait.ge [sflag:s25], $0x80  }
0x32: {  	[sflag:s25] =	ssyncset.done $0x0  }
0x33: {  	[sflag:s25] =	ssyncadd.s32 $0xFFFFFF80  }
0x34: {  	_ =	swait.ge [sflag:s26], $0x4000  }
0x35: {  	[sflag:s26] =	ssyncset.done $0x0  }
0x36: {  	[sflag:s26] =	ssyncadd.s32 $0xFFFFC000  }
0x37: {  	[spmem:s2] =	stream.indirect.scatter.add.f32 [tilespmem:s20], [sflag:$0x6], $0x80, s19, s23, $0xb8;
	[tilespmem:$0x1C100] =	vst v63  }
0x38: {  	_ =	swait.ge [sflag:s28], $0x4000  }
0x39: {  	s3 =	sadd.s32 $0x0, s13;
	s30 =	simm.s32 $0x20;
	[sflag:s28] =	ssyncset.done $0x0  }
0x3a: {  	s31 =	sadd.s32 $0x1000, s0;
	s12 =	smov.u32 s0;
	[sflag:s28] =	ssyncadd.s32 $0xFFFFC000  }
0x3b: {  	[tilespmem:s19], [sflag:$0x2] =	stream.linear.gather [hbm4b:s3+s4], $0x80, $0x38;
	[tilespmem:$0x1C100] =	vst v63  }
.LBB2_2:
0x3c: {  	[tilespmem:s20], [sflag:$0x4] =	stream.linear.gather [hbm4b:s12+s4], $0x4000, $0x38;
	[tilespmem:$0x1C100] =	vst v63  }
0x3d: {  	s3 =	smov.u32 s30;
	s12 =	smov.u32 s31  }
0x3e: {  	p0 =	sne.s32 s30, $0x4C0;
	s30 =	sadd.s32 $0x20, s30;
	_ =	swait.ge [sflag:s21], $0x80  }
0x3f: {  	[sflag:s21] =	ssyncset.done $0x0  }
0x40: {  	[sflag:s21] =	ssyncadd.s32 $0xFFFFFF80  }
0x41: {  	_ =	swait.ge [sflag:s22], $0x4000  }
0x42: {  	[sflag:s22] =	ssyncset.done $0x0  }
0x43: {  	[sflag:s22] =	ssyncadd.s32 $0xFFFFC000  }
0x44: {  	[spmem:s2] =	stream.indirect.scatter.add.f32 [tilespmem:s18], [sflag:$0x5], $0x80, s17, s23, $0xb8;
	[tilespmem:$0x1C100] =	vst v63  }
0x45: {  	_ =	swait.ge [sflag:s24], $0x4000  }
0x46: {  	[sflag:s24] =	ssyncset.done $0x0  }
0x47: {  	s1 =	sadd.s32 s3, s14;
	[sflag:s24] =	ssyncadd.s32 $0xFFFFC000  }
0x48: {  	[tilespmem:s17], [sflag:$0x1] =	stream.linear.gather [hbm4b:s1+s4], $0x80, $0x38;
	[tilespmem:$0x1C100] =	vst v63  }
0x49: {  	s1 =	sadd.s32 $0xFFFFF800, s31  }
0x4a: {  	[tilespmem:s18], [sflag:$0x3] =	stream.linear.gather [hbm4b:s1+s4], $0x4000, $0x38;
	[tilespmem:$0x1C100] =	vst v63  }
0x4b: {  	_ =	swait.ge [sflag:s25], $0x80  }
0x4c: {  	[sflag:s25] =	ssyncset.done $0x0  }
0x4d: {  	[sflag:s25] =	ssyncadd.s32 $0xFFFFFF80  }
0x4e: {  	_ =	swait.ge [sflag:s26], $0x4000  }
0x4f: {  	[sflag:s26] =	ssyncset.done $0x0  }
0x50: {  	[sflag:s26] =	ssyncadd.s32 $0xFFFFC000  }
0x51: {  	[spmem:s2] =	stream.indirect.scatter.add.f32 [tilespmem:s20], [sflag:$0x6], $0x80, s19, s23, $0xb8;
	[tilespmem:$0x1C100] =	vst v63  }
.Ltmp0:
0x52: {  	_ =	swait.ge [sflag:s28], $0x4000;
	(pc) =	sbr.rel @p0 .LBB2_2-.Ltmp0, $4  }
0x53: {  	[sflag:s28] =	ssyncset.done $0x0  }
0x54: {  	s1 =	sadd.s32 s3, s13;
	[sflag:s28] =	ssyncadd.s32 $0xFFFFC000  }
0x55: {  	[tilespmem:s19], [sflag:$0x2] =	stream.linear.gather [hbm4b:s1+s4], $0x80, $0x38;
	[tilespmem:$0x1C100] =	vst v63  }
0x56: {  	s31 =	sadd.s32 $0x1000, s31  }
0x57: {  	[tilespmem:s20], [sflag:$0x4] =	stream.linear.gather [hbm4b:s12+s4], $0x4000, $0x38;
	[tilespmem:$0x1C100] =	vst v63  }
0x58: {  	_ =	swait.ge [sflag:s21], $0x80  }
0x59: {  	[sflag:s21] =	ssyncset.done $0x0  }
0x5a: {  	[sflag:s21] =	ssyncadd.s32 $0xFFFFFF80  }
0x5b: {  	_ =	swait.ge [sflag:s22], $0x4000  }
0x5c: {  	[sflag:s22] =	ssyncset.done $0x0  }
0x5d: {  	[sflag:s22] =	ssyncadd.s32 $0xFFFFC000  }
0x5e: {  	[spmem:s2] =	stream.indirect.scatter.add.f32 [tilespmem:s18], [sflag:$0x5], $0x80, s17, s23, $0xb8;
	[tilespmem:$0x1C100] =	vst v63  }
0x5f: {  	_ =	swait.ge [sflag:s25], $0x80  }
0x60: {  	[sflag:s25] =	ssyncset.done $0x0  }
0x61: {  	[sflag:s25] =	ssyncadd.s32 $0xFFFFFF80  }
0x62: {  	_ =	swait.ge [sflag:s26], $0x4000  }
0x63: {  	[sflag:s26] =	ssyncset.done $0x0  }
0x64: {  	[sflag:s26] =	ssyncadd.s32 $0xFFFFC000  }
0x65: {  	[spmem:s2] =	stream.indirect.scatter.add.f32 [tilespmem:s20], [sflag:$0x6], $0x80, s19, s23, $0xb8;
	[tilespmem:$0x1C100] =	vst v63  }
0x66: {  	_ =	swait.ge [sflag:s24], $0x4000  }
0x67: {  	[sflag:s24] =	ssyncset.done $0x0  }
0x68: {  	[sflag:s24] =	ssyncadd.s32 $0xFFFFC000  }
0x69: {  	_ =	swait.ge [sflag:s28], $0x4000  }
0x6a: {  	s29 =	sadd.s32 $0x1, s29;
	[sflag:s28] =	ssyncset.done $0x0  }
0x6b: {  	p0 =	sne.s32 s29, s11;
	[sflag:s28] =	ssyncadd.s32 $0xFFFFC000  }
.Ltmp1:
0x6c: {  	[bflag:$0x0] =	sbarrier.arrive $0xFFFF;
	(pc) =	sbr.rel @p0 .LBB2_1-.Ltmp1, $4  }
0x6d: {  	[hbm:s10], [sflag:s5] =	dma.local [spmem:s15], $0x2800  }
0x6e: {  	_ =	swait.ge [sflag:s16], $0x2800  }
0x6f: {  	[sflag:s16] =	ssyncset.done $0x0  }
0x70: {  	[sflag:s16] =	ssyncadd.s32 $0xFFFFD800  }
0x71: {  	_ =	sfence.sel $0x180000  }
0x72: {  	[bflag:$0x0] =	sbarrier.arrive $0xFFFF  }
0x73: {  	_ =	strace $0x90000050  }
0x74: {  	s0 =	stileid.u32;
	[bflag:$0x2] =	sbarrier.arrive $0xFFFF  }
0x75: {  	p0 =	sne.s32 s0, $0x0;
	s0 =	rddreg [dreg:$0x3]  }
0x76: {  	s0 =	sadd.s32 @!p0 $0x100000, s0  }
0x77: {  	[sflag:s0] =	ssyncadd.tile.s32 @!p0 $0x1;
	_ =	shalt  }
.Lfunc_end2:
_tile_overlayer_lowered:
.L_overlay_start_2:
0x78: {  	(tag) =	ssettag $0x2  }
0x79: {  	s0 =	rddreg [dreg:$0x0];
	s2 =	stileid.u32  }
0x7a: {  	s1 =	rddreg [dreg:$0x1];
	p0 =	sne.s32 s2, $0x0  }
0x7b: {  	s3 =	rddreg [dreg:$0x2];
	[bflag:$0x3] =	sbarrier.arrive $0xFFFF;
	s2 =	simm.s32 @!p0 $0x1C07  }
0x7c: {  	[timem:s3], [sflag:s2] =	dma.local @!p0 [hbm:s0], s1  }
0x7d: {  	s0 =	simm.s32 @!p0 $0x7  }
0x7e: {  	_ =	swait.ge @!p0 [sflag:s0], s1  }
0x7f: {  	s1 =	ssub.s32 @!p0 $0x0, s1;
	[sflag:s0] =	ssyncset.done @!p0 $0x0  }
0x80: {  	[sflag:s0] =	ssyncadd.s32 @!p0 s1  }
0x81: {  	[bflag:$0x3] =	sbarrier.arrive $0xFFFF  }
0x82: {  	_ =	shalt  }

</sc_bundles>
